<compile_context>
chip_gen: v7x
topology: tpu7x:2x2x1
jax: 0.10.2.dev20260603
libtpu: 0.0.44.dev20260713+nightly
codegen_flags: <defaults>
</compile_context>

<pallas_src>
import functools

import jax
import jax.numpy as jnp
import numpy as np
from jax import lax
from jax.experimental import pallas as pl
from jax.experimental.pallas import tpu as pltpu
from jax.experimental.pallas import tpu_sc as plsc

L = 16
RING = 4
CH0 = 104


def _positional_encoding(seq_len, d_model):
    depth = d_model // 2
    angle = jnp.power(
        10000.0, jnp.arange(depth, dtype=jnp.float32) * 2.0 / jnp.float32(d_model)
    )
    pos = jnp.arange(seq_len, dtype=jnp.float32)[:, None] / angle[None, :]
    pe = jnp.concatenate(
        [jnp.sin(pos)[:, None, :], jnp.cos(pos)[:, None, :]], axis=1
    )
    return pe.reshape(seq_len, d_model)


@jax.jit
def kernel(x, table):
    B, S = x.shape
    V, D = table.shape
    scale = float(np.sqrt(D))

    info = plsc.get_sparse_core_info()
    NC, NS = info.num_cores, info.num_subcores
    NW = NC * NS
    seq_per_w = B // NW
    ch1 = S - CH0
    assert seq_per_w * NW == B
    assert seq_per_w % RING == 0
    assert D % L == 0
    assert S % 8 == 0 and CH0 % 8 == 0 and 0 < ch1 <= 128

    pe = _positional_encoding(S, D)

    mesh = plsc.VectorSubcoreMesh(core_axis_name="c", subcore_axis_name="s")

    @functools.partial(
        pl.kernel,
        mesh=mesh,
        out_type=jax.ShapeDtypeStruct((B, S, D), jnp.float32),
        compiler_params=pltpu.CompilerParams(use_tc_tiling_on_sc=False),
        scratch_types=(
            [pltpu.VMEM((S, D), jnp.float32)]
            + [pltpu.VMEM((S,), jnp.int32)] * RING
            + [pltpu.VMEM((S, D), jnp.float32)] * RING
            + [pltpu.VMEM((S, D), jnp.float32)] * RING
            + [pltpu.SemaphoreType.DMA] * (3 * RING)
        ),
    )
    def sc_kernel(x_hbm, table_hbm, pe_hbm, out_hbm, pe_v, *bufs):
        idxb = bufs[:RING]
        rows = bufs[RING : 2 * RING]
        outb = bufs[2 * RING : 3 * RING]
        isems = bufs[3 * RING : 4 * RING]
        gsems = bufs[4 * RING : 5 * RING]
        ssems = bufs[5 * RING : 6 * RING]

        wid = lax.axis_index("s") * NC + lax.axis_index("c")
        base_seq = wid * seq_per_w

        pltpu.sync_copy(pe_hbm, pe_v)

        def idx_start(s, p):
            pltpu.make_async_copy(
                x_hbm.at[base_seq + s], idxb[p], isems[p]
            ).start()

        def idx_wait(p):
            pltpu.make_async_copy(x_hbm.at[base_seq], idxb[p], isems[p]).wait()

        def gathers_start(p):
            pltpu.make_async_copy(
                table_hbm.at[idxb[p].at[pl.ds(0, CH0)]],
                rows[p].at[pl.ds(0, CH0)],
                gsems[p],
            ).start()
            pltpu.make_async_copy(
                table_hbm.at[idxb[p].at[pl.ds(CH0, ch1)]],
                rows[p].at[pl.ds(CH0, ch1)],
                gsems[p],
            ).start()

        def gathers_wait(p):
            pltpu.make_async_copy(
                table_hbm.at[idxb[p].at[pl.ds(0, CH0)]],
                rows[p].at[pl.ds(0, CH0)],
                gsems[p],
            ).wait()
            pltpu.make_async_copy(
                table_hbm.at[idxb[p].at[pl.ds(CH0, ch1)]],
                rows[p].at[pl.ds(CH0, ch1)],
                gsems[p],
            ).wait()

        def scatter_start(s, p):
            pltpu.make_async_copy(
                outb[p], out_hbm.at[base_seq + s], ssems[p]
            ).start()

        def scatter_wait(p):
            pltpu.make_async_copy(
                outb[p], out_hbm.at[base_seq], ssems[p]
            ).wait()

        UNROLL = 4

        def process(s, p, first):
            gathers_wait(p)
            sn = lax.rem(s + RING, seq_per_w)
            idx_start(sn, p)
            if not first:
                scatter_wait(p)

            def cbody(rr, carry):
                r0 = rr * UNROLL
                for u in range(UNROLL):
                    r = r0 + u
                    for c in range(D // L):
                        sl = pl.ds(c * L, L)
                        outb[p][r, sl] = rows[p][r, sl] * scale + pe_v[r, sl]
                return carry

            lax.fori_loop(0, S // UNROLL, cbody, 0)
            idx_wait(p)
            gathers_start(p)
            scatter_start(s, p)

        for p in range(RING):
            idx_start(jnp.int32(p), p)
        for p in range(RING):
            idx_wait(p)
            gathers_start(p)
        for p in range(RING):
            process(jnp.int32(p), p, True)

        def tbody(t, carry):
            for p in range(RING):
                process(RING * t + p, p, False)
            return carry

        lax.fori_loop(1, seq_per_w // RING, tbody, 0)

        for p in range(RING):
            gathers_wait(p)
        for p in range(RING):
            scatter_wait(p)

    return sc_kernel(x, table, pe)

# --- scband reference (transcript-rebuilt; emitter-appended) ---
"""Pipeline reference for scband-positional-encoding-52785148068358 (READ-ONLY COPY).

The authoritative reference and input builder live on the scoring server;
editing this copy changes nothing except your own understanding.
"""

import jax, jax.numpy as jnp
import numpy as np

VOCAB = 100000
D_MODEL = 64
BATCH = 4096
SEQ_LEN = 200


def positional_encoding(seq_len, d_model):
    depth = d_model // 2
    angle = jnp.power(10000.0, jnp.arange(depth, dtype=jnp.float32) * 2.0 / jnp.float32(d_model))
    pos_enc = jnp.arange(seq_len, dtype=jnp.float32)[:, None] / angle[None, :]
    pos_enc_1 = jnp.sin(pos_enc)[:, None, :]
    pos_enc_2 = jnp.cos(pos_enc)[:, None, :]
    pe = jnp.concatenate([pos_enc_1, pos_enc_2], axis=1)
    return pe.reshape(seq_len, d_model)


def setup_inputs(seed: int = 0) -> dict:
    key = jax.random.key(seed)
    k1, k2 = jax.random.split(key)
    x = jax.random.randint(k1, (BATCH, SEQ_LEN), 0, VOCAB, dtype=jnp.int32)
    # Keras Embedding default init: uniform(-0.05, 0.05)
    table = jax.random.uniform(k2, (VOCAB, D_MODEL), dtype=jnp.float32, minval=-0.05, maxval=0.05)
    return {"x": x, "table": table}


def reference(x, table):
    emb = jnp.take(table, x, axis=0)
    emb = emb * jnp.sqrt(jnp.float32(D_MODEL))
    pe = positional_encoding(x.shape[1], D_MODEL)
    return emb + pe[None, :, :]

if __name__ == "__main__":
    import jax
    _d = setup_inputs()
    print(jax.jit(kernel)(*tuple(_d.values())))

</pallas_src>

<mosaic_0001>
#map = affine_map<(d0, d1) -> (0, 0)>
#map1 = affine_map<(d0, d1) -> (0, 0, 0)>
module attributes {stable_mosaic.version = 14 : i64} {
  func.func @sc_kernel(%arg0: i32, %arg1: i32, %arg2: memref<4096x200xi32, #tpu.memory_space<hbm>>, %arg3: memref<100000x64xf32, #tpu.memory_space<hbm>>, %arg4: memref<200x64xf32, #tpu.memory_space<hbm>>, %arg5: memref<4096x200x64xf32, #tpu.memory_space<hbm>>, %arg6: memref<200x64xf32, #tpu.memory_space<vmem>>, %arg7: memref<200xi32, #tpu.memory_space<vmem>>, %arg8: memref<200xi32, #tpu.memory_space<vmem>>, %arg9: memref<200xi32, #tpu.memory_space<vmem>>, %arg10: memref<200xi32, #tpu.memory_space<vmem>>, %arg11: memref<200x64xf32, #tpu.memory_space<vmem>>, %arg12: memref<200x64xf32, #tpu.memory_space<vmem>>, %arg13: memref<200x64xf32, #tpu.memory_space<vmem>>, %arg14: memref<200x64xf32, #tpu.memory_space<vmem>>, %arg15: memref<200x64xf32, #tpu.memory_space<vmem>>, %arg16: memref<200x64xf32, #tpu.memory_space<vmem>>, %arg17: memref<200x64xf32, #tpu.memory_space<vmem>>, %arg18: memref<200x64xf32, #tpu.memory_space<vmem>>, %arg19: memref<!tpu.dma_semaphore, #tpu.memory_space<semaphore_mem>>, %arg20: memref<!tpu.dma_semaphore, #tpu.memory_space<semaphore_mem>>, %arg21: memref<!tpu.dma_semaphore, #tpu.memory_space<semaphore_mem>>, %arg22: memref<!tpu.dma_semaphore, #tpu.memory_space<semaphore_mem>>, %arg23: memref<!tpu.dma_semaphore, #tpu.memory_space<semaphore_mem>>, %arg24: memref<!tpu.dma_semaphore, #tpu.memory_space<semaphore_mem>>, %arg25: memref<!tpu.dma_semaphore, #tpu.memory_space<semaphore_mem>>, %arg26: memref<!tpu.dma_semaphore, #tpu.memory_space<semaphore_mem>>, %arg27: memref<!tpu.dma_semaphore, #tpu.memory_space<semaphore_mem>>, %arg28: memref<!tpu.dma_semaphore, #tpu.memory_space<semaphore_mem>>, %arg29: memref<!tpu.dma_semaphore, #tpu.memory_space<semaphore_mem>>, %arg30: memref<!tpu.dma_semaphore, #tpu.memory_space<semaphore_mem>>) attributes {dimension_semantics = [#tpu.dimension_semantics<core_parallel>, #tpu.dimension_semantics<subcore_parallel>], iteration_bounds = array<i64: 2, 16>, scalar_prefetch = 0 : i64, scratch_operands = 25 : i64, tpu.core_type = #tpu.core_type<sc_vector_subcore>, window_params = [{transform_indices = #map}, {transform_indices = #map}, {transform_indices = #map}, {transform_indices = #map1}]} {
    %mul3A = arith.constant 2 : i32
    %mul3A_0 = arith.muli %arg1, %mul3A : i32
    %add3A = arith.addi %mul3A_0, %arg0 : i32
    %mul3A_1 = arith.constant 128 : i32
    %mul3A_2 = arith.muli %add3A, %mul3A_1 : i32
    "tpu.region"() ({
      %run_scoped3A = tpu.sem_alloc : memref<!tpu.dma_semaphore, #tpu.memory_space<semaphore_mem>>
      tpu.enqueue_dma source(%arg4 : memref<200x64xf32, #tpu.memory_space<hbm>>) target(%arg6 : memref<200x64xf32, #tpu.memory_space<vmem>>) target_semaphore(%run_scoped3A : memref<!tpu.dma_semaphore, #tpu.memory_space<semaphore_mem>>)
      tpu.wait_dma2 semaphore(%run_scoped3A : memref<!tpu.dma_semaphore, #tpu.memory_space<semaphore_mem>>) src(%arg4 : memref<200x64xf32, #tpu.memory_space<hbm>>) dst(%arg6 : memref<200x64xf32, #tpu.memory_space<vmem>>)
      tpu.yield
    }) : () -> ()
    %add3A_3 = arith.constant 0 : i32
    %add3A_4 = arith.addi %mul3A_2, %add3A_3 : i32
    %dma_start3A = arith.constant 0 : i32
    %dma_start3A_5 = tpu.memref_slice %arg2[%add3A_4, %dma_start3A] : memref<4096x200xi32, #tpu.memory_space<hbm>> -> memref<1x200xi32, #tpu.memory_space<hbm>>
    %dma_start3A_6 = tpu.memref_squeeze %dma_start3A_5 : memref<1x200xi32, #tpu.memory_space<hbm>> -> memref<200xi32, #tpu.memory_space<hbm>>
    %dma_start3A_7 = arith.constant 0 : i32
    %dma_start3A_8 = tpu.memref_slice %arg2[%add3A_4, %dma_start3A_7] : memref<4096x200xi32, #tpu.memory_space<hbm>> -> memref<1x200xi32, #tpu.memory_space<hbm>>
    %dma_start3A_9 = tpu.memref_squeeze %dma_start3A_8 : memref<1x200xi32, #tpu.memory_space<hbm>> -> memref<200xi32, #tpu.memory_space<hbm>>
    tpu.enqueue_dma source(%dma_start3A_9 : memref<200xi32, #tpu.memory_space<hbm>>) target(%arg7 : memref<200xi32, #tpu.memory_space<vmem>>) target_semaphore(%arg19 : memref<!tpu.dma_semaphore, #tpu.memory_space<semaphore_mem>>)
    %add3A_10 = arith.constant 1 : i32
    %add3A_11 = arith.addi %mul3A_2, %add3A_10 : i32
    %dma_start3A_12 = arith.constant 0 : i32
    %dma_start3A_13 = tpu.memref_slice %arg2[%add3A_11, %dma_start3A_12] : memref<4096x200xi32, #tpu.memory_space<hbm>> -> memref<1x200xi32, #tpu.memory_space<hbm>>
    %dma_start3A_14 = tpu.memref_squeeze %dma_start3A_13 : memref<1x200xi32, #tpu.memory_space<hbm>> -> memref<200xi32, #tpu.memory_space<hbm>>
    %dma_start3A_15 = arith.constant 0 : i32
    %dma_start3A_16 = tpu.memref_slice %arg2[%add3A_11, %dma_start3A_15] : memref<4096x200xi32, #tpu.memory_space<hbm>> -> memref<1x200xi32, #tpu.memory_space<hbm>>
    %dma_start3A_17 = tpu.memref_squeeze %dma_start3A_16 : memref<1x200xi32, #tpu.memory_space<hbm>> -> memref<200xi32, #tpu.memory_space<hbm>>
    tpu.enqueue_dma source(%dma_start3A_17 : memref<200xi32, #tpu.memory_space<hbm>>) target(%arg8 : memref<200xi32, #tpu.memory_space<vmem>>) target_semaphore(%arg20 : memref<!tpu.dma_semaphore, #tpu.memory_space<semaphore_mem>>)
    %add3A_18 = arith.constant 2 : i32
    %add3A_19 = arith.addi %mul3A_2, %add3A_18 : i32
    %dma_start3A_20 = arith.constant 0 : i32
    %dma_start3A_21 = tpu.memref_slice %arg2[%add3A_19, %dma_start3A_20] : memref<4096x200xi32, #tpu.memory_space<hbm>> -> memref<1x200xi32, #tpu.memory_space<hbm>>
    %dma_start3A_22 = tpu.memref_squeeze %dma_start3A_21 : memref<1x200xi32, #tpu.memory_space<hbm>> -> memref<200xi32, #tpu.memory_space<hbm>>
    %dma_start3A_23 = arith.constant 0 : i32
    %dma_start3A_24 = tpu.memref_slice %arg2[%add3A_19, %dma_start3A_23] : memref<4096x200xi32, #tpu.memory_space<hbm>> -> memref<1x200xi32, #tpu.memory_space<hbm>>
    %dma_start3A_25 = tpu.memref_squeeze %dma_start3A_24 : memref<1x200xi32, #tpu.memory_space<hbm>> -> memref<200xi32, #tpu.memory_space<hbm>>
    tpu.enqueue_dma source(%dma_start3A_25 : memref<200xi32, #tpu.memory_space<hbm>>) target(%arg9 : memref<200xi32, #tpu.memory_space<vmem>>) target_semaphore(%arg21 : memref<!tpu.dma_semaphore, #tpu.memory_space<semaphore_mem>>)
    %add3A_26 = arith.constant 3 : i32
    %add3A_27 = arith.addi %mul3A_2, %add3A_26 : i32
    %dma_start3A_28 = arith.constant 0 : i32
    %dma_start3A_29 = tpu.memref_slice %arg2[%add3A_27, %dma_start3A_28] : memref<4096x200xi32, #tpu.memory_space<hbm>> -> memref<1x200xi32, #tpu.memory_space<hbm>>
    %dma_start3A_30 = tpu.memref_squeeze %dma_start3A_29 : memref<1x200xi32, #tpu.memory_space<hbm>> -> memref<200xi32, #tpu.memory_space<hbm>>
    %dma_start3A_31 = arith.constant 0 : i32
    %dma_start3A_32 = tpu.memref_slice %arg2[%add3A_27, %dma_start3A_31] : memref<4096x200xi32, #tpu.memory_space<hbm>> -> memref<1x200xi32, #tpu.memory_space<hbm>>
    %dma_start3A_33 = tpu.memref_squeeze %dma_start3A_32 : memref<1x200xi32, #tpu.memory_space<hbm>> -> memref<200xi32, #tpu.memory_space<hbm>>
    tpu.enqueue_dma source(%dma_start3A_33 : memref<200xi32, #tpu.memory_space<hbm>>) target(%arg10 : memref<200xi32, #tpu.memory_space<vmem>>) target_semaphore(%arg22 : memref<!tpu.dma_semaphore, #tpu.memory_space<semaphore_mem>>)
    %dma_wait3A = arith.constant 0 : i32
    %dma_wait3A_34 = tpu.memref_slice %arg2[%mul3A_2, %dma_wait3A] : memref<4096x200xi32, #tpu.memory_space<hbm>> -> memref<1x200xi32, #tpu.memory_space<hbm>>
    %dma_wait3A_35 = tpu.memref_squeeze %dma_wait3A_34 : memref<1x200xi32, #tpu.memory_space<hbm>> -> memref<200xi32, #tpu.memory_space<hbm>>
    %dma_wait3A_36 = arith.constant 0 : i32
    %dma_wait3A_37 = tpu.memref_slice %arg2[%mul3A_2, %dma_wait3A_36] : memref<4096x200xi32, #tpu.memory_space<hbm>> -> memref<1x200xi32, #tpu.memory_space<hbm>>
    %dma_wait3A_38 = tpu.memref_squeeze %dma_wait3A_37 : memref<1x200xi32, #tpu.memory_space<hbm>> -> memref<200xi32, #tpu.memory_space<hbm>>
    tpu.wait_dma2 semaphore(%arg19 : memref<!tpu.dma_semaphore, #tpu.memory_space<semaphore_mem>>) src(%dma_wait3A_38 : memref<200xi32, #tpu.memory_space<hbm>>) dst(%arg7 : memref<200xi32, #tpu.memory_space<vmem>>)
    %dma_start3A_39 = arith.constant 0 : i32
    %dma_start3A_40 = arith.constant 0 : i32
    %dma_start3A_41 = tpu.memref_slice %arg11[%dma_start3A_39, %dma_start3A_40] : memref<200x64xf32, #tpu.memory_space<vmem>> -> memref<104x64xf32, #tpu.memory_space<vmem>>
    %dma_start3A_42 = arith.constant 0 : i32
    %dma_start3A_43 = tpu.memref_slice %arg7[%dma_start3A_42] : memref<200xi32, #tpu.memory_space<vmem>> -> memref<104xi32, #tpu.memory_space<vmem>>
    %dma_start3A_44 = arith.constant 0 : i32
    %dma_start3A_45 = arith.constant 0 : i32
    %dma_start3A_46 = tpu.memref_slice %arg3[%dma_start3A_44, %dma_start3A_45] : memref<100000x64xf32, #tpu.memory_space<hbm>> -> memref<100000x64xf32, #tpu.memory_space<hbm>>
    tpu.enqueue_indirect_dma source(%dma_start3A_46 : memref<100000x64xf32, #tpu.memory_space<hbm>>) target(%dma_start3A_41 : memref<104x64xf32, #tpu.memory_space<vmem>>) offsets(%dma_start3A_43 : memref<104xi32, #tpu.memory_space<vmem>>) semaphore(%arg23 : memref<!tpu.dma_semaphore, #tpu.memory_space<semaphore_mem>>)
    %dma_start3A_47 = arith.constant 104 : i32
    %dma_start3A_48 = arith.constant 0 : i32
    %dma_start3A_49 = tpu.memref_slice %arg11[%dma_start3A_47, %dma_start3A_48] : memref<200x64xf32, #tpu.memory_space<vmem>> -> memref<96x64xf32, #tpu.memory_space<vmem>>
    %dma_start3A_50 = arith.constant 104 : i32
    %dma_start3A_51 = tpu.memref_slice %arg7[%dma_start3A_50] : memref<200xi32, #tpu.memory_space<vmem>> -> memref<96xi32, #tpu.memory_space<vmem>>
    %dma_start3A_52 = arith.constant 0 : i32
    %dma_start3A_53 = arith.constant 0 : i32
    %dma_start3A_54 = tpu.memref_slice %arg3[%dma_start3A_52, %dma_start3A_53] : memref<100000x64xf32, #tpu.memory_space<hbm>> -> memref<100000x64xf32, #tpu.memory_space<hbm>>
    tpu.enqueue_indirect_dma source(%dma_start3A_54 : memref<100000x64xf32, #tpu.memory_space<hbm>>) target(%dma_start3A_49 : memref<96x64xf32, #tpu.memory_space<vmem>>) offsets(%dma_start3A_51 : memref<96xi32, #tpu.memory_space<vmem>>) semaphore(%arg23 : memref<!tpu.dma_semaphore, #tpu.memory_space<semaphore_mem>>)
    %dma_wait3A_55 = arith.constant 0 : i32
    %dma_wait3A_56 = tpu.memref_slice %arg2[%mul3A_2, %dma_wait3A_55] : memref<4096x200xi32, #tpu.memory_space<hbm>> -> memref<1x200xi32, #tpu.memory_space<hbm>>
    %dma_wait3A_57 = tpu.memref_squeeze %dma_wait3A_56 : memref<1x200xi32, #tpu.memory_space<hbm>> -> memref<200xi32, #tpu.memory_space<hbm>>
    %dma_wait3A_58 = arith.constant 0 : i32
    %dma_wait3A_59 = tpu.memref_slice %arg2[%mul3A_2, %dma_wait3A_58] : memref<4096x200xi32, #tpu.memory_space<hbm>> -> memref<1x200xi32, #tpu.memory_space<hbm>>
    %dma_wait3A_60 = tpu.memref_squeeze %dma_wait3A_59 : memref<1x200xi32, #tpu.memory_space<hbm>> -> memref<200xi32, #tpu.memory_space<hbm>>
    tpu.wait_dma2 semaphore(%arg20 : memref<!tpu.dma_semaphore, #tpu.memory_space<semaphore_mem>>) src(%dma_wait3A_60 : memref<200xi32, #tpu.memory_space<hbm>>) dst(%arg8 : memref<200xi32, #tpu.memory_space<vmem>>)
    %dma_start3A_61 = arith.constant 0 : i32
    %dma_start3A_62 = arith.constant 0 : i32
    %dma_start3A_63 = tpu.memref_slice %arg12[%dma_start3A_61, %dma_start3A_62] : memref<200x64xf32, #tpu.memory_space<vmem>> -> memref<104x64xf32, #tpu.memory_space<vmem>>
    %dma_start3A_64 = arith.constant 0 : i32
    %dma_start3A_65 = tpu.memref_slice %arg8[%dma_start3A_64] : memref<200xi32, #tpu.memory_space<vmem>> -> memref<104xi32, #tpu.memory_space<vmem>>
    %dma_start3A_66 = arith.constant 0 : i32
    %dma_start3A_67 = arith.constant 0 : i32
    %dma_start3A_68 = tpu.memref_slice %arg3[%dma_start3A_66, %dma_start3A_67] : memref<100000x64xf32, #tpu.memory_space<hbm>> -> memref<100000x64xf32, #tpu.memory_space<hbm>>
    tpu.enqueue_indirect_dma source(%dma_start3A_68 : memref<100000x64xf32, #tpu.memory_space<hbm>>) target(%dma_start3A_63 : memref<104x64xf32, #tpu.memory_space<vmem>>) offsets(%dma_start3A_65 : memref<104xi32, #tpu.memory_space<vmem>>) semaphore(%arg24 : memref<!tpu.dma_semaphore, #tpu.memory_space<semaphore_mem>>)
    %dma_start3A_69 = arith.constant 104 : i32
    %dma_start3A_70 = arith.constant 0 : i32
    %dma_start3A_71 = tpu.memref_slice %arg12[%dma_start3A_69, %dma_start3A_70] : memref<200x64xf32, #tpu.memory_space<vmem>> -> memref<96x64xf32, #tpu.memory_space<vmem>>
    %dma_start3A_72 = arith.constant 104 : i32
    %dma_start3A_73 = tpu.memref_slice %arg8[%dma_start3A_72] : memref<200xi32, #tpu.memory_space<vmem>> -> memref<96xi32, #tpu.memory_space<vmem>>
    %dma_start3A_74 = arith.constant 0 : i32
    %dma_start3A_75 = arith.constant 0 : i32
    %dma_start3A_76 = tpu.memref_slice %arg3[%dma_start3A_74, %dma_start3A_75] : memref<100000x64xf32, #tpu.memory_space<hbm>> -> memref<100000x64xf32, #tpu.memory_space<hbm>>
    tpu.enqueue_indirect_dma source(%dma_start3A_76 : memref<100000x64xf32, #tpu.memory_space<hbm>>) target(%dma_start3A_71 : memref<96x64xf32, #tpu.memory_space<vmem>>) offsets(%dma_start3A_73 : memref<96xi32, #tpu.memory_space<vmem>>) semaphore(%arg24 : memref<!tpu.dma_semaphore, #tpu.memory_space<semaphore_mem>>)
    %dma_wait3A_77 = arith.constant 0 : i32
    %dma_wait3A_78 = tpu.memref_slice %arg2[%mul3A_2, %dma_wait3A_77] : memref<4096x200xi32, #tpu.memory_space<hbm>> -> memref<1x200xi32, #tpu.memory_space<hbm>>
    %dma_wait3A_79 = tpu.memref_squeeze %dma_wait3A_78 : memref<1x200xi32, #tpu.memory_space<hbm>> -> memref<200xi32, #tpu.memory_space<hbm>>
    %dma_wait3A_80 = arith.constant 0 : i32
    %dma_wait3A_81 = tpu.memref_slice %arg2[%mul3A_2, %dma_wait3A_80] : memref<4096x200xi32, #tpu.memory_space<hbm>> -> memref<1x200xi32, #tpu.memory_space<hbm>>
    %dma_wait3A_82 = tpu.memref_squeeze %dma_wait3A_81 : memref<1x200xi32, #tpu.memory_space<hbm>> -> memref<200xi32, #tpu.memory_space<hbm>>
    tpu.wait_dma2 semaphore(%arg21 : memref<!tpu.dma_semaphore, #tpu.memory_space<semaphore_mem>>) src(%dma_wait3A_82 : memref<200xi32, #tpu.memory_space<hbm>>) dst(%arg9 : memref<200xi32, #tpu.memory_space<vmem>>)
    %dma_start3A_83 = arith.constant 0 : i32
    %dma_start3A_84 = arith.constant 0 : i32
    %dma_start3A_85 = tpu.memref_slice %arg13[%dma_start3A_83, %dma_start3A_84] : memref<200x64xf32, #tpu.memory_space<vmem>> -> memref<104x64xf32, #tpu.memory_space<vmem>>
    %dma_start3A_86 = arith.constant 0 : i32
    %dma_start3A_87 = tpu.memref_slice %arg9[%dma_start3A_86] : memref<200xi32, #tpu.memory_space<vmem>> -> memref<104xi32, #tpu.memory_space<vmem>>
    %dma_start3A_88 = arith.constant 0 : i32
    %dma_start3A_89 = arith.constant 0 : i32
    %dma_start3A_90 = tpu.memref_slice %arg3[%dma_start3A_88, %dma_start3A_89] : memref<100000x64xf32, #tpu.memory_space<hbm>> -> memref<100000x64xf32, #tpu.memory_space<hbm>>
    tpu.enqueue_indirect_dma source(%dma_start3A_90 : memref<100000x64xf32, #tpu.memory_space<hbm>>) target(%dma_start3A_85 : memref<104x64xf32, #tpu.memory_space<vmem>>) offsets(%dma_start3A_87 : memref<104xi32, #tpu.memory_space<vmem>>) semaphore(%arg25 : memref<!tpu.dma_semaphore, #tpu.memory_space<semaphore_mem>>)
    %dma_start3A_91 = arith.constant 104 : i32
    %dma_start3A_92 = arith.constant 0 : i32
    %dma_start3A_93 = tpu.memref_slice %arg13[%dma_start3A_91, %dma_start3A_92] : memref<200x64xf32, #tpu.memory_space<vmem>> -> memref<96x64xf32, #tpu.memory_space<vmem>>
    %dma_start3A_94 = arith.constant 104 : i32
    %dma_start3A_95 = tpu.memref_slice %arg9[%dma_start3A_94] : memref<200xi32, #tpu.memory_space<vmem>> -> memref<96xi32, #tpu.memory_space<vmem>>
    %dma_start3A_96 = arith.constant 0 : i32
    %dma_start3A_97 = arith.constant 0 : i32
    %dma_start3A_98 = tpu.memref_slice %arg3[%dma_start3A_96, %dma_start3A_97] : memref<100000x64xf32, #tpu.memory_space<hbm>> -> memref<100000x64xf32, #tpu.memory_space<hbm>>
    tpu.enqueue_indirect_dma source(%dma_start3A_98 : memref<100000x64xf32, #tpu.memory_space<hbm>>) target(%dma_start3A_93 : memref<96x64xf32, #tpu.memory_space<vmem>>) offsets(%dma_start3A_95 : memref<96xi32, #tpu.memory_space<vmem>>) semaphore(%arg25 : memref<!tpu.dma_semaphore, #tpu.memory_space<semaphore_mem>>)
    %dma_wait3A_99 = arith.constant 0 : i32
    %dma_wait3A_100 = tpu.memref_slice %arg2[%mul3A_2, %dma_wait3A_99] : memref<4096x200xi32, #tpu.memory_space<hbm>> -> memref<1x200xi32, #tpu.memory_space<hbm>>
    %dma_wait3A_101 = tpu.memref_squeeze %dma_wait3A_100 : memref<1x200xi32, #tpu.memory_space<hbm>> -> memref<200xi32, #tpu.memory_space<hbm>>
    %dma_wait3A_102 = arith.constant 0 : i32
    %dma_wait3A_103 = tpu.memref_slice %arg2[%mul3A_2, %dma_wait3A_102] : memref<4096x200xi32, #tpu.memory_space<hbm>> -> memref<1x200xi32, #tpu.memory_space<hbm>>
    %dma_wait3A_104 = tpu.memref_squeeze %dma_wait3A_103 : memref<1x200xi32, #tpu.memory_space<hbm>> -> memref<200xi32, #tpu.memory_space<hbm>>
    tpu.wait_dma2 semaphore(%arg22 : memref<!tpu.dma_semaphore, #tpu.memory_space<semaphore_mem>>) src(%dma_wait3A_104 : memref<200xi32, #tpu.memory_space<hbm>>) dst(%arg10 : memref<200xi32, #tpu.memory_space<vmem>>)
    %dma_start3A_105 = arith.constant 0 : i32
    %dma_start3A_106 = arith.constant 0 : i32
    %dma_start3A_107 = tpu.memref_slice %arg14[%dma_start3A_105, %dma_start3A_106] : memref<200x64xf32, #tpu.memory_space<vmem>> -> memref<104x64xf32, #tpu.memory_space<vmem>>
    %dma_start3A_108 = arith.constant 0 : i32
    %dma_start3A_109 = tpu.memref_slice %arg10[%dma_start3A_108] : memref<200xi32, #tpu.memory_space<vmem>> -> memref<104xi32, #tpu.memory_space<vmem>>
    %dma_start3A_110 = arith.constant 0 : i32
    %dma_start3A_111 = arith.constant 0 : i32
    %dma_start3A_112 = tpu.memref_slice %arg3[%dma_start3A_110, %dma_start3A_111] : memref<100000x64xf32, #tpu.memory_space<hbm>> -> memref<100000x64xf32, #tpu.memory_space<hbm>>
    tpu.enqueue_indirect_dma source(%dma_start3A_112 : memref<100000x64xf32, #tpu.memory_space<hbm>>) target(%dma_start3A_107 : memref<104x64xf32, #tpu.memory_space<vmem>>) offsets(%dma_start3A_109 : memref<104xi32, #tpu.memory_space<vmem>>) semaphore(%arg26 : memref<!tpu.dma_semaphore, #tpu.memory_space<semaphore_mem>>)
    %dma_start3A_113 = arith.constant 104 : i32
    %dma_start3A_114 = arith.constant 0 : i32
    %dma_start3A_115 = tpu.memref_slice %arg14[%dma_start3A_113, %dma_start3A_114] : memref<200x64xf32, #tpu.memory_space<vmem>> -> memref<96x64xf32, #tpu.memory_space<vmem>>
    %dma_start3A_116 = arith.constant 104 : i32
    %dma_start3A_117 = tpu.memref_slice %arg10[%dma_start3A_116] : memref<200xi32, #tpu.memory_space<vmem>> -> memref<96xi32, #tpu.memory_space<vmem>>
    %dma_start3A_118 = arith.constant 0 : i32
    %dma_start3A_119 = arith.constant 0 : i32
    %dma_start3A_120 = tpu.memref_slice %arg3[%dma_start3A_118, %dma_start3A_119] : memref<100000x64xf32, #tpu.memory_space<hbm>> -> memref<100000x64xf32, #tpu.memory_space<hbm>>
    tpu.enqueue_indirect_dma source(%dma_start3A_120 : memref<100000x64xf32, #tpu.memory_space<hbm>>) target(%dma_start3A_115 : memref<96x64xf32, #tpu.memory_space<vmem>>) offsets(%dma_start3A_117 : memref<96xi32, #tpu.memory_space<vmem>>) semaphore(%arg26 : memref<!tpu.dma_semaphore, #tpu.memory_space<semaphore_mem>>)
    %dma_wait3A_121 = arith.constant 0 : i32
    %dma_wait3A_122 = arith.constant 0 : i32
    %dma_wait3A_123 = tpu.memref_slice %arg11[%dma_wait3A_121, %dma_wait3A_122] : memref<200x64xf32, #tpu.memory_space<vmem>> -> memref<104x64xf32, #tpu.memory_space<vmem>>
    %dma_wait3A_124 = arith.constant 0 : i32
    %dma_wait3A_125 = tpu.memref_slice %arg7[%dma_wait3A_124] : memref<200xi32, #tpu.memory_space<vmem>> -> memref<104xi32, #tpu.memory_space<vmem>>
    %dma_wait3A_126 = arith.constant 0 : i32
    %dma_wait3A_127 = arith.constant 0 : i32
    %dma_wait3A_128 = tpu.memref_slice %arg3[%dma_wait3A_126, %dma_wait3A_127] : memref<100000x64xf32, #tpu.memory_space<hbm>> -> memref<100000x64xf32, #tpu.memory_space<hbm>>
    tpu.wait_indirect_dma semaphore(%arg23 : memref<!tpu.dma_semaphore, #tpu.memory_space<semaphore_mem>>) src(%dma_wait3A_128 : memref<100000x64xf32, #tpu.memory_space<hbm>>) dst(%dma_wait3A_123 : memref<104x64xf32, #tpu.memory_space<vmem>>)
    %dma_wait3A_129 = arith.constant 104 : i32
    %dma_wait3A_130 = arith.constant 0 : i32
    %dma_wait3A_131 = tpu.memref_slice %arg11[%dma_wait3A_129, %dma_wait3A_130] : memref<200x64xf32, #tpu.memory_space<vmem>> -> memref<96x64xf32, #tpu.memory_space<vmem>>
    %dma_wait3A_132 = arith.constant 104 : i32
    %dma_wait3A_133 = tpu.memref_slice %arg7[%dma_wait3A_132] : memref<200xi32, #tpu.memory_space<vmem>> -> memref<96xi32, #tpu.memory_space<vmem>>
    %dma_wait3A_134 = arith.constant 0 : i32
    %dma_wait3A_135 = arith.constant 0 : i32
    %dma_wait3A_136 = tpu.memref_slice %arg3[%dma_wait3A_134, %dma_wait3A_135] : memref<100000x64xf32, #tpu.memory_space<hbm>> -> memref<100000x64xf32, #tpu.memory_space<hbm>>
    tpu.wait_indirect_dma semaphore(%arg23 : memref<!tpu.dma_semaphore, #tpu.memory_space<semaphore_mem>>) src(%dma_wait3A_136 : memref<100000x64xf32, #tpu.memory_space<hbm>>) dst(%dma_wait3A_131 : memref<96x64xf32, #tpu.memory_space<vmem>>)
    %add3A_137 = arith.constant 0 : i32
    %add3A_138 = arith.constant 4 : i32
    %add3A_139 = arith.addi %add3A_137, %add3A_138 : i32
    %rem3A = arith.constant 128 : i32
    %rem3A_140 = arith.remsi %add3A_139, %rem3A : i32
    %add3A_141 = arith.addi %mul3A_2, %rem3A_140 : i32
    %dma_start3A_142 = arith.constant 0 : i32
    %dma_start3A_143 = tpu.memref_slice %arg2[%add3A_141, %dma_start3A_142] : memref<4096x200xi32, #tpu.memory_space<hbm>> -> memref<1x200xi32, #tpu.memory_space<hbm>>
    %dma_start3A_144 = tpu.memref_squeeze %dma_start3A_143 : memref<1x200xi32, #tpu.memory_space<hbm>> -> memref<200xi32, #tpu.memory_space<hbm>>
    %dma_start3A_145 = arith.constant 0 : i32
    %dma_start3A_146 = tpu.memref_slice %arg2[%add3A_141, %dma_start3A_145] : memref<4096x200xi32, #tpu.memory_space<hbm>> -> memref<1x200xi32, #tpu.memory_space<hbm>>
    %dma_start3A_147 = tpu.memref_squeeze %dma_start3A_146 : memref<1x200xi32, #tpu.memory_space<hbm>> -> memref<200xi32, #tpu.memory_space<hbm>>
    tpu.enqueue_dma source(%dma_start3A_147 : memref<200xi32, #tpu.memory_space<hbm>>) target(%arg7 : memref<200xi32, #tpu.memory_space<vmem>>) target_semaphore(%arg19 : memref<!tpu.dma_semaphore, #tpu.memory_space<semaphore_mem>>)
    %scan3A = arith.constant 0 : i32
    %scan3A_148 = arith.constant 0 : i32
    %scan3A_149 = arith.constant 50 : i32
    %scan3A_150 = arith.addi %scan3A_148, %scan3A_149 : i32
    %scan3A_151 = arith.constant 1 : i32
    scf.for %scan3A_485 = %scan3A_148 to %scan3A_150 step %scan3A_151  : i32 {
      %mul3A_486 = arith.constant 4 : i32
      %mul3A_487 = arith.muli %scan3A_485, %mul3A_486 : i32
      %add3A_488 = arith.constant 0 : i32
      %add3A_489 = arith.addi %mul3A_487, %add3A_488 : i32
      %get3A = arith.index_cast %add3A_489 : i32 to index
      %get3A_490 = arith.constant 0 : index
      %get3A_491 = tpu.vector_load %arg11[%get3A, %get3A_490] {strides = array<i32>} : memref<200x64xf32, #tpu.memory_space<vmem>>, vector<1x16xf32>,
      %get3A_492 = vector.shape_cast %get3A_491 : vector<1x16xf32> to vector<16xf32>
      %mul3A_493 = arith.constant 8.000000e+00 : f32
      %mul3A_494 = vector.broadcast %mul3A_493 : f32 to vector<16xf32>
      %mul3A_495 = arith.mulf %get3A_492, %mul3A_494 : vector<16xf32>
      %get3A_496 = arith.index_cast %add3A_489 : i32 to index
      %get3A_497 = arith.constant 0 : index
      %get3A_498 = tpu.vector_load %arg6[%get3A_496, %get3A_497] {strides = array<i32>} : memref<200x64xf32, #tpu.memory_space<vmem>>, vector<1x16xf32>,
      %get3A_499 = vector.shape_cast %get3A_498 : vector<1x16xf32> to vector<16xf32>
      %add3A_500 = arith.addf %mul3A_495, %get3A_499 : vector<16xf32>
      %swap3A = arith.index_cast %add3A_489 : i32 to index
      %swap3A_501 = arith.constant 0 : index
      %swap3A_502 = tpu.vector_load %arg15[%swap3A, %swap3A_501] {strides = array<i32>} : memref<200x64xf32, #tpu.memory_space<vmem>>, vector<1x16xf32>,
      %swap3A_503 = vector.shape_cast %swap3A_502 : vector<1x16xf32> to vector<16xf32>
      %swap3A_504 = vector.shape_cast %add3A_500 : vector<16xf32> to vector<1x16xf32>
      tpu.vector_store %arg15[%swap3A, %swap3A_501], %swap3A_504 {strides = array<i32>} : memref<200x64xf32, #tpu.memory_space<vmem>>, vector<1x16xf32>,
      %get3A_505 = arith.index_cast %add3A_489 : i32 to index
      %get3A_506 = arith.constant 16 : index
      %get3A_507 = tpu.vector_load %arg11[%get3A_505, %get3A_506] {strides = array<i32>} : memref<200x64xf32, #tpu.memory_space<vmem>>, vector<1x16xf32>,
      %get3A_508 = vector.shape_cast %get3A_507 : vector<1x16xf32> to vector<16xf32>
      %mul3A_509 = arith.constant 8.000000e+00 : f32
      %mul3A_510 = vector.broadcast %mul3A_509 : f32 to vector<16xf32>
      %mul3A_511 = arith.mulf %get3A_508, %mul3A_510 : vector<16xf32>
      %get3A_512 = arith.index_cast %add3A_489 : i32 to index
      %get3A_513 = arith.constant 16 : index
      %get3A_514 = tpu.vector_load %arg6[%get3A_512, %get3A_513] {strides = array<i32>} : memref<200x64xf32, #tpu.memory_space<vmem>>, vector<1x16xf32>,
      %get3A_515 = vector.shape_cast %get3A_514 : vector<1x16xf32> to vector<16xf32>
      %add3A_516 = arith.addf %mul3A_511, %get3A_515 : vector<16xf32>
      %swap3A_517 = arith.index_cast %add3A_489 : i32 to index
      %swap3A_518 = arith.constant 16 : index
      %swap3A_519 = tpu.vector_load %arg15[%swap3A_517, %swap3A_518] {strides = array<i32>} : memref<200x64xf32, #tpu.memory_space<vmem>>, vector<1x16xf32>,
      %swap3A_520 = vector.shape_cast %swap3A_519 : vector<1x16xf32> to vector<16xf32>
      %swap3A_521 = vector.shape_cast %add3A_516 : vector<16xf32> to vector<1x16xf32>
      tpu.vector_store %arg15[%swap3A_517, %swap3A_518], %swap3A_521 {strides = array<i32>} : memref<200x64xf32, #tpu.memory_space<vmem>>, vector<1x16xf32>,
      %get3A_522 = arith.index_cast %add3A_489 : i32 to index
      %get3A_523 = arith.constant 32 : index
      %get3A_524 = tpu.vector_load %arg11[%get3A_522, %get3A_523] {strides = array<i32>} : memref<200x64xf32, #tpu.memory_space<vmem>>, vector<1x16xf32>,
      %get3A_525 = vector.shape_cast %get3A_524 : vector<1x16xf32> to vector<16xf32>
      %mul3A_526 = arith.constant 8.000000e+00 : f32
      %mul3A_527 = vector.broadcast %mul3A_526 : f32 to vector<16xf32>
      %mul3A_528 = arith.mulf %get3A_525, %mul3A_527 : vector<16xf32>
      %get3A_529 = arith.index_cast %add3A_489 : i32 to index
      %get3A_530 = arith.constant 32 : index
      %get3A_531 = tpu.vector_load %arg6[%get3A_529, %get3A_530] {strides = array<i32>} : memref<200x64xf32, #tpu.memory_space<vmem>>, vector<1x16xf32>,
      %get3A_532 = vector.shape_cast %get3A_531 : vector<1x16xf32> to vector<16xf32>
      %add3A_533 = arith.addf %mul3A_528, %get3A_532 : vector<16xf32>
      %swap3A_534 = arith.index_cast %add3A_489 : i32 to index
      %swap3A_535 = arith.constant 32 : index
      %swap3A_536 = tpu.vector_load %arg15[%swap3A_534, %swap3A_535] {strides = array<i32>} : memref<200x64xf32, #tpu.memory_space<vmem>>, vector<1x16xf32>,
      %swap3A_537 = vector.shape_cast %swap3A_536 : vector<1x16xf32> to vector<16xf32>
      %swap3A_538 = vector.shape_cast %add3A_533 : vector<16xf32> to vector<1x16xf32>
      tpu.vector_store %arg15[%swap3A_534, %swap3A_535], %swap3A_538 {strides = array<i32>} : memref<200x64xf32, #tpu.memory_space<vmem>>, vector<1x16xf32>,
      %get3A_539 = arith.index_cast %add3A_489 : i32 to index
      %get3A_540 = arith.constant 48 : index
      %get3A_541 = tpu.vector_load %arg11[%get3A_539, %get3A_540] {strides = array<i32>} : memref<200x64xf32, #tpu.memory_space<vmem>>, vector<1x16xf32>,
      %get3A_542 = vector.shape_cast %get3A_541 : vector<1x16xf32> to vector<16xf32>
      %mul3A_543 = arith.constant 8.000000e+00 : f32
      %mul3A_544 = vector.broadcast %mul3A_543 : f32 to vector<16xf32>
      %mul3A_545 = arith.mulf %get3A_542, %mul3A_544 : vector<16xf32>
      %get3A_546 = arith.index_cast %add3A_489 : i32 to index
      %get3A_547 = arith.constant 48 : index
      %get3A_548 = tpu.vector_load %arg6[%get3A_546, %get3A_547] {strides = array<i32>} : memref<200x64xf32, #tpu.memory_space<vmem>>, vector<1x16xf32>,
      %get3A_549 = vector.shape_cast %get3A_548 : vector<1x16xf32> to vector<16xf32>
      %add3A_550 = arith.addf %mul3A_545, %get3A_549 : vector<16xf32>
      %swap3A_551 = arith.index_cast %add3A_489 : i32 to index
      %swap3A_552 = arith.constant 48 : index
      %swap3A_553 = tpu.vector_load %arg15[%swap3A_551, %swap3A_552] {strides = array<i32>} : memref<200x64xf32, #tpu.memory_space<vmem>>, vector<1x16xf32>,
      %swap3A_554 = vector.shape_cast %swap3A_553 : vector<1x16xf32> to vector<16xf32>
      %swap3A_555 = vector.shape_cast %add3A_550 : vector<16xf32> to vector<1x16xf32>
      tpu.vector_store %arg15[%swap3A_551, %swap3A_552], %swap3A_555 {strides = array<i32>} : memref<200x64xf32, #tpu.memory_space<vmem>>, vector<1x16xf32>,
      %add3A_556 = arith.constant 1 : i32
      %add3A_557 = arith.addi %mul3A_487, %add3A_556 : i32
      %get3A_558 = arith.index_cast %add3A_557 : i32 to index
      %get3A_559 = arith.constant 0 : index
      %get3A_560 = tpu.vector_load %arg11[%get3A_558, %get3A_559] {strides = array<i32>} : memref<200x64xf32, #tpu.memory_space<vmem>>, vector<1x16xf32>,
      %get3A_561 = vector.shape_cast %get3A_560 : vector<1x16xf32> to vector<16xf32>
      %mul3A_562 = arith.constant 8.000000e+00 : f32
      %mul3A_563 = vector.broadcast %mul3A_562 : f32 to vector<16xf32>
      %mul3A_564 = arith.mulf %get3A_561, %mul3A_563 : vector<16xf32>
      %get3A_565 = arith.index_cast %add3A_557 : i32 to index
      %get3A_566 = arith.constant 0 : index
      %get3A_567 = tpu.vector_load %arg6[%get3A_565, %get3A_566] {strides = array<i32>} : memref<200x64xf32, #tpu.memory_space<vmem>>, vector<1x16xf32>,
      %get3A_568 = vector.shape_cast %get3A_567 : vector<1x16xf32> to vector<16xf32>
      %add3A_569 = arith.addf %mul3A_564, %get3A_568 : vector<16xf32>
      %swap3A_570 = arith.index_cast %add3A_557 : i32 to index
      %swap3A_571 = arith.constant 0 : index
      %swap3A_572 = tpu.vector_load %arg15[%swap3A_570, %swap3A_571] {strides = array<i32>} : memref<200x64xf32, #tpu.memory_space<vmem>>, vector<1x16xf32>,
      %swap3A_573 = vector.shape_cast %swap3A_572 : vector<1x16xf32> to vector<16xf32>
      %swap3A_574 = vector.shape_cast %add3A_569 : vector<16xf32> to vector<1x16xf32>
      tpu.vector_store %arg15[%swap3A_570, %swap3A_571], %swap3A_574 {strides = array<i32>} : memref<200x64xf32, #tpu.memory_space<vmem>>, vector<1x16xf32>,
      %get3A_575 = arith.index_cast %add3A_557 : i32 to index
      %get3A_576 = arith.constant 16 : index
      %get3A_577 = tpu.vector_load %arg11[%get3A_575, %get3A_576] {strides = array<i32>} : memref<200x64xf32, #tpu.memory_space<vmem>>, vector<1x16xf32>,
      %get3A_578 = vector.shape_cast %get3A_577 : vector<1x16xf32> to vector<16xf32>
      %mul3A_579 = arith.constant 8.000000e+00 : f32
      %mul3A_580 = vector.broadcast %mul3A_579 : f32 to vector<16xf32>
      %mul3A_581 = arith.mulf %get3A_578, %mul3A_580 : vector<16xf32>
      %get3A_582 = arith.index_cast %add3A_557 : i32 to index
      %get3A_583 = arith.constant 16 : index
      %get3A_584 = tpu.vector_load %arg6[%get3A_582, %get3A_583] {strides = array<i32>} : memref<200x64xf32, #tpu.memory_space<vmem>>, vector<1x16xf32>,
      %get3A_585 = vector.shape_cast %get3A_584 : vector<1x16xf32> to vector<16xf32>
      %add3A_586 = arith.addf %mul3A_581, %get3A_585 : vector<16xf32>
      %swap3A_587 = arith.index_cast %add3A_557 : i32 to index
      %swap3A_588 = arith.constant 16 : index
      %swap3A_589 = tpu.vector_load %arg15[%swap3A_587, %swap3A_588] {strides = array<i32>} : memref<200x64xf32, #tpu.memory_space<vmem>>, vector<1x16xf32>,
      %swap3A_590 = vector.shape_cast %swap3A_589 : vector<1x16xf32> to vector<16xf32>
      %swap3A_591 = vector.shape_cast %add3A_586 : vector<16xf32> to vector<1x16xf32>
      tpu.vector_store %arg15[%swap3A_587, %swap3A_588], %swap3A_591 {strides = array<i32>} : memref<200x64xf32, #tpu.memory_space<vmem>>, vector<1x16xf32>,
      %get3A_592 = arith.index_cast %add3A_557 : i32 to index
      %get3A_593 = arith.constant 32 : index
      %get3A_594 = tpu.vector_load %arg11[%get3A_592, %get3A_593] {strides = array<i32>} : memref<200x64xf32, #tpu.memory_space<vmem>>, vector<1x16xf32>,
      %get3A_595 = vector.shape_cast %get3A_594 : vector<1x16xf32> to vector<16xf32>
      %mul3A_596 = arith.constant 8.000000e+00 : f32
      %mul3A_597 = vector.broadcast %mul3A_596 : f32 to vector<16xf32>
      %mul3A_598 = arith.mulf %get3A_595, %mul3A_597 : vector<16xf32>
      %get3A_599 = arith.index_cast %add3A_557 : i32 to index
      %get3A_600 = arith.constant 32 : index
      %get3A_601 = tpu.vector_load %arg6[%get3A_599, %get3A_600] {strides = array<i32>} : memref<200x64xf32, #tpu.memory_space<vmem>>, vector<1x16xf32>,
      %get3A_602 = vector.shape_cast %get3A_601 : vector<1x16xf32> to vector<16xf32>
      %add3A_603 = arith.addf %mul3A_598, %get3A_602 : vector<16xf32>
      %swap3A_604 = arith.index_cast %add3A_557 : i32 to index
      %swap3A_605 = arith.constant 32 : index
      %swap3A_606 = tpu.vector_load %arg15[%swap3A_604, %swap3A_605] {strides = array<i32>} : memref<200x64xf32, #tpu.memory_space<vmem>>, vector<1x16xf32>,
      %swap3A_607 = vector.shape_cast %swap3A_606 : vector<1x16xf32> to vector<16xf32>
      %swap3A_608 = vector.shape_cast %add3A_603 : vector<16xf32> to vector<1x16xf32>
      tpu.vector_store %arg15[%swap3A_604, %swap3A_605], %swap3A_608 {strides = array<i32>} : memref<200x64xf32, #tpu.memory_space<vmem>>, vector<1x16xf32>,
      %get3A_609 = arith.index_cast %add3A_557 : i32 to index
      %get3A_610 = arith.constant 48 : index
      %get3A_611 = tpu.vector_load %arg11[%get3A_609, %get3A_610] {strides = array<i32>} : memref<200x64xf32, #tpu.memory_space<vmem>>, vector<1x16xf32>,
      %get3A_612 = vector.shape_cast %get3A_611 : vector<1x16xf32> to vector<16xf32>
      %mul3A_613 = arith.constant 8.000000e+00 : f32
      %mul3A_614 = vector.broadcast %mul3A_613 : f32 to vector<16xf32>
      %mul3A_615 = arith.mulf %get3A_612, %mul3A_614 : vector<16xf32>
      %get3A_616 = arith.index_cast %add3A_557 : i32 to index
      %get3A_617 = arith.constant 48 : index
      %get3A_618 = tpu.vector_load %arg6[%get3A_616, %get3A_617] {strides = array<i32>} : memref<200x64xf32, #tpu.memory_space<vmem>>, vector<1x16xf32>,
      %get3A_619 = vector.shape_cast %get3A_618 : vector<1x16xf32> to vector<16xf32>
      %add3A_620 = arith.addf %mul3A_615, %get3A_619 : vector<16xf32>
      %swap3A_621 = arith.index_cast %add3A_557 : i32 to index
      %swap3A_622 = arith.constant 48 : index
      %swap3A_623 = tpu.vector_load %arg15[%swap3A_621, %swap3A_622] {strides = array<i32>} : memref<200x64xf32, #tpu.memory_space<vmem>>, vector<1x16xf32>,
      %swap3A_624 = vector.shape_cast %swap3A_623 : vector<1x16xf32> to vector<16xf32>
      %swap3A_625 = vector.shape_cast %add3A_620 : vector<16xf32> to vector<1x16xf32>
      tpu.vector_store %arg15[%swap3A_621, %swap3A_622], %swap3A_625 {strides = array<i32>} : memref<200x64xf32, #tpu.memory_space<vmem>>, vector<1x16xf32>,
      %add3A_626 = arith.constant 2 : i32
      %add3A_627 = arith.addi %mul3A_487, %add3A_626 : i32
      %get3A_628 = arith.index_cast %add3A_627 : i32 to index
      %get3A_629 = arith.constant 0 : index
      %get3A_630 = tpu.vector_load %arg11[%get3A_628, %get3A_629] {strides = array<i32>} : memref<200x64xf32, #tpu.memory_space<vmem>>, vector<1x16xf32>,
      %get3A_631 = vector.shape_cast %get3A_630 : vector<1x16xf32> to vector<16xf32>
      %mul3A_632 = arith.constant 8.000000e+00 : f32
      %mul3A_633 = vector.broadcast %mul3A_632 : f32 to vector<16xf32>
      %mul3A_634 = arith.mulf %get3A_631, %mul3A_633 : vector<16xf32>
      %get3A_635 = arith.index_cast %add3A_627 : i32 to index
      %get3A_636 = arith.constant 0 : index
      %get3A_637 = tpu.vector_load %arg6[%get3A_635, %get3A_636] {strides = array<i32>} : memref<200x64xf32, #tpu.memory_space<vmem>>, vector<1x16xf32>,
      %get3A_638 = vector.shape_cast %get3A_637 : vector<1x16xf32> to vector<16xf32>
      %add3A_639 = arith.addf %mul3A_634, %get3A_638 : vector<16xf32>
      %swap3A_640 = arith.index_cast %add3A_627 : i32 to index
      %swap3A_641 = arith.constant 0 : index
      %swap3A_642 = tpu.vector_load %arg15[%swap3A_640, %swap3A_641] {strides = array<i32>} : memref<200x64xf32, #tpu.memory_space<vmem>>, vector<1x16xf32>,
      %swap3A_643 = vector.shape_cast %swap3A_642 : vector<1x16xf32> to vector<16xf32>
      %swap3A_644 = vector.shape_cast %add3A_639 : vector<16xf32> to vector<1x16xf32>
      tpu.vector_store %arg15[%swap3A_640, %swap3A_641], %swap3A_644 {strides = array<i32>} : memref<200x64xf32, #tpu.memory_space<vmem>>, vector<1x16xf32>,
      %get3A_645 = arith.index_cast %add3A_627 : i32 to index
      %get3A_646 = arith.constant 16 : index
      %get3A_647 = tpu.vector_load %arg11[%get3A_645, %get3A_646] {strides = array<i32>} : memref<200x64xf32, #tpu.memory_space<vmem>>, vector<1x16xf32>,
      %get3A_648 = vector.shape_cast %get3A_647 : vector<1x16xf32> to vector<16xf32>
      %mul3A_649 = arith.constant 8.000000e+00 : f32
      %mul3A_650 = vector.broadcast %mul3A_649 : f32 to vector<16xf32>
      %mul3A_651 = arith.mulf %get3A_648, %mul3A_650 : vector<16xf32>
      %get3A_652 = arith.index_cast %add3A_627 : i32 to index
      %get3A_653 = arith.constant 16 : index
      %get3A_654 = tpu.vector_load %arg6[%get3A_652, %get3A_653] {strides = array<i32>} : memref<200x64xf32, #tpu.memory_space<vmem>>, vector<1x16xf32>,
      %get3A_655 = vector.shape_cast %get3A_654 : vector<1x16xf32> to vector<16xf32>
      %add3A_656 = arith.addf %mul3A_651, %get3A_655 : vector<16xf32>
      %swap3A_657 = arith.index_cast %add3A_627 : i32 to index
      %swap3A_658 = arith.constant 16 : index
      %swap3A_659 = tpu.vector_load %arg15[%swap3A_657, %swap3A_658] {strides = array<i32>} : memref<200x64xf32, #tpu.memory_space<vmem>>, vector<1x16xf32>,
      %swap3A_660 = vector.shape_cast %swap3A_659 : vector<1x16xf32> to vector<16xf32>
      %swap3A_661 = vector.shape_cast %add3A_656 : vector<16xf32> to vector<1x16xf32>
      tpu.vector_store %arg15[%swap3A_657, %swap3A_658], %swap3A_661 {strides = array<i32>} : memref<200x64xf32, #tpu.memory_space<vmem>>, vector<1x16xf32>,
      %get3A_662 = arith.index_cast %add3A_627 : i32 to index
      %get3A_663 = arith.constant 32 : index
      %get3A_664 = tpu.vector_load %arg11[%get3A_662, %get3A_663] {strides = array<i32>} : memref<200x64xf32, #tpu.memory_space<vmem>>, vector<1x16xf32>,
      %get3A_665 = vector.shape_cast %get3A_664 : vector<1x16xf32> to vector<16xf32>
      %mul3A_666 = arith.constant 8.000000e+00 : f32
      %mul3A_667 = vector.broadcast %mul3A_666 : f32 to vector<16xf32>
      %mul3A_668 = arith.mulf %get3A_665, %mul3A_667 : vector<16xf32>
      %get3A_669 = arith.index_cast %add3A_627 : i32 to index
      %get3A_670 = arith.constant 32 : index
      %get3A_671 = tpu.vector_load %arg6[%get3A_669, %get3A_670] {strides = array<i32>} : memref<200x64xf32, #tpu.memory_space<vmem>>, vector<1x16xf32>,
      %get3A_672 = vector.shape_cast %get3A_671 : vector<1x16xf32> to vector<16xf32>
      %add3A_673 = arith.addf %mul3A_668, %get3A_672 : vector<16xf32>
      %swap3A_674 = arith.index_cast %add3A_627 : i32 to index
      %swap3A_675 = arith.constant 32 : index
      %swap3A_676 = tpu.vector_load %arg15[%swap3A_674, %swap3A_675] {strides = array<i32>} : memref<200x64xf32, #tpu.memory_space<vmem>>, vector<1x16xf32>,
      %swap3A_677 = vector.shape_cast %swap3A_676 : vector<1x16xf32> to vector<16xf32>
      %swap3A_678 = vector.shape_cast %add3A_673 : vector<16xf32> to vector<1x16xf32>
      tpu.vector_store %arg15[%swap3A_674, %swap3A_675], %swap3A_678 {strides = array<i32>} : memref<200x64xf32, #tpu.memory_space<vmem>>, vector<1x16xf32>,
      %get3A_679 = arith.index_cast %add3A_627 : i32 to index
      %get3A_680 = arith.constant 48 : index
      %get3A_681 = tpu.vector_load %arg11[%get3A_679, %get3A_680] {strides = array<i32>} : memref<200x64xf32, #tpu.memory_space<vmem>>, vector<1x16xf32>,
      %get3A_682 = vector.shape_cast %get3A_681 : vector<1x16xf32> to vector<16xf32>
      %mul3A_683 = arith.constant 8.000000e+00 : f32
      %mul3A_684 = vector.broadcast %mul3A_683 : f32 to vector<16xf32>
      %mul3A_685 = arith.mulf %get3A_682, %mul3A_684 : vector<16xf32>
      %get3A_686 = arith.index_cast %add3A_627 : i32 to index
      %get3A_687 = arith.constant 48 : index
      %get3A_688 = tpu.vector_load %arg6[%get3A_686, %get3A_687] {strides = array<i32>} : memref<200x64xf32, #tpu.memory_space<vmem>>, vector<1x16xf32>,
      %get3A_689 = vector.shape_cast %get3A_688 : vector<1x16xf32> to vector<16xf32>
      %add3A_690 = arith.addf %mul3A_685, %get3A_689 : vector<16xf32>
      %swap3A_691 = arith.index_cast %add3A_627 : i32 to index
      %swap3A_692 = arith.constant 48 : index
      %swap3A_693 = tpu.vector_load %arg15[%swap3A_691, %swap3A_692] {strides = array<i32>} : memref<200x64xf32, #tpu.memory_space<vmem>>, vector<1x16xf32>,
      %swap3A_694 = vector.shape_cast %swap3A_693 : vector<1x16xf32> to vector<16xf32>
      %swap3A_695 = vector.shape_cast %add3A_690 : vector<16xf32> to vector<1x16xf32>
      tpu.vector_store %arg15[%swap3A_691, %swap3A_692], %swap3A_695 {strides = array<i32>} : memref<200x64xf32, #tpu.memory_space<vmem>>, vector<1x16xf32>,
      %add3A_696 = arith.constant 3 : i32
      %add3A_697 = arith.addi %mul3A_487, %add3A_696 : i32
      %get3A_698 = arith.index_cast %add3A_697 : i32 to index
      %get3A_699 = arith.constant 0 : index
      %get3A_700 = tpu.vector_load %arg11[%get3A_698, %get3A_699] {strides = array<i32>} : memref<200x64xf32, #tpu.memory_space<vmem>>, vector<1x16xf32>,
      %get3A_701 = vector.shape_cast %get3A_700 : vector<1x16xf32> to vector<16xf32>
      %mul3A_702 = arith.constant 8.000000e+00 : f32
      %mul3A_703 = vector.broadcast %mul3A_702 : f32 to vector<16xf32>
      %mul3A_704 = arith.mulf %get3A_701, %mul3A_703 : vector<16xf32>
      %get3A_705 = arith.index_cast %add3A_697 : i32 to index
      %get3A_706 = arith.constant 0 : index
      %get3A_707 = tpu.vector_load %arg6[%get3A_705, %get3A_706] {strides = array<i32>} : memref<200x64xf32, #tpu.memory_space<vmem>>, vector<1x16xf32>,
      %get3A_708 = vector.shape_cast %get3A_707 : vector<1x16xf32> to vector<16xf32>
      %add3A_709 = arith.addf %mul3A_704, %get3A_708 : vector<16xf32>
      %swap3A_710 = arith.index_cast %add3A_697 : i32 to index
      %swap3A_711 = arith.constant 0 : index
      %swap3A_712 = tpu.vector_load %arg15[%swap3A_710, %swap3A_711] {strides = array<i32>} : memref<200x64xf32, #tpu.memory_space<vmem>>, vector<1x16xf32>,
      %swap3A_713 = vector.shape_cast %swap3A_712 : vector<1x16xf32> to vector<16xf32>
      %swap3A_714 = vector.shape_cast %add3A_709 : vector<16xf32> to vector<1x16xf32>
      tpu.vector_store %arg15[%swap3A_710, %swap3A_711], %swap3A_714 {strides = array<i32>} : memref<200x64xf32, #tpu.memory_space<vmem>>, vector<1x16xf32>,
      %get3A_715 = arith.index_cast %add3A_697 : i32 to index
      %get3A_716 = arith.constant 16 : index
      %get3A_717 = tpu.vector_load %arg11[%get3A_715, %get3A_716] {strides = array<i32>} : memref<200x64xf32, #tpu.memory_space<vmem>>, vector<1x16xf32>,
      %get3A_718 = vector.shape_cast %get3A_717 : vector<1x16xf32> to vector<16xf32>
      %mul3A_719 = arith.constant 8.000000e+00 : f32
      %mul3A_720 = vector.broadcast %mul3A_719 : f32 to vector<16xf32>
      %mul3A_721 = arith.mulf %get3A_718, %mul3A_720 : vector<16xf32>
      %get3A_722 = arith.index_cast %add3A_697 : i32 to index
      %get3A_723 = arith.constant 16 : index
      %get3A_724 = tpu.vector_load %arg6[%get3A_722, %get3A_723] {strides = array<i32>} : memref<200x64xf32, #tpu.memory_space<vmem>>, vector<1x16xf32>,
      %get3A_725 = vector.shape_cast %get3A_724 : vector<1x16xf32> to vector<16xf32>
      %add3A_726 = arith.addf %mul3A_721, %get3A_725 : vector<16xf32>
      %swap3A_727 = arith.index_cast %add3A_697 : i32 to index
      %swap3A_728 = arith.constant 16 : index
      %swap3A_729 = tpu.vector_load %arg15[%swap3A_727, %swap3A_728] {strides = array<i32>} : memref<200x64xf32, #tpu.memory_space<vmem>>, vector<1x16xf32>,
      %swap3A_730 = vector.shape_cast %swap3A_729 : vector<1x16xf32> to vector<16xf32>
      %swap3A_731 = vector.shape_cast %add3A_726 : vector<16xf32> to vector<1x16xf32>
      tpu.vector_store %arg15[%swap3A_727, %swap3A_728], %swap3A_731 {strides = array<i32>} : memref<200x64xf32, #tpu.memory_space<vmem>>, vector<1x16xf32>,
      %get3A_732 = arith.index_cast %add3A_697 : i32 to index
      %get3A_733 = arith.constant 32 : index
      %get3A_734 = tpu.vector_load %arg11[%get3A_732, %get3A_733] {strides = array<i32>} : memref<200x64xf32, #tpu.memory_space<vmem>>, vector<1x16xf32>,
      %get3A_735 = vector.shape_cast %get3A_734 : vector<1x16xf32> to vector<16xf32>
      %mul3A_736 = arith.constant 8.000000e+00 : f32
      %mul3A_737 = vector.broadcast %mul3A_736 : f32 to vector<16xf32>
      %mul3A_738 = arith.mulf %get3A_735, %mul3A_737 : vector<16xf32>
      %get3A_739 = arith.index_cast %add3A_697 : i32 to index
      %get3A_740 = arith.constant 32 : index
      %get3A_741 = tpu.vector_load %arg6[%get3A_739, %get3A_740] {strides = array<i32>} : memref<200x64xf32, #tpu.memory_space<vmem>>, vector<1x16xf32>,
      %get3A_742 = vector.shape_cast %get3A_741 : vector<1x16xf32> to vector<16xf32>
      %add3A_743 = arith.addf %mul3A_738, %get3A_742 : vector<16xf32>
      %swap3A_744 = arith.index_cast %add3A_697 : i32 to index
      %swap3A_745 = arith.constant 32 : index
      %swap3A_746 = tpu.vector_load %arg15[%swap3A_744, %swap3A_745] {strides = array<i32>} : memref<200x64xf32, #tpu.memory_space<vmem>>, vector<1x16xf32>,
      %swap3A_747 = vector.shape_cast %swap3A_746 : vector<1x16xf32> to vector<16xf32>
      %swap3A_748 = vector.shape_cast %add3A_743 : vector<16xf32> to vector<1x16xf32>
      tpu.vector_store %arg15[%swap3A_744, %swap3A_745], %swap3A_748 {strides = array<i32>} : memref<200x64xf32, #tpu.memory_space<vmem>>, vector<1x16xf32>,
      %get3A_749 = arith.index_cast %add3A_697 : i32 to index
      %get3A_750 = arith.constant 48 : index
      %get3A_751 = tpu.vector_load %arg11[%get3A_749, %get3A_750] {strides = array<i32>} : memref<200x64xf32, #tpu.memory_space<vmem>>, vector<1x16xf32>,
      %get3A_752 = vector.shape_cast %get3A_751 : vector<1x16xf32> to vector<16xf32>
      %mul3A_753 = arith.constant 8.000000e+00 : f32
      %mul3A_754 = vector.broadcast %mul3A_753 : f32 to vector<16xf32>
      %mul3A_755 = arith.mulf %get3A_752, %mul3A_754 : vector<16xf32>
      %get3A_756 = arith.index_cast %add3A_697 : i32 to index
      %get3A_757 = arith.constant 48 : index
      %get3A_758 = tpu.vector_load %arg6[%get3A_756, %get3A_757] {strides = array<i32>} : memref<200x64xf32, #tpu.memory_space<vmem>>, vector<1x16xf32>,
      %get3A_759 = vector.shape_cast %get3A_758 : vector<1x16xf32> to vector<16xf32>
      %add3A_760 = arith.addf %mul3A_755, %get3A_759 : vector<16xf32>
      %swap3A_761 = arith.index_cast %add3A_697 : i32 to index
      %swap3A_762 = arith.constant 48 : index
      %swap3A_763 = tpu.vector_load %arg15[%swap3A_761, %swap3A_762] {strides = array<i32>} : memref<200x64xf32, #tpu.memory_space<vmem>>, vector<1x16xf32>,
      %swap3A_764 = vector.shape_cast %swap3A_763 : vector<1x16xf32> to vector<16xf32>
      %swap3A_765 = vector.shape_cast %add3A_760 : vector<16xf32> to vector<1x16xf32>
      tpu.vector_store %arg15[%swap3A_761, %swap3A_762], %swap3A_765 {strides = array<i32>} : memref<200x64xf32, #tpu.memory_space<vmem>>, vector<1x16xf32>,
    }
    %scan3A_152 = arith.constant 50 : i32
    %dma_wait3A_153 = arith.constant 0 : i32
    %dma_wait3A_154 = tpu.memref_slice %arg2[%mul3A_2, %dma_wait3A_153] : memref<4096x200xi32, #tpu.memory_space<hbm>> -> memref<1x200xi32, #tpu.memory_space<hbm>>
    %dma_wait3A_155 = tpu.memref_squeeze %dma_wait3A_154 : memref<1x200xi32, #tpu.memory_space<hbm>> -> memref<200xi32, #tpu.memory_space<hbm>>
    %dma_wait3A_156 = arith.constant 0 : i32
    %dma_wait3A_157 = tpu.memref_slice %arg2[%mul3A_2, %dma_wait3A_156] : memref<4096x200xi32, #tpu.memory_space<hbm>> -> memref<1x200xi32, #tpu.memory_space<hbm>>
    %dma_wait3A_158 = tpu.memref_squeeze %dma_wait3A_157 : memref<1x200xi32, #tpu.memory_space<hbm>> -> memref<200xi32, #tpu.memory_space<hbm>>
    tpu.wait_dma2 semaphore(%arg19 : memref<!tpu.dma_semaphore, #tpu.memory_space<semaphore_mem>>) src(%dma_wait3A_158 : memref<200xi32, #tpu.memory_space<hbm>>) dst(%arg7 : memref<200xi32, #tpu.memory_space<vmem>>)
    %dma_start3A_159 = arith.constant 0 : i32
    %dma_start3A_160 = arith.constant 0 : i32
    %dma_start3A_161 = tpu.memref_slice %arg11[%dma_start3A_159, %dma_start3A_160] : memref<200x64xf32, #tpu.memory_space<vmem>> -> memref<104x64xf32, #tpu.memory_space<vmem>>
    %dma_start3A_162 = arith.constant 0 : i32
    %dma_start3A_163 = tpu.memref_slice %arg7[%dma_start3A_162] : memref<200xi32, #tpu.memory_space<vmem>> -> memref<104xi32, #tpu.memory_space<vmem>>
    %dma_start3A_164 = arith.constant 0 : i32
    %dma_start3A_165 = arith.constant 0 : i32
    %dma_start3A_166 = tpu.memref_slice %arg3[%dma_start3A_164, %dma_start3A_165] : memref<100000x64xf32, #tpu.memory_space<hbm>> -> memref<100000x64xf32, #tpu.memory_space<hbm>>
    tpu.enqueue_indirect_dma source(%dma_start3A_166 : memref<100000x64xf32, #tpu.memory_space<hbm>>) target(%dma_start3A_161 : memref<104x64xf32, #tpu.memory_space<vmem>>) offsets(%dma_start3A_163 : memref<104xi32, #tpu.memory_space<vmem>>) semaphore(%arg23 : memref<!tpu.dma_semaphore, #tpu.memory_space<semaphore_mem>>)
    %dma_start3A_167 = arith.constant 104 : i32
    %dma_start3A_168 = arith.constant 0 : i32
    %dma_start3A_169 = tpu.memref_slice %arg11[%dma_start3A_167, %dma_start3A_168] : memref<200x64xf32, #tpu.memory_space<vmem>> -> memref<96x64xf32, #tpu.memory_space<vmem>>
    %dma_start3A_170 = arith.constant 104 : i32
    %dma_start3A_171 = tpu.memref_slice %arg7[%dma_start3A_170] : memref<200xi32, #tpu.memory_space<vmem>> -> memref<96xi32, #tpu.memory_space<vmem>>
    %dma_start3A_172 = arith.constant 0 : i32
    %dma_start3A_173 = arith.constant 0 : i32
    %dma_start3A_174 = tpu.memref_slice %arg3[%dma_start3A_172, %dma_start3A_173] : memref<100000x64xf32, #tpu.memory_space<hbm>> -> memref<100000x64xf32, #tpu.memory_space<hbm>>
    tpu.enqueue_indirect_dma source(%dma_start3A_174 : memref<100000x64xf32, #tpu.memory_space<hbm>>) target(%dma_start3A_169 : memref<96x64xf32, #tpu.memory_space<vmem>>) offsets(%dma_start3A_171 : memref<96xi32, #tpu.memory_space<vmem>>) semaphore(%arg23 : memref<!tpu.dma_semaphore, #tpu.memory_space<semaphore_mem>>)
    %add3A_175 = arith.constant 0 : i32
    %add3A_176 = arith.addi %mul3A_2, %add3A_175 : i32
    %dma_start3A_177 = arith.constant 0 : i32
    %dma_start3A_178 = arith.constant 0 : i32
    %dma_start3A_179 = tpu.memref_slice %arg5[%add3A_176, %dma_start3A_177, %dma_start3A_178] : memref<4096x200x64xf32, #tpu.memory_space<hbm>> -> memref<1x200x64xf32, #tpu.memory_space<hbm>>
    %dma_start3A_180 = tpu.memref_squeeze %dma_start3A_179 : memref<1x200x64xf32, #tpu.memory_space<hbm>> -> memref<200x64xf32, #tpu.memory_space<hbm>>
    %dma_start3A_181 = arith.constant 0 : i32
    %dma_start3A_182 = arith.constant 0 : i32
    %dma_start3A_183 = tpu.memref_slice %arg5[%add3A_176, %dma_start3A_181, %dma_start3A_182] : memref<4096x200x64xf32, #tpu.memory_space<hbm>> -> memref<1x200x64xf32, #tpu.memory_space<hbm>>
    %dma_start3A_184 = tpu.memref_squeeze %dma_start3A_183 : memref<1x200x64xf32, #tpu.memory_space<hbm>> -> memref<200x64xf32, #tpu.memory_space<hbm>>
    tpu.enqueue_dma source(%arg15 : memref<200x64xf32, #tpu.memory_space<vmem>>) target(%dma_start3A_184 : memref<200x64xf32, #tpu.memory_space<hbm>>) target_semaphore(%arg27 : memref<!tpu.dma_semaphore, #tpu.memory_space<semaphore_mem>>)
    %dma_wait3A_185 = arith.constant 0 : i32
    %dma_wait3A_186 = arith.constant 0 : i32
    %dma_wait3A_187 = tpu.memref_slice %arg12[%dma_wait3A_185, %dma_wait3A_186] : memref<200x64xf32, #tpu.memory_space<vmem>> -> memref<104x64xf32, #tpu.memory_space<vmem>>
    %dma_wait3A_188 = arith.constant 0 : i32
    %dma_wait3A_189 = tpu.memref_slice %arg8[%dma_wait3A_188] : memref<200xi32, #tpu.memory_space<vmem>> -> memref<104xi32, #tpu.memory_space<vmem>>
    %dma_wait3A_190 = arith.constant 0 : i32
    %dma_wait3A_191 = arith.constant 0 : i32
    %dma_wait3A_192 = tpu.memref_slice %arg3[%dma_wait3A_190, %dma_wait3A_191] : memref<100000x64xf32, #tpu.memory_space<hbm>> -> memref<100000x64xf32, #tpu.memory_space<hbm>>
    tpu.wait_indirect_dma semaphore(%arg24 : memref<!tpu.dma_semaphore, #tpu.memory_space<semaphore_mem>>) src(%dma_wait3A_192 : memref<100000x64xf32, #tpu.memory_space<hbm>>) dst(%dma_wait3A_187 : memref<104x64xf32, #tpu.memory_space<vmem>>)
    %dma_wait3A_193 = arith.constant 104 : i32
    %dma_wait3A_194 = arith.constant 0 : i32
    %dma_wait3A_195 = tpu.memref_slice %arg12[%dma_wait3A_193, %dma_wait3A_194] : memref<200x64xf32, #tpu.memory_space<vmem>> -> memref<96x64xf32, #tpu.memory_space<vmem>>
    %dma_wait3A_196 = arith.constant 104 : i32
    %dma_wait3A_197 = tpu.memref_slice %arg8[%dma_wait3A_196] : memref<200xi32, #tpu.memory_space<vmem>> -> memref<96xi32, #tpu.memory_space<vmem>>
    %dma_wait3A_198 = arith.constant 0 : i32
    %dma_wait3A_199 = arith.constant 0 : i32
    %dma_wait3A_200 = tpu.memref_slice %arg3[%dma_wait3A_198, %dma_wait3A_199] : memref<100000x64xf32, #tpu.memory_space<hbm>> -> memref<100000x64xf32, #tpu.memory_space<hbm>>
    tpu.wait_indirect_dma semaphore(%arg24 : memref<!tpu.dma_semaphore, #tpu.memory_space<semaphore_mem>>) src(%dma_wait3A_200 : memref<100000x64xf32, #tpu.memory_space<hbm>>) dst(%dma_wait3A_195 : memref<96x64xf32, #tpu.memory_space<vmem>>)
    %add3A_201 = arith.constant 1 : i32
    %add3A_202 = arith.constant 4 : i32
    %add3A_203 = arith.addi %add3A_201, %add3A_202 : i32
    %rem3A_204 = arith.constant 128 : i32
    %rem3A_205 = arith.remsi %add3A_203, %rem3A_204 : i32
    %add3A_206 = arith.addi %mul3A_2, %rem3A_205 : i32
    %dma_start3A_207 = arith.constant 0 : i32
    %dma_start3A_208 = tpu.memref_slice %arg2[%add3A_206, %dma_start3A_207] : memref<4096x200xi32, #tpu.memory_space<hbm>> -> memref<1x200xi32, #tpu.memory_space<hbm>>
    %dma_start3A_209 = tpu.memref_squeeze %dma_start3A_208 : memref<1x200xi32, #tpu.memory_space<hbm>> -> memref<200xi32, #tpu.memory_space<hbm>>
    %dma_start3A_210 = arith.constant 0 : i32
    %dma_start3A_211 = tpu.memref_slice %arg2[%add3A_206, %dma_start3A_210] : memref<4096x200xi32, #tpu.memory_space<hbm>> -> memref<1x200xi32, #tpu.memory_space<hbm>>
    %dma_start3A_212 = tpu.memref_squeeze %dma_start3A_211 : memref<1x200xi32, #tpu.memory_space<hbm>> -> memref<200xi32, #tpu.memory_space<hbm>>
    tpu.enqueue_dma source(%dma_start3A_212 : memref<200xi32, #tpu.memory_space<hbm>>) target(%arg8 : memref<200xi32, #tpu.memory_space<vmem>>) target_semaphore(%arg20 : memref<!tpu.dma_semaphore, #tpu.memory_space<semaphore_mem>>)
    %scan3A_213 = arith.constant 0 : i32
    %scan3A_214 = arith.constant 0 : i32
    %scan3A_215 = arith.constant 50 : i32
    %scan3A_216 = arith.addi %scan3A_214, %scan3A_215 : i32
    %scan3A_217 = arith.constant 1 : i32
    scf.for %scan3A_485 = %scan3A_214 to %scan3A_216 step %scan3A_217  : i32 {
      %mul3A_486 = arith.constant 4 : i32
      %mul3A_487 = arith.muli %scan3A_485, %mul3A_486 : i32
      %add3A_488 = arith.constant 0 : i32
      %add3A_489 = arith.addi %mul3A_487, %add3A_488 : i32
      %get3A = arith.index_cast %add3A_489 : i32 to index
      %get3A_490 = arith.constant 0 : index
      %get3A_491 = tpu.vector_load %arg12[%get3A, %get3A_490] {strides = array<i32>} : memref<200x64xf32, #tpu.memory_space<vmem>>, vector<1x16xf32>,
      %get3A_492 = vector.shape_cast %get3A_491 : vector<1x16xf32> to vector<16xf32>
      %mul3A_493 = arith.constant 8.000000e+00 : f32
      %mul3A_494 = vector.broadcast %mul3A_493 : f32 to vector<16xf32>
      %mul3A_495 = arith.mulf %get3A_492, %mul3A_494 : vector<16xf32>
      %get3A_496 = arith.index_cast %add3A_489 : i32 to index
      %get3A_497 = arith.constant 0 : index
      %get3A_498 = tpu.vector_load %arg6[%get3A_496, %get3A_497] {strides = array<i32>} : memref<200x64xf32, #tpu.memory_space<vmem>>, vector<1x16xf32>,
      %get3A_499 = vector.shape_cast %get3A_498 : vector<1x16xf32> to vector<16xf32>
      %add3A_500 = arith.addf %mul3A_495, %get3A_499 : vector<16xf32>
      %swap3A = arith.index_cast %add3A_489 : i32 to index
      %swap3A_501 = arith.constant 0 : index
      %swap3A_502 = tpu.vector_load %arg16[%swap3A, %swap3A_501] {strides = array<i32>} : memref<200x64xf32, #tpu.memory_space<vmem>>, vector<1x16xf32>,
      %swap3A_503 = vector.shape_cast %swap3A_502 : vector<1x16xf32> to vector<16xf32>
      %swap3A_504 = vector.shape_cast %add3A_500 : vector<16xf32> to vector<1x16xf32>
      tpu.vector_store %arg16[%swap3A, %swap3A_501], %swap3A_504 {strides = array<i32>} : memref<200x64xf32, #tpu.memory_space<vmem>>, vector<1x16xf32>,
      %get3A_505 = arith.index_cast %add3A_489 : i32 to index
      %get3A_506 = arith.constant 16 : index
      %get3A_507 = tpu.vector_load %arg12[%get3A_505, %get3A_506] {strides = array<i32>} : memref<200x64xf32, #tpu.memory_space<vmem>>, vector<1x16xf32>,
      %get3A_508 = vector.shape_cast %get3A_507 : vector<1x16xf32> to vector<16xf32>
      %mul3A_509 = arith.constant 8.000000e+00 : f32
      %mul3A_510 = vector.broadcast %mul3A_509 : f32 to vector<16xf32>
      %mul3A_511 = arith.mulf %get3A_508, %mul3A_510 : vector<16xf32>
      %get3A_512 = arith.index_cast %add3A_489 : i32 to index
      %get3A_513 = arith.constant 16 : index
      %get3A_514 = tpu.vector_load %arg6[%get3A_512, %get3A_513] {strides = array<i32>} : memref<200x64xf32, #tpu.memory_space<vmem>>, vector<1x16xf32>,
      %get3A_515 = vector.shape_cast %get3A_514 : vector<1x16xf32> to vector<16xf32>
      %add3A_516 = arith.addf %mul3A_511, %get3A_515 : vector<16xf32>
      %swap3A_517 = arith.index_cast %add3A_489 : i32 to index
      %swap3A_518 = arith.constant 16 : index
      %swap3A_519 = tpu.vector_load %arg16[%swap3A_517, %swap3A_518] {strides = array<i32>} : memref<200x64xf32, #tpu.memory_space<vmem>>, vector<1x16xf32>,
      %swap3A_520 = vector.shape_cast %swap3A_519 : vector<1x16xf32> to vector<16xf32>
      %swap3A_521 = vector.shape_cast %add3A_516 : vector<16xf32> to vector<1x16xf32>
      tpu.vector_store %arg16[%swap3A_517, %swap3A_518], %swap3A_521 {strides = array<i32>} : memref<200x64xf32, #tpu.memory_space<vmem>>, vector<1x16xf32>,
      %get3A_522 = arith.index_cast %add3A_489 : i32 to index
      %get3A_523 = arith.constant 32 : index
      %get3A_524 = tpu.vector_load %arg12[%get3A_522, %get3A_523] {strides = array<i32>} : memref<200x64xf32, #tpu.memory_space<vmem>>, vector<1x16xf32>,
      %get3A_525 = vector.shape_cast %get3A_524 : vector<1x16xf32> to vector<16xf32>
      %mul3A_526 = arith.constant 8.000000e+00 : f32
      %mul3A_527 = vector.broadcast %mul3A_526 : f32 to vector<16xf32>
      %mul3A_528 = arith.mulf %get3A_525, %mul3A_527 : vector<16xf32>
      %get3A_529 = arith.index_cast %add3A_489 : i32 to index
      %get3A_530 = arith.constant 32 : index
      %get3A_531 = tpu.vector_load %arg6[%get3A_529, %get3A_530] {strides = array<i32>} : memref<200x64xf32, #tpu.memory_space<vmem>>, vector<1x16xf32>,
      %get3A_532 = vector.shape_cast %get3A_531 : vector<1x16xf32> to vector<16xf32>
      %add3A_533 = arith.addf %mul3A_528, %get3A_532 : vector<16xf32>
      %swap3A_534 = arith.index_cast %add3A_489 : i32 to index
      %swap3A_535 = arith.constant 32 : index
      %swap3A_536 = tpu.vector_load %arg16[%swap3A_534, %swap3A_535] {strides = array<i32>} : memref<200x64xf32, #tpu.memory_space<vmem>>, vector<1x16xf32>,
      %swap3A_537 = vector.shape_cast %swap3A_536 : vector<1x16xf32> to vector<16xf32>
      %swap3A_538 = vector.shape_cast %add3A_533 : vector<16xf32> to vector<1x16xf32>
      tpu.vector_store %arg16[%swap3A_534, %swap3A_535], %swap3A_538 {strides = array<i32>} : memref<200x64xf32, #tpu.memory_space<vmem>>, vector<1x16xf32>,
      %get3A_539 = arith.index_cast %add3A_489 : i32 to index
      %get3A_540 = arith.constant 48 : index
      %get3A_541 = tpu.vector_load %arg12[%get3A_539, %get3A_540] {strides = array<i32>} : memref<200x64xf32, #tpu.memory_space<vmem>>, vector<1x16xf32>,
      %get3A_542 = vector.shape_cast %get3A_541 : vector<1x16xf32> to vector<16xf32>
      %mul3A_543 = arith.constant 8.000000e+00 : f32
      %mul3A_544 = vector.broadcast %mul3A_543 : f32 to vector<16xf32>
      %mul3A_545 = arith.mulf %get3A_542, %mul3A_544 : vector<16xf32>
      %get3A_546 = arith.index_cast %add3A_489 : i32 to index
      %get3A_547 = arith.constant 48 : index
      %get3A_548 = tpu.vector_load %arg6[%get3A_546, %get3A_547] {strides = array<i32>} : memref<200x64xf32, #tpu.memory_space<vmem>>, vector<1x16xf32>,
      %get3A_549 = vector.shape_cast %get3A_548 : vector<1x16xf32> to vector<16xf32>
      %add3A_550 = arith.addf %mul3A_545, %get3A_549 : vector<16xf32>
      %swap3A_551 = arith.index_cast %add3A_489 : i32 to index
      %swap3A_552 = arith.constant 48 : index
      %swap3A_553 = tpu.vector_load %arg16[%swap3A_551, %swap3A_552] {strides = array<i32>} : memref<200x64xf32, #tpu.memory_space<vmem>>, vector<1x16xf32>,
      %swap3A_554 = vector.shape_cast %swap3A_553 : vector<1x16xf32> to vector<16xf32>
      %swap3A_555 = vector.shape_cast %add3A_550 : vector<16xf32> to vector<1x16xf32>
      tpu.vector_store %arg16[%swap3A_551, %swap3A_552], %swap3A_555 {strides = array<i32>} : memref<200x64xf32, #tpu.memory_space<vmem>>, vector<1x16xf32>,
      %add3A_556 = arith.constant 1 : i32
      %add3A_557 = arith.addi %mul3A_487, %add3A_556 : i32
      %get3A_558 = arith.index_cast %add3A_557 : i32 to index
      %get3A_559 = arith.constant 0 : index
      %get3A_560 = tpu.vector_load %arg12[%get3A_558, %get3A_559] {strides = array<i32>} : memref<200x64xf32, #tpu.memory_space<vmem>>, vector<1x16xf32>,
      %get3A_561 = vector.shape_cast %get3A_560 : vector<1x16xf32> to vector<16xf32>
      %mul3A_562 = arith.constant 8.000000e+00 : f32
      %mul3A_563 = vector.broadcast %mul3A_562 : f32 to vector<16xf32>
      %mul3A_564 = arith.mulf %get3A_561, %mul3A_563 : vector<16xf32>
      %get3A_565 = arith.index_cast %add3A_557 : i32 to index
      %get3A_566 = arith.constant 0 : index
      %get3A_567 = tpu.vector_load %arg6[%get3A_565, %get3A_566] {strides = array<i32>} : memref<200x64xf32, #tpu.memory_space<vmem>>, vector<1x16xf32>,
      %get3A_568 = vector.shape_cast %get3A_567 : vector<1x16xf32> to vector<16xf32>
      %add3A_569 = arith.addf %mul3A_564, %get3A_568 : vector<16xf32>
      %swap3A_570 = arith.index_cast %add3A_557 : i32 to index
      %swap3A_571 = arith.constant 0 : index
      %swap3A_572 = tpu.vector_load %arg16[%swap3A_570, %swap3A_571] {strides = array<i32>} : memref<200x64xf32, #tpu.memory_space<vmem>>, vector<1x16xf32>,
      %swap3A_573 = vector.shape_cast %swap3A_572 : vector<1x16xf32> to vector<16xf32>
      %swap3A_574 = vector.shape_cast %add3A_569 : vector<16xf32> to vector<1x16xf32>
      tpu.vector_store %arg16[%swap3A_570, %swap3A_571], %swap3A_574 {strides = array<i32>} : memref<200x64xf32, #tpu.memory_space<vmem>>, vector<1x16xf32>,
      %get3A_575 = arith.index_cast %add3A_557 : i32 to index
      %get3A_576 = arith.constant 16 : index
      %get3A_577 = tpu.vector_load %arg12[%get3A_575, %get3A_576] {strides = array<i32>} : memref<200x64xf32, #tpu.memory_space<vmem>>, vector<1x16xf32>,
      %get3A_578 = vector.shape_cast %get3A_577 : vector<1x16xf32> to vector<16xf32>
      %mul3A_579 = arith.constant 8.000000e+00 : f32
      %mul3A_580 = vector.broadcast %mul3A_579 : f32 to vector<16xf32>
      %mul3A_581 = arith.mulf %get3A_578, %mul3A_580 : vector<16xf32>
      %get3A_582 = arith.index_cast %add3A_557 : i32 to index
      %get3A_583 = arith.constant 16 : index
      %get3A_584 = tpu.vector_load %arg6[%get3A_582, %get3A_583] {strides = array<i32>} : memref<200x64xf32, #tpu.memory_space<vmem>>, vector<1x16xf32>,
      %get3A_585 = vector.shape_cast %get3A_584 : vector<1x16xf32> to vector<16xf32>
      %add3A_586 = arith.addf %mul3A_581, %get3A_585 : vector<16xf32>
      %swap3A_587 = arith.index_cast %add3A_557 : i32 to index
      %swap3A_588 = arith.constant 16 : index
      %swap3A_589 = tpu.vector_load %arg16[%swap3A_587, %swap3A_588] {strides = array<i32>} : memref<200x64xf32, #tpu.memory_space<vmem>>, vector<1x16xf32>,
      %swap3A_590 = vector.shape_cast %swap3A_589 : vector<1x16xf32> to vector<16xf32>
      %swap3A_591 = vector.shape_cast %add3A_586 : vector<16xf32> to vector<1x16xf32>
      tpu.vector_store %arg16[%swap3A_587, %swap3A_588], %swap3A_591 {strides = array<i32>} : memref<200x64xf32, #tpu.memory_space<vmem>>, vector<1x16xf32>,
      %get3A_592 = arith.index_cast %add3A_557 : i32 to index
      %get3A_593 = arith.constant 32 : index
      %get3A_594 = tpu.vector_load %arg12[%get3A_592, %get3A_593] {strides = array<i32>} : memref<200x64xf32, #tpu.memory_space<vmem>>, vector<1x16xf32>,
      %get3A_595 = vector.shape_cast %get3A_594 : vector<1x16xf32> to vector<16xf32>
      %mul3A_596 = arith.constant 8.000000e+00 : f32
      %mul3A_597 = vector.broadcast %mul3A_596 : f32 to vector<16xf32>
      %mul3A_598 = arith.mulf %get3A_595, %mul3A_597 : vector<16xf32>
      %get3A_599 = arith.index_cast %add3A_557 : i32 to index
      %get3A_600 = arith.constant 32 : index
      %get3A_601 = tpu.vector_load %arg6[%get3A_599, %get3A_600] {strides = array<i32>} : memref<200x64xf32, #tpu.memory_space<vmem>>, vector<1x16xf32>,
      %get3A_602 = vector.shape_cast %get3A_601 : vector<1x16xf32> to vector<16xf32>
      %add3A_603 = arith.addf %mul3A_598, %get3A_602 : vector<16xf32>
      %swap3A_604 = arith.index_cast %add3A_557 : i32 to index
      %swap3A_605 = arith.constant 32 : index
      %swap3A_606 = tpu.vector_load %arg16[%swap3A_604, %swap3A_605] {strides = array<i32>} : memref<200x64xf32, #tpu.memory_space<vmem>>, vector<1x16xf32>,
      %swap3A_607 = vector.shape_cast %swap3A_606 : vector<1x16xf32> to vector<16xf32>
      %swap3A_608 = vector.shape_cast %add3A_603 : vector<16xf32> to vector<1x16xf32>
      tpu.vector_store %arg16[%swap3A_604, %swap3A_605], %swap3A_608 {strides = array<i32>} : memref<200x64xf32, #tpu.memory_space<vmem>>, vector<1x16xf32>,
      %get3A_609 = arith.index_cast %add3A_557 : i32 to index
      %get3A_610 = arith.constant 48 : index
      %get3A_611 = tpu.vector_load %arg12[%get3A_609, %get3A_610] {strides = array<i32>} : memref<200x64xf32, #tpu.memory_space<vmem>>, vector<1x16xf32>,
      %get3A_612 = vector.shape_cast %get3A_611 : vector<1x16xf32> to vector<16xf32>
      %mul3A_613 = arith.constant 8.000000e+00 : f32
      %mul3A_614 = vector.broadcast %mul3A_613 : f32 to vector<16xf32>
      %mul3A_615 = arith.mulf %get3A_612, %mul3A_614 : vector<16xf32>
      %get3A_616 = arith.index_cast %add3A_557 : i32 to index
      %get3A_617 = arith.constant 48 : index
      %get3A_618 = tpu.vector_load %arg6[%get3A_616, %get3A_617] {strides = array<i32>} : memref<200x64xf32, #tpu.memory_space<vmem>>, vector<1x16xf32>,
      %get3A_619 = vector.shape_cast %get3A_618 : vector<1x16xf32> to vector<16xf32>
      %add3A_620 = arith.addf %mul3A_615, %get3A_619 : vector<16xf32>
      %swap3A_621 = arith.index_cast %add3A_557 : i32 to index
      %swap3A_622 = arith.constant 48 : index
      %swap3A_623 = tpu.vector_load %arg16[%swap3A_621, %swap3A_622] {strides = array<i32>} : memref<200x64xf32, #tpu.memory_space<vmem>>, vector<1x16xf32>,
      %swap3A_624 = vector.shape_cast %swap3A_623 : vector<1x16xf32> to vector<16xf32>
      %swap3A_625 = vector.shape_cast %add3A_620 : vector<16xf32> to vector<1x16xf32>
      tpu.vector_store %arg16[%swap3A_621, %swap3A_622], %swap3A_625 {strides = array<i32>} : memref<200x64xf32, #tpu.memory_space<vmem>>, vector<1x16xf32>,
      %add3A_626 = arith.constant 2 : i32
      %add3A_627 = arith.addi %mul3A_487, %add3A_626 : i32
      %get3A_628 = arith.index_cast %add3A_627 : i32 to index
      %get3A_629 = arith.constant 0 : index
      %get3A_630 = tpu.vector_load %arg12[%get3A_628, %get3A_629] {strides = array<i32>} : memref<200x64xf32, #tpu.memory_space<vmem>>, vector<1x16xf32>,
      %get3A_631 = vector.shape_cast %get3A_630 : vector<1x16xf32> to vector<16xf32>
      %mul3A_632 = arith.constant 8.000000e+00 : f32
      %mul3A_633 = vector.broadcast %mul3A_632 : f32 to vector<16xf32>
      %mul3A_634 = arith.mulf %get3A_631, %mul3A_633 : vector<16xf32>
      %get3A_635 = arith.index_cast %add3A_627 : i32 to index
      %get3A_636 = arith.constant 0 : index
      %get3A_637 = tpu.vector_load %arg6[%get3A_635, %get3A_636] {strides = array<i32>} : memref<200x64xf32, #tpu.memory_space<vmem>>, vector<1x16xf32>,
      %get3A_638 = vector.shape_cast %get3A_637 : vector<1x16xf32> to vector<16xf32>
      %add3A_639 = arith.addf %mul3A_634, %get3A_638 : vector<16xf32>
      %swap3A_640 = arith.index_cast %add3A_627 : i32 to index
      %swap3A_641 = arith.constant 0 : index
      %swap3A_642 = tpu.vector_load %arg16[%swap3A_640, %swap3A_641] {strides = array<i32>} : memref<200x64xf32, #tpu.memory_space<vmem>>, vector<1x16xf32>,
      %swap3A_643 = vector.shape_cast %swap3A_642 : vector<1x16xf32> to vector<16xf32>
      %swap3A_644 = vector.shape_cast %add3A_639 : vector<16xf32> to vector<1x16xf32>
      tpu.vector_store %arg16[%swap3A_640, %swap3A_641], %swap3A_644 {strides = array<i32>} : memref<200x64xf32, #tpu.memory_space<vmem>>, vector<1x16xf32>,
      %get3A_645 = arith.index_cast %add3A_627 : i32 to index
      %get3A_646 = arith.constant 16 : index
      %get3A_647 = tpu.vector_load %arg12[%get3A_645, %get3A_646] {strides = array<i32>} : memref<200x64xf32, #tpu.memory_space<vmem>>, vector<1x16xf32>,
      %get3A_648 = vector.shape_cast %get3A_647 : vector<1x16xf32> to vector<16xf32>
      %mul3A_649 = arith.constant 8.000000e+00 : f32
      %mul3A_650 = vector.broadcast %mul3A_649 : f32 to vector<16xf32>
      %mul3A_651 = arith.mulf %get3A_648, %mul3A_650 : vector<16xf32>
      %get3A_652 = arith.index_cast %add3A_627 : i32 to index
      %get3A_653 = arith.constant 16 : index
      %get3A_654 = tpu.vector_load %arg6[%get3A_652, %get3A_653] {strides = array<i32>} : memref<200x64xf32, #tpu.memory_space<vmem>>, vector<1x16xf32>,
      %get3A_655 = vector.shape_cast %get3A_654 : vector<1x16xf32> to vector<16xf32>
      %add3A_656 = arith.addf %mul3A_651, %get3A_655 : vector<16xf32>
      %swap3A_657 = arith.index_cast %add3A_627 : i32 to index
      %swap3A_658 = arith.constant 16 : index
      %swap3A_659 = tpu.vector_load %arg16[%swap3A_657, %swap3A_658] {strides = array<i32>} : memref<200x64xf32, #tpu.memory_space<vmem>>, vector<1x16xf32>,
      %swap3A_660 = vector.shape_cast %swap3A_659 : vector<1x16xf32> to vector<16xf32>
      %swap3A_661 = vector.shape_cast %add3A_656 : vector<16xf32> to vector<1x16xf32>
      tpu.vector_store %arg16[%swap3A_657, %swap3A_658], %swap3A_661 {strides = array<i32>} : memref<200x64xf32, #tpu.memory_space<vmem>>, vector<1x16xf32>,
      %get3A_662 = arith.index_cast %add3A_627 : i32 to index
      %get3A_663 = arith.constant 32 : index
      %get3A_664 = tpu.vector_load %arg12[%get3A_662, %get3A_663] {strides = array<i32>} : memref<200x64xf32, #tpu.memory_space<vmem>>, vector<1x16xf32>,
      %get3A_665 = vector.shape_cast %get3A_664 : vector<1x16xf32> to vector<16xf32>
      %mul3A_666 = arith.constant 8.000000e+00 : f32
      %mul3A_667 = vector.broadcast %mul3A_666 : f32 to vector<16xf32>
      %mul3A_668 = arith.mulf %get3A_665, %mul3A_667 : vector<16xf32>
      %get3A_669 = arith.index_cast %add3A_627 : i32 to index
      %get3A_670 = arith.constant 32 : index
      %get3A_671 = tpu.vector_load %arg6[%get3A_669, %get3A_670] {strides = array<i32>} : memref<200x64xf32, #tpu.memory_space<vmem>>, vector<1x16xf32>,
      %get3A_672 = vector.shape_cast %get3A_671 : vector<1x16xf32> to vector<16xf32>
      %add3A_673 = arith.addf %mul3A_668, %get3A_672 : vector<16xf32>
      %swap3A_674 = arith.index_cast %add3A_627 : i32 to index
      %swap3A_675 = arith.constant 32 : index
      %swap3A_676 = tpu.vector_load %arg16[%swap3A_674, %swap3A_675] {strides = array<i32>} : memref<200x64xf32, #tpu.memory_space<vmem>>, vector<1x16xf32>,
      %swap3A_677 = vector.shape_cast %swap3A_676 : vector<1x16xf32> to vector<16xf32>
      %swap3A_678 = vector.shape_cast %add3A_673 : vector<16xf32> to vector<1x16xf32>
      tpu.vector_store %arg16[%swap3A_674, %swap3A_675], %swap3A_678 {strides = array<i32>} : memref<200x64xf32, #tpu.memory_space<vmem>>, vector<1x16xf32>,
      %get3A_679 = arith.index_cast %add3A_627 : i32 to index
      %get3A_680 = arith.constant 48 : index
      %get3A_681 = tpu.vector_load %arg12[%get3A_679, %get3A_680] {strides = array<i32>} : memref<200x64xf32, #tpu.memory_space<vmem>>, vector<1x16xf32>,
      %get3A_682 = vector.shape_cast %get3A_681 : vector<1x16xf32> to vector<16xf32>
      %mul3A_683 = arith.constant 8.000000e+00 : f32
      %mul3A_684 = vector.broadcast %mul3A_683 : f32 to vector<16xf32>
      %mul3A_685 = arith.mulf %get3A_682, %mul3A_684 : vector<16xf32>
      %get3A_686 = arith.index_cast %add3A_627 : i32 to index
      %get3A_687 = arith.constant 48 : index
      %get3A_688 = tpu.vector_load %arg6[%get3A_686, %get3A_687] {strides = array<i32>} : memref<200x64xf32, #tpu.memory_space<vmem>>, vector<1x16xf32>,
      %get3A_689 = vector.shape_cast %get3A_688 : vector<1x16xf32> to vector<16xf32>
      %add3A_690 = arith.addf %mul3A_685, %get3A_689 : vector<16xf32>
      %swap3A_691 = arith.index_cast %add3A_627 : i32 to index
      %swap3A_692 = arith.constant 48 : index
      %swap3A_693 = tpu.vector_load %arg16[%swap3A_691, %swap3A_692] {strides = array<i32>} : memref<200x64xf32, #tpu.memory_space<vmem>>, vector<1x16xf32>,
      %swap3A_694 = vector.shape_cast %swap3A_693 : vector<1x16xf32> to vector<16xf32>
      %swap3A_695 = vector.shape_cast %add3A_690 : vector<16xf32> to vector<1x16xf32>
      tpu.vector_store %arg16[%swap3A_691, %swap3A_692], %swap3A_695 {strides = array<i32>} : memref<200x64xf32, #tpu.memory_space<vmem>>, vector<1x16xf32>,
      %add3A_696 = arith.constant 3 : i32
      %add3A_697 = arith.addi %mul3A_487, %add3A_696 : i32
      %get3A_698 = arith.index_cast %add3A_697 : i32 to index
      %get3A_699 = arith.constant 0 : index
      %get3A_700 = tpu.vector_load %arg12[%get3A_698, %get3A_699] {strides = array<i32>} : memref<200x64xf32, #tpu.memory_space<vmem>>, vector<1x16xf32>,
      %get3A_701 = vector.shape_cast %get3A_700 : vector<1x16xf32> to vector<16xf32>
      %mul3A_702 = arith.constant 8.000000e+00 : f32
      %mul3A_703 = vector.broadcast %mul3A_702 : f32 to vector<16xf32>
      %mul3A_704 = arith.mulf %get3A_701, %mul3A_703 : vector<16xf32>
      %get3A_705 = arith.index_cast %add3A_697 : i32 to index
      %get3A_706 = arith.constant 0 : index
      %get3A_707 = tpu.vector_load %arg6[%get3A_705, %get3A_706] {strides = array<i32>} : memref<200x64xf32, #tpu.memory_space<vmem>>, vector<1x16xf32>,
      %get3A_708 = vector.shape_cast %get3A_707 : vector<1x16xf32> to vector<16xf32>
      %add3A_709 = arith.addf %mul3A_704, %get3A_708 : vector<16xf32>
      %swap3A_710 = arith.index_cast %add3A_697 : i32 to index
      %swap3A_711 = arith.constant 0 : index
      %swap3A_712 = tpu.vector_load %arg16[%swap3A_710, %swap3A_711] {strides = array<i32>} : memref<200x64xf32, #tpu.memory_space<vmem>>, vector<1x16xf32>,
      %swap3A_713 = vector.shape_cast %swap3A_712 : vector<1x16xf32> to vector<16xf32>
      %swap3A_714 = vector.shape_cast %add3A_709 : vector<16xf32> to vector<1x16xf32>
      tpu.vector_store %arg16[%swap3A_710, %swap3A_711], %swap3A_714 {strides = array<i32>} : memref<200x64xf32, #tpu.memory_space<vmem>>, vector<1x16xf32>,
      %get3A_715 = arith.index_cast %add3A_697 : i32 to index
      %get3A_716 = arith.constant 16 : index
      %get3A_717 = tpu.vector_load %arg12[%get3A_715, %get3A_716] {strides = array<i32>} : memref<200x64xf32, #tpu.memory_space<vmem>>, vector<1x16xf32>,
      %get3A_718 = vector.shape_cast %get3A_717 : vector<1x16xf32> to vector<16xf32>
      %mul3A_719 = arith.constant 8.000000e+00 : f32
      %mul3A_720 = vector.broadcast %mul3A_719 : f32 to vector<16xf32>
      %mul3A_721 = arith.mulf %get3A_718, %mul3A_720 : vector<16xf32>
      %get3A_722 = arith.index_cast %add3A_697 : i32 to index
      %get3A_723 = arith.constant 16 : index
      %get3A_724 = tpu.vector_load %arg6[%get3A_722, %get3A_723] {strides = array<i32>} : memref<200x64xf32, #tpu.memory_space<vmem>>, vector<1x16xf32>,
      %get3A_725 = vector.shape_cast %get3A_724 : vector<1x16xf32> to vector<16xf32>
      %add3A_726 = arith.addf %mul3A_721, %get3A_725 : vector<16xf32>
      %swap3A_727 = arith.index_cast %add3A_697 : i32 to index
      %swap3A_728 = arith.constant 16 : index
      %swap3A_729 = tpu.vector_load %arg16[%swap3A_727, %swap3A_728] {strides = array<i32>} : memref<200x64xf32, #tpu.memory_space<vmem>>, vector<1x16xf32>,
      %swap3A_730 = vector.shape_cast %swap3A_729 : vector<1x16xf32> to vector<16xf32>
      %swap3A_731 = vector.shape_cast %add3A_726 : vector<16xf32> to vector<1x16xf32>
      tpu.vector_store %arg16[%swap3A_727, %swap3A_728], %swap3A_731 {strides = array<i32>} : memref<200x64xf32, #tpu.memory_space<vmem>>, vector<1x16xf32>,
      %get3A_732 = arith.index_cast %add3A_697 : i32 to index
      %get3A_733 = arith.constant 32 : index
      %get3A_734 = tpu.vector_load %arg12[%get3A_732, %get3A_733] {strides = array<i32>} : memref<200x64xf32, #tpu.memory_space<vmem>>, vector<1x16xf32>,
      %get3A_735 = vector.shape_cast %get3A_734 : vector<1x16xf32> to vector<16xf32>
      %mul3A_736 = arith.constant 8.000000e+00 : f32
      %mul3A_737 = vector.broadcast %mul3A_736 : f32 to vector<16xf32>
      %mul3A_738 = arith.mulf %get3A_735, %mul3A_737 : vector<16xf32>
      %get3A_739 = arith.index_cast %add3A_697 : i32 to index
      %get3A_740 = arith.constant 32 : index
      %get3A_741 = tpu.vector_load %arg6[%get3A_739, %get3A_740] {strides = array<i32>} : memref<200x64xf32, #tpu.memory_space<vmem>>, vector<1x16xf32>,
      %get3A_742 = vector.shape_cast %get3A_741 : vector<1x16xf32> to vector<16xf32>
      %add3A_743 = arith.addf %mul3A_738, %get3A_742 : vector<16xf32>
      %swap3A_744 = arith.index_cast %add3A_697 : i32 to index
      %swap3A_745 = arith.constant 32 : index
      %swap3A_746 = tpu.vector_load %arg16[%swap3A_744, %swap3A_745] {strides = array<i32>} : memref<200x64xf32, #tpu.memory_space<vmem>>, vector<1x16xf32>,
      %swap3A_747 = vector.shape_cast %swap3A_746 : vector<1x16xf32> to vector<16xf32>
      %swap3A_748 = vector.shape_cast %add3A_743 : vector<16xf32> to vector<1x16xf32>
      tpu.vector_store %arg16[%swap3A_744, %swap3A_745], %swap3A_748 {strides = array<i32>} : memref<200x64xf32, #tpu.memory_space<vmem>>, vector<1x16xf32>,
      %get3A_749 = arith.index_cast %add3A_697 : i32 to index
      %get3A_750 = arith.constant 48 : index
      %get3A_751 = tpu.vector_load %arg12[%get3A_749, %get3A_750] {strides = array<i32>} : memref<200x64xf32, #tpu.memory_space<vmem>>, vector<1x16xf32>,
      %get3A_752 = vector.shape_cast %get3A_751 : vector<1x16xf32> to vector<16xf32>
      %mul3A_753 = arith.constant 8.000000e+00 : f32
      %mul3A_754 = vector.broadcast %mul3A_753 : f32 to vector<16xf32>
      %mul3A_755 = arith.mulf %get3A_752, %mul3A_754 : vector<16xf32>
      %get3A_756 = arith.index_cast %add3A_697 : i32 to index
      %get3A_757 = arith.constant 48 : index
      %get3A_758 = tpu.vector_load %arg6[%get3A_756, %get3A_757] {strides = array<i32>} : memref<200x64xf32, #tpu.memory_space<vmem>>, vector<1x16xf32>,
      %get3A_759 = vector.shape_cast %get3A_758 : vector<1x16xf32> to vector<16xf32>
      %add3A_760 = arith.addf %mul3A_755, %get3A_759 : vector<16xf32>
      %swap3A_761 = arith.index_cast %add3A_697 : i32 to index
      %swap3A_762 = arith.constant 48 : index
      %swap3A_763 = tpu.vector_load %arg16[%swap3A_761, %swap3A_762] {strides = array<i32>} : memref<200x64xf32, #tpu.memory_space<vmem>>, vector<1x16xf32>,
      %swap3A_764 = vector.shape_cast %swap3A_763 : vector<1x16xf32> to vector<16xf32>
      %swap3A_765 = vector.shape_cast %add3A_760 : vector<16xf32> to vector<1x16xf32>
      tpu.vector_store %arg16[%swap3A_761, %swap3A_762], %swap3A_765 {strides = array<i32>} : memref<200x64xf32, #tpu.memory_space<vmem>>, vector<1x16xf32>,
    }
    %scan3A_218 = arith.constant 50 : i32
    %dma_wait3A_219 = arith.constant 0 : i32
    %dma_wait3A_220 = tpu.memref_slice %arg2[%mul3A_2, %dma_wait3A_219] : memref<4096x200xi32, #tpu.memory_space<hbm>> -> memref<1x200xi32, #tpu.memory_space<hbm>>
    %dma_wait3A_221 = tpu.memref_squeeze %dma_wait3A_220 : memref<1x200xi32, #tpu.memory_space<hbm>> -> memref<200xi32, #tpu.memory_space<hbm>>
    %dma_wait3A_222 = arith.constant 0 : i32
    %dma_wait3A_223 = tpu.memref_slice %arg2[%mul3A_2, %dma_wait3A_222] : memref<4096x200xi32, #tpu.memory_space<hbm>> -> memref<1x200xi32, #tpu.memory_space<hbm>>
    %dma_wait3A_224 = tpu.memref_squeeze %dma_wait3A_223 : memref<1x200xi32, #tpu.memory_space<hbm>> -> memref<200xi32, #tpu.memory_space<hbm>>
    tpu.wait_dma2 semaphore(%arg20 : memref<!tpu.dma_semaphore, #tpu.memory_space<semaphore_mem>>) src(%dma_wait3A_224 : memref<200xi32, #tpu.memory_space<hbm>>) dst(%arg8 : memref<200xi32, #tpu.memory_space<vmem>>)
    %dma_start3A_225 = arith.constant 0 : i32
    %dma_start3A_226 = arith.constant 0 : i32
    %dma_start3A_227 = tpu.memref_slice %arg12[%dma_start3A_225, %dma_start3A_226] : memref<200x64xf32, #tpu.memory_space<vmem>> -> memref<104x64xf32, #tpu.memory_space<vmem>>
    %dma_start3A_228 = arith.constant 0 : i32
    %dma_start3A_229 = tpu.memref_slice %arg8[%dma_start3A_228] : memref<200xi32, #tpu.memory_space<vmem>> -> memref<104xi32, #tpu.memory_space<vmem>>
    %dma_start3A_230 = arith.constant 0 : i32
    %dma_start3A_231 = arith.constant 0 : i32
    %dma_start3A_232 = tpu.memref_slice %arg3[%dma_start3A_230, %dma_start3A_231] : memref<100000x64xf32, #tpu.memory_space<hbm>> -> memref<100000x64xf32, #tpu.memory_space<hbm>>
    tpu.enqueue_indirect_dma source(%dma_start3A_232 : memref<100000x64xf32, #tpu.memory_space<hbm>>) target(%dma_start3A_227 : memref<104x64xf32, #tpu.memory_space<vmem>>) offsets(%dma_start3A_229 : memref<104xi32, #tpu.memory_space<vmem>>) semaphore(%arg24 : memref<!tpu.dma_semaphore, #tpu.memory_space<semaphore_mem>>)
    %dma_start3A_233 = arith.constant 104 : i32
    %dma_start3A_234 = arith.constant 0 : i32
    %dma_start3A_235 = tpu.memref_slice %arg12[%dma_start3A_233, %dma_start3A_234] : memref<200x64xf32, #tpu.memory_space<vmem>> -> memref<96x64xf32, #tpu.memory_space<vmem>>
    %dma_start3A_236 = arith.constant 104 : i32
    %dma_start3A_237 = tpu.memref_slice %arg8[%dma_start3A_236] : memref<200xi32, #tpu.memory_space<vmem>> -> memref<96xi32, #tpu.memory_space<vmem>>
    %dma_start3A_238 = arith.constant 0 : i32
    %dma_start3A_239 = arith.constant 0 : i32
    %dma_start3A_240 = tpu.memref_slice %arg3[%dma_start3A_238, %dma_start3A_239] : memref<100000x64xf32, #tpu.memory_space<hbm>> -> memref<100000x64xf32, #tpu.memory_space<hbm>>
    tpu.enqueue_indirect_dma source(%dma_start3A_240 : memref<100000x64xf32, #tpu.memory_space<hbm>>) target(%dma_start3A_235 : memref<96x64xf32, #tpu.memory_space<vmem>>) offsets(%dma_start3A_237 : memref<96xi32, #tpu.memory_space<vmem>>) semaphore(%arg24 : memref<!tpu.dma_semaphore, #tpu.memory_space<semaphore_mem>>)
    %add3A_241 = arith.constant 1 : i32
    %add3A_242 = arith.addi %mul3A_2, %add3A_241 : i32
    %dma_start3A_243 = arith.constant 0 : i32
    %dma_start3A_244 = arith.constant 0 : i32
    %dma_start3A_245 = tpu.memref_slice %arg5[%add3A_242, %dma_start3A_243, %dma_start3A_244] : memref<4096x200x64xf32, #tpu.memory_space<hbm>> -> memref<1x200x64xf32, #tpu.memory_space<hbm>>
    %dma_start3A_246 = tpu.memref_squeeze %dma_start3A_245 : memref<1x200x64xf32, #tpu.memory_space<hbm>> -> memref<200x64xf32, #tpu.memory_space<hbm>>
    %dma_start3A_247 = arith.constant 0 : i32
    %dma_start3A_248 = arith.constant 0 : i32
    %dma_start3A_249 = tpu.memref_slice %arg5[%add3A_242, %dma_start3A_247, %dma_start3A_248] : memref<4096x200x64xf32, #tpu.memory_space<hbm>> -> memref<1x200x64xf32, #tpu.memory_space<hbm>>
    %dma_start3A_250 = tpu.memref_squeeze %dma_start3A_249 : memref<1x200x64xf32, #tpu.memory_space<hbm>> -> memref<200x64xf32, #tpu.memory_space<hbm>>
    tpu.enqueue_dma source(%arg16 : memref<200x64xf32, #tpu.memory_space<vmem>>) target(%dma_start3A_250 : memref<200x64xf32, #tpu.memory_space<hbm>>) target_semaphore(%arg28 : memref<!tpu.dma_semaphore, #tpu.memory_space<semaphore_mem>>)
    %dma_wait3A_251 = arith.constant 0 : i32
    %dma_wait3A_252 = arith.constant 0 : i32
    %dma_wait3A_253 = tpu.memref_slice %arg13[%dma_wait3A_251, %dma_wait3A_252] : memref<200x64xf32, #tpu.memory_space<vmem>> -> memref<104x64xf32, #tpu.memory_space<vmem>>
    %dma_wait3A_254 = arith.constant 0 : i32
    %dma_wait3A_255 = tpu.memref_slice %arg9[%dma_wait3A_254] : memref<200xi32, #tpu.memory_space<vmem>> -> memref<104xi32, #tpu.memory_space<vmem>>
    %dma_wait3A_256 = arith.constant 0 : i32
    %dma_wait3A_257 = arith.constant 0 : i32
    %dma_wait3A_258 = tpu.memref_slice %arg3[%dma_wait3A_256, %dma_wait3A_257] : memref<100000x64xf32, #tpu.memory_space<hbm>> -> memref<100000x64xf32, #tpu.memory_space<hbm>>
    tpu.wait_indirect_dma semaphore(%arg25 : memref<!tpu.dma_semaphore, #tpu.memory_space<semaphore_mem>>) src(%dma_wait3A_258 : memref<100000x64xf32, #tpu.memory_space<hbm>>) dst(%dma_wait3A_253 : memref<104x64xf32, #tpu.memory_space<vmem>>)
    %dma_wait3A_259 = arith.constant 104 : i32
    %dma_wait3A_260 = arith.constant 0 : i32
    %dma_wait3A_261 = tpu.memref_slice %arg13[%dma_wait3A_259, %dma_wait3A_260] : memref<200x64xf32, #tpu.memory_space<vmem>> -> memref<96x64xf32, #tpu.memory_space<vmem>>
    %dma_wait3A_262 = arith.constant 104 : i32
    %dma_wait3A_263 = tpu.memref_slice %arg9[%dma_wait3A_262] : memref<200xi32, #tpu.memory_space<vmem>> -> memref<96xi32, #tpu.memory_space<vmem>>
    %dma_wait3A_264 = arith.constant 0 : i32
    %dma_wait3A_265 = arith.constant 0 : i32
    %dma_wait3A_266 = tpu.memref_slice %arg3[%dma_wait3A_264, %dma_wait3A_265] : memref<100000x64xf32, #tpu.memory_space<hbm>> -> memref<100000x64xf32, #tpu.memory_space<hbm>>
    tpu.wait_indirect_dma semaphore(%arg25 : memref<!tpu.dma_semaphore, #tpu.memory_space<semaphore_mem>>) src(%dma_wait3A_266 : memref<100000x64xf32, #tpu.memory_space<hbm>>) dst(%dma_wait3A_261 : memref<96x64xf32, #tpu.memory_space<vmem>>)
    %add3A_267 = arith.constant 2 : i32
    %add3A_268 = arith.constant 4 : i32
    %add3A_269 = arith.addi %add3A_267, %add3A_268 : i32
    %rem3A_270 = arith.constant 128 : i32
    %rem3A_271 = arith.remsi %add3A_269, %rem3A_270 : i32
    %add3A_272 = arith.addi %mul3A_2, %rem3A_271 : i32
    %dma_start3A_273 = arith.constant 0 : i32
    %dma_start3A_274 = tpu.memref_slice %arg2[%add3A_272, %dma_start3A_273] : memref<4096x200xi32, #tpu.memory_space<hbm>> -> memref<1x200xi32, #tpu.memory_space<hbm>>
    %dma_start3A_275 = tpu.memref_squeeze %dma_start3A_274 : memref<1x200xi32, #tpu.memory_space<hbm>> -> memref<200xi32, #tpu.memory_space<hbm>>
    %dma_start3A_276 = arith.constant 0 : i32
    %dma_start3A_277 = tpu.memref_slice %arg2[%add3A_272, %dma_start3A_276] : memref<4096x200xi32, #tpu.memory_space<hbm>> -> memref<1x200xi32, #tpu.memory_space<hbm>>
    %dma_start3A_278 = tpu.memref_squeeze %dma_start3A_277 : memref<1x200xi32, #tpu.memory_space<hbm>> -> memref<200xi32, #tpu.memory_space<hbm>>
    tpu.enqueue_dma source(%dma_start3A_278 : memref<200xi32, #tpu.memory_space<hbm>>) target(%arg9 : memref<200xi32, #tpu.memory_space<vmem>>) target_semaphore(%arg21 : memref<!tpu.dma_semaphore, #tpu.memory_space<semaphore_mem>>)
    %scan3A_279 = arith.constant 0 : i32
    %scan3A_280 = arith.constant 0 : i32
    %scan3A_281 = arith.constant 50 : i32
    %scan3A_282 = arith.addi %scan3A_280, %scan3A_281 : i32
    %scan3A_283 = arith.constant 1 : i32
    scf.for %scan3A_485 = %scan3A_280 to %scan3A_282 step %scan3A_283  : i32 {
      %mul3A_486 = arith.constant 4 : i32
      %mul3A_487 = arith.muli %scan3A_485, %mul3A_486 : i32
      %add3A_488 = arith.constant 0 : i32
      %add3A_489 = arith.addi %mul3A_487, %add3A_488 : i32
      %get3A = arith.index_cast %add3A_489 : i32 to index
      %get3A_490 = arith.constant 0 : index
      %get3A_491 = tpu.vector_load %arg13[%get3A, %get3A_490] {strides = array<i32>} : memref<200x64xf32, #tpu.memory_space<vmem>>, vector<1x16xf32>,
      %get3A_492 = vector.shape_cast %get3A_491 : vector<1x16xf32> to vector<16xf32>
      %mul3A_493 = arith.constant 8.000000e+00 : f32
      %mul3A_494 = vector.broadcast %mul3A_493 : f32 to vector<16xf32>
      %mul3A_495 = arith.mulf %get3A_492, %mul3A_494 : vector<16xf32>
      %get3A_496 = arith.index_cast %add3A_489 : i32 to index
      %get3A_497 = arith.constant 0 : index
      %get3A_498 = tpu.vector_load %arg6[%get3A_496, %get3A_497] {strides = array<i32>} : memref<200x64xf32, #tpu.memory_space<vmem>>, vector<1x16xf32>,
      %get3A_499 = vector.shape_cast %get3A_498 : vector<1x16xf32> to vector<16xf32>
      %add3A_500 = arith.addf %mul3A_495, %get3A_499 : vector<16xf32>
      %swap3A = arith.index_cast %add3A_489 : i32 to index
      %swap3A_501 = arith.constant 0 : index
      %swap3A_502 = tpu.vector_load %arg17[%swap3A, %swap3A_501] {strides = array<i32>} : memref<200x64xf32, #tpu.memory_space<vmem>>, vector<1x16xf32>,
      %swap3A_503 = vector.shape_cast %swap3A_502 : vector<1x16xf32> to vector<16xf32>
      %swap3A_504 = vector.shape_cast %add3A_500 : vector<16xf32> to vector<1x16xf32>
      tpu.vector_store %arg17[%swap3A, %swap3A_501], %swap3A_504 {strides = array<i32>} : memref<200x64xf32, #tpu.memory_space<vmem>>, vector<1x16xf32>,
      %get3A_505 = arith.index_cast %add3A_489 : i32 to index
      %get3A_506 = arith.constant 16 : index
      %get3A_507 = tpu.vector_load %arg13[%get3A_505, %get3A_506] {strides = array<i32>} : memref<200x64xf32, #tpu.memory_space<vmem>>, vector<1x16xf32>,
      %get3A_508 = vector.shape_cast %get3A_507 : vector<1x16xf32> to vector<16xf32>
      %mul3A_509 = arith.constant 8.000000e+00 : f32
      %mul3A_510 = vector.broadcast %mul3A_509 : f32 to vector<16xf32>
      %mul3A_511 = arith.mulf %get3A_508, %mul3A_510 : vector<16xf32>
      %get3A_512 = arith.index_cast %add3A_489 : i32 to index
      %get3A_513 = arith.constant 16 : index
      %get3A_514 = tpu.vector_load %arg6[%get3A_512, %get3A_513] {strides = array<i32>} : memref<200x64xf32, #tpu.memory_space<vmem>>, vector<1x16xf32>,
      %get3A_515 = vector.shape_cast %get3A_514 : vector<1x16xf32> to vector<16xf32>
      %add3A_516 = arith.addf %mul3A_511, %get3A_515 : vector<16xf32>
      %swap3A_517 = arith.index_cast %add3A_489 : i32 to index
      %swap3A_518 = arith.constant 16 : index
      %swap3A_519 = tpu.vector_load %arg17[%swap3A_517, %swap3A_518] {strides = array<i32>} : memref<200x64xf32, #tpu.memory_space<vmem>>, vector<1x16xf32>,
      %swap3A_520 = vector.shape_cast %swap3A_519 : vector<1x16xf32> to vector<16xf32>
      %swap3A_521 = vector.shape_cast %add3A_516 : vector<16xf32> to vector<1x16xf32>
      tpu.vector_store %arg17[%swap3A_517, %swap3A_518], %swap3A_521 {strides = array<i32>} : memref<200x64xf32, #tpu.memory_space<vmem>>, vector<1x16xf32>,
      %get3A_522 = arith.index_cast %add3A_489 : i32 to index
      %get3A_523 = arith.constant 32 : index
      %get3A_524 = tpu.vector_load %arg13[%get3A_522, %get3A_523] {strides = array<i32>} : memref<200x64xf32, #tpu.memory_space<vmem>>, vector<1x16xf32>,
      %get3A_525 = vector.shape_cast %get3A_524 : vector<1x16xf32> to vector<16xf32>
      %mul3A_526 = arith.constant 8.000000e+00 : f32
      %mul3A_527 = vector.broadcast %mul3A_526 : f32 to vector<16xf32>
      %mul3A_528 = arith.mulf %get3A_525, %mul3A_527 : vector<16xf32>
      %get3A_529 = arith.index_cast %add3A_489 : i32 to index
      %get3A_530 = arith.constant 32 : index
      %get3A_531 = tpu.vector_load %arg6[%get3A_529, %get3A_530] {strides = array<i32>} : memref<200x64xf32, #tpu.memory_space<vmem>>, vector<1x16xf32>,
      %get3A_532 = vector.shape_cast %get3A_531 : vector<1x16xf32> to vector<16xf32>
      %add3A_533 = arith.addf %mul3A_528, %get3A_532 : vector<16xf32>
      %swap3A_534 = arith.index_cast %add3A_489 : i32 to index
      %swap3A_535 = arith.constant 32 : index
      %swap3A_536 = tpu.vector_load %arg17[%swap3A_534, %swap3A_535] {strides = array<i32>} : memref<200x64xf32, #tpu.memory_space<vmem>>, vector<1x16xf32>,
      %swap3A_537 = vector.shape_cast %swap3A_536 : vector<1x16xf32> to vector<16xf32>
      %swap3A_538 = vector.shape_cast %add3A_533 : vector<16xf32> to vector<1x16xf32>
      tpu.vector_store %arg17[%swap3A_534, %swap3A_535], %swap3A_538 {strides = array<i32>} : memref<200x64xf32, #tpu.memory_space<vmem>>, vector<1x16xf32>,
      %get3A_539 = arith.index_cast %add3A_489 : i32 to index
      %get3A_540 = arith.constant 48 : index
      %get3A_541 = tpu.vector_load %arg13[%get3A_539, %get3A_540] {strides = array<i32>} : memref<200x64xf32, #tpu.memory_space<vmem>>, vector<1x16xf32>,
      %get3A_542 = vector.shape_cast %get3A_541 : vector<1x16xf32> to vector<16xf32>
      %mul3A_543 = arith.constant 8.000000e+00 : f32
      %mul3A_544 = vector.broadcast %mul3A_543 : f32 to vector<16xf32>
      %mul3A_545 = arith.mulf %get3A_542, %mul3A_544 : vector<16xf32>
      %get3A_546 = arith.index_cast %add3A_489 : i32 to index
      %get3A_547 = arith.constant 48 : index
      %get3A_548 = tpu.vector_load %arg6[%get3A_546, %get3A_547] {strides = array<i32>} : memref<200x64xf32, #tpu.memory_space<vmem>>, vector<1x16xf32>,
      %get3A_549 = vector.shape_cast %get3A_548 : vector<1x16xf32> to vector<16xf32>
      %add3A_550 = arith.addf %mul3A_545, %get3A_549 : vector<16xf32>
      %swap3A_551 = arith.index_cast %add3A_489 : i32 to index
      %swap3A_552 = arith.constant 48 : index
      %swap3A_553 = tpu.vector_load %arg17[%swap3A_551, %swap3A_552] {strides = array<i32>} : memref<200x64xf32, #tpu.memory_space<vmem>>, vector<1x16xf32>,
      %swap3A_554 = vector.shape_cast %swap3A_553 : vector<1x16xf32> to vector<16xf32>
      %swap3A_555 = vector.shape_cast %add3A_550 : vector<16xf32> to vector<1x16xf32>
      tpu.vector_store %arg17[%swap3A_551, %swap3A_552], %swap3A_555 {strides = array<i32>} : memref<200x64xf32, #tpu.memory_space<vmem>>, vector<1x16xf32>,
      %add3A_556 = arith.constant 1 : i32
      %add3A_557 = arith.addi %mul3A_487, %add3A_556 : i32
      %get3A_558 = arith.index_cast %add3A_557 : i32 to index
      %get3A_559 = arith.constant 0 : index
      %get3A_560 = tpu.vector_load %arg13[%get3A_558, %get3A_559] {strides = array<i32>} : memref<200x64xf32, #tpu.memory_space<vmem>>, vector<1x16xf32>,
      %get3A_561 = vector.shape_cast %get3A_560 : vector<1x16xf32> to vector<16xf32>
      %mul3A_562 = arith.constant 8.000000e+00 : f32
      %mul3A_563 = vector.broadcast %mul3A_562 : f32 to vector<16xf32>
      %mul3A_564 = arith.mulf %get3A_561, %mul3A_563 : vector<16xf32>
      %get3A_565 = arith.index_cast %add3A_557 : i32 to index
      %get3A_566 = arith.constant 0 : index
      %get3A_567 = tpu.vector_load %arg6[%get3A_565, %get3A_566] {strides = array<i32>} : memref<200x64xf32, #tpu.memory_space<vmem>>, vector<1x16xf32>,
      %get3A_568 = vector.shape_cast %get3A_567 : vector<1x16xf32> to vector<16xf32>
      %add3A_569 = arith.addf %mul3A_564, %get3A_568 : vector<16xf32>
      %swap3A_570 = arith.index_cast %add3A_557 : i32 to index
      %swap3A_571 = arith.constant 0 : index
      %swap3A_572 = tpu.vector_load %arg17[%swap3A_570, %swap3A_571] {strides = array<i32>} : memref<200x64xf32, #tpu.memory_space<vmem>>, vector<1x16xf32>,
      %swap3A_573 = vector.shape_cast %swap3A_572 : vector<1x16xf32> to vector<16xf32>
      %swap3A_574 = vector.shape_cast %add3A_569 : vector<16xf32> to vector<1x16xf32>
      tpu.vector_store %arg17[%swap3A_570, %swap3A_571], %swap3A_574 {strides = array<i32>} : memref<200x64xf32, #tpu.memory_space<vmem>>, vector<1x16xf32>,
      %get3A_575 = arith.index_cast %add3A_557 : i32 to index
      %get3A_576 = arith.constant 16 : index
      %get3A_577 = tpu.vector_load %arg13[%get3A_575, %get3A_576] {strides = array<i32>} : memref<200x64xf32, #tpu.memory_space<vmem>>, vector<1x16xf32>,
      %get3A_578 = vector.shape_cast %get3A_577 : vector<1x16xf32> to vector<16xf32>
      %mul3A_579 = arith.constant 8.000000e+00 : f32
      %mul3A_580 = vector.broadcast %mul3A_579 : f32 to vector<16xf32>
      %mul3A_581 = arith.mulf %get3A_578, %mul3A_580 : vector<16xf32>
      %get3A_582 = arith.index_cast %add3A_557 : i32 to index
      %get3A_583 = arith.constant 16 : index
      %get3A_584 = tpu.vector_load %arg6[%get3A_582, %get3A_583] {strides = array<i32>} : memref<200x64xf32, #tpu.memory_space<vmem>>, vector<1x16xf32>,
      %get3A_585 = vector.shape_cast %get3A_584 : vector<1x16xf32> to vector<16xf32>
      %add3A_586 = arith.addf %mul3A_581, %get3A_585 : vector<16xf32>
      %swap3A_587 = arith.index_cast %add3A_557 : i32 to index
      %swap3A_588 = arith.constant 16 : index
      %swap3A_589 = tpu.vector_load %arg17[%swap3A_587, %swap3A_588] {strides = array<i32>} : memref<200x64xf32, #tpu.memory_space<vmem>>, vector<1x16xf32>,
      %swap3A_590 = vector.shape_cast %swap3A_589 : vector<1x16xf32> to vector<16xf32>
      %swap3A_591 = vector.shape_cast %add3A_586 : vector<16xf32> to vector<1x16xf32>
      tpu.vector_store %arg17[%swap3A_587, %swap3A_588], %swap3A_591 {strides = array<i32>} : memref<200x64xf32, #tpu.memory_space<vmem>>, vector<1x16xf32>,
      %get3A_592 = arith.index_cast %add3A_557 : i32 to index
      %get3A_593 = arith.constant 32 : index
      %get3A_594 = tpu.vector_load %arg13[%get3A_592, %get3A_593] {strides = array<i32>} : memref<200x64xf32, #tpu.memory_space<vmem>>, vector<1x16xf32>,
      %get3A_595 = vector.shape_cast %get3A_594 : vector<1x16xf32> to vector<16xf32>
      %mul3A_596 = arith.constant 8.000000e+00 : f32
      %mul3A_597 = vector.broadcast %mul3A_596 : f32 to vector<16xf32>
      %mul3A_598 = arith.mulf %get3A_595, %mul3A_597 : vector<16xf32>
      %get3A_599 = arith.index_cast %add3A_557 : i32 to index
      %get3A_600 = arith.constant 32 : index
      %get3A_601 = tpu.vector_load %arg6[%get3A_599, %get3A_600] {strides = array<i32>} : memref<200x64xf32, #tpu.memory_space<vmem>>, vector<1x16xf32>,
      %get3A_602 = vector.shape_cast %get3A_601 : vector<1x16xf32> to vector<16xf32>
      %add3A_603 = arith.addf %mul3A_598, %get3A_602 : vector<16xf32>
      %swap3A_604 = arith.index_cast %add3A_557 : i32 to index
      %swap3A_605 = arith.constant 32 : index
      %swap3A_606 = tpu.vector_load %arg17[%swap3A_604, %swap3A_605] {strides = array<i32>} : memref<200x64xf32, #tpu.memory_space<vmem>>, vector<1x16xf32>,
      %swap3A_607 = vector.shape_cast %swap3A_606 : vector<1x16xf32> to vector<16xf32>
      %swap3A_608 = vector.shape_cast %add3A_603 : vector<16xf32> to vector<1x16xf32>
      tpu.vector_store %arg17[%swap3A_604, %swap3A_605], %swap3A_608 {strides = array<i32>} : memref<200x64xf32, #tpu.memory_space<vmem>>, vector<1x16xf32>,
      %get3A_609 = arith.index_cast %add3A_557 : i32 to index
      %get3A_610 = arith.constant 48 : index
      %get3A_611 = tpu.vector_load %arg13[%get3A_609, %get3A_610] {strides = array<i32>} : memref<200x64xf32, #tpu.memory_space<vmem>>, vector<1x16xf32>,
      %get3A_612 = vector.shape_cast %get3A_611 : vector<1x16xf32> to vector<16xf32>
      %mul3A_613 = arith.constant 8.000000e+00 : f32
      %mul3A_614 = vector.broadcast %mul3A_613 : f32 to vector<16xf32>
      %mul3A_615 = arith.mulf %get3A_612, %mul3A_614 : vector<16xf32>
      %get3A_616 = arith.index_cast %add3A_557 : i32 to index
      %get3A_617 = arith.constant 48 : index
      %get3A_618 = tpu.vector_load %arg6[%get3A_616, %get3A_617] {strides = array<i32>} : memref<200x64xf32, #tpu.memory_space<vmem>>, vector<1x16xf32>,
      %get3A_619 = vector.shape_cast %get3A_618 : vector<1x16xf32> to vector<16xf32>
      %add3A_620 = arith.addf %mul3A_615, %get3A_619 : vector<16xf32>
      %swap3A_621 = arith.index_cast %add3A_557 : i32 to index
      %swap3A_622 = arith.constant 48 : index
      %swap3A_623 = tpu.vector_load %arg17[%swap3A_621, %swap3A_622] {strides = array<i32>} : memref<200x64xf32, #tpu.memory_space<vmem>>, vector<1x16xf32>,
      %swap3A_624 = vector.shape_cast %swap3A_623 : vector<1x16xf32> to vector<16xf32>
      %swap3A_625 = vector.shape_cast %add3A_620 : vector<16xf32> to vector<1x16xf32>
      tpu.vector_store %arg17[%swap3A_621, %swap3A_622], %swap3A_625 {strides = array<i32>} : memref<200x64xf32, #tpu.memory_space<vmem>>, vector<1x16xf32>,
      %add3A_626 = arith.constant 2 : i32
      %add3A_627 = arith.addi %mul3A_487, %add3A_626 : i32
      %get3A_628 = arith.index_cast %add3A_627 : i32 to index
      %get3A_629 = arith.constant 0 : index
      %get3A_630 = tpu.vector_load %arg13[%get3A_628, %get3A_629] {strides = array<i32>} : memref<200x64xf32, #tpu.memory_space<vmem>>, vector<1x16xf32>,
      %get3A_631 = vector.shape_cast %get3A_630 : vector<1x16xf32> to vector<16xf32>
      %mul3A_632 = arith.constant 8.000000e+00 : f32
      %mul3A_633 = vector.broadcast %mul3A_632 : f32 to vector<16xf32>
      %mul3A_634 = arith.mulf %get3A_631, %mul3A_633 : vector<16xf32>
      %get3A_635 = arith.index_cast %add3A_627 : i32 to index
      %get3A_636 = arith.constant 0 : index
      %get3A_637 = tpu.vector_load %arg6[%get3A_635, %get3A_636] {strides = array<i32>} : memref<200x64xf32, #tpu.memory_space<vmem>>, vector<1x16xf32>,
      %get3A_638 = vector.shape_cast %get3A_637 : vector<1x16xf32> to vector<16xf32>
      %add3A_639 = arith.addf %mul3A_634, %get3A_638 : vector<16xf32>
      %swap3A_640 = arith.index_cast %add3A_627 : i32 to index
      %swap3A_641 = arith.constant 0 : index
      %swap3A_642 = tpu.vector_load %arg17[%swap3A_640, %swap3A_641] {strides = array<i32>} : memref<200x64xf32, #tpu.memory_space<vmem>>, vector<1x16xf32>,
      %swap3A_643 = vector.shape_cast %swap3A_642 : vector<1x16xf32> to vector<16xf32>
      %swap3A_644 = vector.shape_cast %add3A_639 : vector<16xf32> to vector<1x16xf32>
      tpu.vector_store %arg17[%swap3A_640, %swap3A_641], %swap3A_644 {strides = array<i32>} : memref<200x64xf32, #tpu.memory_space<vmem>>, vector<1x16xf32>,
      %get3A_645 = arith.index_cast %add3A_627 : i32 to index
      %get3A_646 = arith.constant 16 : index
      %get3A_647 = tpu.vector_load %arg13[%get3A_645, %get3A_646] {strides = array<i32>} : memref<200x64xf32, #tpu.memory_space<vmem>>, vector<1x16xf32>,
      %get3A_648 = vector.shape_cast %get3A_647 : vector<1x16xf32> to vector<16xf32>
      %mul3A_649 = arith.constant 8.000000e+00 : f32
      %mul3A_650 = vector.broadcast %mul3A_649 : f32 to vector<16xf32>
      %mul3A_651 = arith.mulf %get3A_648, %mul3A_650 : vector<16xf32>
      %get3A_652 = arith.index_cast %add3A_627 : i32 to index
      %get3A_653 = arith.constant 16 : index
      %get3A_654 = tpu.vector_load %arg6[%get3A_652, %get3A_653] {strides = array<i32>} : memref<200x64xf32, #tpu.memory_space<vmem>>, vector<1x16xf32>,
      %get3A_655 = vector.shape_cast %get3A_654 : vector<1x16xf32> to vector<16xf32>
      %add3A_656 = arith.addf %mul3A_651, %get3A_655 : vector<16xf32>
      %swap3A_657 = arith.index_cast %add3A_627 : i32 to index
      %swap3A_658 = arith.constant 16 : index
      %swap3A_659 = tpu.vector_load %arg17[%swap3A_657, %swap3A_658] {strides = array<i32>} : memref<200x64xf32, #tpu.memory_space<vmem>>, vector<1x16xf32>,
      %swap3A_660 = vector.shape_cast %swap3A_659 : vector<1x16xf32> to vector<16xf32>
      %swap3A_661 = vector.shape_cast %add3A_656 : vector<16xf32> to vector<1x16xf32>
      tpu.vector_store %arg17[%swap3A_657, %swap3A_658], %swap3A_661 {strides = array<i32>} : memref<200x64xf32, #tpu.memory_space<vmem>>, vector<1x16xf32>,
      %get3A_662 = arith.index_cast %add3A_627 : i32 to index
      %get3A_663 = arith.constant 32 : index
      %get3A_664 = tpu.vector_load %arg13[%get3A_662, %get3A_663] {strides = array<i32>} : memref<200x64xf32, #tpu.memory_space<vmem>>, vector<1x16xf32>,
      %get3A_665 = vector.shape_cast %get3A_664 : vector<1x16xf32> to vector<16xf32>
      %mul3A_666 = arith.constant 8.000000e+00 : f32
      %mul3A_667 = vector.broadcast %mul3A_666 : f32 to vector<16xf32>
      %mul3A_668 = arith.mulf %get3A_665, %mul3A_667 : vector<16xf32>
      %get3A_669 = arith.index_cast %add3A_627 : i32 to index
      %get3A_670 = arith.constant 32 : index
      %get3A_671 = tpu.vector_load %arg6[%get3A_669, %get3A_670] {strides = array<i32>} : memref<200x64xf32, #tpu.memory_space<vmem>>, vector<1x16xf32>,
      %get3A_672 = vector.shape_cast %get3A_671 : vector<1x16xf32> to vector<16xf32>
      %add3A_673 = arith.addf %mul3A_668, %get3A_672 : vector<16xf32>
      %swap3A_674 = arith.index_cast %add3A_627 : i32 to index
      %swap3A_675 = arith.constant 32 : index
      %swap3A_676 = tpu.vector_load %arg17[%swap3A_674, %swap3A_675] {strides = array<i32>} : memref<200x64xf32, #tpu.memory_space<vmem>>, vector<1x16xf32>,
      %swap3A_677 = vector.shape_cast %swap3A_676 : vector<1x16xf32> to vector<16xf32>
      %swap3A_678 = vector.shape_cast %add3A_673 : vector<16xf32> to vector<1x16xf32>
      tpu.vector_store %arg17[%swap3A_674, %swap3A_675], %swap3A_678 {strides = array<i32>} : memref<200x64xf32, #tpu.memory_space<vmem>>, vector<1x16xf32>,
      %get3A_679 = arith.index_cast %add3A_627 : i32 to index
      %get3A_680 = arith.constant 48 : index
      %get3A_681 = tpu.vector_load %arg13[%get3A_679, %get3A_680] {strides = array<i32>} : memref<200x64xf32, #tpu.memory_space<vmem>>, vector<1x16xf32>,
      %get3A_682 = vector.shape_cast %get3A_681 : vector<1x16xf32> to vector<16xf32>
      %mul3A_683 = arith.constant 8.000000e+00 : f32
      %mul3A_684 = vector.broadcast %mul3A_683 : f32 to vector<16xf32>
      %mul3A_685 = arith.mulf %get3A_682, %mul3A_684 : vector<16xf32>
      %get3A_686 = arith.index_cast %add3A_627 : i32 to index
      %get3A_687 = arith.constant 48 : index
      %get3A_688 = tpu.vector_load %arg6[%get3A_686, %get3A_687] {strides = array<i32>} : memref<200x64xf32, #tpu.memory_space<vmem>>, vector<1x16xf32>,
      %get3A_689 = vector.shape_cast %get3A_688 : vector<1x16xf32> to vector<16xf32>
      %add3A_690 = arith.addf %mul3A_685, %get3A_689 : vector<16xf32>
      %swap3A_691 = arith.index_cast %add3A_627 : i32 to index
      %swap3A_692 = arith.constant 48 : index
      %swap3A_693 = tpu.vector_load %arg17[%swap3A_691, %swap3A_692] {strides = array<i32>} : memref<200x64xf32, #tpu.memory_space<vmem>>, vector<1x16xf32>,
      %swap3A_694 = vector.shape_cast %swap3A_693 : vector<1x16xf32> to vector<16xf32>
      %swap3A_695 = vector.shape_cast %add3A_690 : vector<16xf32> to vector<1x16xf32>
      tpu.vector_store %arg17[%swap3A_691, %swap3A_692], %swap3A_695 {strides = array<i32>} : memref<200x64xf32, #tpu.memory_space<vmem>>, vector<1x16xf32>,
      %add3A_696 = arith.constant 3 : i32
      %add3A_697 = arith.addi %mul3A_487, %add3A_696 : i32
      %get3A_698 = arith.index_cast %add3A_697 : i32 to index
      %get3A_699 = arith.constant 0 : index
      %get3A_700 = tpu.vector_load %arg13[%get3A_698, %get3A_699] {strides = array<i32>} : memref<200x64xf32, #tpu.memory_space<vmem>>, vector<1x16xf32>,
      %get3A_701 = vector.shape_cast %get3A_700 : vector<1x16xf32> to vector<16xf32>
      %mul3A_702 = arith.constant 8.000000e+00 : f32
      %mul3A_703 = vector.broadcast %mul3A_702 : f32 to vector<16xf32>
      %mul3A_704 = arith.mulf %get3A_701, %mul3A_703 : vector<16xf32>
      %get3A_705 = arith.index_cast %add3A_697 : i32 to index
      %get3A_706 = arith.constant 0 : index
      %get3A_707 = tpu.vector_load %arg6[%get3A_705, %get3A_706] {strides = array<i32>} : memref<200x64xf32, #tpu.memory_space<vmem>>, vector<1x16xf32>,
      %get3A_708 = vector.shape_cast %get3A_707 : vector<1x16xf32> to vector<16xf32>
      %add3A_709 = arith.addf %mul3A_704, %get3A_708 : vector<16xf32>
      %swap3A_710 = arith.index_cast %add3A_697 : i32 to index
      %swap3A_711 = arith.constant 0 : index
      %swap3A_712 = tpu.vector_load %arg17[%swap3A_710, %swap3A_711] {strides = array<i32>} : memref<200x64xf32, #tpu.memory_space<vmem>>, vector<1x16xf32>,
      %swap3A_713 = vector.shape_cast %swap3A_712 : vector<1x16xf32> to vector<16xf32>
      %swap3A_714 = vector.shape_cast %add3A_709 : vector<16xf32> to vector<1x16xf32>
      tpu.vector_store %arg17[%swap3A_710, %swap3A_711], %swap3A_714 {strides = array<i32>} : memref<200x64xf32, #tpu.memory_space<vmem>>, vector<1x16xf32>,
      %get3A_715 = arith.index_cast %add3A_697 : i32 to index
      %get3A_716 = arith.constant 16 : index
      %get3A_717 = tpu.vector_load %arg13[%get3A_715, %get3A_716] {strides = array<i32>} : memref<200x64xf32, #tpu.memory_space<vmem>>, vector<1x16xf32>,
      %get3A_718 = vector.shape_cast %get3A_717 : vector<1x16xf32> to vector<16xf32>
      %mul3A_719 = arith.constant 8.000000e+00 : f32
      %mul3A_720 = vector.broadcast %mul3A_719 : f32 to vector<16xf32>
      %mul3A_721 = arith.mulf %get3A_718, %mul3A_720 : vector<16xf32>
      %get3A_722 = arith.index_cast %add3A_697 : i32 to index
      %get3A_723 = arith.constant 16 : index
      %get3A_724 = tpu.vector_load %arg6[%get3A_722, %get3A_723] {strides = array<i32>} : memref<200x64xf32, #tpu.memory_space<vmem>>, vector<1x16xf32>,
      %get3A_725 = vector.shape_cast %get3A_724 : vector<1x16xf32> to vector<16xf32>
      %add3A_726 = arith.addf %mul3A_721, %get3A_725 : vector<16xf32>
      %swap3A_727 = arith.index_cast %add3A_697 : i32 to index
      %swap3A_728 = arith.constant 16 : index
      %swap3A_729 = tpu.vector_load %arg17[%swap3A_727, %swap3A_728] {strides = array<i32>} : memref<200x64xf32, #tpu.memory_space<vmem>>, vector<1x16xf32>,
      %swap3A_730 = vector.shape_cast %swap3A_729 : vector<1x16xf32> to vector<16xf32>
      %swap3A_731 = vector.shape_cast %add3A_726 : vector<16xf32> to vector<1x16xf32>
      tpu.vector_store %arg17[%swap3A_727, %swap3A_728], %swap3A_731 {strides = array<i32>} : memref<200x64xf32, #tpu.memory_space<vmem>>, vector<1x16xf32>,
      %get3A_732 = arith.index_cast %add3A_697 : i32 to index
      %get3A_733 = arith.constant 32 : index
      %get3A_734 = tpu.vector_load %arg13[%get3A_732, %get3A_733] {strides = array<i32>} : memref<200x64xf32, #tpu.memory_space<vmem>>, vector<1x16xf32>,
      %get3A_735 = vector.shape_cast %get3A_734 : vector<1x16xf32> to vector<16xf32>
      %mul3A_736 = arith.constant 8.000000e+00 : f32
      %mul3A_737 = vector.broadcast %mul3A_736 : f32 to vector<16xf32>
      %mul3A_738 = arith.mulf %get3A_735, %mul3A_737 : vector<16xf32>
      %get3A_739 = arith.index_cast %add3A_697 : i32 to index
      %get3A_740 = arith.constant 32 : index
      %get3A_741 = tpu.vector_load %arg6[%get3A_739, %get3A_740] {strides = array<i32>} : memref<200x64xf32, #tpu.memory_space<vmem>>, vector<1x16xf32>,
      %get3A_742 = vector.shape_cast %get3A_741 : vector<1x16xf32> to vector<16xf32>
      %add3A_743 = arith.addf %mul3A_738, %get3A_742 : vector<16xf32>
      %swap3A_744 = arith.index_cast %add3A_697 : i32 to index
      %swap3A_745 = arith.constant 32 : index
      %swap3A_746 = tpu.vector_load %arg17[%swap3A_744, %swap3A_745] {strides = array<i32>} : memref<200x64xf32, #tpu.memory_space<vmem>>, vector<1x16xf32>,
      %swap3A_747 = vector.shape_cast %swap3A_746 : vector<1x16xf32> to vector<16xf32>
      %swap3A_748 = vector.shape_cast %add3A_743 : vector<16xf32> to vector<1x16xf32>
      tpu.vector_store %arg17[%swap3A_744, %swap3A_745], %swap3A_748 {strides = array<i32>} : memref<200x64xf32, #tpu.memory_space<vmem>>, vector<1x16xf32>,
      %get3A_749 = arith.index_cast %add3A_697 : i32 to index
      %get3A_750 = arith.constant 48 : index
      %get3A_751 = tpu.vector_load %arg13[%get3A_749, %get3A_750] {strides = array<i32>} : memref<200x64xf32, #tpu.memory_space<vmem>>, vector<1x16xf32>,
      %get3A_752 = vector.shape_cast %get3A_751 : vector<1x16xf32> to vector<16xf32>
      %mul3A_753 = arith.constant 8.000000e+00 : f32
      %mul3A_754 = vector.broadcast %mul3A_753 : f32 to vector<16xf32>
      %mul3A_755 = arith.mulf %get3A_752, %mul3A_754 : vector<16xf32>
      %get3A_756 = arith.index_cast %add3A_697 : i32 to index
      %get3A_757 = arith.constant 48 : index
      %get3A_758 = tpu.vector_load %arg6[%get3A_756, %get3A_757] {strides = array<i32>} : memref<200x64xf32, #tpu.memory_space<vmem>>, vector<1x16xf32>,
      %get3A_759 = vector.shape_cast %get3A_758 : vector<1x16xf32> to vector<16xf32>
      %add3A_760 = arith.addf %mul3A_755, %get3A_759 : vector<16xf32>
      %swap3A_761 = arith.index_cast %add3A_697 : i32 to index
      %swap3A_762 = arith.constant 48 : index
      %swap3A_763 = tpu.vector_load %arg17[%swap3A_761, %swap3A_762] {strides = array<i32>} : memref<200x64xf32, #tpu.memory_space<vmem>>, vector<1x16xf32>,
      %swap3A_764 = vector.shape_cast %swap3A_763 : vector<1x16xf32> to vector<16xf32>
      %swap3A_765 = vector.shape_cast %add3A_760 : vector<16xf32> to vector<1x16xf32>
      tpu.vector_store %arg17[%swap3A_761, %swap3A_762], %swap3A_765 {strides = array<i32>} : memref<200x64xf32, #tpu.memory_space<vmem>>, vector<1x16xf32>,
    }
    %scan3A_284 = arith.constant 50 : i32
    %dma_wait3A_285 = arith.constant 0 : i32
    %dma_wait3A_286 = tpu.memref_slice %arg2[%mul3A_2, %dma_wait3A_285] : memref<4096x200xi32, #tpu.memory_space<hbm>> -> memref<1x200xi32, #tpu.memory_space<hbm>>
    %dma_wait3A_287 = tpu.memref_squeeze %dma_wait3A_286 : memref<1x200xi32, #tpu.memory_space<hbm>> -> memref<200xi32, #tpu.memory_space<hbm>>
    %dma_wait3A_288 = arith.constant 0 : i32
    %dma_wait3A_289 = tpu.memref_slice %arg2[%mul3A_2, %dma_wait3A_288] : memref<4096x200xi32, #tpu.memory_space<hbm>> -> memref<1x200xi32, #tpu.memory_space<hbm>>
    %dma_wait3A_290 = tpu.memref_squeeze %dma_wait3A_289 : memref<1x200xi32, #tpu.memory_space<hbm>> -> memref<200xi32, #tpu.memory_space<hbm>>
    tpu.wait_dma2 semaphore(%arg21 : memref<!tpu.dma_semaphore, #tpu.memory_space<semaphore_mem>>) src(%dma_wait3A_290 : memref<200xi32, #tpu.memory_space<hbm>>) dst(%arg9 : memref<200xi32, #tpu.memory_space<vmem>>)
    %dma_start3A_291 = arith.constant 0 : i32
    %dma_start3A_292 = arith.constant 0 : i32
    %dma_start3A_293 = tpu.memref_slice %arg13[%dma_start3A_291, %dma_start3A_292] : memref<200x64xf32, #tpu.memory_space<vmem>> -> memref<104x64xf32, #tpu.memory_space<vmem>>
    %dma_start3A_294 = arith.constant 0 : i32
    %dma_start3A_295 = tpu.memref_slice %arg9[%dma_start3A_294] : memref<200xi32, #tpu.memory_space<vmem>> -> memref<104xi32, #tpu.memory_space<vmem>>
    %dma_start3A_296 = arith.constant 0 : i32
    %dma_start3A_297 = arith.constant 0 : i32
    %dma_start3A_298 = tpu.memref_slice %arg3[%dma_start3A_296, %dma_start3A_297] : memref<100000x64xf32, #tpu.memory_space<hbm>> -> memref<100000x64xf32, #tpu.memory_space<hbm>>
    tpu.enqueue_indirect_dma source(%dma_start3A_298 : memref<100000x64xf32, #tpu.memory_space<hbm>>) target(%dma_start3A_293 : memref<104x64xf32, #tpu.memory_space<vmem>>) offsets(%dma_start3A_295 : memref<104xi32, #tpu.memory_space<vmem>>) semaphore(%arg25 : memref<!tpu.dma_semaphore, #tpu.memory_space<semaphore_mem>>)
    %dma_start3A_299 = arith.constant 104 : i32
    %dma_start3A_300 = arith.constant 0 : i32
    %dma_start3A_301 = tpu.memref_slice %arg13[%dma_start3A_299, %dma_start3A_300] : memref<200x64xf32, #tpu.memory_space<vmem>> -> memref<96x64xf32, #tpu.memory_space<vmem>>
    %dma_start3A_302 = arith.constant 104 : i32
    %dma_start3A_303 = tpu.memref_slice %arg9[%dma_start3A_302] : memref<200xi32, #tpu.memory_space<vmem>> -> memref<96xi32, #tpu.memory_space<vmem>>
    %dma_start3A_304 = arith.constant 0 : i32
    %dma_start3A_305 = arith.constant 0 : i32
    %dma_start3A_306 = tpu.memref_slice %arg3[%dma_start3A_304, %dma_start3A_305] : memref<100000x64xf32, #tpu.memory_space<hbm>> -> memref<100000x64xf32, #tpu.memory_space<hbm>>
    tpu.enqueue_indirect_dma source(%dma_start3A_306 : memref<100000x64xf32, #tpu.memory_space<hbm>>) target(%dma_start3A_301 : memref<96x64xf32, #tpu.memory_space<vmem>>) offsets(%dma_start3A_303 : memref<96xi32, #tpu.memory_space<vmem>>) semaphore(%arg25 : memref<!tpu.dma_semaphore, #tpu.memory_space<semaphore_mem>>)
    %add3A_307 = arith.constant 2 : i32
    %add3A_308 = arith.addi %mul3A_2, %add3A_307 : i32
    %dma_start3A_309 = arith.constant 0 : i32
    %dma_start3A_310 = arith.constant 0 : i32
    %dma_start3A_311 = tpu.memref_slice %arg5[%add3A_308, %dma_start3A_309, %dma_start3A_310] : memref<4096x200x64xf32, #tpu.memory_space<hbm>> -> memref<1x200x64xf32, #tpu.memory_space<hbm>>
    %dma_start3A_312 = tpu.memref_squeeze %dma_start3A_311 : memref<1x200x64xf32, #tpu.memory_space<hbm>> -> memref<200x64xf32, #tpu.memory_space<hbm>>
    %dma_start3A_313 = arith.constant 0 : i32
    %dma_start3A_314 = arith.constant 0 : i32
    %dma_start3A_315 = tpu.memref_slice %arg5[%add3A_308, %dma_start3A_313, %dma_start3A_314] : memref<4096x200x64xf32, #tpu.memory_space<hbm>> -> memref<1x200x64xf32, #tpu.memory_space<hbm>>
    %dma_start3A_316 = tpu.memref_squeeze %dma_start3A_315 : memref<1x200x64xf32, #tpu.memory_space<hbm>> -> memref<200x64xf32, #tpu.memory_space<hbm>>
    tpu.enqueue_dma source(%arg17 : memref<200x64xf32, #tpu.memory_space<vmem>>) target(%dma_start3A_316 : memref<200x64xf32, #tpu.memory_space<hbm>>) target_semaphore(%arg29 : memref<!tpu.dma_semaphore, #tpu.memory_space<semaphore_mem>>)
    %dma_wait3A_317 = arith.constant 0 : i32
    %dma_wait3A_318 = arith.constant 0 : i32
    %dma_wait3A_319 = tpu.memref_slice %arg14[%dma_wait3A_317, %dma_wait3A_318] : memref<200x64xf32, #tpu.memory_space<vmem>> -> memref<104x64xf32, #tpu.memory_space<vmem>>
    %dma_wait3A_320 = arith.constant 0 : i32
    %dma_wait3A_321 = tpu.memref_slice %arg10[%dma_wait3A_320] : memref<200xi32, #tpu.memory_space<vmem>> -> memref<104xi32, #tpu.memory_space<vmem>>
    %dma_wait3A_322 = arith.constant 0 : i32
    %dma_wait3A_323 = arith.constant 0 : i32
    %dma_wait3A_324 = tpu.memref_slice %arg3[%dma_wait3A_322, %dma_wait3A_323] : memref<100000x64xf32, #tpu.memory_space<hbm>> -> memref<100000x64xf32, #tpu.memory_space<hbm>>
    tpu.wait_indirect_dma semaphore(%arg26 : memref<!tpu.dma_semaphore, #tpu.memory_space<semaphore_mem>>) src(%dma_wait3A_324 : memref<100000x64xf32, #tpu.memory_space<hbm>>) dst(%dma_wait3A_319 : memref<104x64xf32, #tpu.memory_space<vmem>>)
    %dma_wait3A_325 = arith.constant 104 : i32
    %dma_wait3A_326 = arith.constant 0 : i32
    %dma_wait3A_327 = tpu.memref_slice %arg14[%dma_wait3A_325, %dma_wait3A_326] : memref<200x64xf32, #tpu.memory_space<vmem>> -> memref<96x64xf32, #tpu.memory_space<vmem>>
    %dma_wait3A_328 = arith.constant 104 : i32
    %dma_wait3A_329 = tpu.memref_slice %arg10[%dma_wait3A_328] : memref<200xi32, #tpu.memory_space<vmem>> -> memref<96xi32, #tpu.memory_space<vmem>>
    %dma_wait3A_330 = arith.constant 0 : i32
    %dma_wait3A_331 = arith.constant 0 : i32
    %dma_wait3A_332 = tpu.memref_slice %arg3[%dma_wait3A_330, %dma_wait3A_331] : memref<100000x64xf32, #tpu.memory_space<hbm>> -> memref<100000x64xf32, #tpu.memory_space<hbm>>
    tpu.wait_indirect_dma semaphore(%arg26 : memref<!tpu.dma_semaphore, #tpu.memory_space<semaphore_mem>>) src(%dma_wait3A_332 : memref<100000x64xf32, #tpu.memory_space<hbm>>) dst(%dma_wait3A_327 : memref<96x64xf32, #tpu.memory_space<vmem>>)
    %add3A_333 = arith.constant 3 : i32
    %add3A_334 = arith.constant 4 : i32
    %add3A_335 = arith.addi %add3A_333, %add3A_334 : i32
    %rem3A_336 = arith.constant 128 : i32
    %rem3A_337 = arith.remsi %add3A_335, %rem3A_336 : i32
    %add3A_338 = arith.addi %mul3A_2, %rem3A_337 : i32
    %dma_start3A_339 = arith.constant 0 : i32
    %dma_start3A_340 = tpu.memref_slice %arg2[%add3A_338, %dma_start3A_339] : memref<4096x200xi32, #tpu.memory_space<hbm>> -> memref<1x200xi32, #tpu.memory_space<hbm>>
    %dma_start3A_341 = tpu.memref_squeeze %dma_start3A_340 : memref<1x200xi32, #tpu.memory_space<hbm>> -> memref<200xi32, #tpu.memory_space<hbm>>
    %dma_start3A_342 = arith.constant 0 : i32
    %dma_start3A_343 = tpu.memref_slice %arg2[%add3A_338, %dma_start3A_342] : memref<4096x200xi32, #tpu.memory_space<hbm>> -> memref<1x200xi32, #tpu.memory_space<hbm>>
    %dma_start3A_344 = tpu.memref_squeeze %dma_start3A_343 : memref<1x200xi32, #tpu.memory_space<hbm>> -> memref<200xi32, #tpu.memory_space<hbm>>
    tpu.enqueue_dma source(%dma_start3A_344 : memref<200xi32, #tpu.memory_space<hbm>>) target(%arg10 : memref<200xi32, #tpu.memory_space<vmem>>) target_semaphore(%arg22 : memref<!tpu.dma_semaphore, #tpu.memory_space<semaphore_mem>>)
    %scan3A_345 = arith.constant 0 : i32
    %scan3A_346 = arith.constant 0 : i32
    %scan3A_347 = arith.constant 50 : i32
    %scan3A_348 = arith.addi %scan3A_346, %scan3A_347 : i32
    %scan3A_349 = arith.constant 1 : i32
    scf.for %scan3A_485 = %scan3A_346 to %scan3A_348 step %scan3A_349  : i32 {
      %mul3A_486 = arith.constant 4 : i32
      %mul3A_487 = arith.muli %scan3A_485, %mul3A_486 : i32
      %add3A_488 = arith.constant 0 : i32
      %add3A_489 = arith.addi %mul3A_487, %add3A_488 : i32
      %get3A = arith.index_cast %add3A_489 : i32 to index
      %get3A_490 = arith.constant 0 : index
      %get3A_491 = tpu.vector_load %arg14[%get3A, %get3A_490] {strides = array<i32>} : memref<200x64xf32, #tpu.memory_space<vmem>>, vector<1x16xf32>,
      %get3A_492 = vector.shape_cast %get3A_491 : vector<1x16xf32> to vector<16xf32>
      %mul3A_493 = arith.constant 8.000000e+00 : f32
      %mul3A_494 = vector.broadcast %mul3A_493 : f32 to vector<16xf32>
      %mul3A_495 = arith.mulf %get3A_492, %mul3A_494 : vector<16xf32>
      %get3A_496 = arith.index_cast %add3A_489 : i32 to index
      %get3A_497 = arith.constant 0 : index
      %get3A_498 = tpu.vector_load %arg6[%get3A_496, %get3A_497] {strides = array<i32>} : memref<200x64xf32, #tpu.memory_space<vmem>>, vector<1x16xf32>,
      %get3A_499 = vector.shape_cast %get3A_498 : vector<1x16xf32> to vector<16xf32>
      %add3A_500 = arith.addf %mul3A_495, %get3A_499 : vector<16xf32>
      %swap3A = arith.index_cast %add3A_489 : i32 to index
      %swap3A_501 = arith.constant 0 : index
      %swap3A_502 = tpu.vector_load %arg18[%swap3A, %swap3A_501] {strides = array<i32>} : memref<200x64xf32, #tpu.memory_space<vmem>>, vector<1x16xf32>,
      %swap3A_503 = vector.shape_cast %swap3A_502 : vector<1x16xf32> to vector<16xf32>
      %swap3A_504 = vector.shape_cast %add3A_500 : vector<16xf32> to vector<1x16xf32>
      tpu.vector_store %arg18[%swap3A, %swap3A_501], %swap3A_504 {strides = array<i32>} : memref<200x64xf32, #tpu.memory_space<vmem>>, vector<1x16xf32>,
      %get3A_505 = arith.index_cast %add3A_489 : i32 to index
      %get3A_506 = arith.constant 16 : index
      %get3A_507 = tpu.vector_load %arg14[%get3A_505, %get3A_506] {strides = array<i32>} : memref<200x64xf32, #tpu.memory_space<vmem>>, vector<1x16xf32>,
      %get3A_508 = vector.shape_cast %get3A_507 : vector<1x16xf32> to vector<16xf32>
      %mul3A_509 = arith.constant 8.000000e+00 : f32
      %mul3A_510 = vector.broadcast %mul3A_509 : f32 to vector<16xf32>
      %mul3A_511 = arith.mulf %get3A_508, %mul3A_510 : vector<16xf32>
      %get3A_512 = arith.index_cast %add3A_489 : i32 to index
      %get3A_513 = arith.constant 16 : index
      %get3A_514 = tpu.vector_load %arg6[%get3A_512, %get3A_513] {strides = array<i32>} : memref<200x64xf32, #tpu.memory_space<vmem>>, vector<1x16xf32>,
      %get3A_515 = vector.shape_cast %get3A_514 : vector<1x16xf32> to vector<16xf32>
      %add3A_516 = arith.addf %mul3A_511, %get3A_515 : vector<16xf32>
      %swap3A_517 = arith.index_cast %add3A_489 : i32 to index
      %swap3A_518 = arith.constant 16 : index
      %swap3A_519 = tpu.vector_load %arg18[%swap3A_517, %swap3A_518] {strides = array<i32>} : memref<200x64xf32, #tpu.memory_space<vmem>>, vector<1x16xf32>,
      %swap3A_520 = vector.shape_cast %swap3A_519 : vector<1x16xf32> to vector<16xf32>
      %swap3A_521 = vector.shape_cast %add3A_516 : vector<16xf32> to vector<1x16xf32>
      tpu.vector_store %arg18[%swap3A_517, %swap3A_518], %swap3A_521 {strides = array<i32>} : memref<200x64xf32, #tpu.memory_space<vmem>>, vector<1x16xf32>,
      %get3A_522 = arith.index_cast %add3A_489 : i32 to index
      %get3A_523 = arith.constant 32 : index
      %get3A_524 = tpu.vector_load %arg14[%get3A_522, %get3A_523] {strides = array<i32>} : memref<200x64xf32, #tpu.memory_space<vmem>>, vector<1x16xf32>,
      %get3A_525 = vector.shape_cast %get3A_524 : vector<1x16xf32> to vector<16xf32>
      %mul3A_526 = arith.constant 8.000000e+00 : f32
      %mul3A_527 = vector.broadcast %mul3A_526 : f32 to vector<16xf32>
      %mul3A_528 = arith.mulf %get3A_525, %mul3A_527 : vector<16xf32>
      %get3A_529 = arith.index_cast %add3A_489 : i32 to index
      %get3A_530 = arith.constant 32 : index
      %get3A_531 = tpu.vector_load %arg6[%get3A_529, %get3A_530] {strides = array<i32>} : memref<200x64xf32, #tpu.memory_space<vmem>>, vector<1x16xf32>,
      %get3A_532 = vector.shape_cast %get3A_531 : vector<1x16xf32> to vector<16xf32>
      %add3A_533 = arith.addf %mul3A_528, %get3A_532 : vector<16xf32>
      %swap3A_534 = arith.index_cast %add3A_489 : i32 to index
      %swap3A_535 = arith.constant 32 : index
      %swap3A_536 = tpu.vector_load %arg18[%swap3A_534, %swap3A_535] {strides = array<i32>} : memref<200x64xf32, #tpu.memory_space<vmem>>, vector<1x16xf32>,
      %swap3A_537 = vector.shape_cast %swap3A_536 : vector<1x16xf32> to vector<16xf32>
      %swap3A_538 = vector.shape_cast %add3A_533 : vector<16xf32> to vector<1x16xf32>
      tpu.vector_store %arg18[%swap3A_534, %swap3A_535], %swap3A_538 {strides = array<i32>} : memref<200x64xf32, #tpu.memory_space<vmem>>, vector<1x16xf32>,
      %get3A_539 = arith.index_cast %add3A_489 : i32 to index
      %get3A_540 = arith.constant 48 : index
      %get3A_541 = tpu.vector_load %arg14[%get3A_539, %get3A_540] {strides = array<i32>} : memref<200x64xf32, #tpu.memory_space<vmem>>, vector<1x16xf32>,
      %get3A_542 = vector.shape_cast %get3A_541 : vector<1x16xf32> to vector<16xf32>
      %mul3A_543 = arith.constant 8.000000e+00 : f32
      %mul3A_544 = vector.broadcast %mul3A_543 : f32 to vector<16xf32>
      %mul3A_545 = arith.mulf %get3A_542, %mul3A_544 : vector<16xf32>
      %get3A_546 = arith.index_cast %add3A_489 : i32 to index
      %get3A_547 = arith.constant 48 : index
      %get3A_548 = tpu.vector_load %arg6[%get3A_546, %get3A_547] {strides = array<i32>} : memref<200x64xf32, #tpu.memory_space<vmem>>, vector<1x16xf32>,
      %get3A_549 = vector.shape_cast %get3A_548 : vector<1x16xf32> to vector<16xf32>
      %add3A_550 = arith.addf %mul3A_545, %get3A_549 : vector<16xf32>
      %swap3A_551 = arith.index_cast %add3A_489 : i32 to index
      %swap3A_552 = arith.constant 48 : index
      %swap3A_553 = tpu.vector_load %arg18[%swap3A_551, %swap3A_552] {strides = array<i32>} : memref<200x64xf32, #tpu.memory_space<vmem>>, vector<1x16xf32>,
      %swap3A_554 = vector.shape_cast %swap3A_553 : vector<1x16xf32> to vector<16xf32>
      %swap3A_555 = vector.shape_cast %add3A_550 : vector<16xf32> to vector<1x16xf32>
      tpu.vector_store %arg18[%swap3A_551, %swap3A_552], %swap3A_555 {strides = array<i32>} : memref<200x64xf32, #tpu.memory_space<vmem>>, vector<1x16xf32>,
      %add3A_556 = arith.constant 1 : i32
      %add3A_557 = arith.addi %mul3A_487, %add3A_556 : i32
      %get3A_558 = arith.index_cast %add3A_557 : i32 to index
      %get3A_559 = arith.constant 0 : index
      %get3A_560 = tpu.vector_load %arg14[%get3A_558, %get3A_559] {strides = array<i32>} : memref<200x64xf32, #tpu.memory_space<vmem>>, vector<1x16xf32>,
      %get3A_561 = vector.shape_cast %get3A_560 : vector<1x16xf32> to vector<16xf32>
      %mul3A_562 = arith.constant 8.000000e+00 : f32
      %mul3A_563 = vector.broadcast %mul3A_562 : f32 to vector<16xf32>
      %mul3A_564 = arith.mulf %get3A_561, %mul3A_563 : vector<16xf32>
      %get3A_565 = arith.index_cast %add3A_557 : i32 to index
      %get3A_566 = arith.constant 0 : index
      %get3A_567 = tpu.vector_load %arg6[%get3A_565, %get3A_566] {strides = array<i32>} : memref<200x64xf32, #tpu.memory_space<vmem>>, vector<1x16xf32>,
      %get3A_568 = vector.shape_cast %get3A_567 : vector<1x16xf32> to vector<16xf32>
      %add3A_569 = arith.addf %mul3A_564, %get3A_568 : vector<16xf32>
      %swap3A_570 = arith.index_cast %add3A_557 : i32 to index
      %swap3A_571 = arith.constant 0 : index
      %swap3A_572 = tpu.vector_load %arg18[%swap3A_570, %swap3A_571] {strides = array<i32>} : memref<200x64xf32, #tpu.memory_space<vmem>>, vector<1x16xf32>,
      %swap3A_573 = vector.shape_cast %swap3A_572 : vector<1x16xf32> to vector<16xf32>
      %swap3A_574 = vector.shape_cast %add3A_569 : vector<16xf32> to vector<1x16xf32>
      tpu.vector_store %arg18[%swap3A_570, %swap3A_571], %swap3A_574 {strides = array<i32>} : memref<200x64xf32, #tpu.memory_space<vmem>>, vector<1x16xf32>,
      %get3A_575 = arith.index_cast %add3A_557 : i32 to index
      %get3A_576 = arith.constant 16 : index
      %get3A_577 = tpu.vector_load %arg14[%get3A_575, %get3A_576] {strides = array<i32>} : memref<200x64xf32, #tpu.memory_space<vmem>>, vector<1x16xf32>,
      %get3A_578 = vector.shape_cast %get3A_577 : vector<1x16xf32> to vector<16xf32>
      %mul3A_579 = arith.constant 8.000000e+00 : f32
      %mul3A_580 = vector.broadcast %mul3A_579 : f32 to vector<16xf32>
      %mul3A_581 = arith.mulf %get3A_578, %mul3A_580 : vector<16xf32>
      %get3A_582 = arith.index_cast %add3A_557 : i32 to index
      %get3A_583 = arith.constant 16 : index
      %get3A_584 = tpu.vector_load %arg6[%get3A_582, %get3A_583] {strides = array<i32>} : memref<200x64xf32, #tpu.memory_space<vmem>>, vector<1x16xf32>,
      %get3A_585 = vector.shape_cast %get3A_584 : vector<1x16xf32> to vector<16xf32>
      %add3A_586 = arith.addf %mul3A_581, %get3A_585 : vector<16xf32>
      %swap3A_587 = arith.index_cast %add3A_557 : i32 to index
      %swap3A_588 = arith.constant 16 : index
      %swap3A_589 = tpu.vector_load %arg18[%swap3A_587, %swap3A_588] {strides = array<i32>} : memref<200x64xf32, #tpu.memory_space<vmem>>, vector<1x16xf32>,
      %swap3A_590 = vector.shape_cast %swap3A_589 : vector<1x16xf32> to vector<16xf32>
      %swap3A_591 = vector.shape_cast %add3A_586 : vector<16xf32> to vector<1x16xf32>
      tpu.vector_store %arg18[%swap3A_587, %swap3A_588], %swap3A_591 {strides = array<i32>} : memref<200x64xf32, #tpu.memory_space<vmem>>, vector<1x16xf32>,
      %get3A_592 = arith.index_cast %add3A_557 : i32 to index
      %get3A_593 = arith.constant 32 : index
      %get3A_594 = tpu.vector_load %arg14[%get3A_592, %get3A_593] {strides = array<i32>} : memref<200x64xf32, #tpu.memory_space<vmem>>, vector<1x16xf32>,
      %get3A_595 = vector.shape_cast %get3A_594 : vector<1x16xf32> to vector<16xf32>
      %mul3A_596 = arith.constant 8.000000e+00 : f32
      %mul3A_597 = vector.broadcast %mul3A_596 : f32 to vector<16xf32>
      %mul3A_598 = arith.mulf %get3A_595, %mul3A_597 : vector<16xf32>
      %get3A_599 = arith.index_cast %add3A_557 : i32 to index
      %get3A_600 = arith.constant 32 : index
      %get3A_601 = tpu.vector_load %arg6[%get3A_599, %get3A_600] {strides = array<i32>} : memref<200x64xf32, #tpu.memory_space<vmem>>, vector<1x16xf32>,
      %get3A_602 = vector.shape_cast %get3A_601 : vector<1x16xf32> to vector<16xf32>
      %add3A_603 = arith.addf %mul3A_598, %get3A_602 : vector<16xf32>
      %swap3A_604 = arith.index_cast %add3A_557 : i32 to index
      %swap3A_605 = arith.constant 32 : index
      %swap3A_606 = tpu.vector_load %arg18[%swap3A_604, %swap3A_605] {strides = array<i32>} : memref<200x64xf32, #tpu.memory_space<vmem>>, vector<1x16xf32>,
      %swap3A_607 = vector.shape_cast %swap3A_606 : vector<1x16xf32> to vector<16xf32>
      %swap3A_608 = vector.shape_cast %add3A_603 : vector<16xf32> to vector<1x16xf32>
      tpu.vector_store %arg18[%swap3A_604, %swap3A_605], %swap3A_608 {strides = array<i32>} : memref<200x64xf32, #tpu.memory_space<vmem>>, vector<1x16xf32>,
      %get3A_609 = arith.index_cast %add3A_557 : i32 to index
      %get3A_610 = arith.constant 48 : index
      %get3A_611 = tpu.vector_load %arg14[%get3A_609, %get3A_610] {strides = array<i32>} : memref<200x64xf32, #tpu.memory_space<vmem>>, vector<1x16xf32>,
      %get3A_612 = vector.shape_cast %get3A_611 : vector<1x16xf32> to vector<16xf32>
      %mul3A_613 = arith.constant 8.000000e+00 : f32
      %mul3A_614 = vector.broadcast %mul3A_613 : f32 to vector<16xf32>
      %mul3A_615 = arith.mulf %get3A_612, %mul3A_614 : vector<16xf32>
      %get3A_616 = arith.index_cast %add3A_557 : i32 to index
      %get3A_617 = arith.constant 48 : index
      %get3A_618 = tpu.vector_load %arg6[%get3A_616, %get3A_617] {strides = array<i32>} : memref<200x64xf32, #tpu.memory_space<vmem>>, vector<1x16xf32>,
      %get3A_619 = vector.shape_cast %get3A_618 : vector<1x16xf32> to vector<16xf32>
      %add3A_620 = arith.addf %mul3A_615, %get3A_619 : vector<16xf32>
      %swap3A_621 = arith.index_cast %add3A_557 : i32 to index
      %swap3A_622 = arith.constant 48 : index
      %swap3A_623 = tpu.vector_load %arg18[%swap3A_621, %swap3A_622] {strides = array<i32>} : memref<200x64xf32, #tpu.memory_space<vmem>>, vector<1x16xf32>,
      %swap3A_624 = vector.shape_cast %swap3A_623 : vector<1x16xf32> to vector<16xf32>
      %swap3A_625 = vector.shape_cast %add3A_620 : vector<16xf32> to vector<1x16xf32>
      tpu.vector_store %arg18[%swap3A_621, %swap3A_622], %swap3A_625 {strides = array<i32>} : memref<200x64xf32, #tpu.memory_space<vmem>>, vector<1x16xf32>,
      %add3A_626 = arith.constant 2 : i32
      %add3A_627 = arith.addi %mul3A_487, %add3A_626 : i32
      %get3A_628 = arith.index_cast %add3A_627 : i32 to index
      %get3A_629 = arith.constant 0 : index
      %get3A_630 = tpu.vector_load %arg14[%get3A_628, %get3A_629] {strides = array<i32>} : memref<200x64xf32, #tpu.memory_space<vmem>>, vector<1x16xf32>,
      %get3A_631 = vector.shape_cast %get3A_630 : vector<1x16xf32> to vector<16xf32>
      %mul3A_632 = arith.constant 8.000000e+00 : f32
      %mul3A_633 = vector.broadcast %mul3A_632 : f32 to vector<16xf32>
      %mul3A_634 = arith.mulf %get3A_631, %mul3A_633 : vector<16xf32>
      %get3A_635 = arith.index_cast %add3A_627 : i32 to index
      %get3A_636 = arith.constant 0 : index
      %get3A_637 = tpu.vector_load %arg6[%get3A_635, %get3A_636] {strides = array<i32>} : memref<200x64xf32, #tpu.memory_space<vmem>>, vector<1x16xf32>,
      %get3A_638 = vector.shape_cast %get3A_637 : vector<1x16xf32> to vector<16xf32>
      %add3A_639 = arith.addf %mul3A_634, %get3A_638 : vector<16xf32>
      %swap3A_640 = arith.index_cast %add3A_627 : i32 to index
      %swap3A_641 = arith.constant 0 : index
      %swap3A_642 = tpu.vector_load %arg18[%swap3A_640, %swap3A_641] {strides = array<i32>} : memref<200x64xf32, #tpu.memory_space<vmem>>, vector<1x16xf32>,
      %swap3A_643 = vector.shape_cast %swap3A_642 : vector<1x16xf32> to vector<16xf32>
      %swap3A_644 = vector.shape_cast %add3A_639 : vector<16xf32> to vector<1x16xf32>
      tpu.vector_store %arg18[%swap3A_640, %swap3A_641], %swap3A_644 {strides = array<i32>} : memref<200x64xf32, #tpu.memory_space<vmem>>, vector<1x16xf32>,
      %get3A_645 = arith.index_cast %add3A_627 : i32 to index
      %get3A_646 = arith.constant 16 : index
      %get3A_647 = tpu.vector_load %arg14[%get3A_645, %get3A_646] {strides = array<i32>} : memref<200x64xf32, #tpu.memory_space<vmem>>, vector<1x16xf32>,
      %get3A_648 = vector.shape_cast %get3A_647 : vector<1x16xf32> to vector<16xf32>
      %mul3A_649 = arith.constant 8.000000e+00 : f32
      %mul3A_650 = vector.broadcast %mul3A_649 : f32 to vector<16xf32>
      %mul3A_651 = arith.mulf %get3A_648, %mul3A_650 : vector<16xf32>
      %get3A_652 = arith.index_cast %add3A_627 : i32 to index
      %get3A_653 = arith.constant 16 : index
      %get3A_654 = tpu.vector_load %arg6[%get3A_652, %get3A_653] {strides = array<i32>} : memref<200x64xf32, #tpu.memory_space<vmem>>, vector<1x16xf32>,
      %get3A_655 = vector.shape_cast %get3A_654 : vector<1x16xf32> to vector<16xf32>
      %add3A_656 = arith.addf %mul3A_651, %get3A_655 : vector<16xf32>
      %swap3A_657 = arith.index_cast %add3A_627 : i32 to index
      %swap3A_658 = arith.constant 16 : index
      %swap3A_659 = tpu.vector_load %arg18[%swap3A_657, %swap3A_658] {strides = array<i32>} : memref<200x64xf32, #tpu.memory_space<vmem>>, vector<1x16xf32>,
      %swap3A_660 = vector.shape_cast %swap3A_659 : vector<1x16xf32> to vector<16xf32>
      %swap3A_661 = vector.shape_cast %add3A_656 : vector<16xf32> to vector<1x16xf32>
      tpu.vector_store %arg18[%swap3A_657, %swap3A_658], %swap3A_661 {strides = array<i32>} : memref<200x64xf32, #tpu.memory_space<vmem>>, vector<1x16xf32>,
      %get3A_662 = arith.index_cast %add3A_627 : i32 to index
      %get3A_663 = arith.constant 32 : index
      %get3A_664 = tpu.vector_load %arg14[%get3A_662, %get3A_663] {strides = array<i32>} : memref<200x64xf32, #tpu.memory_space<vmem>>, vector<1x16xf32>,
      %get3A_665 = vector.shape_cast %get3A_664 : vector<1x16xf32> to vector<16xf32>
      %mul3A_666 = arith.constant 8.000000e+00 : f32
      %mul3A_667 = vector.broadcast %mul3A_666 : f32 to vector<16xf32>
      %mul3A_668 = arith.mulf %get3A_665, %mul3A_667 : vector<16xf32>
      %get3A_669 = arith.index_cast %add3A_627 : i32 to index
      %get3A_670 = arith.constant 32 : index
      %get3A_671 = tpu.vector_load %arg6[%get3A_669, %get3A_670] {strides = array<i32>} : memref<200x64xf32, #tpu.memory_space<vmem>>, vector<1x16xf32>,
      %get3A_672 = vector.shape_cast %get3A_671 : vector<1x16xf32> to vector<16xf32>
      %add3A_673 = arith.addf %mul3A_668, %get3A_672 : vector<16xf32>
      %swap3A_674 = arith.index_cast %add3A_627 : i32 to index
      %swap3A_675 = arith.constant 32 : index
      %swap3A_676 = tpu.vector_load %arg18[%swap3A_674, %swap3A_675] {strides = array<i32>} : memref<200x64xf32, #tpu.memory_space<vmem>>, vector<1x16xf32>,
      %swap3A_677 = vector.shape_cast %swap3A_676 : vector<1x16xf32> to vector<16xf32>
      %swap3A_678 = vector.shape_cast %add3A_673 : vector<16xf32> to vector<1x16xf32>
      tpu.vector_store %arg18[%swap3A_674, %swap3A_675], %swap3A_678 {strides = array<i32>} : memref<200x64xf32, #tpu.memory_space<vmem>>, vector<1x16xf32>,
      %get3A_679 = arith.index_cast %add3A_627 : i32 to index
      %get3A_680 = arith.constant 48 : index
      %get3A_681 = tpu.vector_load %arg14[%get3A_679, %get3A_680] {strides = array<i32>} : memref<200x64xf32, #tpu.memory_space<vmem>>, vector<1x16xf32>,
      %get3A_682 = vector.shape_cast %get3A_681 : vector<1x16xf32> to vector<16xf32>
      %mul3A_683 = arith.constant 8.000000e+00 : f32
      %mul3A_684 = vector.broadcast %mul3A_683 : f32 to vector<16xf32>
      %mul3A_685 = arith.mulf %get3A_682, %mul3A_684 : vector<16xf32>
      %get3A_686 = arith.index_cast %add3A_627 : i32 to index
      %get3A_687 = arith.constant 48 : index
      %get3A_688 = tpu.vector_load %arg6[%get3A_686, %get3A_687] {strides = array<i32>} : memref<200x64xf32, #tpu.memory_space<vmem>>, vector<1x16xf32>,
      %get3A_689 = vector.shape_cast %get3A_688 : vector<1x16xf32> to vector<16xf32>
      %add3A_690 = arith.addf %mul3A_685, %get3A_689 : vector<16xf32>
      %swap3A_691 = arith.index_cast %add3A_627 : i32 to index
      %swap3A_692 = arith.constant 48 : index
      %swap3A_693 = tpu.vector_load %arg18[%swap3A_691, %swap3A_692] {strides = array<i32>} : memref<200x64xf32, #tpu.memory_space<vmem>>, vector<1x16xf32>,
      %swap3A_694 = vector.shape_cast %swap3A_693 : vector<1x16xf32> to vector<16xf32>
      %swap3A_695 = vector.shape_cast %add3A_690 : vector<16xf32> to vector<1x16xf32>
      tpu.vector_store %arg18[%swap3A_691, %swap3A_692], %swap3A_695 {strides = array<i32>} : memref<200x64xf32, #tpu.memory_space<vmem>>, vector<1x16xf32>,
      %add3A_696 = arith.constant 3 : i32
      %add3A_697 = arith.addi %mul3A_487, %add3A_696 : i32
      %get3A_698 = arith.index_cast %add3A_697 : i32 to index
      %get3A_699 = arith.constant 0 : index
      %get3A_700 = tpu.vector_load %arg14[%get3A_698, %get3A_699] {strides = array<i32>} : memref<200x64xf32, #tpu.memory_space<vmem>>, vector<1x16xf32>,
      %get3A_701 = vector.shape_cast %get3A_700 : vector<1x16xf32> to vector<16xf32>
      %mul3A_702 = arith.constant 8.000000e+00 : f32
      %mul3A_703 = vector.broadcast %mul3A_702 : f32 to vector<16xf32>
      %mul3A_704 = arith.mulf %get3A_701, %mul3A_703 : vector<16xf32>
      %get3A_705 = arith.index_cast %add3A_697 : i32 to index
      %get3A_706 = arith.constant 0 : index
      %get3A_707 = tpu.vector_load %arg6[%get3A_705, %get3A_706] {strides = array<i32>} : memref<200x64xf32, #tpu.memory_space<vmem>>, vector<1x16xf32>,
      %get3A_708 = vector.shape_cast %get3A_707 : vector<1x16xf32> to vector<16xf32>
      %add3A_709 = arith.addf %mul3A_704, %get3A_708 : vector<16xf32>
      %swap3A_710 = arith.index_cast %add3A_697 : i32 to index
      %swap3A_711 = arith.constant 0 : index
      %swap3A_712 = tpu.vector_load %arg18[%swap3A_710, %swap3A_711] {strides = array<i32>} : memref<200x64xf32, #tpu.memory_space<vmem>>, vector<1x16xf32>,
      %swap3A_713 = vector.shape_cast %swap3A_712 : vector<1x16xf32> to vector<16xf32>
      %swap3A_714 = vector.shape_cast %add3A_709 : vector<16xf32> to vector<1x16xf32>
      tpu.vector_store %arg18[%swap3A_710, %swap3A_711], %swap3A_714 {strides = array<i32>} : memref<200x64xf32, #tpu.memory_space<vmem>>, vector<1x16xf32>,
      %get3A_715 = arith.index_cast %add3A_697 : i32 to index
      %get3A_716 = arith.constant 16 : index
      %get3A_717 = tpu.vector_load %arg14[%get3A_715, %get3A_716] {strides = array<i32>} : memref<200x64xf32, #tpu.memory_space<vmem>>, vector<1x16xf32>,
      %get3A_718 = vector.shape_cast %get3A_717 : vector<1x16xf32> to vector<16xf32>
      %mul3A_719 = arith.constant 8.000000e+00 : f32
      %mul3A_720 = vector.broadcast %mul3A_719 : f32 to vector<16xf32>
      %mul3A_721 = arith.mulf %get3A_718, %mul3A_720 : vector<16xf32>
      %get3A_722 = arith.index_cast %add3A_697 : i32 to index
      %get3A_723 = arith.constant 16 : index
      %get3A_724 = tpu.vector_load %arg6[%get3A_722, %get3A_723] {strides = array<i32>} : memref<200x64xf32, #tpu.memory_space<vmem>>, vector<1x16xf32>,
      %get3A_725 = vector.shape_cast %get3A_724 : vector<1x16xf32> to vector<16xf32>
      %add3A_726 = arith.addf %mul3A_721, %get3A_725 : vector<16xf32>
      %swap3A_727 = arith.index_cast %add3A_697 : i32 to index
      %swap3A_728 = arith.constant 16 : index
      %swap3A_729 = tpu.vector_load %arg18[%swap3A_727, %swap3A_728] {strides = array<i32>} : memref<200x64xf32, #tpu.memory_space<vmem>>, vector<1x16xf32>,
      %swap3A_730 = vector.shape_cast %swap3A_729 : vector<1x16xf32> to vector<16xf32>
      %swap3A_731 = vector.shape_cast %add3A_726 : vector<16xf32> to vector<1x16xf32>
      tpu.vector_store %arg18[%swap3A_727, %swap3A_728], %swap3A_731 {strides = array<i32>} : memref<200x64xf32, #tpu.memory_space<vmem>>, vector<1x16xf32>,
      %get3A_732 = arith.index_cast %add3A_697 : i32 to index
      %get3A_733 = arith.constant 32 : index
      %get3A_734 = tpu.vector_load %arg14[%get3A_732, %get3A_733] {strides = array<i32>} : memref<200x64xf32, #tpu.memory_space<vmem>>, vector<1x16xf32>,
      %get3A_735 = vector.shape_cast %get3A_734 : vector<1x16xf32> to vector<16xf32>
      %mul3A_736 = arith.constant 8.000000e+00 : f32
      %mul3A_737 = vector.broadcast %mul3A_736 : f32 to vector<16xf32>
      %mul3A_738 = arith.mulf %get3A_735, %mul3A_737 : vector<16xf32>
      %get3A_739 = arith.index_cast %add3A_697 : i32 to index
      %get3A_740 = arith.constant 32 : index
      %get3A_741 = tpu.vector_load %arg6[%get3A_739, %get3A_740] {strides = array<i32>} : memref<200x64xf32, #tpu.memory_space<vmem>>, vector<1x16xf32>,
      %get3A_742 = vector.shape_cast %get3A_741 : vector<1x16xf32> to vector<16xf32>
      %add3A_743 = arith.addf %mul3A_738, %get3A_742 : vector<16xf32>
      %swap3A_744 = arith.index_cast %add3A_697 : i32 to index
      %swap3A_745 = arith.constant 32 : index
      %swap3A_746 = tpu.vector_load %arg18[%swap3A_744, %swap3A_745] {strides = array<i32>} : memref<200x64xf32, #tpu.memory_space<vmem>>, vector<1x16xf32>,
      %swap3A_747 = vector.shape_cast %swap3A_746 : vector<1x16xf32> to vector<16xf32>
      %swap3A_748 = vector.shape_cast %add3A_743 : vector<16xf32> to vector<1x16xf32>
      tpu.vector_store %arg18[%swap3A_744, %swap3A_745], %swap3A_748 {strides = array<i32>} : memref<200x64xf32, #tpu.memory_space<vmem>>, vector<1x16xf32>,
      %get3A_749 = arith.index_cast %add3A_697 : i32 to index
      %get3A_750 = arith.constant 48 : index
      %get3A_751 = tpu.vector_load %arg14[%get3A_749, %get3A_750] {strides = array<i32>} : memref<200x64xf32, #tpu.memory_space<vmem>>, vector<1x16xf32>,
      %get3A_752 = vector.shape_cast %get3A_751 : vector<1x16xf32> to vector<16xf32>
      %mul3A_753 = arith.constant 8.000000e+00 : f32
      %mul3A_754 = vector.broadcast %mul3A_753 : f32 to vector<16xf32>
      %mul3A_755 = arith.mulf %get3A_752, %mul3A_754 : vector<16xf32>
      %get3A_756 = arith.index_cast %add3A_697 : i32 to index
      %get3A_757 = arith.constant 48 : index
      %get3A_758 = tpu.vector_load %arg6[%get3A_756, %get3A_757] {strides = array<i32>} : memref<200x64xf32, #tpu.memory_space<vmem>>, vector<1x16xf32>,
      %get3A_759 = vector.shape_cast %get3A_758 : vector<1x16xf32> to vector<16xf32>
      %add3A_760 = arith.addf %mul3A_755, %get3A_759 : vector<16xf32>
      %swap3A_761 = arith.index_cast %add3A_697 : i32 to index
      %swap3A_762 = arith.constant 48 : index
      %swap3A_763 = tpu.vector_load %arg18[%swap3A_761, %swap3A_762] {strides = array<i32>} : memref<200x64xf32, #tpu.memory_space<vmem>>, vector<1x16xf32>,
      %swap3A_764 = vector.shape_cast %swap3A_763 : vector<1x16xf32> to vector<16xf32>
      %swap3A_765 = vector.shape_cast %add3A_760 : vector<16xf32> to vector<1x16xf32>
      tpu.vector_store %arg18[%swap3A_761, %swap3A_762], %swap3A_765 {strides = array<i32>} : memref<200x64xf32, #tpu.memory_space<vmem>>, vector<1x16xf32>,
    }
    %scan3A_350 = arith.constant 50 : i32
    %dma_wait3A_351 = arith.constant 0 : i32
    %dma_wait3A_352 = tpu.memref_slice %arg2[%mul3A_2, %dma_wait3A_351] : memref<4096x200xi32, #tpu.memory_space<hbm>> -> memref<1x200xi32, #tpu.memory_space<hbm>>
    %dma_wait3A_353 = tpu.memref_squeeze %dma_wait3A_352 : memref<1x200xi32, #tpu.memory_space<hbm>> -> memref<200xi32, #tpu.memory_space<hbm>>
    %dma_wait3A_354 = arith.constant 0 : i32
    %dma_wait3A_355 = tpu.memref_slice %arg2[%mul3A_2, %dma_wait3A_354] : memref<4096x200xi32, #tpu.memory_space<hbm>> -> memref<1x200xi32, #tpu.memory_space<hbm>>
    %dma_wait3A_356 = tpu.memref_squeeze %dma_wait3A_355 : memref<1x200xi32, #tpu.memory_space<hbm>> -> memref<200xi32, #tpu.memory_space<hbm>>
    tpu.wait_dma2 semaphore(%arg22 : memref<!tpu.dma_semaphore, #tpu.memory_space<semaphore_mem>>) src(%dma_wait3A_356 : memref<200xi32, #tpu.memory_space<hbm>>) dst(%arg10 : memref<200xi32, #tpu.memory_space<vmem>>)
    %dma_start3A_357 = arith.constant 0 : i32
    %dma_start3A_358 = arith.constant 0 : i32
    %dma_start3A_359 = tpu.memref_slice %arg14[%dma_start3A_357, %dma_start3A_358] : memref<200x64xf32, #tpu.memory_space<vmem>> -> memref<104x64xf32, #tpu.memory_space<vmem>>
    %dma_start3A_360 = arith.constant 0 : i32
    %dma_start3A_361 = tpu.memref_slice %arg10[%dma_start3A_360] : memref<200xi32, #tpu.memory_space<vmem>> -> memref<104xi32, #tpu.memory_space<vmem>>
    %dma_start3A_362 = arith.constant 0 : i32
    %dma_start3A_363 = arith.constant 0 : i32
    %dma_start3A_364 = tpu.memref_slice %arg3[%dma_start3A_362, %dma_start3A_363] : memref<100000x64xf32, #tpu.memory_space<hbm>> -> memref<100000x64xf32, #tpu.memory_space<hbm>>
    tpu.enqueue_indirect_dma source(%dma_start3A_364 : memref<100000x64xf32, #tpu.memory_space<hbm>>) target(%dma_start3A_359 : memref<104x64xf32, #tpu.memory_space<vmem>>) offsets(%dma_start3A_361 : memref<104xi32, #tpu.memory_space<vmem>>) semaphore(%arg26 : memref<!tpu.dma_semaphore, #tpu.memory_space<semaphore_mem>>)
    %dma_start3A_365 = arith.constant 104 : i32
    %dma_start3A_366 = arith.constant 0 : i32
    %dma_start3A_367 = tpu.memref_slice %arg14[%dma_start3A_365, %dma_start3A_366] : memref<200x64xf32, #tpu.memory_space<vmem>> -> memref<96x64xf32, #tpu.memory_space<vmem>>
    %dma_start3A_368 = arith.constant 104 : i32
    %dma_start3A_369 = tpu.memref_slice %arg10[%dma_start3A_368] : memref<200xi32, #tpu.memory_space<vmem>> -> memref<96xi32, #tpu.memory_space<vmem>>
    %dma_start3A_370 = arith.constant 0 : i32
    %dma_start3A_371 = arith.constant 0 : i32
    %dma_start3A_372 = tpu.memref_slice %arg3[%dma_start3A_370, %dma_start3A_371] : memref<100000x64xf32, #tpu.memory_space<hbm>> -> memref<100000x64xf32, #tpu.memory_space<hbm>>
    tpu.enqueue_indirect_dma source(%dma_start3A_372 : memref<100000x64xf32, #tpu.memory_space<hbm>>) target(%dma_start3A_367 : memref<96x64xf32, #tpu.memory_space<vmem>>) offsets(%dma_start3A_369 : memref<96xi32, #tpu.memory_space<vmem>>) semaphore(%arg26 : memref<!tpu.dma_semaphore, #tpu.memory_space<semaphore_mem>>)
    %add3A_373 = arith.constant 3 : i32
    %add3A_374 = arith.addi %mul3A_2, %add3A_373 : i32
    %dma_start3A_375 = arith.constant 0 : i32
    %dma_start3A_376 = arith.constant 0 : i32
    %dma_start3A_377 = tpu.memref_slice %arg5[%add3A_374, %dma_start3A_375, %dma_start3A_376] : memref<4096x200x64xf32, #tpu.memory_space<hbm>> -> memref<1x200x64xf32, #tpu.memory_space<hbm>>
    %dma_start3A_378 = tpu.memref_squeeze %dma_start3A_377 : memref<1x200x64xf32, #tpu.memory_space<hbm>> -> memref<200x64xf32, #tpu.memory_space<hbm>>
    %dma_start3A_379 = arith.constant 0 : i32
    %dma_start3A_380 = arith.constant 0 : i32
    %dma_start3A_381 = tpu.memref_slice %arg5[%add3A_374, %dma_start3A_379, %dma_start3A_380] : memref<4096x200x64xf32, #tpu.memory_space<hbm>> -> memref<1x200x64xf32, #tpu.memory_space<hbm>>
    %dma_start3A_382 = tpu.memref_squeeze %dma_start3A_381 : memref<1x200x64xf32, #tpu.memory_space<hbm>> -> memref<200x64xf32, #tpu.memory_space<hbm>>
    tpu.enqueue_dma source(%arg18 : memref<200x64xf32, #tpu.memory_space<vmem>>) target(%dma_start3A_382 : memref<200x64xf32, #tpu.memory_space<hbm>>) target_semaphore(%arg30 : memref<!tpu.dma_semaphore, #tpu.memory_space<semaphore_mem>>)
    %scan3A_383 = arith.constant 0 : i32
    %scan3A_384 = arith.constant 1 : i32
    %scan3A_385 = arith.constant 31 : i32
    %scan3A_386 = arith.addi %scan3A_384, %scan3A_385 : i32
    %scan3A_387 = arith.constant 1 : i32
    scf.for %scan3A_485 = %scan3A_384 to %scan3A_386 step %scan3A_387  : i32 {
      %mul3A_486 = arith.constant 4 : i32
      %mul3A_487 = arith.muli %mul3A_486, %scan3A_485 : i32
      %add3A_488 = arith.constant 0 : i32
      %add3A_489 = arith.addi %mul3A_487, %add3A_488 : i32
      %dma_wait3A_490 = arith.constant 0 : i32
      %dma_wait3A_491 = arith.constant 0 : i32
      %dma_wait3A_492 = tpu.memref_slice %arg11[%dma_wait3A_490, %dma_wait3A_491] : memref<200x64xf32, #tpu.memory_space<vmem>> -> memref<104x64xf32, #tpu.memory_space<vmem>>
      %dma_wait3A_493 = arith.constant 0 : i32
      %dma_wait3A_494 = tpu.memref_slice %arg7[%dma_wait3A_493] : memref<200xi32, #tpu.memory_space<vmem>> -> memref<104xi32, #tpu.memory_space<vmem>>
      %dma_wait3A_495 = arith.constant 0 : i32
      %dma_wait3A_496 = arith.constant 0 : i32
      %dma_wait3A_497 = tpu.memref_slice %arg3[%dma_wait3A_495, %dma_wait3A_496] : memref<100000x64xf32, #tpu.memory_space<hbm>> -> memref<100000x64xf32, #tpu.memory_space<hbm>>
      tpu.wait_indirect_dma semaphore(%arg23 : memref<!tpu.dma_semaphore, #tpu.memory_space<semaphore_mem>>) src(%dma_wait3A_497 : memref<100000x64xf32, #tpu.memory_space<hbm>>) dst(%dma_wait3A_492 : memref<104x64xf32, #tpu.memory_space<vmem>>)
      %dma_wait3A_498 = arith.constant 104 : i32
      %dma_wait3A_499 = arith.constant 0 : i32
      %dma_wait3A_500 = tpu.memref_slice %arg11[%dma_wait3A_498, %dma_wait3A_499] : memref<200x64xf32, #tpu.memory_space<vmem>> -> memref<96x64xf32, #tpu.memory_space<vmem>>
      %dma_wait3A_501 = arith.constant 104 : i32
      %dma_wait3A_502 = tpu.memref_slice %arg7[%dma_wait3A_501] : memref<200xi32, #tpu.memory_space<vmem>> -> memref<96xi32, #tpu.memory_space<vmem>>
      %dma_wait3A_503 = arith.constant 0 : i32
      %dma_wait3A_504 = arith.constant 0 : i32
      %dma_wait3A_505 = tpu.memref_slice %arg3[%dma_wait3A_503, %dma_wait3A_504] : memref<100000x64xf32, #tpu.memory_space<hbm>> -> memref<100000x64xf32, #tpu.memory_space<hbm>>
      tpu.wait_indirect_dma semaphore(%arg23 : memref<!tpu.dma_semaphore, #tpu.memory_space<semaphore_mem>>) src(%dma_wait3A_505 : memref<100000x64xf32, #tpu.memory_space<hbm>>) dst(%dma_wait3A_500 : memref<96x64xf32, #tpu.memory_space<vmem>>)
      %add3A_506 = arith.constant 4 : i32
      %add3A_507 = arith.addi %add3A_489, %add3A_506 : i32
      %rem3A_508 = arith.constant 128 : i32
      %rem3A_509 = arith.remsi %add3A_507, %rem3A_508 : i32
      %add3A_510 = arith.addi %mul3A_2, %rem3A_509 : i32
      %dma_start3A_511 = arith.constant 0 : i32
      %dma_start3A_512 = tpu.memref_slice %arg2[%add3A_510, %dma_start3A_511] : memref<4096x200xi32, #tpu.memory_space<hbm>> -> memref<1x200xi32, #tpu.memory_space<hbm>>
      %dma_start3A_513 = tpu.memref_squeeze %dma_start3A_512 : memref<1x200xi32, #tpu.memory_space<hbm>> -> memref<200xi32, #tpu.memory_space<hbm>>
      %dma_start3A_514 = arith.constant 0 : i32
      %dma_start3A_515 = tpu.memref_slice %arg2[%add3A_510, %dma_start3A_514] : memref<4096x200xi32, #tpu.memory_space<hbm>> -> memref<1x200xi32, #tpu.memory_space<hbm>>
      %dma_start3A_516 = tpu.memref_squeeze %dma_start3A_515 : memref<1x200xi32, #tpu.memory_space<hbm>> -> memref<200xi32, #tpu.memory_space<hbm>>
      tpu.enqueue_dma source(%dma_start3A_516 : memref<200xi32, #tpu.memory_space<hbm>>) target(%arg7 : memref<200xi32, #tpu.memory_space<vmem>>) target_semaphore(%arg19 : memref<!tpu.dma_semaphore, #tpu.memory_space<semaphore_mem>>)
      %dma_wait3A_517 = arith.constant 0 : i32
      %dma_wait3A_518 = arith.constant 0 : i32
      %dma_wait3A_519 = tpu.memref_slice %arg5[%mul3A_2, %dma_wait3A_517, %dma_wait3A_518] : memref<4096x200x64xf32, #tpu.memory_space<hbm>> -> memref<1x200x64xf32, #tpu.memory_space<hbm>>
      %dma_wait3A_520 = tpu.memref_squeeze %dma_wait3A_519 : memref<1x200x64xf32, #tpu.memory_space<hbm>> -> memref<200x64xf32, #tpu.memory_space<hbm>>
      %dma_wait3A_521 = arith.constant 0 : i32
      %dma_wait3A_522 = arith.constant 0 : i32
      %dma_wait3A_523 = tpu.memref_slice %arg5[%mul3A_2, %dma_wait3A_521, %dma_wait3A_522] : memref<4096x200x64xf32, #tpu.memory_space<hbm>> -> memref<1x200x64xf32, #tpu.memory_space<hbm>>
      %dma_wait3A_524 = tpu.memref_squeeze %dma_wait3A_523 : memref<1x200x64xf32, #tpu.memory_space<hbm>> -> memref<200x64xf32, #tpu.memory_space<hbm>>
      tpu.wait_dma2 semaphore(%arg27 : memref<!tpu.dma_semaphore, #tpu.memory_space<semaphore_mem>>) src(%arg15 : memref<200x64xf32, #tpu.memory_space<vmem>>) dst(%dma_wait3A_524 : memref<200x64xf32, #tpu.memory_space<hbm>>)
      %scan3A_525 = arith.constant 0 : i32
      %scan3A_526 = arith.constant 0 : i32
      %scan3A_527 = arith.constant 50 : i32
      %scan3A_528 = arith.addi %scan3A_526, %scan3A_527 : i32
      %scan3A_529 = arith.constant 1 : i32
      scf.for %scan3A_790 = %scan3A_526 to %scan3A_528 step %scan3A_529  : i32 {
        %mul3A_791 = arith.constant 4 : i32
        %mul3A_792 = arith.muli %scan3A_790, %mul3A_791 : i32
        %add3A_793 = arith.constant 0 : i32
        %add3A_794 = arith.addi %mul3A_792, %add3A_793 : i32
        %get3A = arith.index_cast %add3A_794 : i32 to index
        %get3A_795 = arith.constant 0 : index
        %get3A_796 = tpu.vector_load %arg11[%get3A, %get3A_795] {strides = array<i32>} : memref<200x64xf32, #tpu.memory_space<vmem>>, vector<1x16xf32>,
        %get3A_797 = vector.shape_cast %get3A_796 : vector<1x16xf32> to vector<16xf32>
        %mul3A_798 = arith.constant 8.000000e+00 : f32
        %mul3A_799 = vector.broadcast %mul3A_798 : f32 to vector<16xf32>
        %mul3A_800 = arith.mulf %get3A_797, %mul3A_799 : vector<16xf32>
        %get3A_801 = arith.index_cast %add3A_794 : i32 to index
        %get3A_802 = arith.constant 0 : index
        %get3A_803 = tpu.vector_load %arg6[%get3A_801, %get3A_802] {strides = array<i32>} : memref<200x64xf32, #tpu.memory_space<vmem>>, vector<1x16xf32>,
        %get3A_804 = vector.shape_cast %get3A_803 : vector<1x16xf32> to vector<16xf32>
        %add3A_805 = arith.addf %mul3A_800, %get3A_804 : vector<16xf32>
        %swap3A = arith.index_cast %add3A_794 : i32 to index
        %swap3A_806 = arith.constant 0 : index
        %swap3A_807 = tpu.vector_load %arg15[%swap3A, %swap3A_806] {strides = array<i32>} : memref<200x64xf32, #tpu.memory_space<vmem>>, vector<1x16xf32>,
        %swap3A_808 = vector.shape_cast %swap3A_807 : vector<1x16xf32> to vector<16xf32>
        %swap3A_809 = vector.shape_cast %add3A_805 : vector<16xf32> to vector<1x16xf32>
        tpu.vector_store %arg15[%swap3A, %swap3A_806], %swap3A_809 {strides = array<i32>} : memref<200x64xf32, #tpu.memory_space<vmem>>, vector<1x16xf32>,
        %get3A_810 = arith.index_cast %add3A_794 : i32 to index
        %get3A_811 = arith.constant 16 : index
        %get3A_812 = tpu.vector_load %arg11[%get3A_810, %get3A_811] {strides = array<i32>} : memref<200x64xf32, #tpu.memory_space<vmem>>, vector<1x16xf32>,
        %get3A_813 = vector.shape_cast %get3A_812 : vector<1x16xf32> to vector<16xf32>
        %mul3A_814 = arith.constant 8.000000e+00 : f32
        %mul3A_815 = vector.broadcast %mul3A_814 : f32 to vector<16xf32>
        %mul3A_816 = arith.mulf %get3A_813, %mul3A_815 : vector<16xf32>
        %get3A_817 = arith.index_cast %add3A_794 : i32 to index
        %get3A_818 = arith.constant 16 : index
        %get3A_819 = tpu.vector_load %arg6[%get3A_817, %get3A_818] {strides = array<i32>} : memref<200x64xf32, #tpu.memory_space<vmem>>, vector<1x16xf32>,
        %get3A_820 = vector.shape_cast %get3A_819 : vector<1x16xf32> to vector<16xf32>
        %add3A_821 = arith.addf %mul3A_816, %get3A_820 : vector<16xf32>
        %swap3A_822 = arith.index_cast %add3A_794 : i32 to index
        %swap3A_823 = arith.constant 16 : index
        %swap3A_824 = tpu.vector_load %arg15[%swap3A_822, %swap3A_823] {strides = array<i32>} : memref<200x64xf32, #tpu.memory_space<vmem>>, vector<1x16xf32>,
        %swap3A_825 = vector.shape_cast %swap3A_824 : vector<1x16xf32> to vector<16xf32>
        %swap3A_826 = vector.shape_cast %add3A_821 : vector<16xf32> to vector<1x16xf32>
        tpu.vector_store %arg15[%swap3A_822, %swap3A_823], %swap3A_826 {strides = array<i32>} : memref<200x64xf32, #tpu.memory_space<vmem>>, vector<1x16xf32>,
        %get3A_827 = arith.index_cast %add3A_794 : i32 to index
        %get3A_828 = arith.constant 32 : index
        %get3A_829 = tpu.vector_load %arg11[%get3A_827, %get3A_828] {strides = array<i32>} : memref<200x64xf32, #tpu.memory_space<vmem>>, vector<1x16xf32>,
        %get3A_830 = vector.shape_cast %get3A_829 : vector<1x16xf32> to vector<16xf32>
        %mul3A_831 = arith.constant 8.000000e+00 : f32
        %mul3A_832 = vector.broadcast %mul3A_831 : f32 to vector<16xf32>
        %mul3A_833 = arith.mulf %get3A_830, %mul3A_832 : vector<16xf32>
        %get3A_834 = arith.index_cast %add3A_794 : i32 to index
        %get3A_835 = arith.constant 32 : index
        %get3A_836 = tpu.vector_load %arg6[%get3A_834, %get3A_835] {strides = array<i32>} : memref<200x64xf32, #tpu.memory_space<vmem>>, vector<1x16xf32>,
        %get3A_837 = vector.shape_cast %get3A_836 : vector<1x16xf32> to vector<16xf32>
        %add3A_838 = arith.addf %mul3A_833, %get3A_837 : vector<16xf32>
        %swap3A_839 = arith.index_cast %add3A_794 : i32 to index
        %swap3A_840 = arith.constant 32 : index
        %swap3A_841 = tpu.vector_load %arg15[%swap3A_839, %swap3A_840] {strides = array<i32>} : memref<200x64xf32, #tpu.memory_space<vmem>>, vector<1x16xf32>,
        %swap3A_842 = vector.shape_cast %swap3A_841 : vector<1x16xf32> to vector<16xf32>
        %swap3A_843 = vector.shape_cast %add3A_838 : vector<16xf32> to vector<1x16xf32>
        tpu.vector_store %arg15[%swap3A_839, %swap3A_840], %swap3A_843 {strides = array<i32>} : memref<200x64xf32, #tpu.memory_space<vmem>>, vector<1x16xf32>,
        %get3A_844 = arith.index_cast %add3A_794 : i32 to index
        %get3A_845 = arith.constant 48 : index
        %get3A_846 = tpu.vector_load %arg11[%get3A_844, %get3A_845] {strides = array<i32>} : memref<200x64xf32, #tpu.memory_space<vmem>>, vector<1x16xf32>,
        %get3A_847 = vector.shape_cast %get3A_846 : vector<1x16xf32> to vector<16xf32>
        %mul3A_848 = arith.constant 8.000000e+00 : f32
        %mul3A_849 = vector.broadcast %mul3A_848 : f32 to vector<16xf32>
        %mul3A_850 = arith.mulf %get3A_847, %mul3A_849 : vector<16xf32>
        %get3A_851 = arith.index_cast %add3A_794 : i32 to index
        %get3A_852 = arith.constant 48 : index
        %get3A_853 = tpu.vector_load %arg6[%get3A_851, %get3A_852] {strides = array<i32>} : memref<200x64xf32, #tpu.memory_space<vmem>>, vector<1x16xf32>,
        %get3A_854 = vector.shape_cast %get3A_853 : vector<1x16xf32> to vector<16xf32>
        %add3A_855 = arith.addf %mul3A_850, %get3A_854 : vector<16xf32>
        %swap3A_856 = arith.index_cast %add3A_794 : i32 to index
        %swap3A_857 = arith.constant 48 : index
        %swap3A_858 = tpu.vector_load %arg15[%swap3A_856, %swap3A_857] {strides = array<i32>} : memref<200x64xf32, #tpu.memory_space<vmem>>, vector<1x16xf32>,
        %swap3A_859 = vector.shape_cast %swap3A_858 : vector<1x16xf32> to vector<16xf32>
        %swap3A_860 = vector.shape_cast %add3A_855 : vector<16xf32> to vector<1x16xf32>
        tpu.vector_store %arg15[%swap3A_856, %swap3A_857], %swap3A_860 {strides = array<i32>} : memref<200x64xf32, #tpu.memory_space<vmem>>, vector<1x16xf32>,
        %add3A_861 = arith.constant 1 : i32
        %add3A_862 = arith.addi %mul3A_792, %add3A_861 : i32
        %get3A_863 = arith.index_cast %add3A_862 : i32 to index
        %get3A_864 = arith.constant 0 : index
        %get3A_865 = tpu.vector_load %arg11[%get3A_863, %get3A_864] {strides = array<i32>} : memref<200x64xf32, #tpu.memory_space<vmem>>, vector<1x16xf32>,
        %get3A_866 = vector.shape_cast %get3A_865 : vector<1x16xf32> to vector<16xf32>
        %mul3A_867 = arith.constant 8.000000e+00 : f32
        %mul3A_868 = vector.broadcast %mul3A_867 : f32 to vector<16xf32>
        %mul3A_869 = arith.mulf %get3A_866, %mul3A_868 : vector<16xf32>
        %get3A_870 = arith.index_cast %add3A_862 : i32 to index
        %get3A_871 = arith.constant 0 : index
        %get3A_872 = tpu.vector_load %arg6[%get3A_870, %get3A_871] {strides = array<i32>} : memref<200x64xf32, #tpu.memory_space<vmem>>, vector<1x16xf32>,
        %get3A_873 = vector.shape_cast %get3A_872 : vector<1x16xf32> to vector<16xf32>
        %add3A_874 = arith.addf %mul3A_869, %get3A_873 : vector<16xf32>
        %swap3A_875 = arith.index_cast %add3A_862 : i32 to index
        %swap3A_876 = arith.constant 0 : index
        %swap3A_877 = tpu.vector_load %arg15[%swap3A_875, %swap3A_876] {strides = array<i32>} : memref<200x64xf32, #tpu.memory_space<vmem>>, vector<1x16xf32>,
        %swap3A_878 = vector.shape_cast %swap3A_877 : vector<1x16xf32> to vector<16xf32>
        %swap3A_879 = vector.shape_cast %add3A_874 : vector<16xf32> to vector<1x16xf32>
        tpu.vector_store %arg15[%swap3A_875, %swap3A_876], %swap3A_879 {strides = array<i32>} : memref<200x64xf32, #tpu.memory_space<vmem>>, vector<1x16xf32>,
        %get3A_880 = arith.index_cast %add3A_862 : i32 to index
        %get3A_881 = arith.constant 16 : index
        %get3A_882 = tpu.vector_load %arg11[%get3A_880, %get3A_881] {strides = array<i32>} : memref<200x64xf32, #tpu.memory_space<vmem>>, vector<1x16xf32>,
        %get3A_883 = vector.shape_cast %get3A_882 : vector<1x16xf32> to vector<16xf32>
        %mul3A_884 = arith.constant 8.000000e+00 : f32
        %mul3A_885 = vector.broadcast %mul3A_884 : f32 to vector<16xf32>
        %mul3A_886 = arith.mulf %get3A_883, %mul3A_885 : vector<16xf32>
        %get3A_887 = arith.index_cast %add3A_862 : i32 to index
        %get3A_888 = arith.constant 16 : index
        %get3A_889 = tpu.vector_load %arg6[%get3A_887, %get3A_888] {strides = array<i32>} : memref<200x64xf32, #tpu.memory_space<vmem>>, vector<1x16xf32>,
        %get3A_890 = vector.shape_cast %get3A_889 : vector<1x16xf32> to vector<16xf32>
        %add3A_891 = arith.addf %mul3A_886, %get3A_890 : vector<16xf32>
        %swap3A_892 = arith.index_cast %add3A_862 : i32 to index
        %swap3A_893 = arith.constant 16 : index
        %swap3A_894 = tpu.vector_load %arg15[%swap3A_892, %swap3A_893] {strides = array<i32>} : memref<200x64xf32, #tpu.memory_space<vmem>>, vector<1x16xf32>,
        %swap3A_895 = vector.shape_cast %swap3A_894 : vector<1x16xf32> to vector<16xf32>
        %swap3A_896 = vector.shape_cast %add3A_891 : vector<16xf32> to vector<1x16xf32>
        tpu.vector_store %arg15[%swap3A_892, %swap3A_893], %swap3A_896 {strides = array<i32>} : memref<200x64xf32, #tpu.memory_space<vmem>>, vector<1x16xf32>,
        %get3A_897 = arith.index_cast %add3A_862 : i32 to index
        %get3A_898 = arith.constant 32 : index
        %get3A_899 = tpu.vector_load %arg11[%get3A_897, %get3A_898] {strides = array<i32>} : memref<200x64xf32, #tpu.memory_space<vmem>>, vector<1x16xf32>,
        %get3A_900 = vector.shape_cast %get3A_899 : vector<1x16xf32> to vector<16xf32>
        %mul3A_901 = arith.constant 8.000000e+00 : f32
        %mul3A_902 = vector.broadcast %mul3A_901 : f32 to vector<16xf32>
        %mul3A_903 = arith.mulf %get3A_900, %mul3A_902 : vector<16xf32>
        %get3A_904 = arith.index_cast %add3A_862 : i32 to index
        %get3A_905 = arith.constant 32 : index
        %get3A_906 = tpu.vector_load %arg6[%get3A_904, %get3A_905] {strides = array<i32>} : memref<200x64xf32, #tpu.memory_space<vmem>>, vector<1x16xf32>,
        %get3A_907 = vector.shape_cast %get3A_906 : vector<1x16xf32> to vector<16xf32>
        %add3A_908 = arith.addf %mul3A_903, %get3A_907 : vector<16xf32>
        %swap3A_909 = arith.index_cast %add3A_862 : i32 to index
        %swap3A_910 = arith.constant 32 : index
        %swap3A_911 = tpu.vector_load %arg15[%swap3A_909, %swap3A_910] {strides = array<i32>} : memref<200x64xf32, #tpu.memory_space<vmem>>, vector<1x16xf32>,
        %swap3A_912 = vector.shape_cast %swap3A_911 : vector<1x16xf32> to vector<16xf32>
        %swap3A_913 = vector.shape_cast %add3A_908 : vector<16xf32> to vector<1x16xf32>
        tpu.vector_store %arg15[%swap3A_909, %swap3A_910], %swap3A_913 {strides = array<i32>} : memref<200x64xf32, #tpu.memory_space<vmem>>, vector<1x16xf32>,
        %get3A_914 = arith.index_cast %add3A_862 : i32 to index
        %get3A_915 = arith.constant 48 : index
        %get3A_916 = tpu.vector_load %arg11[%get3A_914, %get3A_915] {strides = array<i32>} : memref<200x64xf32, #tpu.memory_space<vmem>>, vector<1x16xf32>,
        %get3A_917 = vector.shape_cast %get3A_916 : vector<1x16xf32> to vector<16xf32>
        %mul3A_918 = arith.constant 8.000000e+00 : f32
        %mul3A_919 = vector.broadcast %mul3A_918 : f32 to vector<16xf32>
        %mul3A_920 = arith.mulf %get3A_917, %mul3A_919 : vector<16xf32>
        %get3A_921 = arith.index_cast %add3A_862 : i32 to index
        %get3A_922 = arith.constant 48 : index
        %get3A_923 = tpu.vector_load %arg6[%get3A_921, %get3A_922] {strides = array<i32>} : memref<200x64xf32, #tpu.memory_space<vmem>>, vector<1x16xf32>,
        %get3A_924 = vector.shape_cast %get3A_923 : vector<1x16xf32> to vector<16xf32>
        %add3A_925 = arith.addf %mul3A_920, %get3A_924 : vector<16xf32>
        %swap3A_926 = arith.index_cast %add3A_862 : i32 to index
        %swap3A_927 = arith.constant 48 : index
        %swap3A_928 = tpu.vector_load %arg15[%swap3A_926, %swap3A_927] {strides = array<i32>} : memref<200x64xf32, #tpu.memory_space<vmem>>, vector<1x16xf32>,
        %swap3A_929 = vector.shape_cast %swap3A_928 : vector<1x16xf32> to vector<16xf32>
        %swap3A_930 = vector.shape_cast %add3A_925 : vector<16xf32> to vector<1x16xf32>
        tpu.vector_store %arg15[%swap3A_926, %swap3A_927], %swap3A_930 {strides = array<i32>} : memref<200x64xf32, #tpu.memory_space<vmem>>, vector<1x16xf32>,
        %add3A_931 = arith.constant 2 : i32
        %add3A_932 = arith.addi %mul3A_792, %add3A_931 : i32
        %get3A_933 = arith.index_cast %add3A_932 : i32 to index
        %get3A_934 = arith.constant 0 : index
        %get3A_935 = tpu.vector_load %arg11[%get3A_933, %get3A_934] {strides = array<i32>} : memref<200x64xf32, #tpu.memory_space<vmem>>, vector<1x16xf32>,
        %get3A_936 = vector.shape_cast %get3A_935 : vector<1x16xf32> to vector<16xf32>
        %mul3A_937 = arith.constant 8.000000e+00 : f32
        %mul3A_938 = vector.broadcast %mul3A_937 : f32 to vector<16xf32>
        %mul3A_939 = arith.mulf %get3A_936, %mul3A_938 : vector<16xf32>
        %get3A_940 = arith.index_cast %add3A_932 : i32 to index
        %get3A_941 = arith.constant 0 : index
        %get3A_942 = tpu.vector_load %arg6[%get3A_940, %get3A_941] {strides = array<i32>} : memref<200x64xf32, #tpu.memory_space<vmem>>, vector<1x16xf32>,
        %get3A_943 = vector.shape_cast %get3A_942 : vector<1x16xf32> to vector<16xf32>
        %add3A_944 = arith.addf %mul3A_939, %get3A_943 : vector<16xf32>
        %swap3A_945 = arith.index_cast %add3A_932 : i32 to index
        %swap3A_946 = arith.constant 0 : index
        %swap3A_947 = tpu.vector_load %arg15[%swap3A_945, %swap3A_946] {strides = array<i32>} : memref<200x64xf32, #tpu.memory_space<vmem>>, vector<1x16xf32>,
        %swap3A_948 = vector.shape_cast %swap3A_947 : vector<1x16xf32> to vector<16xf32>
        %swap3A_949 = vector.shape_cast %add3A_944 : vector<16xf32> to vector<1x16xf32>
        tpu.vector_store %arg15[%swap3A_945, %swap3A_946], %swap3A_949 {strides = array<i32>} : memref<200x64xf32, #tpu.memory_space<vmem>>, vector<1x16xf32>,
        %get3A_950 = arith.index_cast %add3A_932 : i32 to index
        %get3A_951 = arith.constant 16 : index
        %get3A_952 = tpu.vector_load %arg11[%get3A_950, %get3A_951] {strides = array<i32>} : memref<200x64xf32, #tpu.memory_space<vmem>>, vector<1x16xf32>,
        %get3A_953 = vector.shape_cast %get3A_952 : vector<1x16xf32> to vector<16xf32>
        %mul3A_954 = arith.constant 8.000000e+00 : f32
        %mul3A_955 = vector.broadcast %mul3A_954 : f32 to vector<16xf32>
        %mul3A_956 = arith.mulf %get3A_953, %mul3A_955 : vector<16xf32>
        %get3A_957 = arith.index_cast %add3A_932 : i32 to index
        %get3A_958 = arith.constant 16 : index
        %get3A_959 = tpu.vector_load %arg6[%get3A_957, %get3A_958] {strides = array<i32>} : memref<200x64xf32, #tpu.memory_space<vmem>>, vector<1x16xf32>,
        %get3A_960 = vector.shape_cast %get3A_959 : vector<1x16xf32> to vector<16xf32>
        %add3A_961 = arith.addf %mul3A_956, %get3A_960 : vector<16xf32>
        %swap3A_962 = arith.index_cast %add3A_932 : i32 to index
        %swap3A_963 = arith.constant 16 : index
        %swap3A_964 = tpu.vector_load %arg15[%swap3A_962, %swap3A_963] {strides = array<i32>} : memref<200x64xf32, #tpu.memory_space<vmem>>, vector<1x16xf32>,
        %swap3A_965 = vector.shape_cast %swap3A_964 : vector<1x16xf32> to vector<16xf32>
        %swap3A_966 = vector.shape_cast %add3A_961 : vector<16xf32> to vector<1x16xf32>
        tpu.vector_store %arg15[%swap3A_962, %swap3A_963], %swap3A_966 {strides = array<i32>} : memref<200x64xf32, #tpu.memory_space<vmem>>, vector<1x16xf32>,
        %get3A_967 = arith.index_cast %add3A_932 : i32 to index
        %get3A_968 = arith.constant 32 : index
        %get3A_969 = tpu.vector_load %arg11[%get3A_967, %get3A_968] {strides = array<i32>} : memref<200x64xf32, #tpu.memory_space<vmem>>, vector<1x16xf32>,
        %get3A_970 = vector.shape_cast %get3A_969 : vector<1x16xf32> to vector<16xf32>
        %mul3A_971 = arith.constant 8.000000e+00 : f32
        %mul3A_972 = vector.broadcast %mul3A_971 : f32 to vector<16xf32>
        %mul3A_973 = arith.mulf %get3A_970, %mul3A_972 : vector<16xf32>
        %get3A_974 = arith.index_cast %add3A_932 : i32 to index
        %get3A_975 = arith.constant 32 : index
        %get3A_976 = tpu.vector_load %arg6[%get3A_974, %get3A_975] {strides = array<i32>} : memref<200x64xf32, #tpu.memory_space<vmem>>, vector<1x16xf32>,
        %get3A_977 = vector.shape_cast %get3A_976 : vector<1x16xf32> to vector<16xf32>
        %add3A_978 = arith.addf %mul3A_973, %get3A_977 : vector<16xf32>
        %swap3A_979 = arith.index_cast %add3A_932 : i32 to index
        %swap3A_980 = arith.constant 32 : index
        %swap3A_981 = tpu.vector_load %arg15[%swap3A_979, %swap3A_980] {strides = array<i32>} : memref<200x64xf32, #tpu.memory_space<vmem>>, vector<1x16xf32>,
        %swap3A_982 = vector.shape_cast %swap3A_981 : vector<1x16xf32> to vector<16xf32>
        %swap3A_983 = vector.shape_cast %add3A_978 : vector<16xf32> to vector<1x16xf32>
        tpu.vector_store %arg15[%swap3A_979, %swap3A_980], %swap3A_983 {strides = array<i32>} : memref<200x64xf32, #tpu.memory_space<vmem>>, vector<1x16xf32>,
        %get3A_984 = arith.index_cast %add3A_932 : i32 to index
        %get3A_985 = arith.constant 48 : index
        %get3A_986 = tpu.vector_load %arg11[%get3A_984, %get3A_985] {strides = array<i32>} : memref<200x64xf32, #tpu.memory_space<vmem>>, vector<1x16xf32>,
        %get3A_987 = vector.shape_cast %get3A_986 : vector<1x16xf32> to vector<16xf32>
        %mul3A_988 = arith.constant 8.000000e+00 : f32
        %mul3A_989 = vector.broadcast %mul3A_988 : f32 to vector<16xf32>
        %mul3A_990 = arith.mulf %get3A_987, %mul3A_989 : vector<16xf32>
        %get3A_991 = arith.index_cast %add3A_932 : i32 to index
        %get3A_992 = arith.constant 48 : index
        %get3A_993 = tpu.vector_load %arg6[%get3A_991, %get3A_992] {strides = array<i32>} : memref<200x64xf32, #tpu.memory_space<vmem>>, vector<1x16xf32>,
        %get3A_994 = vector.shape_cast %get3A_993 : vector<1x16xf32> to vector<16xf32>
        %add3A_995 = arith.addf %mul3A_990, %get3A_994 : vector<16xf32>
        %swap3A_996 = arith.index_cast %add3A_932 : i32 to index
        %swap3A_997 = arith.constant 48 : index
        %swap3A_998 = tpu.vector_load %arg15[%swap3A_996, %swap3A_997] {strides = array<i32>} : memref<200x64xf32, #tpu.memory_space<vmem>>, vector<1x16xf32>,
        %swap3A_999 = vector.shape_cast %swap3A_998 : vector<1x16xf32> to vector<16xf32>
        %swap3A_1000 = vector.shape_cast %add3A_995 : vector<16xf32> to vector<1x16xf32>
        tpu.vector_store %arg15[%swap3A_996, %swap3A_997], %swap3A_1000 {strides = array<i32>} : memref<200x64xf32, #tpu.memory_space<vmem>>, vector<1x16xf32>,
        %add3A_1001 = arith.constant 3 : i32
        %add3A_1002 = arith.addi %mul3A_792, %add3A_1001 : i32
        %get3A_1003 = arith.index_cast %add3A_1002 : i32 to index
        %get3A_1004 = arith.constant 0 : index
        %get3A_1005 = tpu.vector_load %arg11[%get3A_1003, %get3A_1004] {strides = array<i32>} : memref<200x64xf32, #tpu.memory_space<vmem>>, vector<1x16xf32>,
        %get3A_1006 = vector.shape_cast %get3A_1005 : vector<1x16xf32> to vector<16xf32>
        %mul3A_1007 = arith.constant 8.000000e+00 : f32
        %mul3A_1008 = vector.broadcast %mul3A_1007 : f32 to vector<16xf32>
        %mul3A_1009 = arith.mulf %get3A_1006, %mul3A_1008 : vector<16xf32>
        %get3A_1010 = arith.index_cast %add3A_1002 : i32 to index
        %get3A_1011 = arith.constant 0 : index
        %get3A_1012 = tpu.vector_load %arg6[%get3A_1010, %get3A_1011] {strides = array<i32>} : memref<200x64xf32, #tpu.memory_space<vmem>>, vector<1x16xf32>,
        %get3A_1013 = vector.shape_cast %get3A_1012 : vector<1x16xf32> to vector<16xf32>
        %add3A_1014 = arith.addf %mul3A_1009, %get3A_1013 : vector<16xf32>
        %swap3A_1015 = arith.index_cast %add3A_1002 : i32 to index
        %swap3A_1016 = arith.constant 0 : index
        %swap3A_1017 = tpu.vector_load %arg15[%swap3A_1015, %swap3A_1016] {strides = array<i32>} : memref<200x64xf32, #tpu.memory_space<vmem>>, vector<1x16xf32>,
        %swap3A_1018 = vector.shape_cast %swap3A_1017 : vector<1x16xf32> to vector<16xf32>
        %swap3A_1019 = vector.shape_cast %add3A_1014 : vector<16xf32> to vector<1x16xf32>
        tpu.vector_store %arg15[%swap3A_1015, %swap3A_1016], %swap3A_1019 {strides = array<i32>} : memref<200x64xf32, #tpu.memory_space<vmem>>, vector<1x16xf32>,
        %get3A_1020 = arith.index_cast %add3A_1002 : i32 to index
        %get3A_1021 = arith.constant 16 : index
        %get3A_1022 = tpu.vector_load %arg11[%get3A_1020, %get3A_1021] {strides = array<i32>} : memref<200x64xf32, #tpu.memory_space<vmem>>, vector<1x16xf32>,
        %get3A_1023 = vector.shape_cast %get3A_1022 : vector<1x16xf32> to vector<16xf32>
        %mul3A_1024 = arith.constant 8.000000e+00 : f32
        %mul3A_1025 = vector.broadcast %mul3A_1024 : f32 to vector<16xf32>
        %mul3A_1026 = arith.mulf %get3A_1023, %mul3A_1025 : vector<16xf32>
        %get3A_1027 = arith.index_cast %add3A_1002 : i32 to index
        %get3A_1028 = arith.constant 16 : index
        %get3A_1029 = tpu.vector_load %arg6[%get3A_1027, %get3A_1028] {strides = array<i32>} : memref<200x64xf32, #tpu.memory_space<vmem>>, vector<1x16xf32>,
        %get3A_1030 = vector.shape_cast %get3A_1029 : vector<1x16xf32> to vector<16xf32>
        %add3A_1031 = arith.addf %mul3A_1026, %get3A_1030 : vector<16xf32>
        %swap3A_1032 = arith.index_cast %add3A_1002 : i32 to index
        %swap3A_1033 = arith.constant 16 : index
        %swap3A_1034 = tpu.vector_load %arg15[%swap3A_1032, %swap3A_1033] {strides = array<i32>} : memref<200x64xf32, #tpu.memory_space<vmem>>, vector<1x16xf32>,
        %swap3A_1035 = vector.shape_cast %swap3A_1034 : vector<1x16xf32> to vector<16xf32>
        %swap3A_1036 = vector.shape_cast %add3A_1031 : vector<16xf32> to vector<1x16xf32>
        tpu.vector_store %arg15[%swap3A_1032, %swap3A_1033], %swap3A_1036 {strides = array<i32>} : memref<200x64xf32, #tpu.memory_space<vmem>>, vector<1x16xf32>,
        %get3A_1037 = arith.index_cast %add3A_1002 : i32 to index
        %get3A_1038 = arith.constant 32 : index
        %get3A_1039 = tpu.vector_load %arg11[%get3A_1037, %get3A_1038] {strides = array<i32>} : memref<200x64xf32, #tpu.memory_space<vmem>>, vector<1x16xf32>,
        %get3A_1040 = vector.shape_cast %get3A_1039 : vector<1x16xf32> to vector<16xf32>
        %mul3A_1041 = arith.constant 8.000000e+00 : f32
        %mul3A_1042 = vector.broadcast %mul3A_1041 : f32 to vector<16xf32>
        %mul3A_1043 = arith.mulf %get3A_1040, %mul3A_1042 : vector<16xf32>
        %get3A_1044 = arith.index_cast %add3A_1002 : i32 to index
        %get3A_1045 = arith.constant 32 : index
        %get3A_1046 = tpu.vector_load %arg6[%get3A_1044, %get3A_1045] {strides = array<i32>} : memref<200x64xf32, #tpu.memory_space<vmem>>, vector<1x16xf32>,
        %get3A_1047 = vector.shape_cast %get3A_1046 : vector<1x16xf32> to vector<16xf32>
        %add3A_1048 = arith.addf %mul3A_1043, %get3A_1047 : vector<16xf32>
        %swap3A_1049 = arith.index_cast %add3A_1002 : i32 to index
        %swap3A_1050 = arith.constant 32 : index
        %swap3A_1051 = tpu.vector_load %arg15[%swap3A_1049, %swap3A_1050] {strides = array<i32>} : memref<200x64xf32, #tpu.memory_space<vmem>>, vector<1x16xf32>,
        %swap3A_1052 = vector.shape_cast %swap3A_1051 : vector<1x16xf32> to vector<16xf32>
        %swap3A_1053 = vector.shape_cast %add3A_1048 : vector<16xf32> to vector<1x16xf32>
        tpu.vector_store %arg15[%swap3A_1049, %swap3A_1050], %swap3A_1053 {strides = array<i32>} : memref<200x64xf32, #tpu.memory_space<vmem>>, vector<1x16xf32>,
        %get3A_1054 = arith.index_cast %add3A_1002 : i32 to index
        %get3A_1055 = arith.constant 48 : index
        %get3A_1056 = tpu.vector_load %arg11[%get3A_1054, %get3A_1055] {strides = array<i32>} : memref<200x64xf32, #tpu.memory_space<vmem>>, vector<1x16xf32>,
        %get3A_1057 = vector.shape_cast %get3A_1056 : vector<1x16xf32> to vector<16xf32>
        %mul3A_1058 = arith.constant 8.000000e+00 : f32
        %mul3A_1059 = vector.broadcast %mul3A_1058 : f32 to vector<16xf32>
        %mul3A_1060 = arith.mulf %get3A_1057, %mul3A_1059 : vector<16xf32>
        %get3A_1061 = arith.index_cast %add3A_1002 : i32 to index
        %get3A_1062 = arith.constant 48 : index
        %get3A_1063 = tpu.vector_load %arg6[%get3A_1061, %get3A_1062] {strides = array<i32>} : memref<200x64xf32, #tpu.memory_space<vmem>>, vector<1x16xf32>,
        %get3A_1064 = vector.shape_cast %get3A_1063 : vector<1x16xf32> to vector<16xf32>
        %add3A_1065 = arith.addf %mul3A_1060, %get3A_1064 : vector<16xf32>
        %swap3A_1066 = arith.index_cast %add3A_1002 : i32 to index
        %swap3A_1067 = arith.constant 48 : index
        %swap3A_1068 = tpu.vector_load %arg15[%swap3A_1066, %swap3A_1067] {strides = array<i32>} : memref<200x64xf32, #tpu.memory_space<vmem>>, vector<1x16xf32>,
        %swap3A_1069 = vector.shape_cast %swap3A_1068 : vector<1x16xf32> to vector<16xf32>
        %swap3A_1070 = vector.shape_cast %add3A_1065 : vector<16xf32> to vector<1x16xf32>
        tpu.vector_store %arg15[%swap3A_1066, %swap3A_1067], %swap3A_1070 {strides = array<i32>} : memref<200x64xf32, #tpu.memory_space<vmem>>, vector<1x16xf32>,
      }
      %scan3A_530 = arith.constant 50 : i32
      %dma_wait3A_531 = arith.constant 0 : i32
      %dma_wait3A_532 = tpu.memref_slice %arg2[%mul3A_2, %dma_wait3A_531] : memref<4096x200xi32, #tpu.memory_space<hbm>> -> memref<1x200xi32, #tpu.memory_space<hbm>>
      %dma_wait3A_533 = tpu.memref_squeeze %dma_wait3A_532 : memref<1x200xi32, #tpu.memory_space<hbm>> -> memref<200xi32, #tpu.memory_space<hbm>>
      %dma_wait3A_534 = arith.constant 0 : i32
      %dma_wait3A_535 = tpu.memref_slice %arg2[%mul3A_2, %dma_wait3A_534] : memref<4096x200xi32, #tpu.memory_space<hbm>> -> memref<1x200xi32, #tpu.memory_space<hbm>>
      %dma_wait3A_536 = tpu.memref_squeeze %dma_wait3A_535 : memref<1x200xi32, #tpu.memory_space<hbm>> -> memref<200xi32, #tpu.memory_space<hbm>>
      tpu.wait_dma2 semaphore(%arg19 : memref<!tpu.dma_semaphore, #tpu.memory_space<semaphore_mem>>) src(%dma_wait3A_536 : memref<200xi32, #tpu.memory_space<hbm>>) dst(%arg7 : memref<200xi32, #tpu.memory_space<vmem>>)
      %dma_start3A_537 = arith.constant 0 : i32
      %dma_start3A_538 = arith.constant 0 : i32
      %dma_start3A_539 = tpu.memref_slice %arg11[%dma_start3A_537, %dma_start3A_538] : memref<200x64xf32, #tpu.memory_space<vmem>> -> memref<104x64xf32, #tpu.memory_space<vmem>>
      %dma_start3A_540 = arith.constant 0 : i32
      %dma_start3A_541 = tpu.memref_slice %arg7[%dma_start3A_540] : memref<200xi32, #tpu.memory_space<vmem>> -> memref<104xi32, #tpu.memory_space<vmem>>
      %dma_start3A_542 = arith.constant 0 : i32
      %dma_start3A_543 = arith.constant 0 : i32
      %dma_start3A_544 = tpu.memref_slice %arg3[%dma_start3A_542, %dma_start3A_543] : memref<100000x64xf32, #tpu.memory_space<hbm>> -> memref<100000x64xf32, #tpu.memory_space<hbm>>
      tpu.enqueue_indirect_dma source(%dma_start3A_544 : memref<100000x64xf32, #tpu.memory_space<hbm>>) target(%dma_start3A_539 : memref<104x64xf32, #tpu.memory_space<vmem>>) offsets(%dma_start3A_541 : memref<104xi32, #tpu.memory_space<vmem>>) semaphore(%arg23 : memref<!tpu.dma_semaphore, #tpu.memory_space<semaphore_mem>>)
      %dma_start3A_545 = arith.constant 104 : i32
      %dma_start3A_546 = arith.constant 0 : i32
      %dma_start3A_547 = tpu.memref_slice %arg11[%dma_start3A_545, %dma_start3A_546] : memref<200x64xf32, #tpu.memory_space<vmem>> -> memref<96x64xf32, #tpu.memory_space<vmem>>
      %dma_start3A_548 = arith.constant 104 : i32
      %dma_start3A_549 = tpu.memref_slice %arg7[%dma_start3A_548] : memref<200xi32, #tpu.memory_space<vmem>> -> memref<96xi32, #tpu.memory_space<vmem>>
      %dma_start3A_550 = arith.constant 0 : i32
      %dma_start3A_551 = arith.constant 0 : i32
      %dma_start3A_552 = tpu.memref_slice %arg3[%dma_start3A_550, %dma_start3A_551] : memref<100000x64xf32, #tpu.memory_space<hbm>> -> memref<100000x64xf32, #tpu.memory_space<hbm>>
      tpu.enqueue_indirect_dma source(%dma_start3A_552 : memref<100000x64xf32, #tpu.memory_space<hbm>>) target(%dma_start3A_547 : memref<96x64xf32, #tpu.memory_space<vmem>>) offsets(%dma_start3A_549 : memref<96xi32, #tpu.memory_space<vmem>>) semaphore(%arg23 : memref<!tpu.dma_semaphore, #tpu.memory_space<semaphore_mem>>)
      %add3A_553 = arith.addi %mul3A_2, %add3A_489 : i32
      %dma_start3A_554 = arith.constant 0 : i32
      %dma_start3A_555 = arith.constant 0 : i32
      %dma_start3A_556 = tpu.memref_slice %arg5[%add3A_553, %dma_start3A_554, %dma_start3A_555] : memref<4096x200x64xf32, #tpu.memory_space<hbm>> -> memref<1x200x64xf32, #tpu.memory_space<hbm>>
      %dma_start3A_557 = tpu.memref_squeeze %dma_start3A_556 : memref<1x200x64xf32, #tpu.memory_space<hbm>> -> memref<200x64xf32, #tpu.memory_space<hbm>>
      %dma_start3A_558 = arith.constant 0 : i32
      %dma_start3A_559 = arith.constant 0 : i32
      %dma_start3A_560 = tpu.memref_slice %arg5[%add3A_553, %dma_start3A_558, %dma_start3A_559] : memref<4096x200x64xf32, #tpu.memory_space<hbm>> -> memref<1x200x64xf32, #tpu.memory_space<hbm>>
      %dma_start3A_561 = tpu.memref_squeeze %dma_start3A_560 : memref<1x200x64xf32, #tpu.memory_space<hbm>> -> memref<200x64xf32, #tpu.memory_space<hbm>>
      tpu.enqueue_dma source(%arg15 : memref<200x64xf32, #tpu.memory_space<vmem>>) target(%dma_start3A_561 : memref<200x64xf32, #tpu.memory_space<hbm>>) target_semaphore(%arg27 : memref<!tpu.dma_semaphore, #tpu.memory_space<semaphore_mem>>)
      %mul3A_562 = arith.constant 4 : i32
      %mul3A_563 = arith.muli %mul3A_562, %scan3A_485 : i32
      %add3A_564 = arith.constant 1 : i32
      %add3A_565 = arith.addi %mul3A_563, %add3A_564 : i32
      %dma_wait3A_566 = arith.constant 0 : i32
      %dma_wait3A_567 = arith.constant 0 : i32
      %dma_wait3A_568 = tpu.memref_slice %arg12[%dma_wait3A_566, %dma_wait3A_567] : memref<200x64xf32, #tpu.memory_space<vmem>> -> memref<104x64xf32, #tpu.memory_space<vmem>>
      %dma_wait3A_569 = arith.constant 0 : i32
      %dma_wait3A_570 = tpu.memref_slice %arg8[%dma_wait3A_569] : memref<200xi32, #tpu.memory_space<vmem>> -> memref<104xi32, #tpu.memory_space<vmem>>
      %dma_wait3A_571 = arith.constant 0 : i32
      %dma_wait3A_572 = arith.constant 0 : i32
      %dma_wait3A_573 = tpu.memref_slice %arg3[%dma_wait3A_571, %dma_wait3A_572] : memref<100000x64xf32, #tpu.memory_space<hbm>> -> memref<100000x64xf32, #tpu.memory_space<hbm>>
      tpu.wait_indirect_dma semaphore(%arg24 : memref<!tpu.dma_semaphore, #tpu.memory_space<semaphore_mem>>) src(%dma_wait3A_573 : memref<100000x64xf32, #tpu.memory_space<hbm>>) dst(%dma_wait3A_568 : memref<104x64xf32, #tpu.memory_space<vmem>>)
      %dma_wait3A_574 = arith.constant 104 : i32
      %dma_wait3A_575 = arith.constant 0 : i32
      %dma_wait3A_576 = tpu.memref_slice %arg12[%dma_wait3A_574, %dma_wait3A_575] : memref<200x64xf32, #tpu.memory_space<vmem>> -> memref<96x64xf32, #tpu.memory_space<vmem>>
      %dma_wait3A_577 = arith.constant 104 : i32
      %dma_wait3A_578 = tpu.memref_slice %arg8[%dma_wait3A_577] : memref<200xi32, #tpu.memory_space<vmem>> -> memref<96xi32, #tpu.memory_space<vmem>>
      %dma_wait3A_579 = arith.constant 0 : i32
      %dma_wait3A_580 = arith.constant 0 : i32
      %dma_wait3A_581 = tpu.memref_slice %arg3[%dma_wait3A_579, %dma_wait3A_580] : memref<100000x64xf32, #tpu.memory_space<hbm>> -> memref<100000x64xf32, #tpu.memory_space<hbm>>
      tpu.wait_indirect_dma semaphore(%arg24 : memref<!tpu.dma_semaphore, #tpu.memory_space<semaphore_mem>>) src(%dma_wait3A_581 : memref<100000x64xf32, #tpu.memory_space<hbm>>) dst(%dma_wait3A_576 : memref<96x64xf32, #tpu.memory_space<vmem>>)
      %add3A_582 = arith.constant 4 : i32
      %add3A_583 = arith.addi %add3A_565, %add3A_582 : i32
      %rem3A_584 = arith.constant 128 : i32
      %rem3A_585 = arith.remsi %add3A_583, %rem3A_584 : i32
      %add3A_586 = arith.addi %mul3A_2, %rem3A_585 : i32
      %dma_start3A_587 = arith.constant 0 : i32
      %dma_start3A_588 = tpu.memref_slice %arg2[%add3A_586, %dma_start3A_587] : memref<4096x200xi32, #tpu.memory_space<hbm>> -> memref<1x200xi32, #tpu.memory_space<hbm>>
      %dma_start3A_589 = tpu.memref_squeeze %dma_start3A_588 : memref<1x200xi32, #tpu.memory_space<hbm>> -> memref<200xi32, #tpu.memory_space<hbm>>
      %dma_start3A_590 = arith.constant 0 : i32
      %dma_start3A_591 = tpu.memref_slice %arg2[%add3A_586, %dma_start3A_590] : memref<4096x200xi32, #tpu.memory_space<hbm>> -> memref<1x200xi32, #tpu.memory_space<hbm>>
      %dma_start3A_592 = tpu.memref_squeeze %dma_start3A_591 : memref<1x200xi32, #tpu.memory_space<hbm>> -> memref<200xi32, #tpu.memory_space<hbm>>
      tpu.enqueue_dma source(%dma_start3A_592 : memref<200xi32, #tpu.memory_space<hbm>>) target(%arg8 : memref<200xi32, #tpu.memory_space<vmem>>) target_semaphore(%arg20 : memref<!tpu.dma_semaphore, #tpu.memory_space<semaphore_mem>>)
      %dma_wait3A_593 = arith.constant 0 : i32
      %dma_wait3A_594 = arith.constant 0 : i32
      %dma_wait3A_595 = tpu.memref_slice %arg5[%mul3A_2, %dma_wait3A_593, %dma_wait3A_594] : memref<4096x200x64xf32, #tpu.memory_space<hbm>> -> memref<1x200x64xf32, #tpu.memory_space<hbm>>
      %dma_wait3A_596 = tpu.memref_squeeze %dma_wait3A_595 : memref<1x200x64xf32, #tpu.memory_space<hbm>> -> memref<200x64xf32, #tpu.memory_space<hbm>>
      %dma_wait3A_597 = arith.constant 0 : i32
      %dma_wait3A_598 = arith.constant 0 : i32
      %dma_wait3A_599 = tpu.memref_slice %arg5[%mul3A_2, %dma_wait3A_597, %dma_wait3A_598] : memref<4096x200x64xf32, #tpu.memory_space<hbm>> -> memref<1x200x64xf32, #tpu.memory_space<hbm>>
      %dma_wait3A_600 = tpu.memref_squeeze %dma_wait3A_599 : memref<1x200x64xf32, #tpu.memory_space<hbm>> -> memref<200x64xf32, #tpu.memory_space<hbm>>
      tpu.wait_dma2 semaphore(%arg28 : memref<!tpu.dma_semaphore, #tpu.memory_space<semaphore_mem>>) src(%arg16 : memref<200x64xf32, #tpu.memory_space<vmem>>) dst(%dma_wait3A_600 : memref<200x64xf32, #tpu.memory_space<hbm>>)
      %scan3A_601 = arith.constant 0 : i32
      %scan3A_602 = arith.constant 0 : i32
      %scan3A_603 = arith.constant 50 : i32
      %scan3A_604 = arith.addi %scan3A_602, %scan3A_603 : i32
      %scan3A_605 = arith.constant 1 : i32
      scf.for %scan3A_790 = %scan3A_602 to %scan3A_604 step %scan3A_605  : i32 {
        %mul3A_791 = arith.constant 4 : i32
        %mul3A_792 = arith.muli %scan3A_790, %mul3A_791 : i32
        %add3A_793 = arith.constant 0 : i32
        %add3A_794 = arith.addi %mul3A_792, %add3A_793 : i32
        %get3A = arith.index_cast %add3A_794 : i32 to index
        %get3A_795 = arith.constant 0 : index
        %get3A_796 = tpu.vector_load %arg12[%get3A, %get3A_795] {strides = array<i32>} : memref<200x64xf32, #tpu.memory_space<vmem>>, vector<1x16xf32>,
        %get3A_797 = vector.shape_cast %get3A_796 : vector<1x16xf32> to vector<16xf32>
        %mul3A_798 = arith.constant 8.000000e+00 : f32
        %mul3A_799 = vector.broadcast %mul3A_798 : f32 to vector<16xf32>
        %mul3A_800 = arith.mulf %get3A_797, %mul3A_799 : vector<16xf32>
        %get3A_801 = arith.index_cast %add3A_794 : i32 to index
        %get3A_802 = arith.constant 0 : index
        %get3A_803 = tpu.vector_load %arg6[%get3A_801, %get3A_802] {strides = array<i32>} : memref<200x64xf32, #tpu.memory_space<vmem>>, vector<1x16xf32>,
        %get3A_804 = vector.shape_cast %get3A_803 : vector<1x16xf32> to vector<16xf32>
        %add3A_805 = arith.addf %mul3A_800, %get3A_804 : vector<16xf32>
        %swap3A = arith.index_cast %add3A_794 : i32 to index
        %swap3A_806 = arith.constant 0 : index
        %swap3A_807 = tpu.vector_load %arg16[%swap3A, %swap3A_806] {strides = array<i32>} : memref<200x64xf32, #tpu.memory_space<vmem>>, vector<1x16xf32>,
        %swap3A_808 = vector.shape_cast %swap3A_807 : vector<1x16xf32> to vector<16xf32>
        %swap3A_809 = vector.shape_cast %add3A_805 : vector<16xf32> to vector<1x16xf32>
        tpu.vector_store %arg16[%swap3A, %swap3A_806], %swap3A_809 {strides = array<i32>} : memref<200x64xf32, #tpu.memory_space<vmem>>, vector<1x16xf32>,
        %get3A_810 = arith.index_cast %add3A_794 : i32 to index
        %get3A_811 = arith.constant 16 : index
        %get3A_812 = tpu.vector_load %arg12[%get3A_810, %get3A_811] {strides = array<i32>} : memref<200x64xf32, #tpu.memory_space<vmem>>, vector<1x16xf32>,
        %get3A_813 = vector.shape_cast %get3A_812 : vector<1x16xf32> to vector<16xf32>
        %mul3A_814 = arith.constant 8.000000e+00 : f32
        %mul3A_815 = vector.broadcast %mul3A_814 : f32 to vector<16xf32>
        %mul3A_816 = arith.mulf %get3A_813, %mul3A_815 : vector<16xf32>
        %get3A_817 = arith.index_cast %add3A_794 : i32 to index
        %get3A_818 = arith.constant 16 : index
        %get3A_819 = tpu.vector_load %arg6[%get3A_817, %get3A_818] {strides = array<i32>} : memref<200x64xf32, #tpu.memory_space<vmem>>, vector<1x16xf32>,
        %get3A_820 = vector.shape_cast %get3A_819 : vector<1x16xf32> to vector<16xf32>
        %add3A_821 = arith.addf %mul3A_816, %get3A_820 : vector<16xf32>
        %swap3A_822 = arith.index_cast %add3A_794 : i32 to index
        %swap3A_823 = arith.constant 16 : index
        %swap3A_824 = tpu.vector_load %arg16[%swap3A_822, %swap3A_823] {strides = array<i32>} : memref<200x64xf32, #tpu.memory_space<vmem>>, vector<1x16xf32>,
        %swap3A_825 = vector.shape_cast %swap3A_824 : vector<1x16xf32> to vector<16xf32>
        %swap3A_826 = vector.shape_cast %add3A_821 : vector<16xf32> to vector<1x16xf32>
        tpu.vector_store %arg16[%swap3A_822, %swap3A_823], %swap3A_826 {strides = array<i32>} : memref<200x64xf32, #tpu.memory_space<vmem>>, vector<1x16xf32>,
        %get3A_827 = arith.index_cast %add3A_794 : i32 to index
        %get3A_828 = arith.constant 32 : index
        %get3A_829 = tpu.vector_load %arg12[%get3A_827, %get3A_828] {strides = array<i32>} : memref<200x64xf32, #tpu.memory_space<vmem>>, vector<1x16xf32>,
        %get3A_830 = vector.shape_cast %get3A_829 : vector<1x16xf32> to vector<16xf32>
        %mul3A_831 = arith.constant 8.000000e+00 : f32
        %mul3A_832 = vector.broadcast %mul3A_831 : f32 to vector<16xf32>
        %mul3A_833 = arith.mulf %get3A_830, %mul3A_832 : vector<16xf32>
        %get3A_834 = arith.index_cast %add3A_794 : i32 to index
        %get3A_835 = arith.constant 32 : index
        %get3A_836 = tpu.vector_load %arg6[%get3A_834, %get3A_835] {strides = array<i32>} : memref<200x64xf32, #tpu.memory_space<vmem>>, vector<1x16xf32>,
        %get3A_837 = vector.shape_cast %get3A_836 : vector<1x16xf32> to vector<16xf32>
        %add3A_838 = arith.addf %mul3A_833, %get3A_837 : vector<16xf32>
        %swap3A_839 = arith.index_cast %add3A_794 : i32 to index
        %swap3A_840 = arith.constant 32 : index
        %swap3A_841 = tpu.vector_load %arg16[%swap3A_839, %swap3A_840] {strides = array<i32>} : memref<200x64xf32, #tpu.memory_space<vmem>>, vector<1x16xf32>,
        %swap3A_842 = vector.shape_cast %swap3A_841 : vector<1x16xf32> to vector<16xf32>
        %swap3A_843 = vector.shape_cast %add3A_838 : vector<16xf32> to vector<1x16xf32>
        tpu.vector_store %arg16[%swap3A_839, %swap3A_840], %swap3A_843 {strides = array<i32>} : memref<200x64xf32, #tpu.memory_space<vmem>>, vector<1x16xf32>,
        %get3A_844 = arith.index_cast %add3A_794 : i32 to index
        %get3A_845 = arith.constant 48 : index
        %get3A_846 = tpu.vector_load %arg12[%get3A_844, %get3A_845] {strides = array<i32>} : memref<200x64xf32, #tpu.memory_space<vmem>>, vector<1x16xf32>,
        %get3A_847 = vector.shape_cast %get3A_846 : vector<1x16xf32> to vector<16xf32>
        %mul3A_848 = arith.constant 8.000000e+00 : f32
        %mul3A_849 = vector.broadcast %mul3A_848 : f32 to vector<16xf32>
        %mul3A_850 = arith.mulf %get3A_847, %mul3A_849 : vector<16xf32>
        %get3A_851 = arith.index_cast %add3A_794 : i32 to index
        %get3A_852 = arith.constant 48 : index
        %get3A_853 = tpu.vector_load %arg6[%get3A_851, %get3A_852] {strides = array<i32>} : memref<200x64xf32, #tpu.memory_space<vmem>>, vector<1x16xf32>,
        %get3A_854 = vector.shape_cast %get3A_853 : vector<1x16xf32> to vector<16xf32>
        %add3A_855 = arith.addf %mul3A_850, %get3A_854 : vector<16xf32>
        %swap3A_856 = arith.index_cast %add3A_794 : i32 to index
        %swap3A_857 = arith.constant 48 : index
        %swap3A_858 = tpu.vector_load %arg16[%swap3A_856, %swap3A_857] {strides = array<i32>} : memref<200x64xf32, #tpu.memory_space<vmem>>, vector<1x16xf32>,
        %swap3A_859 = vector.shape_cast %swap3A_858 : vector<1x16xf32> to vector<16xf32>
        %swap3A_860 = vector.shape_cast %add3A_855 : vector<16xf32> to vector<1x16xf32>
        tpu.vector_store %arg16[%swap3A_856, %swap3A_857], %swap3A_860 {strides = array<i32>} : memref<200x64xf32, #tpu.memory_space<vmem>>, vector<1x16xf32>,
        %add3A_861 = arith.constant 1 : i32
        %add3A_862 = arith.addi %mul3A_792, %add3A_861 : i32
        %get3A_863 = arith.index_cast %add3A_862 : i32 to index
        %get3A_864 = arith.constant 0 : index
        %get3A_865 = tpu.vector_load %arg12[%get3A_863, %get3A_864] {strides = array<i32>} : memref<200x64xf32, #tpu.memory_space<vmem>>, vector<1x16xf32>,
        %get3A_866 = vector.shape_cast %get3A_865 : vector<1x16xf32> to vector<16xf32>
        %mul3A_867 = arith.constant 8.000000e+00 : f32
        %mul3A_868 = vector.broadcast %mul3A_867 : f32 to vector<16xf32>
        %mul3A_869 = arith.mulf %get3A_866, %mul3A_868 : vector<16xf32>
        %get3A_870 = arith.index_cast %add3A_862 : i32 to index
        %get3A_871 = arith.constant 0 : index
        %get3A_872 = tpu.vector_load %arg6[%get3A_870, %get3A_871] {strides = array<i32>} : memref<200x64xf32, #tpu.memory_space<vmem>>, vector<1x16xf32>,
        %get3A_873 = vector.shape_cast %get3A_872 : vector<1x16xf32> to vector<16xf32>
        %add3A_874 = arith.addf %mul3A_869, %get3A_873 : vector<16xf32>
        %swap3A_875 = arith.index_cast %add3A_862 : i32 to index
        %swap3A_876 = arith.constant 0 : index
        %swap3A_877 = tpu.vector_load %arg16[%swap3A_875, %swap3A_876] {strides = array<i32>} : memref<200x64xf32, #tpu.memory_space<vmem>>, vector<1x16xf32>,
        %swap3A_878 = vector.shape_cast %swap3A_877 : vector<1x16xf32> to vector<16xf32>
        %swap3A_879 = vector.shape_cast %add3A_874 : vector<16xf32> to vector<1x16xf32>
        tpu.vector_store %arg16[%swap3A_875, %swap3A_876], %swap3A_879 {strides = array<i32>} : memref<200x64xf32, #tpu.memory_space<vmem>>, vector<1x16xf32>,
        %get3A_880 = arith.index_cast %add3A_862 : i32 to index
        %get3A_881 = arith.constant 16 : index
        %get3A_882 = tpu.vector_load %arg12[%get3A_880, %get3A_881] {strides = array<i32>} : memref<200x64xf32, #tpu.memory_space<vmem>>, vector<1x16xf32>,
        %get3A_883 = vector.shape_cast %get3A_882 : vector<1x16xf32> to vector<16xf32>
        %mul3A_884 = arith.constant 8.000000e+00 : f32
        %mul3A_885 = vector.broadcast %mul3A_884 : f32 to vector<16xf32>
        %mul3A_886 = arith.mulf %get3A_883, %mul3A_885 : vector<16xf32>
        %get3A_887 = arith.index_cast %add3A_862 : i32 to index
        %get3A_888 = arith.constant 16 : index
        %get3A_889 = tpu.vector_load %arg6[%get3A_887, %get3A_888] {strides = array<i32>} : memref<200x64xf32, #tpu.memory_space<vmem>>, vector<1x16xf32>,
        %get3A_890 = vector.shape_cast %get3A_889 : vector<1x16xf32> to vector<16xf32>
        %add3A_891 = arith.addf %mul3A_886, %get3A_890 : vector<16xf32>
        %swap3A_892 = arith.index_cast %add3A_862 : i32 to index
        %swap3A_893 = arith.constant 16 : index
        %swap3A_894 = tpu.vector_load %arg16[%swap3A_892, %swap3A_893] {strides = array<i32>} : memref<200x64xf32, #tpu.memory_space<vmem>>, vector<1x16xf32>,
        %swap3A_895 = vector.shape_cast %swap3A_894 : vector<1x16xf32> to vector<16xf32>
        %swap3A_896 = vector.shape_cast %add3A_891 : vector<16xf32> to vector<1x16xf32>
        tpu.vector_store %arg16[%swap3A_892, %swap3A_893], %swap3A_896 {strides = array<i32>} : memref<200x64xf32, #tpu.memory_space<vmem>>, vector<1x16xf32>,
        %get3A_897 = arith.index_cast %add3A_862 : i32 to index
        %get3A_898 = arith.constant 32 : index
        %get3A_899 = tpu.vector_load %arg12[%get3A_897, %get3A_898] {strides = array<i32>} : memref<200x64xf32, #tpu.memory_space<vmem>>, vector<1x16xf32>,
        %get3A_900 = vector.shape_cast %get3A_899 : vector<1x16xf32> to vector<16xf32>
        %mul3A_901 = arith.constant 8.000000e+00 : f32
        %mul3A_902 = vector.broadcast %mul3A_901 : f32 to vector<16xf32>
        %mul3A_903 = arith.mulf %get3A_900, %mul3A_902 : vector<16xf32>
        %get3A_904 = arith.index_cast %add3A_862 : i32 to index
        %get3A_905 = arith.constant 32 : index
        %get3A_906 = tpu.vector_load %arg6[%get3A_904, %get3A_905] {strides = array<i32>} : memref<200x64xf32, #tpu.memory_space<vmem>>, vector<1x16xf32>,
        %get3A_907 = vector.shape_cast %get3A_906 : vector<1x16xf32> to vector<16xf32>
        %add3A_908 = arith.addf %mul3A_903, %get3A_907 : vector<16xf32>
        %swap3A_909 = arith.index_cast %add3A_862 : i32 to index
        %swap3A_910 = arith.constant 32 : index
        %swap3A_911 = tpu.vector_load %arg16[%swap3A_909, %swap3A_910] {strides = array<i32>} : memref<200x64xf32, #tpu.memory_space<vmem>>, vector<1x16xf32>,
        %swap3A_912 = vector.shape_cast %swap3A_911 : vector<1x16xf32> to vector<16xf32>
        %swap3A_913 = vector.shape_cast %add3A_908 : vector<16xf32> to vector<1x16xf32>
        tpu.vector_store %arg16[%swap3A_909, %swap3A_910], %swap3A_913 {strides = array<i32>} : memref<200x64xf32, #tpu.memory_space<vmem>>, vector<1x16xf32>,
        %get3A_914 = arith.index_cast %add3A_862 : i32 to index
        %get3A_915 = arith.constant 48 : index
        %get3A_916 = tpu.vector_load %arg12[%get3A_914, %get3A_915] {strides = array<i32>} : memref<200x64xf32, #tpu.memory_space<vmem>>, vector<1x16xf32>,
        %get3A_917 = vector.shape_cast %get3A_916 : vector<1x16xf32> to vector<16xf32>
        %mul3A_918 = arith.constant 8.000000e+00 : f32
        %mul3A_919 = vector.broadcast %mul3A_918 : f32 to vector<16xf32>
        %mul3A_920 = arith.mulf %get3A_917, %mul3A_919 : vector<16xf32>
        %get3A_921 = arith.index_cast %add3A_862 : i32 to index
        %get3A_922 = arith.constant 48 : index
        %get3A_923 = tpu.vector_load %arg6[%get3A_921, %get3A_922] {strides = array<i32>} : memref<200x64xf32, #tpu.memory_space<vmem>>, vector<1x16xf32>,
        %get3A_924 = vector.shape_cast %get3A_923 : vector<1x16xf32> to vector<16xf32>
        %add3A_925 = arith.addf %mul3A_920, %get3A_924 : vector<16xf32>
        %swap3A_926 = arith.index_cast %add3A_862 : i32 to index
        %swap3A_927 = arith.constant 48 : index
        %swap3A_928 = tpu.vector_load %arg16[%swap3A_926, %swap3A_927] {strides = array<i32>} : memref<200x64xf32, #tpu.memory_space<vmem>>, vector<1x16xf32>,
        %swap3A_929 = vector.shape_cast %swap3A_928 : vector<1x16xf32> to vector<16xf32>
        %swap3A_930 = vector.shape_cast %add3A_925 : vector<16xf32> to vector<1x16xf32>
        tpu.vector_store %arg16[%swap3A_926, %swap3A_927], %swap3A_930 {strides = array<i32>} : memref<200x64xf32, #tpu.memory_space<vmem>>, vector<1x16xf32>,
        %add3A_931 = arith.constant 2 : i32
        %add3A_932 = arith.addi %mul3A_792, %add3A_931 : i32
        %get3A_933 = arith.index_cast %add3A_932 : i32 to index
        %get3A_934 = arith.constant 0 : index
        %get3A_935 = tpu.vector_load %arg12[%get3A_933, %get3A_934] {strides = array<i32>} : memref<200x64xf32, #tpu.memory_space<vmem>>, vector<1x16xf32>,
        %get3A_936 = vector.shape_cast %get3A_935 : vector<1x16xf32> to vector<16xf32>
        %mul3A_937 = arith.constant 8.000000e+00 : f32
        %mul3A_938 = vector.broadcast %mul3A_937 : f32 to vector<16xf32>
        %mul3A_939 = arith.mulf %get3A_936, %mul3A_938 : vector<16xf32>
        %get3A_940 = arith.index_cast %add3A_932 : i32 to index
        %get3A_941 = arith.constant 0 : index
        %get3A_942 = tpu.vector_load %arg6[%get3A_940, %get3A_941] {strides = array<i32>} : memref<200x64xf32, #tpu.memory_space<vmem>>, vector<1x16xf32>,
        %get3A_943 = vector.shape_cast %get3A_942 : vector<1x16xf32> to vector<16xf32>
        %add3A_944 = arith.addf %mul3A_939, %get3A_943 : vector<16xf32>
        %swap3A_945 = arith.index_cast %add3A_932 : i32 to index
        %swap3A_946 = arith.constant 0 : index
        %swap3A_947 = tpu.vector_load %arg16[%swap3A_945, %swap3A_946] {strides = array<i32>} : memref<200x64xf32, #tpu.memory_space<vmem>>, vector<1x16xf32>,
        %swap3A_948 = vector.shape_cast %swap3A_947 : vector<1x16xf32> to vector<16xf32>
        %swap3A_949 = vector.shape_cast %add3A_944 : vector<16xf32> to vector<1x16xf32>
        tpu.vector_store %arg16[%swap3A_945, %swap3A_946], %swap3A_949 {strides = array<i32>} : memref<200x64xf32, #tpu.memory_space<vmem>>, vector<1x16xf32>,
        %get3A_950 = arith.index_cast %add3A_932 : i32 to index
        %get3A_951 = arith.constant 16 : index
        %get3A_952 = tpu.vector_load %arg12[%get3A_950, %get3A_951] {strides = array<i32>} : memref<200x64xf32, #tpu.memory_space<vmem>>, vector<1x16xf32>,
        %get3A_953 = vector.shape_cast %get3A_952 : vector<1x16xf32> to vector<16xf32>
        %mul3A_954 = arith.constant 8.000000e+00 : f32
        %mul3A_955 = vector.broadcast %mul3A_954 : f32 to vector<16xf32>
        %mul3A_956 = arith.mulf %get3A_953, %mul3A_955 : vector<16xf32>
        %get3A_957 = arith.index_cast %add3A_932 : i32 to index
        %get3A_958 = arith.constant 16 : index
        %get3A_959 = tpu.vector_load %arg6[%get3A_957, %get3A_958] {strides = array<i32>} : memref<200x64xf32, #tpu.memory_space<vmem>>, vector<1x16xf32>,
        %get3A_960 = vector.shape_cast %get3A_959 : vector<1x16xf32> to vector<16xf32>
        %add3A_961 = arith.addf %mul3A_956, %get3A_960 : vector<16xf32>
        %swap3A_962 = arith.index_cast %add3A_932 : i32 to index
        %swap3A_963 = arith.constant 16 : index
        %swap3A_964 = tpu.vector_load %arg16[%swap3A_962, %swap3A_963] {strides = array<i32>} : memref<200x64xf32, #tpu.memory_space<vmem>>, vector<1x16xf32>,
        %swap3A_965 = vector.shape_cast %swap3A_964 : vector<1x16xf32> to vector<16xf32>
        %swap3A_966 = vector.shape_cast %add3A_961 : vector<16xf32> to vector<1x16xf32>
        tpu.vector_store %arg16[%swap3A_962, %swap3A_963], %swap3A_966 {strides = array<i32>} : memref<200x64xf32, #tpu.memory_space<vmem>>, vector<1x16xf32>,
        %get3A_967 = arith.index_cast %add3A_932 : i32 to index
        %get3A_968 = arith.constant 32 : index
        %get3A_969 = tpu.vector_load %arg12[%get3A_967, %get3A_968] {strides = array<i32>} : memref<200x64xf32, #tpu.memory_space<vmem>>, vector<1x16xf32>,
        %get3A_970 = vector.shape_cast %get3A_969 : vector<1x16xf32> to vector<16xf32>
        %mul3A_971 = arith.constant 8.000000e+00 : f32
        %mul3A_972 = vector.broadcast %mul3A_971 : f32 to vector<16xf32>
        %mul3A_973 = arith.mulf %get3A_970, %mul3A_972 : vector<16xf32>
        %get3A_974 = arith.index_cast %add3A_932 : i32 to index
        %get3A_975 = arith.constant 32 : index
        %get3A_976 = tpu.vector_load %arg6[%get3A_974, %get3A_975] {strides = array<i32>} : memref<200x64xf32, #tpu.memory_space<vmem>>, vector<1x16xf32>,
        %get3A_977 = vector.shape_cast %get3A_976 : vector<1x16xf32> to vector<16xf32>
        %add3A_978 = arith.addf %mul3A_973, %get3A_977 : vector<16xf32>
        %swap3A_979 = arith.index_cast %add3A_932 : i32 to index
        %swap3A_980 = arith.constant 32 : index
        %swap3A_981 = tpu.vector_load %arg16[%swap3A_979, %swap3A_980] {strides = array<i32>} : memref<200x64xf32, #tpu.memory_space<vmem>>, vector<1x16xf32>,
        %swap3A_982 = vector.shape_cast %swap3A_981 : vector<1x16xf32> to vector<16xf32>
        %swap3A_983 = vector.shape_cast %add3A_978 : vector<16xf32> to vector<1x16xf32>
        tpu.vector_store %arg16[%swap3A_979, %swap3A_980], %swap3A_983 {strides = array<i32>} : memref<200x64xf32, #tpu.memory_space<vmem>>, vector<1x16xf32>,
        %get3A_984 = arith.index_cast %add3A_932 : i32 to index
        %get3A_985 = arith.constant 48 : index
        %get3A_986 = tpu.vector_load %arg12[%get3A_984, %get3A_985] {strides = array<i32>} : memref<200x64xf32, #tpu.memory_space<vmem>>, vector<1x16xf32>,
        %get3A_987 = vector.shape_cast %get3A_986 : vector<1x16xf32> to vector<16xf32>
        %mul3A_988 = arith.constant 8.000000e+00 : f32
        %mul3A_989 = vector.broadcast %mul3A_988 : f32 to vector<16xf32>
        %mul3A_990 = arith.mulf %get3A_987, %mul3A_989 : vector<16xf32>
        %get3A_991 = arith.index_cast %add3A_932 : i32 to index
        %get3A_992 = arith.constant 48 : index
        %get3A_993 = tpu.vector_load %arg6[%get3A_991, %get3A_992] {strides = array<i32>} : memref<200x64xf32, #tpu.memory_space<vmem>>, vector<1x16xf32>,
        %get3A_994 = vector.shape_cast %get3A_993 : vector<1x16xf32> to vector<16xf32>
        %add3A_995 = arith.addf %mul3A_990, %get3A_994 : vector<16xf32>
        %swap3A_996 = arith.index_cast %add3A_932 : i32 to index
        %swap3A_997 = arith.constant 48 : index
        %swap3A_998 = tpu.vector_load %arg16[%swap3A_996, %swap3A_997] {strides = array<i32>} : memref<200x64xf32, #tpu.memory_space<vmem>>, vector<1x16xf32>,
        %swap3A_999 = vector.shape_cast %swap3A_998 : vector<1x16xf32> to vector<16xf32>
        %swap3A_1000 = vector.shape_cast %add3A_995 : vector<16xf32> to vector<1x16xf32>
        tpu.vector_store %arg16[%swap3A_996, %swap3A_997], %swap3A_1000 {strides = array<i32>} : memref<200x64xf32, #tpu.memory_space<vmem>>, vector<1x16xf32>,
        %add3A_1001 = arith.constant 3 : i32
        %add3A_1002 = arith.addi %mul3A_792, %add3A_1001 : i32
        %get3A_1003 = arith.index_cast %add3A_1002 : i32 to index
        %get3A_1004 = arith.constant 0 : index
        %get3A_1005 = tpu.vector_load %arg12[%get3A_1003, %get3A_1004] {strides = array<i32>} : memref<200x64xf32, #tpu.memory_space<vmem>>, vector<1x16xf32>,
        %get3A_1006 = vector.shape_cast %get3A_1005 : vector<1x16xf32> to vector<16xf32>
        %mul3A_1007 = arith.constant 8.000000e+00 : f32
        %mul3A_1008 = vector.broadcast %mul3A_1007 : f32 to vector<16xf32>
        %mul3A_1009 = arith.mulf %get3A_1006, %mul3A_1008 : vector<16xf32>
        %get3A_1010 = arith.index_cast %add3A_1002 : i32 to index
        %get3A_1011 = arith.constant 0 : index
        %get3A_1012 = tpu.vector_load %arg6[%get3A_1010, %get3A_1011] {strides = array<i32>} : memref<200x64xf32, #tpu.memory_space<vmem>>, vector<1x16xf32>,
        %get3A_1013 = vector.shape_cast %get3A_1012 : vector<1x16xf32> to vector<16xf32>
        %add3A_1014 = arith.addf %mul3A_1009, %get3A_1013 : vector<16xf32>
        %swap3A_1015 = arith.index_cast %add3A_1002 : i32 to index
        %swap3A_1016 = arith.constant 0 : index
        %swap3A_1017 = tpu.vector_load %arg16[%swap3A_1015, %swap3A_1016] {strides = array<i32>} : memref<200x64xf32, #tpu.memory_space<vmem>>, vector<1x16xf32>,
        %swap3A_1018 = vector.shape_cast %swap3A_1017 : vector<1x16xf32> to vector<16xf32>
        %swap3A_1019 = vector.shape_cast %add3A_1014 : vector<16xf32> to vector<1x16xf32>
        tpu.vector_store %arg16[%swap3A_1015, %swap3A_1016], %swap3A_1019 {strides = array<i32>} : memref<200x64xf32, #tpu.memory_space<vmem>>, vector<1x16xf32>,
        %get3A_1020 = arith.index_cast %add3A_1002 : i32 to index
        %get3A_1021 = arith.constant 16 : index
        %get3A_1022 = tpu.vector_load %arg12[%get3A_1020, %get3A_1021] {strides = array<i32>} : memref<200x64xf32, #tpu.memory_space<vmem>>, vector<1x16xf32>,
        %get3A_1023 = vector.shape_cast %get3A_1022 : vector<1x16xf32> to vector<16xf32>
        %mul3A_1024 = arith.constant 8.000000e+00 : f32
        %mul3A_1025 = vector.broadcast %mul3A_1024 : f32 to vector<16xf32>
        %mul3A_1026 = arith.mulf %get3A_1023, %mul3A_1025 : vector<16xf32>
        %get3A_1027 = arith.index_cast %add3A_1002 : i32 to index
        %get3A_1028 = arith.constant 16 : index
        %get3A_1029 = tpu.vector_load %arg6[%get3A_1027, %get3A_1028] {strides = array<i32>} : memref<200x64xf32, #tpu.memory_space<vmem>>, vector<1x16xf32>,
        %get3A_1030 = vector.shape_cast %get3A_1029 : vector<1x16xf32> to vector<16xf32>
        %add3A_1031 = arith.addf %mul3A_1026, %get3A_1030 : vector<16xf32>
        %swap3A_1032 = arith.index_cast %add3A_1002 : i32 to index
        %swap3A_1033 = arith.constant 16 : index
        %swap3A_1034 = tpu.vector_load %arg16[%swap3A_1032, %swap3A_1033] {strides = array<i32>} : memref<200x64xf32, #tpu.memory_space<vmem>>, vector<1x16xf32>,
        %swap3A_1035 = vector.shape_cast %swap3A_1034 : vector<1x16xf32> to vector<16xf32>
        %swap3A_1036 = vector.shape_cast %add3A_1031 : vector<16xf32> to vector<1x16xf32>
        tpu.vector_store %arg16[%swap3A_1032, %swap3A_1033], %swap3A_1036 {strides = array<i32>} : memref<200x64xf32, #tpu.memory_space<vmem>>, vector<1x16xf32>,
        %get3A_1037 = arith.index_cast %add3A_1002 : i32 to index
        %get3A_1038 = arith.constant 32 : index
        %get3A_1039 = tpu.vector_load %arg12[%get3A_1037, %get3A_1038] {strides = array<i32>} : memref<200x64xf32, #tpu.memory_space<vmem>>, vector<1x16xf32>,
        %get3A_1040 = vector.shape_cast %get3A_1039 : vector<1x16xf32> to vector<16xf32>
        %mul3A_1041 = arith.constant 8.000000e+00 : f32
        %mul3A_1042 = vector.broadcast %mul3A_1041 : f32 to vector<16xf32>
        %mul3A_1043 = arith.mulf %get3A_1040, %mul3A_1042 : vector<16xf32>
        %get3A_1044 = arith.index_cast %add3A_1002 : i32 to index
        %get3A_1045 = arith.constant 32 : index
        %get3A_1046 = tpu.vector_load %arg6[%get3A_1044, %get3A_1045] {strides = array<i32>} : memref<200x64xf32, #tpu.memory_space<vmem>>, vector<1x16xf32>,
        %get3A_1047 = vector.shape_cast %get3A_1046 : vector<1x16xf32> to vector<16xf32>
        %add3A_1048 = arith.addf %mul3A_1043, %get3A_1047 : vector<16xf32>
        %swap3A_1049 = arith.index_cast %add3A_1002 : i32 to index
        %swap3A_1050 = arith.constant 32 : index
        %swap3A_1051 = tpu.vector_load %arg16[%swap3A_1049, %swap3A_1050] {strides = array<i32>} : memref<200x64xf32, #tpu.memory_space<vmem>>, vector<1x16xf32>,
        %swap3A_1052 = vector.shape_cast %swap3A_1051 : vector<1x16xf32> to vector<16xf32>
        %swap3A_1053 = vector.shape_cast %add3A_1048 : vector<16xf32> to vector<1x16xf32>
        tpu.vector_store %arg16[%swap3A_1049, %swap3A_1050], %swap3A_1053 {strides = array<i32>} : memref<200x64xf32, #tpu.memory_space<vmem>>, vector<1x16xf32>,
        %get3A_1054 = arith.index_cast %add3A_1002 : i32 to index
        %get3A_1055 = arith.constant 48 : index
        %get3A_1056 = tpu.vector_load %arg12[%get3A_1054, %get3A_1055] {strides = array<i32>} : memref<200x64xf32, #tpu.memory_space<vmem>>, vector<1x16xf32>,
        %get3A_1057 = vector.shape_cast %get3A_1056 : vector<1x16xf32> to vector<16xf32>
        %mul3A_1058 = arith.constant 8.000000e+00 : f32
        %mul3A_1059 = vector.broadcast %mul3A_1058 : f32 to vector<16xf32>
        %mul3A_1060 = arith.mulf %get3A_1057, %mul3A_1059 : vector<16xf32>
        %get3A_1061 = arith.index_cast %add3A_1002 : i32 to index
        %get3A_1062 = arith.constant 48 : index
        %get3A_1063 = tpu.vector_load %arg6[%get3A_1061, %get3A_1062] {strides = array<i32>} : memref<200x64xf32, #tpu.memory_space<vmem>>, vector<1x16xf32>,
        %get3A_1064 = vector.shape_cast %get3A_1063 : vector<1x16xf32> to vector<16xf32>
        %add3A_1065 = arith.addf %mul3A_1060, %get3A_1064 : vector<16xf32>
        %swap3A_1066 = arith.index_cast %add3A_1002 : i32 to index
        %swap3A_1067 = arith.constant 48 : index
        %swap3A_1068 = tpu.vector_load %arg16[%swap3A_1066, %swap3A_1067] {strides = array<i32>} : memref<200x64xf32, #tpu.memory_space<vmem>>, vector<1x16xf32>,
        %swap3A_1069 = vector.shape_cast %swap3A_1068 : vector<1x16xf32> to vector<16xf32>
        %swap3A_1070 = vector.shape_cast %add3A_1065 : vector<16xf32> to vector<1x16xf32>
        tpu.vector_store %arg16[%swap3A_1066, %swap3A_1067], %swap3A_1070 {strides = array<i32>} : memref<200x64xf32, #tpu.memory_space<vmem>>, vector<1x16xf32>,
      }
      %scan3A_606 = arith.constant 50 : i32
      %dma_wait3A_607 = arith.constant 0 : i32
      %dma_wait3A_608 = tpu.memref_slice %arg2[%mul3A_2, %dma_wait3A_607] : memref<4096x200xi32, #tpu.memory_space<hbm>> -> memref<1x200xi32, #tpu.memory_space<hbm>>
      %dma_wait3A_609 = tpu.memref_squeeze %dma_wait3A_608 : memref<1x200xi32, #tpu.memory_space<hbm>> -> memref<200xi32, #tpu.memory_space<hbm>>
      %dma_wait3A_610 = arith.constant 0 : i32
      %dma_wait3A_611 = tpu.memref_slice %arg2[%mul3A_2, %dma_wait3A_610] : memref<4096x200xi32, #tpu.memory_space<hbm>> -> memref<1x200xi32, #tpu.memory_space<hbm>>
      %dma_wait3A_612 = tpu.memref_squeeze %dma_wait3A_611 : memref<1x200xi32, #tpu.memory_space<hbm>> -> memref<200xi32, #tpu.memory_space<hbm>>
      tpu.wait_dma2 semaphore(%arg20 : memref<!tpu.dma_semaphore, #tpu.memory_space<semaphore_mem>>) src(%dma_wait3A_612 : memref<200xi32, #tpu.memory_space<hbm>>) dst(%arg8 : memref<200xi32, #tpu.memory_space<vmem>>)
      %dma_start3A_613 = arith.constant 0 : i32
      %dma_start3A_614 = arith.constant 0 : i32
      %dma_start3A_615 = tpu.memref_slice %arg12[%dma_start3A_613, %dma_start3A_614] : memref<200x64xf32, #tpu.memory_space<vmem>> -> memref<104x64xf32, #tpu.memory_space<vmem>>
      %dma_start3A_616 = arith.constant 0 : i32
      %dma_start3A_617 = tpu.memref_slice %arg8[%dma_start3A_616] : memref<200xi32, #tpu.memory_space<vmem>> -> memref<104xi32, #tpu.memory_space<vmem>>
      %dma_start3A_618 = arith.constant 0 : i32
      %dma_start3A_619 = arith.constant 0 : i32
      %dma_start3A_620 = tpu.memref_slice %arg3[%dma_start3A_618, %dma_start3A_619] : memref<100000x64xf32, #tpu.memory_space<hbm>> -> memref<100000x64xf32, #tpu.memory_space<hbm>>
      tpu.enqueue_indirect_dma source(%dma_start3A_620 : memref<100000x64xf32, #tpu.memory_space<hbm>>) target(%dma_start3A_615 : memref<104x64xf32, #tpu.memory_space<vmem>>) offsets(%dma_start3A_617 : memref<104xi32, #tpu.memory_space<vmem>>) semaphore(%arg24 : memref<!tpu.dma_semaphore, #tpu.memory_space<semaphore_mem>>)
      %dma_start3A_621 = arith.constant 104 : i32
      %dma_start3A_622 = arith.constant 0 : i32
      %dma_start3A_623 = tpu.memref_slice %arg12[%dma_start3A_621, %dma_start3A_622] : memref<200x64xf32, #tpu.memory_space<vmem>> -> memref<96x64xf32, #tpu.memory_space<vmem>>
      %dma_start3A_624 = arith.constant 104 : i32
      %dma_start3A_625 = tpu.memref_slice %arg8[%dma_start3A_624] : memref<200xi32, #tpu.memory_space<vmem>> -> memref<96xi32, #tpu.memory_space<vmem>>
      %dma_start3A_626 = arith.constant 0 : i32
      %dma_start3A_627 = arith.constant 0 : i32
      %dma_start3A_628 = tpu.memref_slice %arg3[%dma_start3A_626, %dma_start3A_627] : memref<100000x64xf32, #tpu.memory_space<hbm>> -> memref<100000x64xf32, #tpu.memory_space<hbm>>
      tpu.enqueue_indirect_dma source(%dma_start3A_628 : memref<100000x64xf32, #tpu.memory_space<hbm>>) target(%dma_start3A_623 : memref<96x64xf32, #tpu.memory_space<vmem>>) offsets(%dma_start3A_625 : memref<96xi32, #tpu.memory_space<vmem>>) semaphore(%arg24 : memref<!tpu.dma_semaphore, #tpu.memory_space<semaphore_mem>>)
      %add3A_629 = arith.addi %mul3A_2, %add3A_565 : i32
      %dma_start3A_630 = arith.constant 0 : i32
      %dma_start3A_631 = arith.constant 0 : i32
      %dma_start3A_632 = tpu.memref_slice %arg5[%add3A_629, %dma_start3A_630, %dma_start3A_631] : memref<4096x200x64xf32, #tpu.memory_space<hbm>> -> memref<1x200x64xf32, #tpu.memory_space<hbm>>
      %dma_start3A_633 = tpu.memref_squeeze %dma_start3A_632 : memref<1x200x64xf32, #tpu.memory_space<hbm>> -> memref<200x64xf32, #tpu.memory_space<hbm>>
      %dma_start3A_634 = arith.constant 0 : i32
      %dma_start3A_635 = arith.constant 0 : i32
      %dma_start3A_636 = tpu.memref_slice %arg5[%add3A_629, %dma_start3A_634, %dma_start3A_635] : memref<4096x200x64xf32, #tpu.memory_space<hbm>> -> memref<1x200x64xf32, #tpu.memory_space<hbm>>
      %dma_start3A_637 = tpu.memref_squeeze %dma_start3A_636 : memref<1x200x64xf32, #tpu.memory_space<hbm>> -> memref<200x64xf32, #tpu.memory_space<hbm>>
      tpu.enqueue_dma source(%arg16 : memref<200x64xf32, #tpu.memory_space<vmem>>) target(%dma_start3A_637 : memref<200x64xf32, #tpu.memory_space<hbm>>) target_semaphore(%arg28 : memref<!tpu.dma_semaphore, #tpu.memory_space<semaphore_mem>>)
      %mul3A_638 = arith.constant 4 : i32
      %mul3A_639 = arith.muli %mul3A_638, %scan3A_485 : i32
      %add3A_640 = arith.constant 2 : i32
      %add3A_641 = arith.addi %mul3A_639, %add3A_640 : i32
      %dma_wait3A_642 = arith.constant 0 : i32
      %dma_wait3A_643 = arith.constant 0 : i32
      %dma_wait3A_644 = tpu.memref_slice %arg13[%dma_wait3A_642, %dma_wait3A_643] : memref<200x64xf32, #tpu.memory_space<vmem>> -> memref<104x64xf32, #tpu.memory_space<vmem>>
      %dma_wait3A_645 = arith.constant 0 : i32
      %dma_wait3A_646 = tpu.memref_slice %arg9[%dma_wait3A_645] : memref<200xi32, #tpu.memory_space<vmem>> -> memref<104xi32, #tpu.memory_space<vmem>>
      %dma_wait3A_647 = arith.constant 0 : i32
      %dma_wait3A_648 = arith.constant 0 : i32
      %dma_wait3A_649 = tpu.memref_slice %arg3[%dma_wait3A_647, %dma_wait3A_648] : memref<100000x64xf32, #tpu.memory_space<hbm>> -> memref<100000x64xf32, #tpu.memory_space<hbm>>
      tpu.wait_indirect_dma semaphore(%arg25 : memref<!tpu.dma_semaphore, #tpu.memory_space<semaphore_mem>>) src(%dma_wait3A_649 : memref<100000x64xf32, #tpu.memory_space<hbm>>) dst(%dma_wait3A_644 : memref<104x64xf32, #tpu.memory_space<vmem>>)
      %dma_wait3A_650 = arith.constant 104 : i32
      %dma_wait3A_651 = arith.constant 0 : i32
      %dma_wait3A_652 = tpu.memref_slice %arg13[%dma_wait3A_650, %dma_wait3A_651] : memref<200x64xf32, #tpu.memory_space<vmem>> -> memref<96x64xf32, #tpu.memory_space<vmem>>
      %dma_wait3A_653 = arith.constant 104 : i32
      %dma_wait3A_654 = tpu.memref_slice %arg9[%dma_wait3A_653] : memref<200xi32, #tpu.memory_space<vmem>> -> memref<96xi32, #tpu.memory_space<vmem>>
      %dma_wait3A_655 = arith.constant 0 : i32
      %dma_wait3A_656 = arith.constant 0 : i32
      %dma_wait3A_657 = tpu.memref_slice %arg3[%dma_wait3A_655, %dma_wait3A_656] : memref<100000x64xf32, #tpu.memory_space<hbm>> -> memref<100000x64xf32, #tpu.memory_space<hbm>>
      tpu.wait_indirect_dma semaphore(%arg25 : memref<!tpu.dma_semaphore, #tpu.memory_space<semaphore_mem>>) src(%dma_wait3A_657 : memref<100000x64xf32, #tpu.memory_space<hbm>>) dst(%dma_wait3A_652 : memref<96x64xf32, #tpu.memory_space<vmem>>)
      %add3A_658 = arith.constant 4 : i32
      %add3A_659 = arith.addi %add3A_641, %add3A_658 : i32
      %rem3A_660 = arith.constant 128 : i32
      %rem3A_661 = arith.remsi %add3A_659, %rem3A_660 : i32
      %add3A_662 = arith.addi %mul3A_2, %rem3A_661 : i32
      %dma_start3A_663 = arith.constant 0 : i32
      %dma_start3A_664 = tpu.memref_slice %arg2[%add3A_662, %dma_start3A_663] : memref<4096x200xi32, #tpu.memory_space<hbm>> -> memref<1x200xi32, #tpu.memory_space<hbm>>
      %dma_start3A_665 = tpu.memref_squeeze %dma_start3A_664 : memref<1x200xi32, #tpu.memory_space<hbm>> -> memref<200xi32, #tpu.memory_space<hbm>>
      %dma_start3A_666 = arith.constant 0 : i32
      %dma_start3A_667 = tpu.memref_slice %arg2[%add3A_662, %dma_start3A_666] : memref<4096x200xi32, #tpu.memory_space<hbm>> -> memref<1x200xi32, #tpu.memory_space<hbm>>
      %dma_start3A_668 = tpu.memref_squeeze %dma_start3A_667 : memref<1x200xi32, #tpu.memory_space<hbm>> -> memref<200xi32, #tpu.memory_space<hbm>>
      tpu.enqueue_dma source(%dma_start3A_668 : memref<200xi32, #tpu.memory_space<hbm>>) target(%arg9 : memref<200xi32, #tpu.memory_space<vmem>>) target_semaphore(%arg21 : memref<!tpu.dma_semaphore, #tpu.memory_space<semaphore_mem>>)
      %dma_wait3A_669 = arith.constant 0 : i32
      %dma_wait3A_670 = arith.constant 0 : i32
      %dma_wait3A_671 = tpu.memref_slice %arg5[%mul3A_2, %dma_wait3A_669, %dma_wait3A_670] : memref<4096x200x64xf32, #tpu.memory_space<hbm>> -> memref<1x200x64xf32, #tpu.memory_space<hbm>>
      %dma_wait3A_672 = tpu.memref_squeeze %dma_wait3A_671 : memref<1x200x64xf32, #tpu.memory_space<hbm>> -> memref<200x64xf32, #tpu.memory_space<hbm>>
      %dma_wait3A_673 = arith.constant 0 : i32
      %dma_wait3A_674 = arith.constant 0 : i32
      %dma_wait3A_675 = tpu.memref_slice %arg5[%mul3A_2, %dma_wait3A_673, %dma_wait3A_674] : memref<4096x200x64xf32, #tpu.memory_space<hbm>> -> memref<1x200x64xf32, #tpu.memory_space<hbm>>
      %dma_wait3A_676 = tpu.memref_squeeze %dma_wait3A_675 : memref<1x200x64xf32, #tpu.memory_space<hbm>> -> memref<200x64xf32, #tpu.memory_space<hbm>>
      tpu.wait_dma2 semaphore(%arg29 : memref<!tpu.dma_semaphore, #tpu.memory_space<semaphore_mem>>) src(%arg17 : memref<200x64xf32, #tpu.memory_space<vmem>>) dst(%dma_wait3A_676 : memref<200x64xf32, #tpu.memory_space<hbm>>)
      %scan3A_677 = arith.constant 0 : i32
      %scan3A_678 = arith.constant 0 : i32
      %scan3A_679 = arith.constant 50 : i32
      %scan3A_680 = arith.addi %scan3A_678, %scan3A_679 : i32
      %scan3A_681 = arith.constant 1 : i32
      scf.for %scan3A_790 = %scan3A_678 to %scan3A_680 step %scan3A_681  : i32 {
        %mul3A_791 = arith.constant 4 : i32
        %mul3A_792 = arith.muli %scan3A_790, %mul3A_791 : i32
        %add3A_793 = arith.constant 0 : i32
        %add3A_794 = arith.addi %mul3A_792, %add3A_793 : i32
        %get3A = arith.index_cast %add3A_794 : i32 to index
        %get3A_795 = arith.constant 0 : index
        %get3A_796 = tpu.vector_load %arg13[%get3A, %get3A_795] {strides = array<i32>} : memref<200x64xf32, #tpu.memory_space<vmem>>, vector<1x16xf32>,
        %get3A_797 = vector.shape_cast %get3A_796 : vector<1x16xf32> to vector<16xf32>
        %mul3A_798 = arith.constant 8.000000e+00 : f32
        %mul3A_799 = vector.broadcast %mul3A_798 : f32 to vector<16xf32>
        %mul3A_800 = arith.mulf %get3A_797, %mul3A_799 : vector<16xf32>
        %get3A_801 = arith.index_cast %add3A_794 : i32 to index
        %get3A_802 = arith.constant 0 : index
        %get3A_803 = tpu.vector_load %arg6[%get3A_801, %get3A_802] {strides = array<i32>} : memref<200x64xf32, #tpu.memory_space<vmem>>, vector<1x16xf32>,
        %get3A_804 = vector.shape_cast %get3A_803 : vector<1x16xf32> to vector<16xf32>
        %add3A_805 = arith.addf %mul3A_800, %get3A_804 : vector<16xf32>
        %swap3A = arith.index_cast %add3A_794 : i32 to index
        %swap3A_806 = arith.constant 0 : index
        %swap3A_807 = tpu.vector_load %arg17[%swap3A, %swap3A_806] {strides = array<i32>} : memref<200x64xf32, #tpu.memory_space<vmem>>, vector<1x16xf32>,
        %swap3A_808 = vector.shape_cast %swap3A_807 : vector<1x16xf32> to vector<16xf32>
        %swap3A_809 = vector.shape_cast %add3A_805 : vector<16xf32> to vector<1x16xf32>
        tpu.vector_store %arg17[%swap3A, %swap3A_806], %swap3A_809 {strides = array<i32>} : memref<200x64xf32, #tpu.memory_space<vmem>>, vector<1x16xf32>,
        %get3A_810 = arith.index_cast %add3A_794 : i32 to index
        %get3A_811 = arith.constant 16 : index
        %get3A_812 = tpu.vector_load %arg13[%get3A_810, %get3A_811] {strides = array<i32>} : memref<200x64xf32, #tpu.memory_space<vmem>>, vector<1x16xf32>,
        %get3A_813 = vector.shape_cast %get3A_812 : vector<1x16xf32> to vector<16xf32>
        %mul3A_814 = arith.constant 8.000000e+00 : f32
        %mul3A_815 = vector.broadcast %mul3A_814 : f32 to vector<16xf32>
        %mul3A_816 = arith.mulf %get3A_813, %mul3A_815 : vector<16xf32>
        %get3A_817 = arith.index_cast %add3A_794 : i32 to index
        %get3A_818 = arith.constant 16 : index
        %get3A_819 = tpu.vector_load %arg6[%get3A_817, %get3A_818] {strides = array<i32>} : memref<200x64xf32, #tpu.memory_space<vmem>>, vector<1x16xf32>,
        %get3A_820 = vector.shape_cast %get3A_819 : vector<1x16xf32> to vector<16xf32>
        %add3A_821 = arith.addf %mul3A_816, %get3A_820 : vector<16xf32>
        %swap3A_822 = arith.index_cast %add3A_794 : i32 to index
        %swap3A_823 = arith.constant 16 : index
        %swap3A_824 = tpu.vector_load %arg17[%swap3A_822, %swap3A_823] {strides = array<i32>} : memref<200x64xf32, #tpu.memory_space<vmem>>, vector<1x16xf32>,
        %swap3A_825 = vector.shape_cast %swap3A_824 : vector<1x16xf32> to vector<16xf32>
        %swap3A_826 = vector.shape_cast %add3A_821 : vector<16xf32> to vector<1x16xf32>
        tpu.vector_store %arg17[%swap3A_822, %swap3A_823], %swap3A_826 {strides = array<i32>} : memref<200x64xf32, #tpu.memory_space<vmem>>, vector<1x16xf32>,
        %get3A_827 = arith.index_cast %add3A_794 : i32 to index
        %get3A_828 = arith.constant 32 : index
        %get3A_829 = tpu.vector_load %arg13[%get3A_827, %get3A_828] {strides = array<i32>} : memref<200x64xf32, #tpu.memory_space<vmem>>, vector<1x16xf32>,
        %get3A_830 = vector.shape_cast %get3A_829 : vector<1x16xf32> to vector<16xf32>
        %mul3A_831 = arith.constant 8.000000e+00 : f32
        %mul3A_832 = vector.broadcast %mul3A_831 : f32 to vector<16xf32>
        %mul3A_833 = arith.mulf %get3A_830, %mul3A_832 : vector<16xf32>
        %get3A_834 = arith.index_cast %add3A_794 : i32 to index
        %get3A_835 = arith.constant 32 : index
        %get3A_836 = tpu.vector_load %arg6[%get3A_834, %get3A_835] {strides = array<i32>} : memref<200x64xf32, #tpu.memory_space<vmem>>, vector<1x16xf32>,
        %get3A_837 = vector.shape_cast %get3A_836 : vector<1x16xf32> to vector<16xf32>
        %add3A_838 = arith.addf %mul3A_833, %get3A_837 : vector<16xf32>
        %swap3A_839 = arith.index_cast %add3A_794 : i32 to index
        %swap3A_840 = arith.constant 32 : index
        %swap3A_841 = tpu.vector_load %arg17[%swap3A_839, %swap3A_840] {strides = array<i32>} : memref<200x64xf32, #tpu.memory_space<vmem>>, vector<1x16xf32>,
        %swap3A_842 = vector.shape_cast %swap3A_841 : vector<1x16xf32> to vector<16xf32>
        %swap3A_843 = vector.shape_cast %add3A_838 : vector<16xf32> to vector<1x16xf32>
        tpu.vector_store %arg17[%swap3A_839, %swap3A_840], %swap3A_843 {strides = array<i32>} : memref<200x64xf32, #tpu.memory_space<vmem>>, vector<1x16xf32>,
        %get3A_844 = arith.index_cast %add3A_794 : i32 to index
        %get3A_845 = arith.constant 48 : index
        %get3A_846 = tpu.vector_load %arg13[%get3A_844, %get3A_845] {strides = array<i32>} : memref<200x64xf32, #tpu.memory_space<vmem>>, vector<1x16xf32>,
        %get3A_847 = vector.shape_cast %get3A_846 : vector<1x16xf32> to vector<16xf32>
        %mul3A_848 = arith.constant 8.000000e+00 : f32
        %mul3A_849 = vector.broadcast %mul3A_848 : f32 to vector<16xf32>
        %mul3A_850 = arith.mulf %get3A_847, %mul3A_849 : vector<16xf32>
        %get3A_851 = arith.index_cast %add3A_794 : i32 to index
        %get3A_852 = arith.constant 48 : index
        %get3A_853 = tpu.vector_load %arg6[%get3A_851, %get3A_852] {strides = array<i32>} : memref<200x64xf32, #tpu.memory_space<vmem>>, vector<1x16xf32>,
        %get3A_854 = vector.shape_cast %get3A_853 : vector<1x16xf32> to vector<16xf32>
        %add3A_855 = arith.addf %mul3A_850, %get3A_854 : vector<16xf32>
        %swap3A_856 = arith.index_cast %add3A_794 : i32 to index
        %swap3A_857 = arith.constant 48 : index
        %swap3A_858 = tpu.vector_load %arg17[%swap3A_856, %swap3A_857] {strides = array<i32>} : memref<200x64xf32, #tpu.memory_space<vmem>>, vector<1x16xf32>,
        %swap3A_859 = vector.shape_cast %swap3A_858 : vector<1x16xf32> to vector<16xf32>
        %swap3A_860 = vector.shape_cast %add3A_855 : vector<16xf32> to vector<1x16xf32>
        tpu.vector_store %arg17[%swap3A_856, %swap3A_857], %swap3A_860 {strides = array<i32>} : memref<200x64xf32, #tpu.memory_space<vmem>>, vector<1x16xf32>,
        %add3A_861 = arith.constant 1 : i32
        %add3A_862 = arith.addi %mul3A_792, %add3A_861 : i32
        %get3A_863 = arith.index_cast %add3A_862 : i32 to index
        %get3A_864 = arith.constant 0 : index
        %get3A_865 = tpu.vector_load %arg13[%get3A_863, %get3A_864] {strides = array<i32>} : memref<200x64xf32, #tpu.memory_space<vmem>>, vector<1x16xf32>,
        %get3A_866 = vector.shape_cast %get3A_865 : vector<1x16xf32> to vector<16xf32>
        %mul3A_867 = arith.constant 8.000000e+00 : f32
        %mul3A_868 = vector.broadcast %mul3A_867 : f32 to vector<16xf32>
        %mul3A_869 = arith.mulf %get3A_866, %mul3A_868 : vector<16xf32>
        %get3A_870 = arith.index_cast %add3A_862 : i32 to index
        %get3A_871 = arith.constant 0 : index
        %get3A_872 = tpu.vector_load %arg6[%get3A_870, %get3A_871] {strides = array<i32>} : memref<200x64xf32, #tpu.memory_space<vmem>>, vector<1x16xf32>,
        %get3A_873 = vector.shape_cast %get3A_872 : vector<1x16xf32> to vector<16xf32>
        %add3A_874 = arith.addf %mul3A_869, %get3A_873 : vector<16xf32>
        %swap3A_875 = arith.index_cast %add3A_862 : i32 to index
        %swap3A_876 = arith.constant 0 : index
        %swap3A_877 = tpu.vector_load %arg17[%swap3A_875, %swap3A_876] {strides = array<i32>} : memref<200x64xf32, #tpu.memory_space<vmem>>, vector<1x16xf32>,
        %swap3A_878 = vector.shape_cast %swap3A_877 : vector<1x16xf32> to vector<16xf32>
        %swap3A_879 = vector.shape_cast %add3A_874 : vector<16xf32> to vector<1x16xf32>
        tpu.vector_store %arg17[%swap3A_875, %swap3A_876], %swap3A_879 {strides = array<i32>} : memref<200x64xf32, #tpu.memory_space<vmem>>, vector<1x16xf32>,
        %get3A_880 = arith.index_cast %add3A_862 : i32 to index
        %get3A_881 = arith.constant 16 : index
        %get3A_882 = tpu.vector_load %arg13[%get3A_880, %get3A_881] {strides = array<i32>} : memref<200x64xf32, #tpu.memory_space<vmem>>, vector<1x16xf32>,
        %get3A_883 = vector.shape_cast %get3A_882 : vector<1x16xf32> to vector<16xf32>
        %mul3A_884 = arith.constant 8.000000e+00 : f32
        %mul3A_885 = vector.broadcast %mul3A_884 : f32 to vector<16xf32>
        %mul3A_886 = arith.mulf %get3A_883, %mul3A_885 : vector<16xf32>
        %get3A_887 = arith.index_cast %add3A_862 : i32 to index
        %get3A_888 = arith.constant 16 : index
        %get3A_889 = tpu.vector_load %arg6[%get3A_887, %get3A_888] {strides = array<i32>} : memref<200x64xf32, #tpu.memory_space<vmem>>, vector<1x16xf32>,
        %get3A_890 = vector.shape_cast %get3A_889 : vector<1x16xf32> to vector<16xf32>
        %add3A_891 = arith.addf %mul3A_886, %get3A_890 : vector<16xf32>
        %swap3A_892 = arith.index_cast %add3A_862 : i32 to index
        %swap3A_893 = arith.constant 16 : index
        %swap3A_894 = tpu.vector_load %arg17[%swap3A_892, %swap3A_893] {strides = array<i32>} : memref<200x64xf32, #tpu.memory_space<vmem>>, vector<1x16xf32>,
        %swap3A_895 = vector.shape_cast %swap3A_894 : vector<1x16xf32> to vector<16xf32>
        %swap3A_896 = vector.shape_cast %add3A_891 : vector<16xf32> to vector<1x16xf32>
        tpu.vector_store %arg17[%swap3A_892, %swap3A_893], %swap3A_896 {strides = array<i32>} : memref<200x64xf32, #tpu.memory_space<vmem>>, vector<1x16xf32>,
        %get3A_897 = arith.index_cast %add3A_862 : i32 to index
        %get3A_898 = arith.constant 32 : index
        %get3A_899 = tpu.vector_load %arg13[%get3A_897, %get3A_898] {strides = array<i32>} : memref<200x64xf32, #tpu.memory_space<vmem>>, vector<1x16xf32>,
        %get3A_900 = vector.shape_cast %get3A_899 : vector<1x16xf32> to vector<16xf32>
        %mul3A_901 = arith.constant 8.000000e+00 : f32
        %mul3A_902 = vector.broadcast %mul3A_901 : f32 to vector<16xf32>
        %mul3A_903 = arith.mulf %get3A_900, %mul3A_902 : vector<16xf32>
        %get3A_904 = arith.index_cast %add3A_862 : i32 to index
        %get3A_905 = arith.constant 32 : index
        %get3A_906 = tpu.vector_load %arg6[%get3A_904, %get3A_905] {strides = array<i32>} : memref<200x64xf32, #tpu.memory_space<vmem>>, vector<1x16xf32>,
        %get3A_907 = vector.shape_cast %get3A_906 : vector<1x16xf32> to vector<16xf32>
        %add3A_908 = arith.addf %mul3A_903, %get3A_907 : vector<16xf32>
        %swap3A_909 = arith.index_cast %add3A_862 : i32 to index
        %swap3A_910 = arith.constant 32 : index
        %swap3A_911 = tpu.vector_load %arg17[%swap3A_909, %swap3A_910] {strides = array<i32>} : memref<200x64xf32, #tpu.memory_space<vmem>>, vector<1x16xf32>,
        %swap3A_912 = vector.shape_cast %swap3A_911 : vector<1x16xf32> to vector<16xf32>
        %swap3A_913 = vector.shape_cast %add3A_908 : vector<16xf32> to vector<1x16xf32>
        tpu.vector_store %arg17[%swap3A_909, %swap3A_910], %swap3A_913 {strides = array<i32>} : memref<200x64xf32, #tpu.memory_space<vmem>>, vector<1x16xf32>,
        %get3A_914 = arith.index_cast %add3A_862 : i32 to index
        %get3A_915 = arith.constant 48 : index
        %get3A_916 = tpu.vector_load %arg13[%get3A_914, %get3A_915] {strides = array<i32>} : memref<200x64xf32, #tpu.memory_space<vmem>>, vector<1x16xf32>,
        %get3A_917 = vector.shape_cast %get3A_916 : vector<1x16xf32> to vector<16xf32>
        %mul3A_918 = arith.constant 8.000000e+00 : f32
        %mul3A_919 = vector.broadcast %mul3A_918 : f32 to vector<16xf32>
        %mul3A_920 = arith.mulf %get3A_917, %mul3A_919 : vector<16xf32>
        %get3A_921 = arith.index_cast %add3A_862 : i32 to index
        %get3A_922 = arith.constant 48 : index
        %get3A_923 = tpu.vector_load %arg6[%get3A_921, %get3A_922] {strides = array<i32>} : memref<200x64xf32, #tpu.memory_space<vmem>>, vector<1x16xf32>,
        %get3A_924 = vector.shape_cast %get3A_923 : vector<1x16xf32> to vector<16xf32>
        %add3A_925 = arith.addf %mul3A_920, %get3A_924 : vector<16xf32>
        %swap3A_926 = arith.index_cast %add3A_862 : i32 to index
        %swap3A_927 = arith.constant 48 : index
        %swap3A_928 = tpu.vector_load %arg17[%swap3A_926, %swap3A_927] {strides = array<i32>} : memref<200x64xf32, #tpu.memory_space<vmem>>, vector<1x16xf32>,
        %swap3A_929 = vector.shape_cast %swap3A_928 : vector<1x16xf32> to vector<16xf32>
        %swap3A_930 = vector.shape_cast %add3A_925 : vector<16xf32> to vector<1x16xf32>
        tpu.vector_store %arg17[%swap3A_926, %swap3A_927], %swap3A_930 {strides = array<i32>} : memref<200x64xf32, #tpu.memory_space<vmem>>, vector<1x16xf32>,
        %add3A_931 = arith.constant 2 : i32
        %add3A_932 = arith.addi %mul3A_792, %add3A_931 : i32
        %get3A_933 = arith.index_cast %add3A_932 : i32 to index
        %get3A_934 = arith.constant 0 : index
        %get3A_935 = tpu.vector_load %arg13[%get3A_933, %get3A_934] {strides = array<i32>} : memref<200x64xf32, #tpu.memory_space<vmem>>, vector<1x16xf32>,
        %get3A_936 = vector.shape_cast %get3A_935 : vector<1x16xf32> to vector<16xf32>
        %mul3A_937 = arith.constant 8.000000e+00 : f32
        %mul3A_938 = vector.broadcast %mul3A_937 : f32 to vector<16xf32>
        %mul3A_939 = arith.mulf %get3A_936, %mul3A_938 : vector<16xf32>
        %get3A_940 = arith.index_cast %add3A_932 : i32 to index
        %get3A_941 = arith.constant 0 : index
        %get3A_942 = tpu.vector_load %arg6[%get3A_940, %get3A_941] {strides = array<i32>} : memref<200x64xf32, #tpu.memory_space<vmem>>, vector<1x16xf32>,
        %get3A_943 = vector.shape_cast %get3A_942 : vector<1x16xf32> to vector<16xf32>
        %add3A_944 = arith.addf %mul3A_939, %get3A_943 : vector<16xf32>
        %swap3A_945 = arith.index_cast %add3A_932 : i32 to index
        %swap3A_946 = arith.constant 0 : index
        %swap3A_947 = tpu.vector_load %arg17[%swap3A_945, %swap3A_946] {strides = array<i32>} : memref<200x64xf32, #tpu.memory_space<vmem>>, vector<1x16xf32>,
        %swap3A_948 = vector.shape_cast %swap3A_947 : vector<1x16xf32> to vector<16xf32>
        %swap3A_949 = vector.shape_cast %add3A_944 : vector<16xf32> to vector<1x16xf32>
        tpu.vector_store %arg17[%swap3A_945, %swap3A_946], %swap3A_949 {strides = array<i32>} : memref<200x64xf32, #tpu.memory_space<vmem>>, vector<1x16xf32>,
        %get3A_950 = arith.index_cast %add3A_932 : i32 to index
        %get3A_951 = arith.constant 16 : index
        %get3A_952 = tpu.vector_load %arg13[%get3A_950, %get3A_951] {strides = array<i32>} : memref<200x64xf32, #tpu.memory_space<vmem>>, vector<1x16xf32>,
        %get3A_953 = vector.shape_cast %get3A_952 : vector<1x16xf32> to vector<16xf32>
        %mul3A_954 = arith.constant 8.000000e+00 : f32
        %mul3A_955 = vector.broadcast %mul3A_954 : f32 to vector<16xf32>
        %mul3A_956 = arith.mulf %get3A_953, %mul3A_955 : vector<16xf32>
        %get3A_957 = arith.index_cast %add3A_932 : i32 to index
        %get3A_958 = arith.constant 16 : index
        %get3A_959 = tpu.vector_load %arg6[%get3A_957, %get3A_958] {strides = array<i32>} : memref<200x64xf32, #tpu.memory_space<vmem>>, vector<1x16xf32>,
        %get3A_960 = vector.shape_cast %get3A_959 : vector<1x16xf32> to vector<16xf32>
        %add3A_961 = arith.addf %mul3A_956, %get3A_960 : vector<16xf32>
        %swap3A_962 = arith.index_cast %add3A_932 : i32 to index
        %swap3A_963 = arith.constant 16 : index
        %swap3A_964 = tpu.vector_load %arg17[%swap3A_962, %swap3A_963] {strides = array<i32>} : memref<200x64xf32, #tpu.memory_space<vmem>>, vector<1x16xf32>,
        %swap3A_965 = vector.shape_cast %swap3A_964 : vector<1x16xf32> to vector<16xf32>
        %swap3A_966 = vector.shape_cast %add3A_961 : vector<16xf32> to vector<1x16xf32>
        tpu.vector_store %arg17[%swap3A_962, %swap3A_963], %swap3A_966 {strides = array<i32>} : memref<200x64xf32, #tpu.memory_space<vmem>>, vector<1x16xf32>,
        %get3A_967 = arith.index_cast %add3A_932 : i32 to index
        %get3A_968 = arith.constant 32 : index
        %get3A_969 = tpu.vector_load %arg13[%get3A_967, %get3A_968] {strides = array<i32>} : memref<200x64xf32, #tpu.memory_space<vmem>>, vector<1x16xf32>,
        %get3A_970 = vector.shape_cast %get3A_969 : vector<1x16xf32> to vector<16xf32>
        %mul3A_971 = arith.constant 8.000000e+00 : f32
        %mul3A_972 = vector.broadcast %mul3A_971 : f32 to vector<16xf32>
        %mul3A_973 = arith.mulf %get3A_970, %mul3A_972 : vector<16xf32>
        %get3A_974 = arith.index_cast %add3A_932 : i32 to index
        %get3A_975 = arith.constant 32 : index
        %get3A_976 = tpu.vector_load %arg6[%get3A_974, %get3A_975] {strides = array<i32>} : memref<200x64xf32, #tpu.memory_space<vmem>>, vector<1x16xf32>,
        %get3A_977 = vector.shape_cast %get3A_976 : vector<1x16xf32> to vector<16xf32>
        %add3A_978 = arith.addf %mul3A_973, %get3A_977 : vector<16xf32>
        %swap3A_979 = arith.index_cast %add3A_932 : i32 to index
        %swap3A_980 = arith.constant 32 : index
        %swap3A_981 = tpu.vector_load %arg17[%swap3A_979, %swap3A_980] {strides = array<i32>} : memref<200x64xf32, #tpu.memory_space<vmem>>, vector<1x16xf32>,
        %swap3A_982 = vector.shape_cast %swap3A_981 : vector<1x16xf32> to vector<16xf32>
        %swap3A_983 = vector.shape_cast %add3A_978 : vector<16xf32> to vector<1x16xf32>
        tpu.vector_store %arg17[%swap3A_979, %swap3A_980], %swap3A_983 {strides = array<i32>} : memref<200x64xf32, #tpu.memory_space<vmem>>, vector<1x16xf32>,
        %get3A_984 = arith.index_cast %add3A_932 : i32 to index
        %get3A_985 = arith.constant 48 : index
        %get3A_986 = tpu.vector_load %arg13[%get3A_984, %get3A_985] {strides = array<i32>} : memref<200x64xf32, #tpu.memory_space<vmem>>, vector<1x16xf32>,
        %get3A_987 = vector.shape_cast %get3A_986 : vector<1x16xf32> to vector<16xf32>
        %mul3A_988 = arith.constant 8.000000e+00 : f32
        %mul3A_989 = vector.broadcast %mul3A_988 : f32 to vector<16xf32>
        %mul3A_990 = arith.mulf %get3A_987, %mul3A_989 : vector<16xf32>
        %get3A_991 = arith.index_cast %add3A_932 : i32 to index
        %get3A_992 = arith.constant 48 : index
        %get3A_993 = tpu.vector_load %arg6[%get3A_991, %get3A_992] {strides = array<i32>} : memref<200x64xf32, #tpu.memory_space<vmem>>, vector<1x16xf32>,
        %get3A_994 = vector.shape_cast %get3A_993 : vector<1x16xf32> to vector<16xf32>
        %add3A_995 = arith.addf %mul3A_990, %get3A_994 : vector<16xf32>
        %swap3A_996 = arith.index_cast %add3A_932 : i32 to index
        %swap3A_997 = arith.constant 48 : index
        %swap3A_998 = tpu.vector_load %arg17[%swap3A_996, %swap3A_997] {strides = array<i32>} : memref<200x64xf32, #tpu.memory_space<vmem>>, vector<1x16xf32>,
        %swap3A_999 = vector.shape_cast %swap3A_998 : vector<1x16xf32> to vector<16xf32>
        %swap3A_1000 = vector.shape_cast %add3A_995 : vector<16xf32> to vector<1x16xf32>
        tpu.vector_store %arg17[%swap3A_996, %swap3A_997], %swap3A_1000 {strides = array<i32>} : memref<200x64xf32, #tpu.memory_space<vmem>>, vector<1x16xf32>,
        %add3A_1001 = arith.constant 3 : i32
        %add3A_1002 = arith.addi %mul3A_792, %add3A_1001 : i32
        %get3A_1003 = arith.index_cast %add3A_1002 : i32 to index
        %get3A_1004 = arith.constant 0 : index
        %get3A_1005 = tpu.vector_load %arg13[%get3A_1003, %get3A_1004] {strides = array<i32>} : memref<200x64xf32, #tpu.memory_space<vmem>>, vector<1x16xf32>,
        %get3A_1006 = vector.shape_cast %get3A_1005 : vector<1x16xf32> to vector<16xf32>
        %mul3A_1007 = arith.constant 8.000000e+00 : f32
        %mul3A_1008 = vector.broadcast %mul3A_1007 : f32 to vector<16xf32>
        %mul3A_1009 = arith.mulf %get3A_1006, %mul3A_1008 : vector<16xf32>
        %get3A_1010 = arith.index_cast %add3A_1002 : i32 to index
        %get3A_1011 = arith.constant 0 : index
        %get3A_1012 = tpu.vector_load %arg6[%get3A_1010, %get3A_1011] {strides = array<i32>} : memref<200x64xf32, #tpu.memory_space<vmem>>, vector<1x16xf32>,
        %get3A_1013 = vector.shape_cast %get3A_1012 : vector<1x16xf32> to vector<16xf32>
        %add3A_1014 = arith.addf %mul3A_1009, %get3A_1013 : vector<16xf32>
        %swap3A_1015 = arith.index_cast %add3A_1002 : i32 to index
        %swap3A_1016 = arith.constant 0 : index
        %swap3A_1017 = tpu.vector_load %arg17[%swap3A_1015, %swap3A_1016] {strides = array<i32>} : memref<200x64xf32, #tpu.memory_space<vmem>>, vector<1x16xf32>,
        %swap3A_1018 = vector.shape_cast %swap3A_1017 : vector<1x16xf32> to vector<16xf32>
        %swap3A_1019 = vector.shape_cast %add3A_1014 : vector<16xf32> to vector<1x16xf32>
        tpu.vector_store %arg17[%swap3A_1015, %swap3A_1016], %swap3A_1019 {strides = array<i32>} : memref<200x64xf32, #tpu.memory_space<vmem>>, vector<1x16xf32>,
        %get3A_1020 = arith.index_cast %add3A_1002 : i32 to index
        %get3A_1021 = arith.constant 16 : index
        %get3A_1022 = tpu.vector_load %arg13[%get3A_1020, %get3A_1021] {strides = array<i32>} : memref<200x64xf32, #tpu.memory_space<vmem>>, vector<1x16xf32>,
        %get3A_1023 = vector.shape_cast %get3A_1022 : vector<1x16xf32> to vector<16xf32>
        %mul3A_1024 = arith.constant 8.000000e+00 : f32
        %mul3A_1025 = vector.broadcast %mul3A_1024 : f32 to vector<16xf32>
        %mul3A_1026 = arith.mulf %get3A_1023, %mul3A_1025 : vector<16xf32>
        %get3A_1027 = arith.index_cast %add3A_1002 : i32 to index
        %get3A_1028 = arith.constant 16 : index
        %get3A_1029 = tpu.vector_load %arg6[%get3A_1027, %get3A_1028] {strides = array<i32>} : memref<200x64xf32, #tpu.memory_space<vmem>>, vector<1x16xf32>,
        %get3A_1030 = vector.shape_cast %get3A_1029 : vector<1x16xf32> to vector<16xf32>
        %add3A_1031 = arith.addf %mul3A_1026, %get3A_1030 : vector<16xf32>
        %swap3A_1032 = arith.index_cast %add3A_1002 : i32 to index
        %swap3A_1033 = arith.constant 16 : index
        %swap3A_1034 = tpu.vector_load %arg17[%swap3A_1032, %swap3A_1033] {strides = array<i32>} : memref<200x64xf32, #tpu.memory_space<vmem>>, vector<1x16xf32>,
        %swap3A_1035 = vector.shape_cast %swap3A_1034 : vector<1x16xf32> to vector<16xf32>
        %swap3A_1036 = vector.shape_cast %add3A_1031 : vector<16xf32> to vector<1x16xf32>
        tpu.vector_store %arg17[%swap3A_1032, %swap3A_1033], %swap3A_1036 {strides = array<i32>} : memref<200x64xf32, #tpu.memory_space<vmem>>, vector<1x16xf32>,
        %get3A_1037 = arith.index_cast %add3A_1002 : i32 to index
        %get3A_1038 = arith.constant 32 : index
        %get3A_1039 = tpu.vector_load %arg13[%get3A_1037, %get3A_1038] {strides = array<i32>} : memref<200x64xf32, #tpu.memory_space<vmem>>, vector<1x16xf32>,
        %get3A_1040 = vector.shape_cast %get3A_1039 : vector<1x16xf32> to vector<16xf32>
        %mul3A_1041 = arith.constant 8.000000e+00 : f32
        %mul3A_1042 = vector.broadcast %mul3A_1041 : f32 to vector<16xf32>
        %mul3A_1043 = arith.mulf %get3A_1040, %mul3A_1042 : vector<16xf32>
        %get3A_1044 = arith.index_cast %add3A_1002 : i32 to index
        %get3A_1045 = arith.constant 32 : index
        %get3A_1046 = tpu.vector_load %arg6[%get3A_1044, %get3A_1045] {strides = array<i32>} : memref<200x64xf32, #tpu.memory_space<vmem>>, vector<1x16xf32>,
        %get3A_1047 = vector.shape_cast %get3A_1046 : vector<1x16xf32> to vector<16xf32>
        %add3A_1048 = arith.addf %mul3A_1043, %get3A_1047 : vector<16xf32>
        %swap3A_1049 = arith.index_cast %add3A_1002 : i32 to index
        %swap3A_1050 = arith.constant 32 : index
        %swap3A_1051 = tpu.vector_load %arg17[%swap3A_1049, %swap3A_1050] {strides = array<i32>} : memref<200x64xf32, #tpu.memory_space<vmem>>, vector<1x16xf32>,
        %swap3A_1052 = vector.shape_cast %swap3A_1051 : vector<1x16xf32> to vector<16xf32>
        %swap3A_1053 = vector.shape_cast %add3A_1048 : vector<16xf32> to vector<1x16xf32>
        tpu.vector_store %arg17[%swap3A_1049, %swap3A_1050], %swap3A_1053 {strides = array<i32>} : memref<200x64xf32, #tpu.memory_space<vmem>>, vector<1x16xf32>,
        %get3A_1054 = arith.index_cast %add3A_1002 : i32 to index
        %get3A_1055 = arith.constant 48 : index
        %get3A_1056 = tpu.vector_load %arg13[%get3A_1054, %get3A_1055] {strides = array<i32>} : memref<200x64xf32, #tpu.memory_space<vmem>>, vector<1x16xf32>,
        %get3A_1057 = vector.shape_cast %get3A_1056 : vector<1x16xf32> to vector<16xf32>
        %mul3A_1058 = arith.constant 8.000000e+00 : f32
        %mul3A_1059 = vector.broadcast %mul3A_1058 : f32 to vector<16xf32>
        %mul3A_1060 = arith.mulf %get3A_1057, %mul3A_1059 : vector<16xf32>
        %get3A_1061 = arith.index_cast %add3A_1002 : i32 to index
        %get3A_1062 = arith.constant 48 : index
        %get3A_1063 = tpu.vector_load %arg6[%get3A_1061, %get3A_1062] {strides = array<i32>} : memref<200x64xf32, #tpu.memory_space<vmem>>, vector<1x16xf32>,
        %get3A_1064 = vector.shape_cast %get3A_1063 : vector<1x16xf32> to vector<16xf32>
        %add3A_1065 = arith.addf %mul3A_1060, %get3A_1064 : vector<16xf32>
        %swap3A_1066 = arith.index_cast %add3A_1002 : i32 to index
        %swap3A_1067 = arith.constant 48 : index
        %swap3A_1068 = tpu.vector_load %arg17[%swap3A_1066, %swap3A_1067] {strides = array<i32>} : memref<200x64xf32, #tpu.memory_space<vmem>>, vector<1x16xf32>,
        %swap3A_1069 = vector.shape_cast %swap3A_1068 : vector<1x16xf32> to vector<16xf32>
        %swap3A_1070 = vector.shape_cast %add3A_1065 : vector<16xf32> to vector<1x16xf32>
        tpu.vector_store %arg17[%swap3A_1066, %swap3A_1067], %swap3A_1070 {strides = array<i32>} : memref<200x64xf32, #tpu.memory_space<vmem>>, vector<1x16xf32>,
      }
      %scan3A_682 = arith.constant 50 : i32
      %dma_wait3A_683 = arith.constant 0 : i32
      %dma_wait3A_684 = tpu.memref_slice %arg2[%mul3A_2, %dma_wait3A_683] : memref<4096x200xi32, #tpu.memory_space<hbm>> -> memref<1x200xi32, #tpu.memory_space<hbm>>
      %dma_wait3A_685 = tpu.memref_squeeze %dma_wait3A_684 : memref<1x200xi32, #tpu.memory_space<hbm>> -> memref<200xi32, #tpu.memory_space<hbm>>
      %dma_wait3A_686 = arith.constant 0 : i32
      %dma_wait3A_687 = tpu.memref_slice %arg2[%mul3A_2, %dma_wait3A_686] : memref<4096x200xi32, #tpu.memory_space<hbm>> -> memref<1x200xi32, #tpu.memory_space<hbm>>
      %dma_wait3A_688 = tpu.memref_squeeze %dma_wait3A_687 : memref<1x200xi32, #tpu.memory_space<hbm>> -> memref<200xi32, #tpu.memory_space<hbm>>
      tpu.wait_dma2 semaphore(%arg21 : memref<!tpu.dma_semaphore, #tpu.memory_space<semaphore_mem>>) src(%dma_wait3A_688 : memref<200xi32, #tpu.memory_space<hbm>>) dst(%arg9 : memref<200xi32, #tpu.memory_space<vmem>>)
      %dma_start3A_689 = arith.constant 0 : i32
      %dma_start3A_690 = arith.constant 0 : i32
      %dma_start3A_691 = tpu.memref_slice %arg13[%dma_start3A_689, %dma_start3A_690] : memref<200x64xf32, #tpu.memory_space<vmem>> -> memref<104x64xf32, #tpu.memory_space<vmem>>
      %dma_start3A_692 = arith.constant 0 : i32
      %dma_start3A_693 = tpu.memref_slice %arg9[%dma_start3A_692] : memref<200xi32, #tpu.memory_space<vmem>> -> memref<104xi32, #tpu.memory_space<vmem>>
      %dma_start3A_694 = arith.constant 0 : i32
      %dma_start3A_695 = arith.constant 0 : i32
      %dma_start3A_696 = tpu.memref_slice %arg3[%dma_start3A_694, %dma_start3A_695] : memref<100000x64xf32, #tpu.memory_space<hbm>> -> memref<100000x64xf32, #tpu.memory_space<hbm>>
      tpu.enqueue_indirect_dma source(%dma_start3A_696 : memref<100000x64xf32, #tpu.memory_space<hbm>>) target(%dma_start3A_691 : memref<104x64xf32, #tpu.memory_space<vmem>>) offsets(%dma_start3A_693 : memref<104xi32, #tpu.memory_space<vmem>>) semaphore(%arg25 : memref<!tpu.dma_semaphore, #tpu.memory_space<semaphore_mem>>)
      %dma_start3A_697 = arith.constant 104 : i32
      %dma_start3A_698 = arith.constant 0 : i32
      %dma_start3A_699 = tpu.memref_slice %arg13[%dma_start3A_697, %dma_start3A_698] : memref<200x64xf32, #tpu.memory_space<vmem>> -> memref<96x64xf32, #tpu.memory_space<vmem>>
      %dma_start3A_700 = arith.constant 104 : i32
      %dma_start3A_701 = tpu.memref_slice %arg9[%dma_start3A_700] : memref<200xi32, #tpu.memory_space<vmem>> -> memref<96xi32, #tpu.memory_space<vmem>>
      %dma_start3A_702 = arith.constant 0 : i32
      %dma_start3A_703 = arith.constant 0 : i32
      %dma_start3A_704 = tpu.memref_slice %arg3[%dma_start3A_702, %dma_start3A_703] : memref<100000x64xf32, #tpu.memory_space<hbm>> -> memref<100000x64xf32, #tpu.memory_space<hbm>>
      tpu.enqueue_indirect_dma source(%dma_start3A_704 : memref<100000x64xf32, #tpu.memory_space<hbm>>) target(%dma_start3A_699 : memref<96x64xf32, #tpu.memory_space<vmem>>) offsets(%dma_start3A_701 : memref<96xi32, #tpu.memory_space<vmem>>) semaphore(%arg25 : memref<!tpu.dma_semaphore, #tpu.memory_space<semaphore_mem>>)
      %add3A_705 = arith.addi %mul3A_2, %add3A_641 : i32
      %dma_start3A_706 = arith.constant 0 : i32
      %dma_start3A_707 = arith.constant 0 : i32
      %dma_start3A_708 = tpu.memref_slice %arg5[%add3A_705, %dma_start3A_706, %dma_start3A_707] : memref<4096x200x64xf32, #tpu.memory_space<hbm>> -> memref<1x200x64xf32, #tpu.memory_space<hbm>>
      %dma_start3A_709 = tpu.memref_squeeze %dma_start3A_708 : memref<1x200x64xf32, #tpu.memory_space<hbm>> -> memref<200x64xf32, #tpu.memory_space<hbm>>
      %dma_start3A_710 = arith.constant 0 : i32
      %dma_start3A_711 = arith.constant 0 : i32
      %dma_start3A_712 = tpu.memref_slice %arg5[%add3A_705, %dma_start3A_710, %dma_start3A_711] : memref<4096x200x64xf32, #tpu.memory_space<hbm>> -> memref<1x200x64xf32, #tpu.memory_space<hbm>>
      %dma_start3A_713 = tpu.memref_squeeze %dma_start3A_712 : memref<1x200x64xf32, #tpu.memory_space<hbm>> -> memref<200x64xf32, #tpu.memory_space<hbm>>
      tpu.enqueue_dma source(%arg17 : memref<200x64xf32, #tpu.memory_space<vmem>>) target(%dma_start3A_713 : memref<200x64xf32, #tpu.memory_space<hbm>>) target_semaphore(%arg29 : memref<!tpu.dma_semaphore, #tpu.memory_space<semaphore_mem>>)
      %mul3A_714 = arith.constant 4 : i32
      %mul3A_715 = arith.muli %mul3A_714, %scan3A_485 : i32
      %add3A_716 = arith.constant 3 : i32
      %add3A_717 = arith.addi %mul3A_715, %add3A_716 : i32
      %dma_wait3A_718 = arith.constant 0 : i32
      %dma_wait3A_719 = arith.constant 0 : i32
      %dma_wait3A_720 = tpu.memref_slice %arg14[%dma_wait3A_718, %dma_wait3A_719] : memref<200x64xf32, #tpu.memory_space<vmem>> -> memref<104x64xf32, #tpu.memory_space<vmem>>
      %dma_wait3A_721 = arith.constant 0 : i32
      %dma_wait3A_722 = tpu.memref_slice %arg10[%dma_wait3A_721] : memref<200xi32, #tpu.memory_space<vmem>> -> memref<104xi32, #tpu.memory_space<vmem>>
      %dma_wait3A_723 = arith.constant 0 : i32
      %dma_wait3A_724 = arith.constant 0 : i32
      %dma_wait3A_725 = tpu.memref_slice %arg3[%dma_wait3A_723, %dma_wait3A_724] : memref<100000x64xf32, #tpu.memory_space<hbm>> -> memref<100000x64xf32, #tpu.memory_space<hbm>>
      tpu.wait_indirect_dma semaphore(%arg26 : memref<!tpu.dma_semaphore, #tpu.memory_space<semaphore_mem>>) src(%dma_wait3A_725 : memref<100000x64xf32, #tpu.memory_space<hbm>>) dst(%dma_wait3A_720 : memref<104x64xf32, #tpu.memory_space<vmem>>)
      %dma_wait3A_726 = arith.constant 104 : i32
      %dma_wait3A_727 = arith.constant 0 : i32
      %dma_wait3A_728 = tpu.memref_slice %arg14[%dma_wait3A_726, %dma_wait3A_727] : memref<200x64xf32, #tpu.memory_space<vmem>> -> memref<96x64xf32, #tpu.memory_space<vmem>>
      %dma_wait3A_729 = arith.constant 104 : i32
      %dma_wait3A_730 = tpu.memref_slice %arg10[%dma_wait3A_729] : memref<200xi32, #tpu.memory_space<vmem>> -> memref<96xi32, #tpu.memory_space<vmem>>
      %dma_wait3A_731 = arith.constant 0 : i32
      %dma_wait3A_732 = arith.constant 0 : i32
      %dma_wait3A_733 = tpu.memref_slice %arg3[%dma_wait3A_731, %dma_wait3A_732] : memref<100000x64xf32, #tpu.memory_space<hbm>> -> memref<100000x64xf32, #tpu.memory_space<hbm>>
      tpu.wait_indirect_dma semaphore(%arg26 : memref<!tpu.dma_semaphore, #tpu.memory_space<semaphore_mem>>) src(%dma_wait3A_733 : memref<100000x64xf32, #tpu.memory_space<hbm>>) dst(%dma_wait3A_728 : memref<96x64xf32, #tpu.memory_space<vmem>>)
      %add3A_734 = arith.constant 4 : i32
      %add3A_735 = arith.addi %add3A_717, %add3A_734 : i32
      %rem3A_736 = arith.constant 128 : i32
      %rem3A_737 = arith.remsi %add3A_735, %rem3A_736 : i32
      %add3A_738 = arith.addi %mul3A_2, %rem3A_737 : i32
      %dma_start3A_739 = arith.constant 0 : i32
      %dma_start3A_740 = tpu.memref_slice %arg2[%add3A_738, %dma_start3A_739] : memref<4096x200xi32, #tpu.memory_space<hbm>> -> memref<1x200xi32, #tpu.memory_space<hbm>>
      %dma_start3A_741 = tpu.memref_squeeze %dma_start3A_740 : memref<1x200xi32, #tpu.memory_space<hbm>> -> memref<200xi32, #tpu.memory_space<hbm>>
      %dma_start3A_742 = arith.constant 0 : i32
      %dma_start3A_743 = tpu.memref_slice %arg2[%add3A_738, %dma_start3A_742] : memref<4096x200xi32, #tpu.memory_space<hbm>> -> memref<1x200xi32, #tpu.memory_space<hbm>>
      %dma_start3A_744 = tpu.memref_squeeze %dma_start3A_743 : memref<1x200xi32, #tpu.memory_space<hbm>> -> memref<200xi32, #tpu.memory_space<hbm>>
      tpu.enqueue_dma source(%dma_start3A_744 : memref<200xi32, #tpu.memory_space<hbm>>) target(%arg10 : memref<200xi32, #tpu.memory_space<vmem>>) target_semaphore(%arg22 : memref<!tpu.dma_semaphore, #tpu.memory_space<semaphore_mem>>)
      %dma_wait3A_745 = arith.constant 0 : i32
      %dma_wait3A_746 = arith.constant 0 : i32
      %dma_wait3A_747 = tpu.memref_slice %arg5[%mul3A_2, %dma_wait3A_745, %dma_wait3A_746] : memref<4096x200x64xf32, #tpu.memory_space<hbm>> -> memref<1x200x64xf32, #tpu.memory_space<hbm>>
      %dma_wait3A_748 = tpu.memref_squeeze %dma_wait3A_747 : memref<1x200x64xf32, #tpu.memory_space<hbm>> -> memref<200x64xf32, #tpu.memory_space<hbm>>
      %dma_wait3A_749 = arith.constant 0 : i32
      %dma_wait3A_750 = arith.constant 0 : i32
      %dma_wait3A_751 = tpu.memref_slice %arg5[%mul3A_2, %dma_wait3A_749, %dma_wait3A_750] : memref<4096x200x64xf32, #tpu.memory_space<hbm>> -> memref<1x200x64xf32, #tpu.memory_space<hbm>>
      %dma_wait3A_752 = tpu.memref_squeeze %dma_wait3A_751 : memref<1x200x64xf32, #tpu.memory_space<hbm>> -> memref<200x64xf32, #tpu.memory_space<hbm>>
      tpu.wait_dma2 semaphore(%arg30 : memref<!tpu.dma_semaphore, #tpu.memory_space<semaphore_mem>>) src(%arg18 : memref<200x64xf32, #tpu.memory_space<vmem>>) dst(%dma_wait3A_752 : memref<200x64xf32, #tpu.memory_space<hbm>>)
      %scan3A_753 = arith.constant 0 : i32
      %scan3A_754 = arith.constant 0 : i32
      %scan3A_755 = arith.constant 50 : i32
      %scan3A_756 = arith.addi %scan3A_754, %scan3A_755 : i32
      %scan3A_757 = arith.constant 1 : i32
      scf.for %scan3A_790 = %scan3A_754 to %scan3A_756 step %scan3A_757  : i32 {
        %mul3A_791 = arith.constant 4 : i32
        %mul3A_792 = arith.muli %scan3A_790, %mul3A_791 : i32
        %add3A_793 = arith.constant 0 : i32
        %add3A_794 = arith.addi %mul3A_792, %add3A_793 : i32
        %get3A = arith.index_cast %add3A_794 : i32 to index
        %get3A_795 = arith.constant 0 : index
        %get3A_796 = tpu.vector_load %arg14[%get3A, %get3A_795] {strides = array<i32>} : memref<200x64xf32, #tpu.memory_space<vmem>>, vector<1x16xf32>,
        %get3A_797 = vector.shape_cast %get3A_796 : vector<1x16xf32> to vector<16xf32>
        %mul3A_798 = arith.constant 8.000000e+00 : f32
        %mul3A_799 = vector.broadcast %mul3A_798 : f32 to vector<16xf32>
        %mul3A_800 = arith.mulf %get3A_797, %mul3A_799 : vector<16xf32>
        %get3A_801 = arith.index_cast %add3A_794 : i32 to index
        %get3A_802 = arith.constant 0 : index
        %get3A_803 = tpu.vector_load %arg6[%get3A_801, %get3A_802] {strides = array<i32>} : memref<200x64xf32, #tpu.memory_space<vmem>>, vector<1x16xf32>,
        %get3A_804 = vector.shape_cast %get3A_803 : vector<1x16xf32> to vector<16xf32>
        %add3A_805 = arith.addf %mul3A_800, %get3A_804 : vector<16xf32>
        %swap3A = arith.index_cast %add3A_794 : i32 to index
        %swap3A_806 = arith.constant 0 : index
        %swap3A_807 = tpu.vector_load %arg18[%swap3A, %swap3A_806] {strides = array<i32>} : memref<200x64xf32, #tpu.memory_space<vmem>>, vector<1x16xf32>,
        %swap3A_808 = vector.shape_cast %swap3A_807 : vector<1x16xf32> to vector<16xf32>
        %swap3A_809 = vector.shape_cast %add3A_805 : vector<16xf32> to vector<1x16xf32>
        tpu.vector_store %arg18[%swap3A, %swap3A_806], %swap3A_809 {strides = array<i32>} : memref<200x64xf32, #tpu.memory_space<vmem>>, vector<1x16xf32>,
        %get3A_810 = arith.index_cast %add3A_794 : i32 to index
        %get3A_811 = arith.constant 16 : index
        %get3A_812 = tpu.vector_load %arg14[%get3A_810, %get3A_811] {strides = array<i32>} : memref<200x64xf32, #tpu.memory_space<vmem>>, vector<1x16xf32>,
        %get3A_813 = vector.shape_cast %get3A_812 : vector<1x16xf32> to vector<16xf32>
        %mul3A_814 = arith.constant 8.000000e+00 : f32
        %mul3A_815 = vector.broadcast %mul3A_814 : f32 to vector<16xf32>
        %mul3A_816 = arith.mulf %get3A_813, %mul3A_815 : vector<16xf32>
        %get3A_817 = arith.index_cast %add3A_794 : i32 to index
        %get3A_818 = arith.constant 16 : index
        %get3A_819 = tpu.vector_load %arg6[%get3A_817, %get3A_818] {strides = array<i32>} : memref<200x64xf32, #tpu.memory_space<vmem>>, vector<1x16xf32>,
        %get3A_820 = vector.shape_cast %get3A_819 : vector<1x16xf32> to vector<16xf32>
        %add3A_821 = arith.addf %mul3A_816, %get3A_820 : vector<16xf32>
        %swap3A_822 = arith.index_cast %add3A_794 : i32 to index
        %swap3A_823 = arith.constant 16 : index
        %swap3A_824 = tpu.vector_load %arg18[%swap3A_822, %swap3A_823] {strides = array<i32>} : memref<200x64xf32, #tpu.memory_space<vmem>>, vector<1x16xf32>,
        %swap3A_825 = vector.shape_cast %swap3A_824 : vector<1x16xf32> to vector<16xf32>
        %swap3A_826 = vector.shape_cast %add3A_821 : vector<16xf32> to vector<1x16xf32>
        tpu.vector_store %arg18[%swap3A_822, %swap3A_823], %swap3A_826 {strides = array<i32>} : memref<200x64xf32, #tpu.memory_space<vmem>>, vector<1x16xf32>,
        %get3A_827 = arith.index_cast %add3A_794 : i32 to index
        %get3A_828 = arith.constant 32 : index
        %get3A_829 = tpu.vector_load %arg14[%get3A_827, %get3A_828] {strides = array<i32>} : memref<200x64xf32, #tpu.memory_space<vmem>>, vector<1x16xf32>,
        %get3A_830 = vector.shape_cast %get3A_829 : vector<1x16xf32> to vector<16xf32>
        %mul3A_831 = arith.constant 8.000000e+00 : f32
        %mul3A_832 = vector.broadcast %mul3A_831 : f32 to vector<16xf32>
        %mul3A_833 = arith.mulf %get3A_830, %mul3A_832 : vector<16xf32>
        %get3A_834 = arith.index_cast %add3A_794 : i32 to index
        %get3A_835 = arith.constant 32 : index
        %get3A_836 = tpu.vector_load %arg6[%get3A_834, %get3A_835] {strides = array<i32>} : memref<200x64xf32, #tpu.memory_space<vmem>>, vector<1x16xf32>,
        %get3A_837 = vector.shape_cast %get3A_836 : vector<1x16xf32> to vector<16xf32>
        %add3A_838 = arith.addf %mul3A_833, %get3A_837 : vector<16xf32>
        %swap3A_839 = arith.index_cast %add3A_794 : i32 to index
        %swap3A_840 = arith.constant 32 : index
        %swap3A_841 = tpu.vector_load %arg18[%swap3A_839, %swap3A_840] {strides = array<i32>} : memref<200x64xf32, #tpu.memory_space<vmem>>, vector<1x16xf32>,
        %swap3A_842 = vector.shape_cast %swap3A_841 : vector<1x16xf32> to vector<16xf32>
        %swap3A_843 = vector.shape_cast %add3A_838 : vector<16xf32> to vector<1x16xf32>
        tpu.vector_store %arg18[%swap3A_839, %swap3A_840], %swap3A_843 {strides = array<i32>} : memref<200x64xf32, #tpu.memory_space<vmem>>, vector<1x16xf32>,
        %get3A_844 = arith.index_cast %add3A_794 : i32 to index
        %get3A_845 = arith.constant 48 : index
        %get3A_846 = tpu.vector_load %arg14[%get3A_844, %get3A_845] {strides = array<i32>} : memref<200x64xf32, #tpu.memory_space<vmem>>, vector<1x16xf32>,
        %get3A_847 = vector.shape_cast %get3A_846 : vector<1x16xf32> to vector<16xf32>
        %mul3A_848 = arith.constant 8.000000e+00 : f32
        %mul3A_849 = vector.broadcast %mul3A_848 : f32 to vector<16xf32>
        %mul3A_850 = arith.mulf %get3A_847, %mul3A_849 : vector<16xf32>
        %get3A_851 = arith.index_cast %add3A_794 : i32 to index
        %get3A_852 = arith.constant 48 : index
        %get3A_853 = tpu.vector_load %arg6[%get3A_851, %get3A_852] {strides = array<i32>} : memref<200x64xf32, #tpu.memory_space<vmem>>, vector<1x16xf32>,
        %get3A_854 = vector.shape_cast %get3A_853 : vector<1x16xf32> to vector<16xf32>
        %add3A_855 = arith.addf %mul3A_850, %get3A_854 : vector<16xf32>
        %swap3A_856 = arith.index_cast %add3A_794 : i32 to index
        %swap3A_857 = arith.constant 48 : index
        %swap3A_858 = tpu.vector_load %arg18[%swap3A_856, %swap3A_857] {strides = array<i32>} : memref<200x64xf32, #tpu.memory_space<vmem>>, vector<1x16xf32>,
        %swap3A_859 = vector.shape_cast %swap3A_858 : vector<1x16xf32> to vector<16xf32>
        %swap3A_860 = vector.shape_cast %add3A_855 : vector<16xf32> to vector<1x16xf32>
        tpu.vector_store %arg18[%swap3A_856, %swap3A_857], %swap3A_860 {strides = array<i32>} : memref<200x64xf32, #tpu.memory_space<vmem>>, vector<1x16xf32>,
        %add3A_861 = arith.constant 1 : i32
        %add3A_862 = arith.addi %mul3A_792, %add3A_861 : i32
        %get3A_863 = arith.index_cast %add3A_862 : i32 to index
        %get3A_864 = arith.constant 0 : index
        %get3A_865 = tpu.vector_load %arg14[%get3A_863, %get3A_864] {strides = array<i32>} : memref<200x64xf32, #tpu.memory_space<vmem>>, vector<1x16xf32>,
        %get3A_866 = vector.shape_cast %get3A_865 : vector<1x16xf32> to vector<16xf32>
        %mul3A_867 = arith.constant 8.000000e+00 : f32
        %mul3A_868 = vector.broadcast %mul3A_867 : f32 to vector<16xf32>
        %mul3A_869 = arith.mulf %get3A_866, %mul3A_868 : vector<16xf32>
        %get3A_870 = arith.index_cast %add3A_862 : i32 to index
        %get3A_871 = arith.constant 0 : index
        %get3A_872 = tpu.vector_load %arg6[%get3A_870, %get3A_871] {strides = array<i32>} : memref<200x64xf32, #tpu.memory_space<vmem>>, vector<1x16xf32>,
        %get3A_873 = vector.shape_cast %get3A_872 : vector<1x16xf32> to vector<16xf32>
        %add3A_874 = arith.addf %mul3A_869, %get3A_873 : vector<16xf32>
        %swap3A_875 = arith.index_cast %add3A_862 : i32 to index
        %swap3A_876 = arith.constant 0 : index
        %swap3A_877 = tpu.vector_load %arg18[%swap3A_875, %swap3A_876] {strides = array<i32>} : memref<200x64xf32, #tpu.memory_space<vmem>>, vector<1x16xf32>,
        %swap3A_878 = vector.shape_cast %swap3A_877 : vector<1x16xf32> to vector<16xf32>
        %swap3A_879 = vector.shape_cast %add3A_874 : vector<16xf32> to vector<1x16xf32>
        tpu.vector_store %arg18[%swap3A_875, %swap3A_876], %swap3A_879 {strides = array<i32>} : memref<200x64xf32, #tpu.memory_space<vmem>>, vector<1x16xf32>,
        %get3A_880 = arith.index_cast %add3A_862 : i32 to index
        %get3A_881 = arith.constant 16 : index
        %get3A_882 = tpu.vector_load %arg14[%get3A_880, %get3A_881] {strides = array<i32>} : memref<200x64xf32, #tpu.memory_space<vmem>>, vector<1x16xf32>,
        %get3A_883 = vector.shape_cast %get3A_882 : vector<1x16xf32> to vector<16xf32>
        %mul3A_884 = arith.constant 8.000000e+00 : f32
        %mul3A_885 = vector.broadcast %mul3A_884 : f32 to vector<16xf32>
        %mul3A_886 = arith.mulf %get3A_883, %mul3A_885 : vector<16xf32>
        %get3A_887 = arith.index_cast %add3A_862 : i32 to index
        %get3A_888 = arith.constant 16 : index
        %get3A_889 = tpu.vector_load %arg6[%get3A_887, %get3A_888] {strides = array<i32>} : memref<200x64xf32, #tpu.memory_space<vmem>>, vector<1x16xf32>,
        %get3A_890 = vector.shape_cast %get3A_889 : vector<1x16xf32> to vector<16xf32>
        %add3A_891 = arith.addf %mul3A_886, %get3A_890 : vector<16xf32>
        %swap3A_892 = arith.index_cast %add3A_862 : i32 to index
        %swap3A_893 = arith.constant 16 : index
        %swap3A_894 = tpu.vector_load %arg18[%swap3A_892, %swap3A_893] {strides = array<i32>} : memref<200x64xf32, #tpu.memory_space<vmem>>, vector<1x16xf32>,
        %swap3A_895 = vector.shape_cast %swap3A_894 : vector<1x16xf32> to vector<16xf32>
        %swap3A_896 = vector.shape_cast %add3A_891 : vector<16xf32> to vector<1x16xf32>
        tpu.vector_store %arg18[%swap3A_892, %swap3A_893], %swap3A_896 {strides = array<i32>} : memref<200x64xf32, #tpu.memory_space<vmem>>, vector<1x16xf32>,
        %get3A_897 = arith.index_cast %add3A_862 : i32 to index
        %get3A_898 = arith.constant 32 : index
        %get3A_899 = tpu.vector_load %arg14[%get3A_897, %get3A_898] {strides = array<i32>} : memref<200x64xf32, #tpu.memory_space<vmem>>, vector<1x16xf32>,
        %get3A_900 = vector.shape_cast %get3A_899 : vector<1x16xf32> to vector<16xf32>
        %mul3A_901 = arith.constant 8.000000e+00 : f32
        %mul3A_902 = vector.broadcast %mul3A_901 : f32 to vector<16xf32>
        %mul3A_903 = arith.mulf %get3A_900, %mul3A_902 : vector<16xf32>
        %get3A_904 = arith.index_cast %add3A_862 : i32 to index
        %get3A_905 = arith.constant 32 : index
        %get3A_906 = tpu.vector_load %arg6[%get3A_904, %get3A_905] {strides = array<i32>} : memref<200x64xf32, #tpu.memory_space<vmem>>, vector<1x16xf32>,
        %get3A_907 = vector.shape_cast %get3A_906 : vector<1x16xf32> to vector<16xf32>
        %add3A_908 = arith.addf %mul3A_903, %get3A_907 : vector<16xf32>
        %swap3A_909 = arith.index_cast %add3A_862 : i32 to index
        %swap3A_910 = arith.constant 32 : index
        %swap3A_911 = tpu.vector_load %arg18[%swap3A_909, %swap3A_910] {strides = array<i32>} : memref<200x64xf32, #tpu.memory_space<vmem>>, vector<1x16xf32>,
        %swap3A_912 = vector.shape_cast %swap3A_911 : vector<1x16xf32> to vector<16xf32>
        %swap3A_913 = vector.shape_cast %add3A_908 : vector<16xf32> to vector<1x16xf32>
        tpu.vector_store %arg18[%swap3A_909, %swap3A_910], %swap3A_913 {strides = array<i32>} : memref<200x64xf32, #tpu.memory_space<vmem>>, vector<1x16xf32>,
        %get3A_914 = arith.index_cast %add3A_862 : i32 to index
        %get3A_915 = arith.constant 48 : index
        %get3A_916 = tpu.vector_load %arg14[%get3A_914, %get3A_915] {strides = array<i32>} : memref<200x64xf32, #tpu.memory_space<vmem>>, vector<1x16xf32>,
        %get3A_917 = vector.shape_cast %get3A_916 : vector<1x16xf32> to vector<16xf32>
        %mul3A_918 = arith.constant 8.000000e+00 : f32
        %mul3A_919 = vector.broadcast %mul3A_918 : f32 to vector<16xf32>
        %mul3A_920 = arith.mulf %get3A_917, %mul3A_919 : vector<16xf32>
        %get3A_921 = arith.index_cast %add3A_862 : i32 to index
        %get3A_922 = arith.constant 48 : index
        %get3A_923 = tpu.vector_load %arg6[%get3A_921, %get3A_922] {strides = array<i32>} : memref<200x64xf32, #tpu.memory_space<vmem>>, vector<1x16xf32>,
        %get3A_924 = vector.shape_cast %get3A_923 : vector<1x16xf32> to vector<16xf32>
        %add3A_925 = arith.addf %mul3A_920, %get3A_924 : vector<16xf32>
        %swap3A_926 = arith.index_cast %add3A_862 : i32 to index
        %swap3A_927 = arith.constant 48 : index
        %swap3A_928 = tpu.vector_load %arg18[%swap3A_926, %swap3A_927] {strides = array<i32>} : memref<200x64xf32, #tpu.memory_space<vmem>>, vector<1x16xf32>,
        %swap3A_929 = vector.shape_cast %swap3A_928 : vector<1x16xf32> to vector<16xf32>
        %swap3A_930 = vector.shape_cast %add3A_925 : vector<16xf32> to vector<1x16xf32>
        tpu.vector_store %arg18[%swap3A_926, %swap3A_927], %swap3A_930 {strides = array<i32>} : memref<200x64xf32, #tpu.memory_space<vmem>>, vector<1x16xf32>,
        %add3A_931 = arith.constant 2 : i32
        %add3A_932 = arith.addi %mul3A_792, %add3A_931 : i32
        %get3A_933 = arith.index_cast %add3A_932 : i32 to index
        %get3A_934 = arith.constant 0 : index
        %get3A_935 = tpu.vector_load %arg14[%get3A_933, %get3A_934] {strides = array<i32>} : memref<200x64xf32, #tpu.memory_space<vmem>>, vector<1x16xf32>,
        %get3A_936 = vector.shape_cast %get3A_935 : vector<1x16xf32> to vector<16xf32>
        %mul3A_937 = arith.constant 8.000000e+00 : f32
        %mul3A_938 = vector.broadcast %mul3A_937 : f32 to vector<16xf32>
        %mul3A_939 = arith.mulf %get3A_936, %mul3A_938 : vector<16xf32>
        %get3A_940 = arith.index_cast %add3A_932 : i32 to index
        %get3A_941 = arith.constant 0 : index
        %get3A_942 = tpu.vector_load %arg6[%get3A_940, %get3A_941] {strides = array<i32>} : memref<200x64xf32, #tpu.memory_space<vmem>>, vector<1x16xf32>,
        %get3A_943 = vector.shape_cast %get3A_942 : vector<1x16xf32> to vector<16xf32>
        %add3A_944 = arith.addf %mul3A_939, %get3A_943 : vector<16xf32>
        %swap3A_945 = arith.index_cast %add3A_932 : i32 to index
        %swap3A_946 = arith.constant 0 : index
        %swap3A_947 = tpu.vector_load %arg18[%swap3A_945, %swap3A_946] {strides = array<i32>} : memref<200x64xf32, #tpu.memory_space<vmem>>, vector<1x16xf32>,
        %swap3A_948 = vector.shape_cast %swap3A_947 : vector<1x16xf32> to vector<16xf32>
        %swap3A_949 = vector.shape_cast %add3A_944 : vector<16xf32> to vector<1x16xf32>
        tpu.vector_store %arg18[%swap3A_945, %swap3A_946], %swap3A_949 {strides = array<i32>} : memref<200x64xf32, #tpu.memory_space<vmem>>, vector<1x16xf32>,
        %get3A_950 = arith.index_cast %add3A_932 : i32 to index
        %get3A_951 = arith.constant 16 : index
        %get3A_952 = tpu.vector_load %arg14[%get3A_950, %get3A_951] {strides = array<i32>} : memref<200x64xf32, #tpu.memory_space<vmem>>, vector<1x16xf32>,
        %get3A_953 = vector.shape_cast %get3A_952 : vector<1x16xf32> to vector<16xf32>
        %mul3A_954 = arith.constant 8.000000e+00 : f32
        %mul3A_955 = vector.broadcast %mul3A_954 : f32 to vector<16xf32>
        %mul3A_956 = arith.mulf %get3A_953, %mul3A_955 : vector<16xf32>
        %get3A_957 = arith.index_cast %add3A_932 : i32 to index
        %get3A_958 = arith.constant 16 : index
        %get3A_959 = tpu.vector_load %arg6[%get3A_957, %get3A_958] {strides = array<i32>} : memref<200x64xf32, #tpu.memory_space<vmem>>, vector<1x16xf32>,
        %get3A_960 = vector.shape_cast %get3A_959 : vector<1x16xf32> to vector<16xf32>
        %add3A_961 = arith.addf %mul3A_956, %get3A_960 : vector<16xf32>
        %swap3A_962 = arith.index_cast %add3A_932 : i32 to index
        %swap3A_963 = arith.constant 16 : index
        %swap3A_964 = tpu.vector_load %arg18[%swap3A_962, %swap3A_963] {strides = array<i32>} : memref<200x64xf32, #tpu.memory_space<vmem>>, vector<1x16xf32>,
        %swap3A_965 = vector.shape_cast %swap3A_964 : vector<1x16xf32> to vector<16xf32>
        %swap3A_966 = vector.shape_cast %add3A_961 : vector<16xf32> to vector<1x16xf32>
        tpu.vector_store %arg18[%swap3A_962, %swap3A_963], %swap3A_966 {strides = array<i32>} : memref<200x64xf32, #tpu.memory_space<vmem>>, vector<1x16xf32>,
        %get3A_967 = arith.index_cast %add3A_932 : i32 to index
        %get3A_968 = arith.constant 32 : index
        %get3A_969 = tpu.vector_load %arg14[%get3A_967, %get3A_968] {strides = array<i32>} : memref<200x64xf32, #tpu.memory_space<vmem>>, vector<1x16xf32>,
        %get3A_970 = vector.shape_cast %get3A_969 : vector<1x16xf32> to vector<16xf32>
        %mul3A_971 = arith.constant 8.000000e+00 : f32
        %mul3A_972 = vector.broadcast %mul3A_971 : f32 to vector<16xf32>
        %mul3A_973 = arith.mulf %get3A_970, %mul3A_972 : vector<16xf32>
        %get3A_974 = arith.index_cast %add3A_932 : i32 to index
        %get3A_975 = arith.constant 32 : index
        %get3A_976 = tpu.vector_load %arg6[%get3A_974, %get3A_975] {strides = array<i32>} : memref<200x64xf32, #tpu.memory_space<vmem>>, vector<1x16xf32>,
        %get3A_977 = vector.shape_cast %get3A_976 : vector<1x16xf32> to vector<16xf32>
        %add3A_978 = arith.addf %mul3A_973, %get3A_977 : vector<16xf32>
        %swap3A_979 = arith.index_cast %add3A_932 : i32 to index
        %swap3A_980 = arith.constant 32 : index
        %swap3A_981 = tpu.vector_load %arg18[%swap3A_979, %swap3A_980] {strides = array<i32>} : memref<200x64xf32, #tpu.memory_space<vmem>>, vector<1x16xf32>,
        %swap3A_982 = vector.shape_cast %swap3A_981 : vector<1x16xf32> to vector<16xf32>
        %swap3A_983 = vector.shape_cast %add3A_978 : vector<16xf32> to vector<1x16xf32>
        tpu.vector_store %arg18[%swap3A_979, %swap3A_980], %swap3A_983 {strides = array<i32>} : memref<200x64xf32, #tpu.memory_space<vmem>>, vector<1x16xf32>,
        %get3A_984 = arith.index_cast %add3A_932 : i32 to index
        %get3A_985 = arith.constant 48 : index
        %get3A_986 = tpu.vector_load %arg14[%get3A_984, %get3A_985] {strides = array<i32>} : memref<200x64xf32, #tpu.memory_space<vmem>>, vector<1x16xf32>,
        %get3A_987 = vector.shape_cast %get3A_986 : vector<1x16xf32> to vector<16xf32>
        %mul3A_988 = arith.constant 8.000000e+00 : f32
        %mul3A_989 = vector.broadcast %mul3A_988 : f32 to vector<16xf32>
        %mul3A_990 = arith.mulf %get3A_987, %mul3A_989 : vector<16xf32>
        %get3A_991 = arith.index_cast %add3A_932 : i32 to index
        %get3A_992 = arith.constant 48 : index
        %get3A_993 = tpu.vector_load %arg6[%get3A_991, %get3A_992] {strides = array<i32>} : memref<200x64xf32, #tpu.memory_space<vmem>>, vector<1x16xf32>,
        %get3A_994 = vector.shape_cast %get3A_993 : vector<1x16xf32> to vector<16xf32>
        %add3A_995 = arith.addf %mul3A_990, %get3A_994 : vector<16xf32>
        %swap3A_996 = arith.index_cast %add3A_932 : i32 to index
        %swap3A_997 = arith.constant 48 : index
        %swap3A_998 = tpu.vector_load %arg18[%swap3A_996, %swap3A_997] {strides = array<i32>} : memref<200x64xf32, #tpu.memory_space<vmem>>, vector<1x16xf32>,
        %swap3A_999 = vector.shape_cast %swap3A_998 : vector<1x16xf32> to vector<16xf32>
        %swap3A_1000 = vector.shape_cast %add3A_995 : vector<16xf32> to vector<1x16xf32>
        tpu.vector_store %arg18[%swap3A_996, %swap3A_997], %swap3A_1000 {strides = array<i32>} : memref<200x64xf32, #tpu.memory_space<vmem>>, vector<1x16xf32>,
        %add3A_1001 = arith.constant 3 : i32
        %add3A_1002 = arith.addi %mul3A_792, %add3A_1001 : i32
        %get3A_1003 = arith.index_cast %add3A_1002 : i32 to index
        %get3A_1004 = arith.constant 0 : index
        %get3A_1005 = tpu.vector_load %arg14[%get3A_1003, %get3A_1004] {strides = array<i32>} : memref<200x64xf32, #tpu.memory_space<vmem>>, vector<1x16xf32>,
        %get3A_1006 = vector.shape_cast %get3A_1005 : vector<1x16xf32> to vector<16xf32>
        %mul3A_1007 = arith.constant 8.000000e+00 : f32
        %mul3A_1008 = vector.broadcast %mul3A_1007 : f32 to vector<16xf32>
        %mul3A_1009 = arith.mulf %get3A_1006, %mul3A_1008 : vector<16xf32>
        %get3A_1010 = arith.index_cast %add3A_1002 : i32 to index
        %get3A_1011 = arith.constant 0 : index
        %get3A_1012 = tpu.vector_load %arg6[%get3A_1010, %get3A_1011] {strides = array<i32>} : memref<200x64xf32, #tpu.memory_space<vmem>>, vector<1x16xf32>,
        %get3A_1013 = vector.shape_cast %get3A_1012 : vector<1x16xf32> to vector<16xf32>
        %add3A_1014 = arith.addf %mul3A_1009, %get3A_1013 : vector<16xf32>
        %swap3A_1015 = arith.index_cast %add3A_1002 : i32 to index
        %swap3A_1016 = arith.constant 0 : index
        %swap3A_1017 = tpu.vector_load %arg18[%swap3A_1015, %swap3A_1016] {strides = array<i32>} : memref<200x64xf32, #tpu.memory_space<vmem>>, vector<1x16xf32>,
        %swap3A_1018 = vector.shape_cast %swap3A_1017 : vector<1x16xf32> to vector<16xf32>
        %swap3A_1019 = vector.shape_cast %add3A_1014 : vector<16xf32> to vector<1x16xf32>
        tpu.vector_store %arg18[%swap3A_1015, %swap3A_1016], %swap3A_1019 {strides = array<i32>} : memref<200x64xf32, #tpu.memory_space<vmem>>, vector<1x16xf32>,
        %get3A_1020 = arith.index_cast %add3A_1002 : i32 to index
        %get3A_1021 = arith.constant 16 : index
        %get3A_1022 = tpu.vector_load %arg14[%get3A_1020, %get3A_1021] {strides = array<i32>} : memref<200x64xf32, #tpu.memory_space<vmem>>, vector<1x16xf32>,
        %get3A_1023 = vector.shape_cast %get3A_1022 : vector<1x16xf32> to vector<16xf32>
        %mul3A_1024 = arith.constant 8.000000e+00 : f32
        %mul3A_1025 = vector.broadcast %mul3A_1024 : f32 to vector<16xf32>
        %mul3A_1026 = arith.mulf %get3A_1023, %mul3A_1025 : vector<16xf32>
        %get3A_1027 = arith.index_cast %add3A_1002 : i32 to index
        %get3A_1028 = arith.constant 16 : index
        %get3A_1029 = tpu.vector_load %arg6[%get3A_1027, %get3A_1028] {strides = array<i32>} : memref<200x64xf32, #tpu.memory_space<vmem>>, vector<1x16xf32>,
        %get3A_1030 = vector.shape_cast %get3A_1029 : vector<1x16xf32> to vector<16xf32>
        %add3A_1031 = arith.addf %mul3A_1026, %get3A_1030 : vector<16xf32>
        %swap3A_1032 = arith.index_cast %add3A_1002 : i32 to index
        %swap3A_1033 = arith.constant 16 : index
        %swap3A_1034 = tpu.vector_load %arg18[%swap3A_1032, %swap3A_1033] {strides = array<i32>} : memref<200x64xf32, #tpu.memory_space<vmem>>, vector<1x16xf32>,
        %swap3A_1035 = vector.shape_cast %swap3A_1034 : vector<1x16xf32> to vector<16xf32>
        %swap3A_1036 = vector.shape_cast %add3A_1031 : vector<16xf32> to vector<1x16xf32>
        tpu.vector_store %arg18[%swap3A_1032, %swap3A_1033], %swap3A_1036 {strides = array<i32>} : memref<200x64xf32, #tpu.memory_space<vmem>>, vector<1x16xf32>,
        %get3A_1037 = arith.index_cast %add3A_1002 : i32 to index
        %get3A_1038 = arith.constant 32 : index
        %get3A_1039 = tpu.vector_load %arg14[%get3A_1037, %get3A_1038] {strides = array<i32>} : memref<200x64xf32, #tpu.memory_space<vmem>>, vector<1x16xf32>,
        %get3A_1040 = vector.shape_cast %get3A_1039 : vector<1x16xf32> to vector<16xf32>
        %mul3A_1041 = arith.constant 8.000000e+00 : f32
        %mul3A_1042 = vector.broadcast %mul3A_1041 : f32 to vector<16xf32>
        %mul3A_1043 = arith.mulf %get3A_1040, %mul3A_1042 : vector<16xf32>
        %get3A_1044 = arith.index_cast %add3A_1002 : i32 to index
        %get3A_1045 = arith.constant 32 : index
        %get3A_1046 = tpu.vector_load %arg6[%get3A_1044, %get3A_1045] {strides = array<i32>} : memref<200x64xf32, #tpu.memory_space<vmem>>, vector<1x16xf32>,
        %get3A_1047 = vector.shape_cast %get3A_1046 : vector<1x16xf32> to vector<16xf32>
        %add3A_1048 = arith.addf %mul3A_1043, %get3A_1047 : vector<16xf32>
        %swap3A_1049 = arith.index_cast %add3A_1002 : i32 to index
        %swap3A_1050 = arith.constant 32 : index
        %swap3A_1051 = tpu.vector_load %arg18[%swap3A_1049, %swap3A_1050] {strides = array<i32>} : memref<200x64xf32, #tpu.memory_space<vmem>>, vector<1x16xf32>,
        %swap3A_1052 = vector.shape_cast %swap3A_1051 : vector<1x16xf32> to vector<16xf32>
        %swap3A_1053 = vector.shape_cast %add3A_1048 : vector<16xf32> to vector<1x16xf32>
        tpu.vector_store %arg18[%swap3A_1049, %swap3A_1050], %swap3A_1053 {strides = array<i32>} : memref<200x64xf32, #tpu.memory_space<vmem>>, vector<1x16xf32>,
        %get3A_1054 = arith.index_cast %add3A_1002 : i32 to index
        %get3A_1055 = arith.constant 48 : index
        %get3A_1056 = tpu.vector_load %arg14[%get3A_1054, %get3A_1055] {strides = array<i32>} : memref<200x64xf32, #tpu.memory_space<vmem>>, vector<1x16xf32>,
        %get3A_1057 = vector.shape_cast %get3A_1056 : vector<1x16xf32> to vector<16xf32>
        %mul3A_1058 = arith.constant 8.000000e+00 : f32
        %mul3A_1059 = vector.broadcast %mul3A_1058 : f32 to vector<16xf32>
        %mul3A_1060 = arith.mulf %get3A_1057, %mul3A_1059 : vector<16xf32>
        %get3A_1061 = arith.index_cast %add3A_1002 : i32 to index
        %get3A_1062 = arith.constant 48 : index
        %get3A_1063 = tpu.vector_load %arg6[%get3A_1061, %get3A_1062] {strides = array<i32>} : memref<200x64xf32, #tpu.memory_space<vmem>>, vector<1x16xf32>,
        %get3A_1064 = vector.shape_cast %get3A_1063 : vector<1x16xf32> to vector<16xf32>
        %add3A_1065 = arith.addf %mul3A_1060, %get3A_1064 : vector<16xf32>
        %swap3A_1066 = arith.index_cast %add3A_1002 : i32 to index
        %swap3A_1067 = arith.constant 48 : index
        %swap3A_1068 = tpu.vector_load %arg18[%swap3A_1066, %swap3A_1067] {strides = array<i32>} : memref<200x64xf32, #tpu.memory_space<vmem>>, vector<1x16xf32>,
        %swap3A_1069 = vector.shape_cast %swap3A_1068 : vector<1x16xf32> to vector<16xf32>
        %swap3A_1070 = vector.shape_cast %add3A_1065 : vector<16xf32> to vector<1x16xf32>
        tpu.vector_store %arg18[%swap3A_1066, %swap3A_1067], %swap3A_1070 {strides = array<i32>} : memref<200x64xf32, #tpu.memory_space<vmem>>, vector<1x16xf32>,
      }
      %scan3A_758 = arith.constant 50 : i32
      %dma_wait3A_759 = arith.constant 0 : i32
      %dma_wait3A_760 = tpu.memref_slice %arg2[%mul3A_2, %dma_wait3A_759] : memref<4096x200xi32, #tpu.memory_space<hbm>> -> memref<1x200xi32, #tpu.memory_space<hbm>>
      %dma_wait3A_761 = tpu.memref_squeeze %dma_wait3A_760 : memref<1x200xi32, #tpu.memory_space<hbm>> -> memref<200xi32, #tpu.memory_space<hbm>>
      %dma_wait3A_762 = arith.constant 0 : i32
      %dma_wait3A_763 = tpu.memref_slice %arg2[%mul3A_2, %dma_wait3A_762] : memref<4096x200xi32, #tpu.memory_space<hbm>> -> memref<1x200xi32, #tpu.memory_space<hbm>>
      %dma_wait3A_764 = tpu.memref_squeeze %dma_wait3A_763 : memref<1x200xi32, #tpu.memory_space<hbm>> -> memref<200xi32, #tpu.memory_space<hbm>>
      tpu.wait_dma2 semaphore(%arg22 : memref<!tpu.dma_semaphore, #tpu.memory_space<semaphore_mem>>) src(%dma_wait3A_764 : memref<200xi32, #tpu.memory_space<hbm>>) dst(%arg10 : memref<200xi32, #tpu.memory_space<vmem>>)
      %dma_start3A_765 = arith.constant 0 : i32
      %dma_start3A_766 = arith.constant 0 : i32
      %dma_start3A_767 = tpu.memref_slice %arg14[%dma_start3A_765, %dma_start3A_766] : memref<200x64xf32, #tpu.memory_space<vmem>> -> memref<104x64xf32, #tpu.memory_space<vmem>>
      %dma_start3A_768 = arith.constant 0 : i32
      %dma_start3A_769 = tpu.memref_slice %arg10[%dma_start3A_768] : memref<200xi32, #tpu.memory_space<vmem>> -> memref<104xi32, #tpu.memory_space<vmem>>
      %dma_start3A_770 = arith.constant 0 : i32
      %dma_start3A_771 = arith.constant 0 : i32
      %dma_start3A_772 = tpu.memref_slice %arg3[%dma_start3A_770, %dma_start3A_771] : memref<100000x64xf32, #tpu.memory_space<hbm>> -> memref<100000x64xf32, #tpu.memory_space<hbm>>
      tpu.enqueue_indirect_dma source(%dma_start3A_772 : memref<100000x64xf32, #tpu.memory_space<hbm>>) target(%dma_start3A_767 : memref<104x64xf32, #tpu.memory_space<vmem>>) offsets(%dma_start3A_769 : memref<104xi32, #tpu.memory_space<vmem>>) semaphore(%arg26 : memref<!tpu.dma_semaphore, #tpu.memory_space<semaphore_mem>>)
      %dma_start3A_773 = arith.constant 104 : i32
      %dma_start3A_774 = arith.constant 0 : i32
      %dma_start3A_775 = tpu.memref_slice %arg14[%dma_start3A_773, %dma_start3A_774] : memref<200x64xf32, #tpu.memory_space<vmem>> -> memref<96x64xf32, #tpu.memory_space<vmem>>
      %dma_start3A_776 = arith.constant 104 : i32
      %dma_start3A_777 = tpu.memref_slice %arg10[%dma_start3A_776] : memref<200xi32, #tpu.memory_space<vmem>> -> memref<96xi32, #tpu.memory_space<vmem>>
      %dma_start3A_778 = arith.constant 0 : i32
      %dma_start3A_779 = arith.constant 0 : i32
      %dma_start3A_780 = tpu.memref_slice %arg3[%dma_start3A_778, %dma_start3A_779] : memref<100000x64xf32, #tpu.memory_space<hbm>> -> memref<100000x64xf32, #tpu.memory_space<hbm>>
      tpu.enqueue_indirect_dma source(%dma_start3A_780 : memref<100000x64xf32, #tpu.memory_space<hbm>>) target(%dma_start3A_775 : memref<96x64xf32, #tpu.memory_space<vmem>>) offsets(%dma_start3A_777 : memref<96xi32, #tpu.memory_space<vmem>>) semaphore(%arg26 : memref<!tpu.dma_semaphore, #tpu.memory_space<semaphore_mem>>)
      %add3A_781 = arith.addi %mul3A_2, %add3A_717 : i32
      %dma_start3A_782 = arith.constant 0 : i32
      %dma_start3A_783 = arith.constant 0 : i32
      %dma_start3A_784 = tpu.memref_slice %arg5[%add3A_781, %dma_start3A_782, %dma_start3A_783] : memref<4096x200x64xf32, #tpu.memory_space<hbm>> -> memref<1x200x64xf32, #tpu.memory_space<hbm>>
      %dma_start3A_785 = tpu.memref_squeeze %dma_start3A_784 : memref<1x200x64xf32, #tpu.memory_space<hbm>> -> memref<200x64xf32, #tpu.memory_space<hbm>>
      %dma_start3A_786 = arith.constant 0 : i32
      %dma_start3A_787 = arith.constant 0 : i32
      %dma_start3A_788 = tpu.memref_slice %arg5[%add3A_781, %dma_start3A_786, %dma_start3A_787] : memref<4096x200x64xf32, #tpu.memory_space<hbm>> -> memref<1x200x64xf32, #tpu.memory_space<hbm>>
      %dma_start3A_789 = tpu.memref_squeeze %dma_start3A_788 : memref<1x200x64xf32, #tpu.memory_space<hbm>> -> memref<200x64xf32, #tpu.memory_space<hbm>>
      tpu.enqueue_dma source(%arg18 : memref<200x64xf32, #tpu.memory_space<vmem>>) target(%dma_start3A_789 : memref<200x64xf32, #tpu.memory_space<hbm>>) target_semaphore(%arg30 : memref<!tpu.dma_semaphore, #tpu.memory_space<semaphore_mem>>)
    }
    %scan3A_388 = arith.constant 31 : i32
    %dma_wait3A_389 = arith.constant 0 : i32
    %dma_wait3A_390 = arith.constant 0 : i32
    %dma_wait3A_391 = tpu.memref_slice %arg11[%dma_wait3A_389, %dma_wait3A_390] : memref<200x64xf32, #tpu.memory_space<vmem>> -> memref<104x64xf32, #tpu.memory_space<vmem>>
    %dma_wait3A_392 = arith.constant 0 : i32
    %dma_wait3A_393 = tpu.memref_slice %arg7[%dma_wait3A_392] : memref<200xi32, #tpu.memory_space<vmem>> -> memref<104xi32, #tpu.memory_space<vmem>>
    %dma_wait3A_394 = arith.constant 0 : i32
    %dma_wait3A_395 = arith.constant 0 : i32
    %dma_wait3A_396 = tpu.memref_slice %arg3[%dma_wait3A_394, %dma_wait3A_395] : memref<100000x64xf32, #tpu.memory_space<hbm>> -> memref<100000x64xf32, #tpu.memory_space<hbm>>
    tpu.wait_indirect_dma semaphore(%arg23 : memref<!tpu.dma_semaphore, #tpu.memory_space<semaphore_mem>>) src(%dma_wait3A_396 : memref<100000x64xf32, #tpu.memory_space<hbm>>) dst(%dma_wait3A_391 : memref<104x64xf32, #tpu.memory_space<vmem>>)
    %dma_wait3A_397 = arith.constant 104 : i32
    %dma_wait3A_398 = arith.constant 0 : i32
    %dma_wait3A_399 = tpu.memref_slice %arg11[%dma_wait3A_397, %dma_wait3A_398] : memref<200x64xf32, #tpu.memory_space<vmem>> -> memref<96x64xf32, #tpu.memory_space<vmem>>
    %dma_wait3A_400 = arith.constant 104 : i32
    %dma_wait3A_401 = tpu.memref_slice %arg7[%dma_wait3A_400] : memref<200xi32, #tpu.memory_space<vmem>> -> memref<96xi32, #tpu.memory_space<vmem>>
    %dma_wait3A_402 = arith.constant 0 : i32
    %dma_wait3A_403 = arith.constant 0 : i32
    %dma_wait3A_404 = tpu.memref_slice %arg3[%dma_wait3A_402, %dma_wait3A_403] : memref<100000x64xf32, #tpu.memory_space<hbm>> -> memref<100000x64xf32, #tpu.memory_space<hbm>>
    tpu.wait_indirect_dma semaphore(%arg23 : memref<!tpu.dma_semaphore, #tpu.memory_space<semaphore_mem>>) src(%dma_wait3A_404 : memref<100000x64xf32, #tpu.memory_space<hbm>>) dst(%dma_wait3A_399 : memref<96x64xf32, #tpu.memory_space<vmem>>)
    %dma_wait3A_405 = arith.constant 0 : i32
    %dma_wait3A_406 = arith.constant 0 : i32
    %dma_wait3A_407 = tpu.memref_slice %arg12[%dma_wait3A_405, %dma_wait3A_406] : memref<200x64xf32, #tpu.memory_space<vmem>> -> memref<104x64xf32, #tpu.memory_space<vmem>>
    %dma_wait3A_408 = arith.constant 0 : i32
    %dma_wait3A_409 = tpu.memref_slice %arg8[%dma_wait3A_408] : memref<200xi32, #tpu.memory_space<vmem>> -> memref<104xi32, #tpu.memory_space<vmem>>
    %dma_wait3A_410 = arith.constant 0 : i32
    %dma_wait3A_411 = arith.constant 0 : i32
    %dma_wait3A_412 = tpu.memref_slice %arg3[%dma_wait3A_410, %dma_wait3A_411] : memref<100000x64xf32, #tpu.memory_space<hbm>> -> memref<100000x64xf32, #tpu.memory_space<hbm>>
    tpu.wait_indirect_dma semaphore(%arg24 : memref<!tpu.dma_semaphore, #tpu.memory_space<semaphore_mem>>) src(%dma_wait3A_412 : memref<100000x64xf32, #tpu.memory_space<hbm>>) dst(%dma_wait3A_407 : memref<104x64xf32, #tpu.memory_space<vmem>>)
    %dma_wait3A_413 = arith.constant 104 : i32
    %dma_wait3A_414 = arith.constant 0 : i32
    %dma_wait3A_415 = tpu.memref_slice %arg12[%dma_wait3A_413, %dma_wait3A_414] : memref<200x64xf32, #tpu.memory_space<vmem>> -> memref<96x64xf32, #tpu.memory_space<vmem>>
    %dma_wait3A_416 = arith.constant 104 : i32
    %dma_wait3A_417 = tpu.memref_slice %arg8[%dma_wait3A_416] : memref<200xi32, #tpu.memory_space<vmem>> -> memref<96xi32, #tpu.memory_space<vmem>>
    %dma_wait3A_418 = arith.constant 0 : i32
    %dma_wait3A_419 = arith.constant 0 : i32
    %dma_wait3A_420 = tpu.memref_slice %arg3[%dma_wait3A_418, %dma_wait3A_419] : memref<100000x64xf32, #tpu.memory_space<hbm>> -> memref<100000x64xf32, #tpu.memory_space<hbm>>
    tpu.wait_indirect_dma semaphore(%arg24 : memref<!tpu.dma_semaphore, #tpu.memory_space<semaphore_mem>>) src(%dma_wait3A_420 : memref<100000x64xf32, #tpu.memory_space<hbm>>) dst(%dma_wait3A_415 : memref<96x64xf32, #tpu.memory_space<vmem>>)
    %dma_wait3A_421 = arith.constant 0 : i32
    %dma_wait3A_422 = arith.constant 0 : i32
    %dma_wait3A_423 = tpu.memref_slice %arg13[%dma_wait3A_421, %dma_wait3A_422] : memref<200x64xf32, #tpu.memory_space<vmem>> -> memref<104x64xf32, #tpu.memory_space<vmem>>
    %dma_wait3A_424 = arith.constant 0 : i32
    %dma_wait3A_425 = tpu.memref_slice %arg9[%dma_wait3A_424] : memref<200xi32, #tpu.memory_space<vmem>> -> memref<104xi32, #tpu.memory_space<vmem>>
    %dma_wait3A_426 = arith.constant 0 : i32
    %dma_wait3A_427 = arith.constant 0 : i32
    %dma_wait3A_428 = tpu.memref_slice %arg3[%dma_wait3A_426, %dma_wait3A_427] : memref<100000x64xf32, #tpu.memory_space<hbm>> -> memref<100000x64xf32, #tpu.memory_space<hbm>>
    tpu.wait_indirect_dma semaphore(%arg25 : memref<!tpu.dma_semaphore, #tpu.memory_space<semaphore_mem>>) src(%dma_wait3A_428 : memref<100000x64xf32, #tpu.memory_space<hbm>>) dst(%dma_wait3A_423 : memref<104x64xf32, #tpu.memory_space<vmem>>)
    %dma_wait3A_429 = arith.constant 104 : i32
    %dma_wait3A_430 = arith.constant 0 : i32
    %dma_wait3A_431 = tpu.memref_slice %arg13[%dma_wait3A_429, %dma_wait3A_430] : memref<200x64xf32, #tpu.memory_space<vmem>> -> memref<96x64xf32, #tpu.memory_space<vmem>>
    %dma_wait3A_432 = arith.constant 104 : i32
    %dma_wait3A_433 = tpu.memref_slice %arg9[%dma_wait3A_432] : memref<200xi32, #tpu.memory_space<vmem>> -> memref<96xi32, #tpu.memory_space<vmem>>
    %dma_wait3A_434 = arith.constant 0 : i32
    %dma_wait3A_435 = arith.constant 0 : i32
    %dma_wait3A_436 = tpu.memref_slice %arg3[%dma_wait3A_434, %dma_wait3A_435] : memref<100000x64xf32, #tpu.memory_space<hbm>> -> memref<100000x64xf32, #tpu.memory_space<hbm>>
    tpu.wait_indirect_dma semaphore(%arg25 : memref<!tpu.dma_semaphore, #tpu.memory_space<semaphore_mem>>) src(%dma_wait3A_436 : memref<100000x64xf32, #tpu.memory_space<hbm>>) dst(%dma_wait3A_431 : memref<96x64xf32, #tpu.memory_space<vmem>>)
    %dma_wait3A_437 = arith.constant 0 : i32
    %dma_wait3A_438 = arith.constant 0 : i32
    %dma_wait3A_439 = tpu.memref_slice %arg14[%dma_wait3A_437, %dma_wait3A_438] : memref<200x64xf32, #tpu.memory_space<vmem>> -> memref<104x64xf32, #tpu.memory_space<vmem>>
    %dma_wait3A_440 = arith.constant 0 : i32
    %dma_wait3A_441 = tpu.memref_slice %arg10[%dma_wait3A_440] : memref<200xi32, #tpu.memory_space<vmem>> -> memref<104xi32, #tpu.memory_space<vmem>>
    %dma_wait3A_442 = arith.constant 0 : i32
    %dma_wait3A_443 = arith.constant 0 : i32
    %dma_wait3A_444 = tpu.memref_slice %arg3[%dma_wait3A_442, %dma_wait3A_443] : memref<100000x64xf32, #tpu.memory_space<hbm>> -> memref<100000x64xf32, #tpu.memory_space<hbm>>
    tpu.wait_indirect_dma semaphore(%arg26 : memref<!tpu.dma_semaphore, #tpu.memory_space<semaphore_mem>>) src(%dma_wait3A_444 : memref<100000x64xf32, #tpu.memory_space<hbm>>) dst(%dma_wait3A_439 : memref<104x64xf32, #tpu.memory_space<vmem>>)
    %dma_wait3A_445 = arith.constant 104 : i32
    %dma_wait3A_446 = arith.constant 0 : i32
    %dma_wait3A_447 = tpu.memref_slice %arg14[%dma_wait3A_445, %dma_wait3A_446] : memref<200x64xf32, #tpu.memory_space<vmem>> -> memref<96x64xf32, #tpu.memory_space<vmem>>
    %dma_wait3A_448 = arith.constant 104 : i32
    %dma_wait3A_449 = tpu.memref_slice %arg10[%dma_wait3A_448] : memref<200xi32, #tpu.memory_space<vmem>> -> memref<96xi32, #tpu.memory_space<vmem>>
    %dma_wait3A_450 = arith.constant 0 : i32
    %dma_wait3A_451 = arith.constant 0 : i32
    %dma_wait3A_452 = tpu.memref_slice %arg3[%dma_wait3A_450, %dma_wait3A_451] : memref<100000x64xf32, #tpu.memory_space<hbm>> -> memref<100000x64xf32, #tpu.memory_space<hbm>>
    tpu.wait_indirect_dma semaphore(%arg26 : memref<!tpu.dma_semaphore, #tpu.memory_space<semaphore_mem>>) src(%dma_wait3A_452 : memref<100000x64xf32, #tpu.memory_space<hbm>>) dst(%dma_wait3A_447 : memref<96x64xf32, #tpu.memory_space<vmem>>)
    %dma_wait3A_453 = arith.constant 0 : i32
    %dma_wait3A_454 = arith.constant 0 : i32
    %dma_wait3A_455 = tpu.memref_slice %arg5[%mul3A_2, %dma_wait3A_453, %dma_wait3A_454] : memref<4096x200x64xf32, #tpu.memory_space<hbm>> -> memref<1x200x64xf32, #tpu.memory_space<hbm>>
    %dma_wait3A_456 = tpu.memref_squeeze %dma_wait3A_455 : memref<1x200x64xf32, #tpu.memory_space<hbm>> -> memref<200x64xf32, #tpu.memory_space<hbm>>
    %dma_wait3A_457 = arith.constant 0 : i32
    %dma_wait3A_458 = arith.constant 0 : i32
    %dma_wait3A_459 = tpu.memref_slice %arg5[%mul3A_2, %dma_wait3A_457, %dma_wait3A_458] : memref<4096x200x64xf32, #tpu.memory_space<hbm>> -> memref<1x200x64xf32, #tpu.memory_space<hbm>>
    %dma_wait3A_460 = tpu.memref_squeeze %dma_wait3A_459 : memref<1x200x64xf32, #tpu.memory_space<hbm>> -> memref<200x64xf32, #tpu.memory_space<hbm>>
    tpu.wait_dma2 semaphore(%arg27 : memref<!tpu.dma_semaphore, #tpu.memory_space<semaphore_mem>>) src(%arg15 : memref<200x64xf32, #tpu.memory_space<vmem>>) dst(%dma_wait3A_460 : memref<200x64xf32, #tpu.memory_space<hbm>>)
    %dma_wait3A_461 = arith.constant 0 : i32
    %dma_wait3A_462 = arith.constant 0 : i32
    %dma_wait3A_463 = tpu.memref_slice %arg5[%mul3A_2, %dma_wait3A_461, %dma_wait3A_462] : memref<4096x200x64xf32, #tpu.memory_space<hbm>> -> memref<1x200x64xf32, #tpu.memory_space<hbm>>
    %dma_wait3A_464 = tpu.memref_squeeze %dma_wait3A_463 : memref<1x200x64xf32, #tpu.memory_space<hbm>> -> memref<200x64xf32, #tpu.memory_space<hbm>>
    %dma_wait3A_465 = arith.constant 0 : i32
    %dma_wait3A_466 = arith.constant 0 : i32
    %dma_wait3A_467 = tpu.memref_slice %arg5[%mul3A_2, %dma_wait3A_465, %dma_wait3A_466] : memref<4096x200x64xf32, #tpu.memory_space<hbm>> -> memref<1x200x64xf32, #tpu.memory_space<hbm>>
    %dma_wait3A_468 = tpu.memref_squeeze %dma_wait3A_467 : memref<1x200x64xf32, #tpu.memory_space<hbm>> -> memref<200x64xf32, #tpu.memory_space<hbm>>
    tpu.wait_dma2 semaphore(%arg28 : memref<!tpu.dma_semaphore, #tpu.memory_space<semaphore_mem>>) src(%arg16 : memref<200x64xf32, #tpu.memory_space<vmem>>) dst(%dma_wait3A_468 : memref<200x64xf32, #tpu.memory_space<hbm>>)
    %dma_wait3A_469 = arith.constant 0 : i32
    %dma_wait3A_470 = arith.constant 0 : i32
    %dma_wait3A_471 = tpu.memref_slice %arg5[%mul3A_2, %dma_wait3A_469, %dma_wait3A_470] : memref<4096x200x64xf32, #tpu.memory_space<hbm>> -> memref<1x200x64xf32, #tpu.memory_space<hbm>>
    %dma_wait3A_472 = tpu.memref_squeeze %dma_wait3A_471 : memref<1x200x64xf32, #tpu.memory_space<hbm>> -> memref<200x64xf32, #tpu.memory_space<hbm>>
    %dma_wait3A_473 = arith.constant 0 : i32
    %dma_wait3A_474 = arith.constant 0 : i32
    %dma_wait3A_475 = tpu.memref_slice %arg5[%mul3A_2, %dma_wait3A_473, %dma_wait3A_474] : memref<4096x200x64xf32, #tpu.memory_space<hbm>> -> memref<1x200x64xf32, #tpu.memory_space<hbm>>
    %dma_wait3A_476 = tpu.memref_squeeze %dma_wait3A_475 : memref<1x200x64xf32, #tpu.memory_space<hbm>> -> memref<200x64xf32, #tpu.memory_space<hbm>>
    tpu.wait_dma2 semaphore(%arg29 : memref<!tpu.dma_semaphore, #tpu.memory_space<semaphore_mem>>) src(%arg17 : memref<200x64xf32, #tpu.memory_space<vmem>>) dst(%dma_wait3A_476 : memref<200x64xf32, #tpu.memory_space<hbm>>)
    %dma_wait3A_477 = arith.constant 0 : i32
    %dma_wait3A_478 = arith.constant 0 : i32
    %dma_wait3A_479 = tpu.memref_slice %arg5[%mul3A_2, %dma_wait3A_477, %dma_wait3A_478] : memref<4096x200x64xf32, #tpu.memory_space<hbm>> -> memref<1x200x64xf32, #tpu.memory_space<hbm>>
    %dma_wait3A_480 = tpu.memref_squeeze %dma_wait3A_479 : memref<1x200x64xf32, #tpu.memory_space<hbm>> -> memref<200x64xf32, #tpu.memory_space<hbm>>
    %dma_wait3A_481 = arith.constant 0 : i32
    %dma_wait3A_482 = arith.constant 0 : i32
    %dma_wait3A_483 = tpu.memref_slice %arg5[%mul3A_2, %dma_wait3A_481, %dma_wait3A_482] : memref<4096x200x64xf32, #tpu.memory_space<hbm>> -> memref<1x200x64xf32, #tpu.memory_space<hbm>>
    %dma_wait3A_484 = tpu.memref_squeeze %dma_wait3A_483 : memref<1x200x64xf32, #tpu.memory_space<hbm>> -> memref<200x64xf32, #tpu.memory_space<hbm>>
    tpu.wait_dma2 semaphore(%arg30 : memref<!tpu.dma_semaphore, #tpu.memory_space<semaphore_mem>>) src(%arg18 : memref<200x64xf32, #tpu.memory_space<vmem>>) dst(%dma_wait3A_484 : memref<200x64xf32, #tpu.memory_space<hbm>>)
    return
  }
}

</mosaic_0001>

<sc_bundles>
// kernel: kernel.3.cloned.1.call-start
scs
__scs_entry_jumppad:
0x0: {  	(pc) =	sbr.rel $0x88, $3  }
0x1: {  	(tag) =	ssettag $0x0;
	lr =	simm.s32 $0x1  }
0x2: {  	[smem:$0x3F9F] =	sst lr;
	_ =	strace $0xD0000000  }
0x3: {  	_ = 	snop  }
0x4: {  	_ = 	snop  }
0x5: {  	_ = 	snop  }
0x6: {  	_ = 	snop  }
0x7: {  	_ = 	snop  }
__scs_overlays_trampoline_lowered:
0x8: {  	[smem:$0x3FAE] =	sst s0  }
0x9: {  	[smem:$0x3FAF] =	sst s1  }
0xa: {  	[smem:$0x3FB0] =	sst s2  }
0xb: {  	[smem:$0x3FB1] =	sst s3  }
0xc: {  	[smem:$0x3FB2] =	sst s4  }
0xd: {  	[smem:$0x3FB3] =	sst s5  }
0xe: {  	[smem:$0x3FB4] =	sst s6  }
0xf: {  	[smem:$0x3FB5] =	sst s7  }
0x10: {  	[smem:$0x3FB6] =	sst s8  }
0x11: {  	[smem:$0x3FB7] =	sst s9;
	s0 =	simm.s32 @!p0 $0x0  }
0x12: {  	s1 =	sld [smem:$0x3F9D];
	s0 =	simm.s32 @p0 $0x1  }
0x13: {  	[smem:$0x3FB8] =	sst s0;
	s0 =	simm.s32 @!p1 $0x0  }
0x14: {  	s2 =	sld [smem:$0x3F9C];
	s0 =	simm.s32 @p1 $0x1  }
0x15: {  	[smem:$0x3FB9] =	sst s0;
	s0 =	simm.s32 @!p2 $0x0  }
0x16: {  	s3 =	sld [smem:$0x3FDB];
	s0 =	simm.s32 @p2 $0x1  }
0x17: {  	s4 =	simm.s32 $0x1BF5;
	[smem:$0x3FBB] =	sst s0  }
0x18: {  	s0 =	sld [smem:$0x3F9E];
	_ =	swait.ge [sflag:s4], $0x0  }
0x19: {  	s7 =	sld [smem:$0x3F9F]  }
0x1a: {  	s8 =	sadd.s32 $0xFFFFE003, lr  }
0x1b: {  	s9 =	sadd.s32 $0xFFFFFEF7, lr;
	s5 =	simm.s32 $0xFFFFFFFF;
	p2 =	slt.u32 s8, $0xFFFFF086  }
0x1c: {  	p1 =	slt.u32 s9, $0xF7A;
	s5 =	simm.s32 @!p2 $0x0  }
0x1d: {  	s5 =	simm.s32 @p1 $0x1;
	p0 =	seq.s32 s7, s2  }
0x1e: {  	s7 =	smul.u32 @!p0 $0xF7A, s2;
	p2 =	seq.s32 @!p0 s5, $0x0  }
0x1f: {  	s9 =	smul.u32 $0xF7A, s1;
	s8 =	simm.s32 @!p0 $0x1BF5;
	p2 =	por !p2, p0  }
0x20: {  	[sflag:s8] =	ssyncset.s32 @!p0 $0xFFFFF086;
	s6 =	sadd.s32 @!p0 s3, s7;
	s7 =	simm.s32 @!p0 $0x108  }
0x21: {  	s3 =	sadd.s32 s3, s9;
	s6 =	sadd.s32 @!p0 $0x88, s6;
	s7 =	simm.s32 @p2 $0x1082  }
0x22: {  	[simem:s7], [sflag:s8] =	dma.local @!p0 [hbm:s6], $0xF7A  }
0x23: {  	s9 =	sor.u32 $0xD0000000, s2;
	s6 =	simm.s32 $0x108;
	_ =	swait.ge @!p0 [sflag:s8], $0x0  }
0x24: {  	s3 =	sadd.s32 $0x88, s3;
	s6 =	simm.s32 @!p1 $0x1082;
	[sflag:s4] =	ssyncset.s32 $0xFFFFF086  }
0x25: {  	[simem:s6], [sflag:s4] =	dma.local [hbm:s3], $0xF7A  }
0x26: {  	[smem:$0x3F9F] =	sst s1;
	(tag) =	ssettag s2;
	_ =	strace s9  }
0x27: {  	s1 =	sld [smem:$0x3FAF]  }
0x28: {  	s2 =	sld [smem:$0x3FB0]  }
0x29: {  	s4 =	sld [smem:$0x3FB2]  }
0x2a: {  	p0 =	seq.s32 s5, $0x0;
	s5 =	sld [smem:$0x3FB3]  }
0x2b: {  	s6 =	sld [smem:$0x3FB4]  }
0x2c: {  	s7 =	sld [smem:$0x3FB5]  }
0x2d: {  	s3 =	simm.s32 $0x108;
	s8 =	sld [smem:$0x3FB6]  }
0x2e: {  	s3 =	simm.s32 @!p0 $0x1082;
	s9 =	sld [smem:$0x3FB7]  }
0x2f: {  	lr =	sadd.s32 s0, s3;
	s0 =	sld [smem:$0x3FAE]  }
0x30: {  	s3 =	sld [smem:$0x3FB1]  }
0x31: {  	[smem:$0x3FBA] =	sst s10  }
0x32: {  	s10 =	sld [smem:$0x3FB8];
	_ =	sdelay $0x3  }
0x33: {  	p0 =	seq.s32 s10, $0x1;
	s10 =	sld [smem:$0x3FBA];
	_ =	sdelay $0x3  }
0x34: {  	[smem:$0x3FBA] =	sst s10  }
0x35: {  	s10 =	sld [smem:$0x3FB9];
	_ =	sdelay $0x3  }
0x36: {  	p1 =	seq.s32 s10, $0x1;
	s10 =	sld [smem:$0x3FBA];
	_ =	sdelay $0x3  }
0x37: {  	[smem:$0x3FBA] =	sst s10  }
0x38: {  	s10 =	sld [smem:$0x3FBB]  }
0x39: {  	_ = 	snop;
	(pc) =	sbr.ind lr, $3  }
0x3a: {  	_ = 	snop  }
0x3b: {  	_ = 	snop  }
0x3c: {  	p2 =	seq.s32 s10, $0x1;
	s10 =	sld [smem:$0x3FBA]  }
0x3d: {  	_ =	shalt  }
0x3e: {  	_ =	shalt  }
0x3f: {  	_ =	shalt  }
0x40: {  	_ =	shalt  }
0x41: {  	_ =	shalt  }
0x42: {  	_ =	shalt  }
0x43: {  	_ =	shalt  }
0x44: {  	_ =	shalt  }
0x45: {  	_ =	shalt  }
0x46: {  	_ =	shalt  }
0x47: {  	_ =	shalt  }
0x48: {  	_ =	shalt  }
0x49: {  	_ =	shalt  }
0x4a: {  	_ =	shalt  }
0x4b: {  	_ =	shalt  }
0x4c: {  	_ =	shalt  }
0x4d: {  	_ =	shalt  }
0x4e: {  	_ =	shalt  }
0x4f: {  	_ =	shalt  }
0x50: {  	_ =	shalt  }
0x51: {  	_ =	shalt  }
0x52: {  	_ =	shalt  }
0x53: {  	_ =	shalt  }
0x54: {  	_ =	shalt  }
0x55: {  	_ =	shalt  }
0x56: {  	_ =	shalt  }
0x57: {  	_ =	shalt  }
0x58: {  	_ =	shalt  }
0x59: {  	_ =	shalt  }
0x5a: {  	_ =	shalt  }
0x5b: {  	_ =	shalt  }
0x5c: {  	_ =	shalt  }
0x5d: {  	_ =	shalt  }
0x5e: {  	_ =	shalt  }
0x5f: {  	_ =	shalt  }
0x60: {  	_ =	shalt  }
0x61: {  	_ =	shalt  }
0x62: {  	_ =	shalt  }
0x63: {  	_ =	shalt  }
0x64: {  	_ =	shalt  }
0x65: {  	_ =	shalt  }
0x66: {  	_ =	shalt  }
0x67: {  	_ =	shalt  }
0x68: {  	_ =	shalt  }
0x69: {  	_ =	shalt  }
0x6a: {  	_ =	shalt  }
0x6b: {  	_ =	shalt  }
0x6c: {  	_ =	shalt  }
0x6d: {  	_ =	shalt  }
0x6e: {  	_ =	shalt  }
0x6f: {  	_ =	shalt  }
0x70: {  	_ =	shalt  }
0x71: {  	_ =	shalt  }
0x72: {  	_ =	shalt  }
0x73: {  	_ =	shalt  }
0x74: {  	_ =	shalt  }
0x75: {  	_ =	shalt  }
0x76: {  	_ =	shalt  }
0x77: {  	_ =	shalt  }
0x78: {  	_ =	shalt  }
0x79: {  	_ =	shalt  }
0x7a: {  	_ =	shalt  }
0x7b: {  	_ =	shalt  }
0x7c: {  	_ =	shalt  }
0x7d: {  	_ =	shalt  }
0x7e: {  	_ =	shalt  }
0x7f: {  	_ =	shalt  }
0x80: {  	_ =	shalt  }
0x81: {  	_ =	shalt  }
0x82: {  	_ =	shalt  }
0x83: {  	_ =	shalt  }
0x84: {  	_ =	shalt  }
0x85: {  	_ =	shalt  }
0x86: {  	_ =	shalt  }
0x87: {  	_ =	shalt  }
.Lfunc_end0:
.L_simem_size_0:
called_computation.1_lowered:
.L_overlay_start_0:
0x88: {  	s2 =	sld [smem:$0x3FD9]  }
0x89: {  	s3 =	sld [smem:$0x3FFE];
	_ =	sdelay $0x1  }
0x8a: {  	s1 =	srdreg.scid  }
0x8b: {  	s0 =	sand.u32 $0x1, s1  }
0x8c: {  	s17 =	sshll.u32 s0, $0xA;
	s2 =	sadd.s32 s3, s2  }
0x8d: {  	s2 =	sadd.s32 s2, s17  }
0x8e: {  	[smem:$0x3FC6] =	sst s2  }
0x8f: {  	_ = 	snop  }
0x90: {  	s2 =	sld [smem:$0x3FD0];
	(tm) =	ssettm $0x1  }
0x91: {  	s18 =	sld [smem:$0x3FFB];
	_ =	sdelay $0x3  }
0x92: {  	_ =	strace s18  }
0x93: {  	s3 =	sld [smem:$0x3FFC];
	_ =	sdelay $0x3  }
0x94: {  	_ =	strace s3  }
0x95: {  	s3 =	sld [smem:$0x3FFD];
	_ =	sdelay $0x3  }
0x96: {  	_ =	strace s3  }
0x97: {  	_ =	strace $0x8FFFFFFF  }
0x98: {  	s19 =	sld [smem:$0x3FDB];
	_ =	sdelay $0x1  }
0x99: {  	s4 =	simm.s32 $_scs_section_size  }
0x9a: {  	s5 =	simm.s32 $_size__tile_overlayer_lowered;
	s6 =	simm.s32 $_tile_overlayer_lowered  }
0x9b: {  	s22 =	simm.s32 $0x1BFF;
	s21 =	sshll.u32 s6, $0x1;
	s3 =	sadd.s32 s4, s19  }
0x9c: {  	s7 =	simm.s32 $0x0;
	s20 =	sshll.u32 s5, $0x1;
	s5 =	sadd.s32 s21, s3  }
0x9d: {  	[timem:s7], [sflag:s22] =	dma.local [hbm:s5], s20  }
0x9e: {  	_ =	swait.ge [sflag:s22], s20  }
0x9f: {  	s4 =	ssub.s32 $0x0, s20;
	[sflag:s22] =	ssyncset.done $0x0  }
0xa0: {  	[sflag:s22] =	ssyncadd.s32 s4;
	_ =	sdelay $0x1  }
0xa1: {  	s23 =	simm.s32 $0x1B8B  }
0xa2: {  	_ =	swait.ge [sflag:s23], $0x1  }
0xa3: {  	[sflag:s23] =	ssyncset.done $0x0  }
0xa4: {  	s25 =	simm.s32 $0x1B8E;
	s24 =	sld [smem:$0x3FFE];
	[sflag:s23] =	ssyncadd.s32 $0xFFFFFFFF  }
0xa5: {  	s26 =	simm.s32 $execute0_lowered;
	[smem:$0x3FD2] =	sst s25  }
0xa6: {  	s5 =	sshll.u32 s26, $0x1;
	_ =	strace $0x80000046;
	[dreg:$0x1] =	wrdreg $0xFFFFFFFF  }
0xa7: {  	s28 =	simm.s32 $_size_execute0_lowered;
	s3 =	sadd.s32 s3, s5;
	[dreg:$0x0] =	wrdreg $0x0  }
0xa8: {  	s5 =	sshll.u32 s28, $0x1;
	[dreg:$0x2] =	wrdreg s3  }
0xa9: {  	[dreg:$0x3] =	wrdreg s5  }
0xaa: {  	[dreg:$0x4] =	wrdreg $0xC0  }
0xab: {  	_ =	task [dreg:s7], $0x5FFFF  }
0xac: {  	[dreg:$0x1] =	wrdreg $0xFFFFFFFF  }
0xad: {  	[dreg:$0x0] =	wrdreg $0x60  }
0xae: {  	[dreg:$0x2] =	wrdreg s24  }
0xaf: {  	[dreg:$0x3] =	wrdreg s2  }
0xb0: {  	[dreg:$0x4] =	wrdreg $0x9  }
0xb1: {  	_ =	task.clear_ibuf [dreg:s7], $0x5FFFF;
	_ =	strace $0x90000046  }
0xb2: {  	s29 =	simm.s32 $0x9;
	_ =	strace $0x80000048  }
0xb3: {  	_ =	swait.ge [sflag:s29], $0x1  }
0xb4: {  	[sflag:s29] =	ssyncadd.s32 $0xFFFFFFFF  }
0xb5: {  	_ =	strace $0x90000048  }
0xb6: {  	_ =	sfence  }
0xb7: {  	s30 =	sld [smem:$0x0];
	_ =	sdelay $0x2  }
0xb8: {  	s31 =	sshll.u32 s1, $0xD;
	s1 =	sshrl.u32 s1, $0x2  }
0xb9: {  	s3 =	sand.u32 $0x4000, s31;
	s1 =	sadd.s32 s1, s30  }
0xba: {  	s0 =	sor.u32 s3, s0;
	s1 =	sshll.u32 s1, $0x11  }
0xbb: {  	s0 =	sor.u32 s1, s0  }
0xbc: {  	s0 =	sadd.s32 $0x8F2B, s0  }
0xbd: {  	[sflag:s0] =	ssyncadd.remote.s32 $0x1  }
0xbe: {  	_ =	sfence.sel $0xFFFF  }
0xbf: {  	[dreg:$0x0] =	wrdreg $0xFFFFFFFF;
	(pc) =	sbr.abs _section_cstart, $3  }
0xc0: {  	[dreg:$0x1] =	wrdreg $0xFFFFFFFF  }
0xc1: {  	_ =	task.clear_ibuf [dreg:s7], $0x2FFFF;
	_ =	strace $0x9FFFFFFF  }
0xc2: {  	(tm) =	ssettm $0x7FFFFFFF  }
0xc3: {  	_ =	shalt  }
tec
execute0_lowered:
.L_overlay_start_1:
0x0: {  	(tag) =	ssettag $0x1  }
0x1: {  	s1 =	srdreg.scid  }
0x2: {  	s4 =	stileid.u32;
	s1 =	sand.u32 $0x1, s1  }
0x3: {  	s0 =	rddreg [dreg:$0x0];
	s4 =	sshll.u32 s4, $0x8;
	s5 =	sshll.u32 s1, $0x7  }
0x4: {  	s2 =	rddreg [dreg:$0x1];
	s3 =	simm.s32 $0x0;
	s4 =	sor.u32 s5, s4  }
0x5: {  	s28 =	simm.s32 $0x68;
	s30 =	simm.s32 $0x60;
	s7 =	smul.u32 $0x19, s4  }
0x6: {  	s29 =	simm.s32 $0x9;
	s31 =	simm.s32 $0xA;
	s23 =	smul.u32 $0x640, s4  }
0x7: {  	[smem:$0x7FF] =	sst s3;
	s8 =	sor.u32 $0x1, s4;
	s17 =	smul.u32 $0xC8, s4  }
0x8: {  	s6 =	sadd.s32 $0x1A200, s0;
	s10 =	sor.u32 $0x2, s4;
	s9 =	smul.u32 $0x19, s8  }
0x9: {  	_ =	strace $0x80000047;
	s12 =	sor.u32 $0x3, s4;
	s11 =	smul.u32 $0x19, s10  }
0xa: {  	s1 =	ssub.s32 $0x2, s1;
	s5 =	sadd.s32 $0x1200, s0;
	s14 =	smul.u32 $0x19, s12  }
0xb: {  	s13 =	sshrl.u32 s1, $0x1;
	s0 =	sadd.s32 $0xA00, s0;
	s26 =	smul.u32 $0x640, s8  }
0xc: {  	[dreg:$0x3] =	wrdreg s0;
	s0 =	ssub.s32 s1, s13;
	s22 =	smul.u32 $0x640, s10  }
0xd: {  	s0 =	smax.u32 s0, $0x1;
	s10 =	simm.s32 $0x0;
	s24 =	sadd.s32 s5, s7  }
0xe: {  	s1 =	sadd.s32 s2, s23;
	s21 =	sshrl.u32 s17, $0x3;
	[dreg:$0x10] =	wrdreg s0  }
0xf: {  	s8 =	sadd.s32 $0x578, s17;
	s23 =	smul.u32 $0x640, s12;
	[dreg:$0x9] =	wrdreg s1  }
0x10: {  	s17 =	simm.s32 $0x34C0;
	s25 =	sadd.s32 s5, s9;
	[dreg:$0x4] =	wrdreg s24  }
0x11: {  	s0 =	simm.s32 $0xB;
	s15 =	sadd.s32 s5, s11;
	[dreg:$0x5] =	wrdreg s25  }
0x12: {  	s7 =	simm.s32 $0xC;
	s16 =	sadd.s32 s5, s14;
	[dreg:$0x6] =	wrdreg s15  }
0x13: {  	s18 =	sadd.s32 $0x64, s24;
	s19 =	sadd.s32 $0x7D, s24;
	[dreg:$0x7] =	wrdreg s16  }
0x14: {  	s20 =	sadd.s32 s2, s26;
	s1 =	sadd.s32 s5, s21;
	[dreg:$0x8] =	wrdreg s18  }
0x15: {  	s24 =	sadd.s32 s2, s22;
	s22 =	simm.s32 $0x3200;
	[dreg:$0xa] =	wrdreg s19  }
0x16: {  	s11 =	simm.s32 $0x3;
	s21 =	simm.s32 $0x8;
	[dreg:$0xb] =	wrdreg s20  }
0x17: {  	s1 =	sadd.s32 $0x96, s1;
	[dreg:$0xd] =	wrdreg s24;
	s25 =	sshrl.u32 s8, $0x3  }
0x18: {  	s26 =	sadd.s32 s2, s23;
	s23 =	simm.s32 $0x32C8;
	s24 =	simm.s32 $0x3390  }
0x19: {  	s15 =	simm.s32 $0x4;
	s18 =	simm.s32 $0xE520;
	s19 =	simm.s32 $0x5  }
0x1a: {  	s8 =	simm.s32 $0x6;
	s20 =	simm.s32 $0x7;
	[dreg:$0xc] =	wrdreg s1  }
0x1b: {  	s1 =	sadd.s32 s5, s25;
	[dreg:$0xf] =	wrdreg s26;
	s25 =	simm.s32 $0x3458  }
0x1c: {  	s26 =	simm.s32 $0x1;
	[dreg:$0xe] =	wrdreg s1;
	s1 =	simm.s32 $0x2  }
.LBB2_1:
0x1d: {  	[dreg:$0x11] =	wrdreg s10  }
0x1e: {  	s9 =	rddreg [dreg:$0x3];
	s16 =	simm.s32 $0xD  }
0x1f: {  	[tilespmem:s3], [sflag:$0xD] =	stream.linear.gather [hbm4b:s9+s3], $0x3200, $0x38;
	[tilespmem:$0x1C520] =	vst v63  }
0x20: {  	_ =	swait.ge [sflag:s16], $0x3200  }
0x21: {  	[sflag:s16] =	ssyncset.done $0x0  }
0x22: {  	s10 =	rddreg [dreg:$0x4];
	[sflag:s16] =	ssyncadd.s32 $0xFFFFCE00  }
0x23: {  	[tilespmem:s22], [sflag:$0x1] =	stream.linear.gather [hbm4b:s10+s3], $0xC8, $0x38;
	[tilespmem:$0x1C520] =	vst v63  }
0x24: {  	s12 =	rddreg [dreg:$0x5]  }
0x25: {  	[tilespmem:s23], [sflag:$0x2] =	stream.linear.gather [hbm4b:s12+s3], $0xC8, $0x38;
	[tilespmem:$0x1C520] =	vst v63  }
0x26: {  	s13 =	rddreg [dreg:$0x6]  }
0x27: {  	[tilespmem:s24], [sflag:$0x3] =	stream.linear.gather [hbm4b:s13+s3], $0xC8, $0x38;
	[tilespmem:$0x1C520] =	vst v63  }
0x28: {  	s14 =	rddreg [dreg:$0x7]  }
0x29: {  	[tilespmem:s25], [sflag:$0x4] =	stream.linear.gather [hbm4b:s14+s3], $0xC8, $0x38;
	[tilespmem:$0x1C520] =	vst v63  }
0x2a: {  	_ =	swait.ge [sflag:s26], $0xC8  }
0x2b: {  	[sflag:s26] =	ssyncset.done $0x0  }
0x2c: {  	s16 =	simm.s32 $0x3520;
	[sflag:s26] =	ssyncadd.s32 $0xFFFFFF38  }
0x2d: {  	[tilespmem:s16], [sflag:$0x5] =	stream.indirect.gather [hbm4b:s6+s28], $0x40, s22, s28, $0xb8;
	[tilespmem:$0x1C520] =	vst v63  }
0x2e: {  	s10 =	simm.s32 $0x3268;
	s12 =	simm.s32 $0x4F20  }
0x2f: {  	[tilespmem:s12], [sflag:$0x5] =	stream.indirect.gather [hbm4b:s6+s30], $0x40, s10, s30, $0xb8;
	[tilespmem:$0x1C520] =	vst v63  }
0x30: {  	_ =	swait.ge [sflag:s1], $0xC8  }
0x31: {  	[sflag:s1] =	ssyncset.done $0x0  }
0x32: {  	s13 =	simm.s32 $0x6720;
	[sflag:s1] =	ssyncadd.s32 $0xFFFFFF38  }
0x33: {  	[tilespmem:s13], [sflag:$0x6] =	stream.indirect.gather [hbm4b:s6+s28], $0x40, s23, s28, $0xb8;
	[tilespmem:$0x1C520] =	vst v63  }
0x34: {  	s14 =	simm.s32 $0x3330;
	s16 =	simm.s32 $0x8120  }
0x35: {  	[tilespmem:s16], [sflag:$0x6] =	stream.indirect.gather [hbm4b:s6+s30], $0x40, s14, s30, $0xb8;
	[tilespmem:$0x1C520] =	vst v63  }
0x36: {  	_ =	swait.ge [sflag:s11], $0xC8  }
0x37: {  	[sflag:s11] =	ssyncset.done $0x0  }
0x38: {  	s10 =	simm.s32 $0x9920;
	[sflag:s11] =	ssyncadd.s32 $0xFFFFFF38  }
0x39: {  	[tilespmem:s10], [sflag:$0x7] =	stream.indirect.gather [hbm4b:s6+s28], $0x40, s24, s28, $0xb8;
	[tilespmem:$0x1C520] =	vst v63  }
0x3a: {  	s12 =	simm.s32 $0x33F8;
	s13 =	simm.s32 $0xB320  }
0x3b: {  	[tilespmem:s13], [sflag:$0x7] =	stream.indirect.gather [hbm4b:s6+s30], $0x40, s12, s30, $0xb8;
	[tilespmem:$0x1C520] =	vst v63  }
0x3c: {  	_ =	swait.ge [sflag:s15], $0xC8  }
0x3d: {  	[sflag:s15] =	ssyncset.done $0x0  }
0x3e: {  	s14 =	simm.s32 $0xCB20;
	[sflag:s15] =	ssyncadd.s32 $0xFFFFFF38  }
0x3f: {  	[tilespmem:s14], [sflag:$0x8] =	stream.indirect.gather [hbm4b:s6+s28], $0x40, s25, s28, $0xb8;
	[tilespmem:$0x1C520] =	vst v63  }
0x40: {  	_ = 	snop  }
0x41: {  	[tilespmem:s18], [sflag:$0x8] =	stream.indirect.gather [hbm4b:s6+s30], $0x40, s17, s30, $0xb8;
	[tilespmem:$0x1C520] =	vst v63  }
0x42: {  	_ =	swait.ge [sflag:s19], $0x1A00  }
0x43: {  	[sflag:s19] =	ssyncset.done $0x0  }
0x44: {  	[sflag:s19] =	ssyncadd.s32 $0xFFFFE600  }
0x45: {  	_ =	swait.ge [sflag:s19], $0x1800  }
0x46: {  	[sflag:s19] =	ssyncset.done $0x0  }
0x47: {  	s9 =	simm.s32 $0x0;
	s16 =	rddreg [dreg:$0x8];
	[sflag:s19] =	ssyncadd.s32 $0xFFFFE800  }
0x48: {  	[tilespmem:s22], [sflag:$0x1] =	stream.linear.gather [hbm4b:s16+s3], $0xC8, $0x38;
	[tilespmem:$0x1C520] =	vst v63  }
0x49: {  	v0 =	vld [tilespmem:s9+$0x3610]  }
0x4a: {  	v1 =	vld [tilespmem:s9+$0x3520]  }
0x4b: {  	v2 =	vld [tilespmem:s9+$0xF0]  }
0x4c: {  	v3 =	vld [tilespmem:s9+$0x3530]  }
0x4d: {  	v4 =	vld [tilespmem:s9+$0x3540]  }
0x4e: {  	v5 =	vld [tilespmem:s9+$0x3550]  }
0x4f: {  	v6 =	vld [tilespmem:s9+$0x3560]  }
0x50: {  	v7 =	vld [tilespmem:s9+$0x3570]  }
0x51: {  	v8 =	vld [tilespmem:s9+$0x3590]  }
0x52: {  	v9 =	vld [tilespmem:s9+$0x35B0]  }
0x53: {  	v10 =	vld [tilespmem:s9+$0x35C0]  }
0x54: {  	v11 =	vld [tilespmem:s9+$0x35D0]  }
0x55: {  	v12 =	vld [tilespmem:s9+$0x35E0]  }
0x56: {  	v13 =	vld [tilespmem:s9+$0x35F0]  }
0x57: {  	v14 =	vld [tilespmem:s9+$0x3600]  }
0x58: {  	v15 =	vld [tilespmem:s9+$0x0]  }
0x59: {  	v16 =	vld [tilespmem:s9+$0x10]  }
0x5a: {  	v17 =	vld [tilespmem:s9+$0x20]  }
0x5b: {  	v18 =	vld [tilespmem:s9+$0x30];
	v0 =	vmul.f32 $8.000000000e+00, v0  }
0x5c: {  	v19 =	vld [tilespmem:s9+$0x40];
	v3 =	vmul.f32 $8.000000000e+00, v3  }
0x5d: {  	v60 =	vld [tilespmem:s9+$0x50];
	v1 =	vmul.f32 $8.000000000e+00, v1;
	v0 =	vadd.f32 v2, v0  }
0x5e: {  	v4 =	vmul.f32 $8.000000000e+00, v4;
	v2 =	vld [tilespmem:s9+$0x3580];
	v3 =	vadd.f32 v16, v3  }
0x5f: {  	v20 =	vld [tilespmem:s9+$0x60];
	v5 =	vmul.f32 $8.000000000e+00, v5;
	v1 =	vadd.f32 v15, v1;
	[tilespmem:s9+$0xFE10] =	vst v0  }
0x60: {  	v4 =	vadd.f32 v17, v4;
	v0 =	vld [tilespmem:s9+$0x35A0];
	[tilespmem:s9+$0xFD30] =	vst v3;
	v3 =	vmul.f32 $8.000000000e+00, v6  }
0x61: {  	v5 =	vadd.f32 v18, v5;
	[tilespmem:s9+$0xFD20] =	vst v1;
	v1 =	vld [tilespmem:s9+$0x70]  }
0x62: {  	v61 =	vld [tilespmem:s9+$0x80];
	[tilespmem:s9+$0xFD40] =	vst v4;
	v4 =	vmul.f32 $8.000000000e+00, v7;
	v3 =	vadd.f32 v19, v3  }
0x63: {  	v62 =	vld [tilespmem:s9+$0x90];
	[tilespmem:s9+$0xFD50] =	vst v5;
	v2 =	vmul.f32 $8.000000000e+00, v2  }
0x64: {  	v5 =	vld [tilespmem:s9+$0xA0];
	v4 =	vadd.f32 v60, v4;
	[tilespmem:s9+$0xFD60] =	vst v3;
	v3 =	vmul.f32 $8.000000000e+00, v8  }
0x65: {  	v6 =	vld [tilespmem:s9+$0xB0];
	v2 =	vadd.f32 v20, v2;
	v63 =	vmul.f32 $8.000000000e+00, v0  }
0x66: {  	v9 =	vmul.f32 $8.000000000e+00, v9;
	v7 =	vld [tilespmem:s9+$0xC0];
	[tilespmem:s9+$0xFD70] =	vst v4;
	v4 =	vmul.f32 $8.000000000e+00, v10;
	v0 =	vadd.f32 v1, v3  }
0x67: {  	v8 =	vld [tilespmem:s9+$0xD0];
	v3 =	vmul.f32 $8.000000000e+00, v11;
	v1 =	vmul.f32 $8.000000000e+00, v13;
	[tilespmem:s9+$0xFD80] =	vst v2;
	v10 =	vadd.f32 v61, v63  }
0x68: {  	s10 =	simm.s32 $0x100;
	s12 =	simm.s32 $0x800;
	v11 =	vadd.f32 v62, v9;
	v9 =	vld [tilespmem:s9+$0xE0];
	v2 =	vmul.f32 $8.000000000e+00, v12;
	[tilespmem:s9+$0xFD90] =	vst v0;
	v0 =	vmul.f32 $8.000000000e+00, v14  }
.LBB2_2:
0x69: {  	p0 =	sne.s32 s12, $0xC400;
	v12 =	vld [tilespmem:s10+$0x3610];
	[tilespmem:s9+$0xFDA0] =	vst v10;
	v4 =	vadd.f32 v5, v4  }
0x6a: {  	v5 =	vld [tilespmem:s10+$0x3520];
	[tilespmem:s9+$0xFDB0] =	vst v11;
	v3 =	vadd.f32 v6, v3  }
0x6b: {  	v6 =	vld [tilespmem:s10+$0xF0];
	[tilespmem:s9+$0xFDC0] =	vst v4;
	v2 =	vadd.f32 v7, v2  }
0x6c: {  	v4 =	vld [tilespmem:s10+$0x3530];
	[tilespmem:s9+$0xFDD0] =	vst v3;
	v1 =	vadd.f32 v8, v1  }
0x6d: {  	v3 =	vld [tilespmem:s10+$0x3540];
	[tilespmem:s9+$0xFDE0] =	vst v2;
	v0 =	vadd.f32 v9, v0  }
0x6e: {  	v2 =	vld [tilespmem:s10+$0x3550];
	v7 =	vmul.f32 $8.000000000e+00, v12;
	[tilespmem:s9+$0xFDF0] =	vst v1  }
0x6f: {  	v5 =	vmul.f32 $8.000000000e+00, v5;
	v1 =	vld [tilespmem:s10+$0x3560];
	[tilespmem:s9+$0xFE00] =	vst v0;
	s9 =	smov.u32 s10  }
0x70: {  	v0 =	vld [tilespmem:s9+$0x3570];
	v6 =	vadd.f32 v6, v7  }
0x71: {  	v7 =	vmul.f32 $8.000000000e+00, v4;
	v4 =	vld [tilespmem:s9+$0x3580]  }
0x72: {  	v8 =	vmul.f32 $8.000000000e+00, v3;
	v3 =	vld [tilespmem:s9+$0x3590];
	[tilespmem:s9+$0xFE10] =	vst v6  }
0x73: {  	v6 =	vmul.f32 $8.000000000e+00, v2;
	v2 =	vld [tilespmem:s9+$0x35A0]  }
0x74: {  	v9 =	vmul.f32 $8.000000000e+00, v1;
	v1 =	vld [tilespmem:s9+$0x35B0]  }
0x75: {  	v10 =	vmul.f32 $8.000000000e+00, v0;
	v0 =	vld [tilespmem:s9+$0x35C0]  }
0x76: {  	v11 =	vmul.f32 $8.000000000e+00, v4;
	v12 =	vld [tilespmem:s9+$0x35D0]  }
0x77: {  	v13 =	vmul.f32 $8.000000000e+00, v3;
	v14 =	vld [tilespmem:s9+$0x35E0]  }
0x78: {  	v15 =	vmul.f32 $8.000000000e+00, v2;
	v16 =	vld [tilespmem:s9+$0x35F0]  }
0x79: {  	v17 =	vmul.f32 $8.000000000e+00, v1;
	v18 =	vld [tilespmem:s9+$0x3600]  }
0x7a: {  	v19 =	vld [tilespmem:s9+$0x0];
	v4 =	vmul.f32 $8.000000000e+00, v0  }
0x7b: {  	v20 =	vld [tilespmem:s9+$0x10];
	v3 =	vmul.f32 $8.000000000e+00, v12  }
0x7c: {  	v12 =	vld [tilespmem:s9+$0x20];
	v2 =	vmul.f32 $8.000000000e+00, v14  }
0x7d: {  	v14 =	vld [tilespmem:s9+$0x30];
	v1 =	vmul.f32 $8.000000000e+00, v16  }
0x7e: {  	v16 =	vld [tilespmem:s9+$0x40];
	v0 =	vmul.f32 $8.000000000e+00, v18  }
0x7f: {  	v5 =	vadd.f32 v19, v5;
	v18 =	vld [tilespmem:s9+$0x50]  }
0x80: {  	v7 =	vadd.f32 v20, v7;
	v19 =	vld [tilespmem:s9+$0x60]  }
0x81: {  	[tilespmem:s9+$0xFD20] =	vst v5;
	v5 =	vadd.f32 v12, v8;
	v8 =	vld [tilespmem:s9+$0x70]  }
0x82: {  	[tilespmem:s9+$0xFD30] =	vst v7;
	v6 =	vadd.f32 v14, v6;
	v12 =	vld [tilespmem:s9+$0x80]  }
0x83: {  	[tilespmem:s9+$0xFD40] =	vst v5;
	v7 =	vadd.f32 v16, v9;
	v9 =	vld [tilespmem:s9+$0x90]  }
.Ltmp0:
0x84: {  	[tilespmem:s9+$0xFD50] =	vst v6;
	v10 =	vadd.f32 v18, v10;
	v5 =	vld [tilespmem:s9+$0xA0];
	(pc) =	sbr.rel @p0 .LBB2_2-.Ltmp0, $4  }
0x85: {  	[tilespmem:s9+$0xFD60] =	vst v7;
	v11 =	vadd.f32 v19, v11;
	v6 =	vld [tilespmem:s9+$0xB0]  }
0x86: {  	[tilespmem:s9+$0xFD70] =	vst v10;
	v13 =	vadd.f32 v8, v13;
	v7 =	vld [tilespmem:s9+$0xC0]  }
0x87: {  	[tilespmem:s9+$0xFD80] =	vst v11;
	v10 =	vadd.f32 v12, v15;
	v8 =	vld [tilespmem:s9+$0xD0]  }
0x88: {  	s10 =	sshra.s32 s12, $0x2;
	s12 =	sadd.s32 $0x400, s12;
	[tilespmem:s9+$0xFD90] =	vst v13;
	v11 =	vadd.f32 v9, v17;
	v9 =	vld [tilespmem:s9+$0xE0]  }
0x89: {  	v12 =	vld [tilespmem:s10+$0x3610];
	[tilespmem:s9+$0xFDA0] =	vst v10;
	v4 =	vadd.f32 v5, v4  }
0x8a: {  	v10 =	vld [tilespmem:s10+$0x3520];
	[tilespmem:s9+$0xFDB0] =	vst v11;
	v3 =	vadd.f32 v6, v3  }
0x8b: {  	v5 =	vld [tilespmem:s10+$0xF0];
	[tilespmem:s9+$0xFDC0] =	vst v4;
	v2 =	vadd.f32 v7, v2  }
0x8c: {  	v4 =	vld [tilespmem:s10+$0x3530];
	[tilespmem:s9+$0xFDD0] =	vst v3;
	v1 =	vadd.f32 v8, v1  }
0x8d: {  	v3 =	vld [tilespmem:s10+$0x3540];
	[tilespmem:s9+$0xFDE0] =	vst v2;
	v0 =	vadd.f32 v9, v0  }
0x8e: {  	v2 =	vld [tilespmem:s10+$0x3550];
	[tilespmem:s9+$0xFDF0] =	vst v1  }
0x8f: {  	v6 =	vmul.f32 $8.000000000e+00, v12;
	v1 =	vld [tilespmem:s10+$0x3560];
	[tilespmem:s9+$0xFE00] =	vst v0  }
0x90: {  	v0 =	vld [tilespmem:s10+$0x3570]  }
0x91: {  	v5 =	vadd.f32 v5, v6;
	v6 =	vld [tilespmem:s10+$0x3580]  }
0x92: {  	v7 =	vld [tilespmem:s10+$0x3590]  }
0x93: {  	v8 =	vld [tilespmem:s10+$0x35B0]  }
0x94: {  	v9 =	vld [tilespmem:s10+$0x35C0]  }
0x95: {  	v11 =	vld [tilespmem:s10+$0x35D0]  }
0x96: {  	v49 =	vld [tilespmem:s10+$0x35E0]  }
0x97: {  	v13 =	vld [tilespmem:s10+$0x35F0]  }
0x98: {  	v14 =	vld [tilespmem:s10+$0x3600]  }
0x99: {  	v15 =	vld [tilespmem:s10+$0x0]  }
0x9a: {  	v16 =	vld [tilespmem:s10+$0x10]  }
0x9b: {  	v17 =	vld [tilespmem:s10+$0x20]  }
0x9c: {  	v10 =	vmul.f32 $8.000000000e+00, v10;
	v18 =	vld [tilespmem:s10+$0x30]  }
0x9d: {  	v19 =	vld [tilespmem:s10+$0x40];
	v4 =	vmul.f32 $8.000000000e+00, v4  }
0x9e: {  	v50 =	vld [tilespmem:s10+$0x50];
	v3 =	vmul.f32 $8.000000000e+00, v3;
	v10 =	vadd.f32 v15, v10  }
0x9f: {  	v20 =	vld [tilespmem:s10+$0x60];
	[tilespmem:s10+$0xFE10] =	vst v5;
	v2 =	vmul.f32 $8.000000000e+00, v2;
	v4 =	vadd.f32 v16, v4  }
0xa0: {  	v5 =	vld [tilespmem:s10+$0x35A0];
	v1 =	vmul.f32 $8.000000000e+00, v1;
	v3 =	vadd.f32 v17, v3;
	[tilespmem:s10+$0xFD20] =	vst v10  }
0xa1: {  	v2 =	vadd.f32 v18, v2;
	v0 =	vmul.f32 $8.000000000e+00, v0;
	v10 =	vld [tilespmem:s10+$0x70];
	[tilespmem:s10+$0xFD30] =	vst v4  }
0xa2: {  	v6 =	vmul.f32 $8.000000000e+00, v6;
	v1 =	vadd.f32 v19, v1;
	v4 =	vld [tilespmem:s10+$0x80];
	[tilespmem:s10+$0xFD40] =	vst v3  }
0xa3: {  	v3 =	vld [tilespmem:s10+$0x90];
	[tilespmem:s10+$0xFD50] =	vst v2;
	v0 =	vadd.f32 v50, v0  }
0xa4: {  	v7 =	vmul.f32 $8.000000000e+00, v7;
	v2 =	vld [tilespmem:s10+$0xA0];
	v6 =	vadd.f32 v20, v6;
	[tilespmem:s10+$0xFD60] =	vst v1  }
0xa5: {  	v5 =	vmul.f32 $8.000000000e+00, v5;
	v1 =	vld [tilespmem:s10+$0xB0];
	[tilespmem:s10+$0xFD70] =	vst v0  }
0xa6: {  	v0 =	vld [tilespmem:s10+$0xC0];
	[tilespmem:s10+$0xFD80] =	vst v6;
	v6 =	vmul.f32 $8.000000000e+00, v8;
	v7 =	vadd.f32 v10, v7  }
0xa7: {  	v9 =	vmul.f32 $8.000000000e+00, v9;
	v8 =	vld [tilespmem:s10+$0xD0];
	v4 =	vadd.f32 v4, v5  }
0xa8: {  	v5 =	vmul.f32 $8.000000000e+00, v11;
	v3 =	vadd.f32 v3, v6;
	v6 =	vld [tilespmem:s10+$0xE0];
	[tilespmem:s10+$0xFD90] =	vst v7  }
0xa9: {  	v2 =	vadd.f32 v2, v9;
	v7 =	vmul.f32 $8.000000000e+00, v49;
	[tilespmem:s10+$0xFDA0] =	vst v4  }
0xaa: {  	v4 =	vmul.f32 $8.000000000e+00, v13;
	[tilespmem:s10+$0xFDB0] =	vst v3;
	v1 =	vadd.f32 v1, v5  }
0xab: {  	v3 =	vmul.f32 $8.000000000e+00, v14;
	[tilespmem:s10+$0xFDC0] =	vst v2;
	v0 =	vadd.f32 v0, v7  }
0xac: {  	[tilespmem:s10+$0xFDD0] =	vst v1;
	v1 =	vadd.f32 v8, v4  }
0xad: {  	[tilespmem:s10+$0xFDE0] =	vst v0;
	v0 =	vadd.f32 v6, v3  }
0xae: {  	[tilespmem:s10+$0xFDF0] =	vst v1  }
0xaf: {  	[tilespmem:s10+$0xFE00] =	vst v0  }
0xb0: {  	_ =	swait.ge [sflag:s26], $0xC8  }
0xb1: {  	[sflag:s26] =	ssyncset.done $0x0  }
0xb2: {  	s16 =	simm.s32 $0x3520;
	[sflag:s26] =	ssyncadd.s32 $0xFFFFFF38  }
0xb3: {  	[tilespmem:s16], [sflag:$0x5] =	stream.indirect.gather [hbm4b:s6+s28], $0x40, s22, s28, $0xb8;
	[tilespmem:$0x1C520] =	vst v63  }
0xb4: {  	s12 =	simm.s32 $0x4F20;
	s10 =	simm.s32 $0x3268  }
0xb5: {  	[tilespmem:s12], [sflag:$0x5] =	stream.indirect.gather [hbm4b:s6+s30], $0x40, s10, s30, $0xb8;
	[tilespmem:$0x1C520] =	vst v63  }
0xb6: {  	s13 =	simm.s32 $0x0;
	s14 =	rddreg [dreg:$0x9];
	s12 =	simm.s32 $0xFD20  }
0xb7: {  	[hbm4b:s14+s13] =	stream.linear.scatter [tilespmem:s12], [sflag:$0x9], $0x3200, $0x38;
	[tilespmem:$0x1C520] =	vst v63  }
0xb8: {  	_ =	swait.ge [sflag:s8], $0x1A00  }
0xb9: {  	[sflag:s8] =	ssyncset.done $0x0  }
0xba: {  	[sflag:s8] =	ssyncadd.s32 $0xFFFFE600  }
0xbb: {  	_ =	swait.ge [sflag:s8], $0x1800  }
0xbc: {  	[sflag:s8] =	ssyncset.done $0x0  }
0xbd: {  	s9 =	simm.s32 $0x0;
	s16 =	rddreg [dreg:$0xa];
	[sflag:s8] =	ssyncadd.s32 $0xFFFFE800  }
0xbe: {  	[tilespmem:s23], [sflag:$0x2] =	stream.linear.gather [hbm4b:s16+s13], $0xC8, $0x38;
	[tilespmem:$0x1C520] =	vst v63  }
0xbf: {  	v0 =	vld [tilespmem:s9+$0x6810]  }
0xc0: {  	v1 =	vld [tilespmem:s9+$0x6720]  }
0xc1: {  	v2 =	vld [tilespmem:s9+$0xF0]  }
0xc2: {  	v3 =	vld [tilespmem:s9+$0x6730]  }
0xc3: {  	v4 =	vld [tilespmem:s9+$0x6740]  }
0xc4: {  	v5 =	vld [tilespmem:s9+$0x6750]  }
0xc5: {  	v6 =	vld [tilespmem:s9+$0x6760]  }
0xc6: {  	v7 =	vld [tilespmem:s9+$0x6770]  }
0xc7: {  	v8 =	vld [tilespmem:s9+$0x6790]  }
0xc8: {  	v9 =	vld [tilespmem:s9+$0x67B0]  }
0xc9: {  	v10 =	vld [tilespmem:s9+$0x67C0]  }
0xca: {  	v11 =	vld [tilespmem:s9+$0x67D0]  }
0xcb: {  	v51 =	vld [tilespmem:s9+$0x67E0]  }
0xcc: {  	v52 =	vld [tilespmem:s9+$0x67F0]  }
0xcd: {  	v53 =	vld [tilespmem:s9+$0x6800]  }
0xce: {  	v54 =	vld [tilespmem:s9+$0x0]  }
0xcf: {  	v55 =	vld [tilespmem:s9+$0x10]  }
0xd0: {  	v56 =	vld [tilespmem:s9+$0x20]  }
0xd1: {  	v57 =	vld [tilespmem:s9+$0x30];
	v0 =	vmul.f32 $8.000000000e+00, v0  }
0xd2: {  	v58 =	vld [tilespmem:s9+$0x40];
	v3 =	vmul.f32 $8.000000000e+00, v3  }
0xd3: {  	v59 =	vld [tilespmem:s9+$0x50];
	v1 =	vmul.f32 $8.000000000e+00, v1;
	v0 =	vadd.f32 v2, v0  }
0xd4: {  	v4 =	vmul.f32 $8.000000000e+00, v4;
	v2 =	vld [tilespmem:s9+$0x6780];
	v3 =	vadd.f32 v55, v3  }
0xd5: {  	v60 =	vld [tilespmem:s9+$0x60];
	v5 =	vmul.f32 $8.000000000e+00, v5;
	v1 =	vadd.f32 v54, v1;
	[tilespmem:s9+$0x13010] =	vst v0  }
0xd6: {  	v4 =	vadd.f32 v56, v4;
	v0 =	vld [tilespmem:s9+$0x67A0];
	[tilespmem:s9+$0x12F30] =	vst v3;
	v3 =	vmul.f32 $8.000000000e+00, v6  }
0xd7: {  	v5 =	vadd.f32 v57, v5;
	[tilespmem:s9+$0x12F20] =	vst v1;
	v1 =	vld [tilespmem:s9+$0x70]  }
0xd8: {  	v61 =	vld [tilespmem:s9+$0x80];
	[tilespmem:s9+$0x12F40] =	vst v4;
	v4 =	vmul.f32 $8.000000000e+00, v7;
	v3 =	vadd.f32 v58, v3  }
0xd9: {  	v62 =	vld [tilespmem:s9+$0x90];
	[tilespmem:s9+$0x12F50] =	vst v5;
	v2 =	vmul.f32 $8.000000000e+00, v2  }
0xda: {  	v5 =	vld [tilespmem:s9+$0xA0];
	v4 =	vadd.f32 v59, v4;
	[tilespmem:s9+$0x12F60] =	vst v3;
	v3 =	vmul.f32 $8.000000000e+00, v8  }
0xdb: {  	v6 =	vld [tilespmem:s9+$0xB0];
	v2 =	vadd.f32 v60, v2;
	v63 =	vmul.f32 $8.000000000e+00, v0  }
0xdc: {  	v9 =	vmul.f32 $8.000000000e+00, v9;
	v7 =	vld [tilespmem:s9+$0xC0];
	[tilespmem:s9+$0x12F70] =	vst v4;
	v4 =	vmul.f32 $8.000000000e+00, v10;
	v0 =	vadd.f32 v1, v3  }
0xdd: {  	v8 =	vld [tilespmem:s9+$0xD0];
	v3 =	vmul.f32 $8.000000000e+00, v11;
	v1 =	vmul.f32 $8.000000000e+00, v52;
	[tilespmem:s9+$0x12F80] =	vst v2;
	v10 =	vadd.f32 v61, v63  }
0xde: {  	s10 =	simm.s32 $0x100;
	s12 =	simm.s32 $0x800;
	v11 =	vadd.f32 v62, v9;
	v9 =	vld [tilespmem:s9+$0xE0];
	v2 =	vmul.f32 $8.000000000e+00, v51;
	[tilespmem:s9+$0x12F90] =	vst v0;
	v0 =	vmul.f32 $8.000000000e+00, v53  }
.LBB2_4:
0xdf: {  	p0 =	sne.s32 s12, $0xC400;
	v12 =	vld [tilespmem:s10+$0x6810];
	[tilespmem:s9+$0x12FA0] =	vst v10;
	v4 =	vadd.f32 v5, v4  }
0xe0: {  	v5 =	vld [tilespmem:s10+$0x6720];
	[tilespmem:s9+$0x12FB0] =	vst v11;
	v3 =	vadd.f32 v6, v3  }
0xe1: {  	v6 =	vld [tilespmem:s10+$0xF0];
	[tilespmem:s9+$0x12FC0] =	vst v4;
	v2 =	vadd.f32 v7, v2  }
0xe2: {  	v4 =	vld [tilespmem:s10+$0x6730];
	[tilespmem:s9+$0x12FD0] =	vst v3;
	v1 =	vadd.f32 v8, v1  }
0xe3: {  	v3 =	vld [tilespmem:s10+$0x6740];
	[tilespmem:s9+$0x12FE0] =	vst v2;
	v0 =	vadd.f32 v9, v0  }
0xe4: {  	v2 =	vld [tilespmem:s10+$0x6750];
	v7 =	vmul.f32 $8.000000000e+00, v12;
	[tilespmem:s9+$0x12FF0] =	vst v1  }
0xe5: {  	v5 =	vmul.f32 $8.000000000e+00, v5;
	v1 =	vld [tilespmem:s10+$0x6760];
	[tilespmem:s9+$0x13000] =	vst v0;
	s9 =	smov.u32 s10  }
0xe6: {  	v0 =	vld [tilespmem:s9+$0x6770];
	v6 =	vadd.f32 v6, v7  }
0xe7: {  	v7 =	vmul.f32 $8.000000000e+00, v4;
	v4 =	vld [tilespmem:s9+$0x6780]  }
0xe8: {  	v8 =	vmul.f32 $8.000000000e+00, v3;
	v3 =	vld [tilespmem:s9+$0x6790];
	[tilespmem:s9+$0x13010] =	vst v6  }
0xe9: {  	v6 =	vmul.f32 $8.000000000e+00, v2;
	v2 =	vld [tilespmem:s9+$0x67A0]  }
0xea: {  	v9 =	vmul.f32 $8.000000000e+00, v1;
	v1 =	vld [tilespmem:s9+$0x67B0]  }
0xeb: {  	v10 =	vmul.f32 $8.000000000e+00, v0;
	v0 =	vld [tilespmem:s9+$0x67C0]  }
0xec: {  	v11 =	vmul.f32 $8.000000000e+00, v4;
	v12 =	vld [tilespmem:s9+$0x67D0]  }
0xed: {  	v13 =	vmul.f32 $8.000000000e+00, v3;
	v14 =	vld [tilespmem:s9+$0x67E0]  }
0xee: {  	v15 =	vmul.f32 $8.000000000e+00, v2;
	v16 =	vld [tilespmem:s9+$0x67F0]  }
0xef: {  	v17 =	vmul.f32 $8.000000000e+00, v1;
	v18 =	vld [tilespmem:s9+$0x6800]  }
0xf0: {  	v19 =	vld [tilespmem:s9+$0x0];
	v4 =	vmul.f32 $8.000000000e+00, v0  }
0xf1: {  	v20 =	vld [tilespmem:s9+$0x10];
	v3 =	vmul.f32 $8.000000000e+00, v12  }
0xf2: {  	v12 =	vld [tilespmem:s9+$0x20];
	v2 =	vmul.f32 $8.000000000e+00, v14  }
0xf3: {  	v14 =	vld [tilespmem:s9+$0x30];
	v1 =	vmul.f32 $8.000000000e+00, v16  }
0xf4: {  	v16 =	vld [tilespmem:s9+$0x40];
	v0 =	vmul.f32 $8.000000000e+00, v18  }
0xf5: {  	v5 =	vadd.f32 v19, v5;
	v18 =	vld [tilespmem:s9+$0x50]  }
0xf6: {  	v7 =	vadd.f32 v20, v7;
	v19 =	vld [tilespmem:s9+$0x60]  }
0xf7: {  	[tilespmem:s9+$0x12F20] =	vst v5;
	v5 =	vadd.f32 v12, v8;
	v8 =	vld [tilespmem:s9+$0x70]  }
0xf8: {  	[tilespmem:s9+$0x12F30] =	vst v7;
	v6 =	vadd.f32 v14, v6;
	v12 =	vld [tilespmem:s9+$0x80]  }
0xf9: {  	[tilespmem:s9+$0x12F40] =	vst v5;
	v7 =	vadd.f32 v16, v9;
	v9 =	vld [tilespmem:s9+$0x90]  }
.Ltmp1:
0xfa: {  	[tilespmem:s9+$0x12F50] =	vst v6;
	v10 =	vadd.f32 v18, v10;
	v5 =	vld [tilespmem:s9+$0xA0];
	(pc) =	sbr.rel @p0 .LBB2_4-.Ltmp1, $4  }
0xfb: {  	[tilespmem:s9+$0x12F60] =	vst v7;
	v11 =	vadd.f32 v19, v11;
	v6 =	vld [tilespmem:s9+$0xB0]  }
0xfc: {  	[tilespmem:s9+$0x12F70] =	vst v10;
	v13 =	vadd.f32 v8, v13;
	v7 =	vld [tilespmem:s9+$0xC0]  }
0xfd: {  	[tilespmem:s9+$0x12F80] =	vst v11;
	v10 =	vadd.f32 v12, v15;
	v8 =	vld [tilespmem:s9+$0xD0]  }
0xfe: {  	s10 =	sshra.s32 s12, $0x2;
	s12 =	sadd.s32 $0x400, s12;
	[tilespmem:s9+$0x12F90] =	vst v13;
	v11 =	vadd.f32 v9, v17;
	v9 =	vld [tilespmem:s9+$0xE0]  }
0xff: {  	v12 =	vld [tilespmem:s10+$0x6810];
	[tilespmem:s9+$0x12FA0] =	vst v10;
	v4 =	vadd.f32 v5, v4  }
0x100: {  	v10 =	vld [tilespmem:s10+$0x6720];
	[tilespmem:s9+$0x12FB0] =	vst v11;
	v3 =	vadd.f32 v6, v3  }
0x101: {  	v5 =	vld [tilespmem:s10+$0xF0];
	[tilespmem:s9+$0x12FC0] =	vst v4;
	v2 =	vadd.f32 v7, v2  }
0x102: {  	v4 =	vld [tilespmem:s10+$0x6730];
	[tilespmem:s9+$0x12FD0] =	vst v3;
	v1 =	vadd.f32 v8, v1  }
0x103: {  	v3 =	vld [tilespmem:s10+$0x6740];
	[tilespmem:s9+$0x12FE0] =	vst v2;
	v0 =	vadd.f32 v9, v0  }
0x104: {  	v2 =	vld [tilespmem:s10+$0x6750];
	[tilespmem:s9+$0x12FF0] =	vst v1  }
0x105: {  	v6 =	vmul.f32 $8.000000000e+00, v12;
	v1 =	vld [tilespmem:s10+$0x6760];
	[tilespmem:s9+$0x13000] =	vst v0  }
0x106: {  	v0 =	vld [tilespmem:s10+$0x6770]  }
0x107: {  	v5 =	vadd.f32 v5, v6;
	v6 =	vld [tilespmem:s10+$0x6780]  }
0x108: {  	v7 =	vld [tilespmem:s10+$0x6790]  }
0x109: {  	v8 =	vld [tilespmem:s10+$0x67B0]  }
0x10a: {  	v9 =	vld [tilespmem:s10+$0x67C0]  }
0x10b: {  	v11 =	vld [tilespmem:s10+$0x67D0]  }
0x10c: {  	v49 =	vld [tilespmem:s10+$0x67E0]  }
0x10d: {  	v13 =	vld [tilespmem:s10+$0x67F0]  }
0x10e: {  	v14 =	vld [tilespmem:s10+$0x6800]  }
0x10f: {  	v15 =	vld [tilespmem:s10+$0x0]  }
0x110: {  	v16 =	vld [tilespmem:s10+$0x10]  }
0x111: {  	v17 =	vld [tilespmem:s10+$0x20]  }
0x112: {  	v10 =	vmul.f32 $8.000000000e+00, v10;
	v18 =	vld [tilespmem:s10+$0x30]  }
0x113: {  	v19 =	vld [tilespmem:s10+$0x40];
	v4 =	vmul.f32 $8.000000000e+00, v4  }
0x114: {  	v50 =	vld [tilespmem:s10+$0x50];
	v3 =	vmul.f32 $8.000000000e+00, v3;
	v10 =	vadd.f32 v15, v10  }
0x115: {  	v20 =	vld [tilespmem:s10+$0x60];
	[tilespmem:s10+$0x13010] =	vst v5;
	v2 =	vmul.f32 $8.000000000e+00, v2;
	v4 =	vadd.f32 v16, v4  }
0x116: {  	v5 =	vld [tilespmem:s10+$0x67A0];
	v1 =	vmul.f32 $8.000000000e+00, v1;
	v3 =	vadd.f32 v17, v3;
	[tilespmem:s10+$0x12F20] =	vst v10  }
0x117: {  	v2 =	vadd.f32 v18, v2;
	v0 =	vmul.f32 $8.000000000e+00, v0;
	v10 =	vld [tilespmem:s10+$0x70];
	[tilespmem:s10+$0x12F30] =	vst v4  }
0x118: {  	v6 =	vmul.f32 $8.000000000e+00, v6;
	v1 =	vadd.f32 v19, v1;
	v4 =	vld [tilespmem:s10+$0x80];
	[tilespmem:s10+$0x12F40] =	vst v3  }
0x119: {  	v3 =	vld [tilespmem:s10+$0x90];
	[tilespmem:s10+$0x12F50] =	vst v2;
	v0 =	vadd.f32 v50, v0  }
0x11a: {  	v7 =	vmul.f32 $8.000000000e+00, v7;
	v2 =	vld [tilespmem:s10+$0xA0];
	v6 =	vadd.f32 v20, v6;
	[tilespmem:s10+$0x12F60] =	vst v1  }
0x11b: {  	v5 =	vmul.f32 $8.000000000e+00, v5;
	v1 =	vld [tilespmem:s10+$0xB0];
	[tilespmem:s10+$0x12F70] =	vst v0  }
0x11c: {  	v0 =	vld [tilespmem:s10+$0xC0];
	[tilespmem:s10+$0x12F80] =	vst v6;
	v6 =	vmul.f32 $8.000000000e+00, v8;
	v7 =	vadd.f32 v10, v7  }
0x11d: {  	v9 =	vmul.f32 $8.000000000e+00, v9;
	v8 =	vld [tilespmem:s10+$0xD0];
	v4 =	vadd.f32 v4, v5  }
0x11e: {  	v5 =	vmul.f32 $8.000000000e+00, v11;
	v3 =	vadd.f32 v3, v6;
	v6 =	vld [tilespmem:s10+$0xE0];
	[tilespmem:s10+$0x12F90] =	vst v7  }
0x11f: {  	v2 =	vadd.f32 v2, v9;
	v7 =	vmul.f32 $8.000000000e+00, v49;
	[tilespmem:s10+$0x12FA0] =	vst v4  }
0x120: {  	v4 =	vmul.f32 $8.000000000e+00, v13;
	[tilespmem:s10+$0x12FB0] =	vst v3;
	v1 =	vadd.f32 v1, v5  }
0x121: {  	v3 =	vmul.f32 $8.000000000e+00, v14;
	[tilespmem:s10+$0x12FC0] =	vst v2;
	v0 =	vadd.f32 v0, v7  }
0x122: {  	[tilespmem:s10+$0x12FD0] =	vst v1;
	v1 =	vadd.f32 v8, v4  }
0x123: {  	[tilespmem:s10+$0x12FE0] =	vst v0;
	v0 =	vadd.f32 v6, v3  }
0x124: {  	[tilespmem:s10+$0x12FF0] =	vst v1  }
0x125: {  	[tilespmem:s10+$0x13000] =	vst v0  }
0x126: {  	_ =	swait.ge [sflag:s1], $0xC8  }
0x127: {  	[sflag:s1] =	ssyncset.done $0x0  }
0x128: {  	s16 =	simm.s32 $0x6720;
	[sflag:s1] =	ssyncadd.s32 $0xFFFFFF38  }
0x129: {  	[tilespmem:s16], [sflag:$0x6] =	stream.indirect.gather [hbm4b:s6+s28], $0x40, s23, s28, $0xb8;
	[tilespmem:$0x1C520] =	vst v63  }
0x12a: {  	s12 =	simm.s32 $0x8120;
	s10 =	simm.s32 $0x3330  }
0x12b: {  	[tilespmem:s12], [sflag:$0x6] =	stream.indirect.gather [hbm4b:s6+s30], $0x40, s10, s30, $0xb8;
	[tilespmem:$0x1C520] =	vst v63  }
0x12c: {  	s13 =	simm.s32 $0x0;
	s14 =	rddreg [dreg:$0xb];
	s12 =	simm.s32 $0x12F20  }
0x12d: {  	[hbm4b:s14+s13] =	stream.linear.scatter [tilespmem:s12], [sflag:$0xA], $0x3200, $0x38;
	[tilespmem:$0x1C520] =	vst v63  }
0x12e: {  	_ =	swait.ge [sflag:s20], $0x1A00  }
0x12f: {  	[sflag:s20] =	ssyncset.done $0x0  }
0x130: {  	[sflag:s20] =	ssyncadd.s32 $0xFFFFE600  }
0x131: {  	_ =	swait.ge [sflag:s20], $0x1800  }
0x132: {  	[sflag:s20] =	ssyncset.done $0x0  }
0x133: {  	s9 =	simm.s32 $0x0;
	s16 =	rddreg [dreg:$0xc];
	[sflag:s20] =	ssyncadd.s32 $0xFFFFE800  }
0x134: {  	[tilespmem:s24], [sflag:$0x3] =	stream.linear.gather [hbm4b:s16+s13], $0xC8, $0x38;
	[tilespmem:$0x1C520] =	vst v63  }
0x135: {  	v0 =	vld [tilespmem:s9+$0x9A10]  }
0x136: {  	v1 =	vld [tilespmem:s9+$0x9920]  }
0x137: {  	v2 =	vld [tilespmem:s9+$0xF0]  }
0x138: {  	v3 =	vld [tilespmem:s9+$0x9930]  }
0x139: {  	v4 =	vld [tilespmem:s9+$0x9940]  }
0x13a: {  	v5 =	vld [tilespmem:s9+$0x9950]  }
0x13b: {  	v6 =	vld [tilespmem:s9+$0x9960]  }
0x13c: {  	v7 =	vld [tilespmem:s9+$0x9970]  }
0x13d: {  	v8 =	vld [tilespmem:s9+$0x9990]  }
0x13e: {  	v9 =	vld [tilespmem:s9+$0x99B0]  }
0x13f: {  	v10 =	vld [tilespmem:s9+$0x99C0]  }
0x140: {  	v11 =	vld [tilespmem:s9+$0x99D0]  }
0x141: {  	v51 =	vld [tilespmem:s9+$0x99E0]  }
0x142: {  	v52 =	vld [tilespmem:s9+$0x99F0]  }
0x143: {  	v53 =	vld [tilespmem:s9+$0x9A00]  }
0x144: {  	v54 =	vld [tilespmem:s9+$0x0]  }
0x145: {  	v55 =	vld [tilespmem:s9+$0x10]  }
0x146: {  	v56 =	vld [tilespmem:s9+$0x20]  }
0x147: {  	v57 =	vld [tilespmem:s9+$0x30];
	v0 =	vmul.f32 $8.000000000e+00, v0  }
0x148: {  	v58 =	vld [tilespmem:s9+$0x40];
	v3 =	vmul.f32 $8.000000000e+00, v3  }
0x149: {  	v59 =	vld [tilespmem:s9+$0x50];
	v1 =	vmul.f32 $8.000000000e+00, v1;
	v0 =	vadd.f32 v2, v0  }
0x14a: {  	v4 =	vmul.f32 $8.000000000e+00, v4;
	v2 =	vld [tilespmem:s9+$0x9980];
	v3 =	vadd.f32 v55, v3  }
0x14b: {  	v60 =	vld [tilespmem:s9+$0x60];
	v5 =	vmul.f32 $8.000000000e+00, v5;
	v1 =	vadd.f32 v54, v1;
	[tilespmem:s9+$0x16210] =	vst v0  }
0x14c: {  	v4 =	vadd.f32 v56, v4;
	v0 =	vld [tilespmem:s9+$0x99A0];
	[tilespmem:s9+$0x16130] =	vst v3;
	v3 =	vmul.f32 $8.000000000e+00, v6  }
0x14d: {  	v5 =	vadd.f32 v57, v5;
	[tilespmem:s9+$0x16120] =	vst v1;
	v1 =	vld [tilespmem:s9+$0x70]  }
0x14e: {  	v61 =	vld [tilespmem:s9+$0x80];
	[tilespmem:s9+$0x16140] =	vst v4;
	v4 =	vmul.f32 $8.000000000e+00, v7;
	v3 =	vadd.f32 v58, v3  }
0x14f: {  	v62 =	vld [tilespmem:s9+$0x90];
	[tilespmem:s9+$0x16150] =	vst v5;
	v2 =	vmul.f32 $8.000000000e+00, v2  }
0x150: {  	v5 =	vld [tilespmem:s9+$0xA0];
	v4 =	vadd.f32 v59, v4;
	[tilespmem:s9+$0x16160] =	vst v3;
	v3 =	vmul.f32 $8.000000000e+00, v8  }
0x151: {  	v6 =	vld [tilespmem:s9+$0xB0];
	v2 =	vadd.f32 v60, v2;
	v63 =	vmul.f32 $8.000000000e+00, v0  }
0x152: {  	v9 =	vmul.f32 $8.000000000e+00, v9;
	v7 =	vld [tilespmem:s9+$0xC0];
	[tilespmem:s9+$0x16170] =	vst v4;
	v4 =	vmul.f32 $8.000000000e+00, v10;
	v0 =	vadd.f32 v1, v3  }
0x153: {  	v8 =	vld [tilespmem:s9+$0xD0];
	v3 =	vmul.f32 $8.000000000e+00, v11;
	v1 =	vmul.f32 $8.000000000e+00, v52;
	[tilespmem:s9+$0x16180] =	vst v2;
	v10 =	vadd.f32 v61, v63  }
0x154: {  	s10 =	simm.s32 $0x100;
	s12 =	simm.s32 $0x800;
	v11 =	vadd.f32 v62, v9;
	v9 =	vld [tilespmem:s9+$0xE0];
	v2 =	vmul.f32 $8.000000000e+00, v51;
	[tilespmem:s9+$0x16190] =	vst v0;
	v0 =	vmul.f32 $8.000000000e+00, v53  }
.LBB2_6:
0x155: {  	p0 =	sne.s32 s12, $0xC400;
	v12 =	vld [tilespmem:s10+$0x9A10];
	[tilespmem:s9+$0x161A0] =	vst v10;
	v4 =	vadd.f32 v5, v4  }
0x156: {  	v5 =	vld [tilespmem:s10+$0x9920];
	[tilespmem:s9+$0x161B0] =	vst v11;
	v3 =	vadd.f32 v6, v3  }
0x157: {  	v6 =	vld [tilespmem:s10+$0xF0];
	[tilespmem:s9+$0x161C0] =	vst v4;
	v2 =	vadd.f32 v7, v2  }
0x158: {  	v4 =	vld [tilespmem:s10+$0x9930];
	[tilespmem:s9+$0x161D0] =	vst v3;
	v1 =	vadd.f32 v8, v1  }
0x159: {  	v3 =	vld [tilespmem:s10+$0x9940];
	[tilespmem:s9+$0x161E0] =	vst v2;
	v0 =	vadd.f32 v9, v0  }
0x15a: {  	v2 =	vld [tilespmem:s10+$0x9950];
	v7 =	vmul.f32 $8.000000000e+00, v12;
	[tilespmem:s9+$0x161F0] =	vst v1  }
0x15b: {  	v5 =	vmul.f32 $8.000000000e+00, v5;
	v1 =	vld [tilespmem:s10+$0x9960];
	[tilespmem:s9+$0x16200] =	vst v0;
	s9 =	smov.u32 s10  }
0x15c: {  	v0 =	vld [tilespmem:s9+$0x9970];
	v6 =	vadd.f32 v6, v7  }
0x15d: {  	v7 =	vmul.f32 $8.000000000e+00, v4;
	v4 =	vld [tilespmem:s9+$0x9980]  }
0x15e: {  	v8 =	vmul.f32 $8.000000000e+00, v3;
	v3 =	vld [tilespmem:s9+$0x9990];
	[tilespmem:s9+$0x16210] =	vst v6  }
0x15f: {  	v6 =	vmul.f32 $8.000000000e+00, v2;
	v2 =	vld [tilespmem:s9+$0x99A0]  }
0x160: {  	v9 =	vmul.f32 $8.000000000e+00, v1;
	v1 =	vld [tilespmem:s9+$0x99B0]  }
0x161: {  	v10 =	vmul.f32 $8.000000000e+00, v0;
	v0 =	vld [tilespmem:s9+$0x99C0]  }
0x162: {  	v11 =	vmul.f32 $8.000000000e+00, v4;
	v12 =	vld [tilespmem:s9+$0x99D0]  }
0x163: {  	v13 =	vmul.f32 $8.000000000e+00, v3;
	v14 =	vld [tilespmem:s9+$0x99E0]  }
0x164: {  	v15 =	vmul.f32 $8.000000000e+00, v2;
	v16 =	vld [tilespmem:s9+$0x99F0]  }
0x165: {  	v17 =	vmul.f32 $8.000000000e+00, v1;
	v18 =	vld [tilespmem:s9+$0x9A00]  }
0x166: {  	v19 =	vld [tilespmem:s9+$0x0];
	v4 =	vmul.f32 $8.000000000e+00, v0  }
0x167: {  	v20 =	vld [tilespmem:s9+$0x10];
	v3 =	vmul.f32 $8.000000000e+00, v12  }
0x168: {  	v12 =	vld [tilespmem:s9+$0x20];
	v2 =	vmul.f32 $8.000000000e+00, v14  }
0x169: {  	v14 =	vld [tilespmem:s9+$0x30];
	v1 =	vmul.f32 $8.000000000e+00, v16  }
0x16a: {  	v16 =	vld [tilespmem:s9+$0x40];
	v0 =	vmul.f32 $8.000000000e+00, v18  }
0x16b: {  	v5 =	vadd.f32 v19, v5;
	v18 =	vld [tilespmem:s9+$0x50]  }
0x16c: {  	v7 =	vadd.f32 v20, v7;
	v19 =	vld [tilespmem:s9+$0x60]  }
0x16d: {  	[tilespmem:s9+$0x16120] =	vst v5;
	v5 =	vadd.f32 v12, v8;
	v8 =	vld [tilespmem:s9+$0x70]  }
0x16e: {  	[tilespmem:s9+$0x16130] =	vst v7;
	v6 =	vadd.f32 v14, v6;
	v12 =	vld [tilespmem:s9+$0x80]  }
0x16f: {  	[tilespmem:s9+$0x16140] =	vst v5;
	v7 =	vadd.f32 v16, v9;
	v9 =	vld [tilespmem:s9+$0x90]  }
.Ltmp2:
0x170: {  	[tilespmem:s9+$0x16150] =	vst v6;
	v10 =	vadd.f32 v18, v10;
	v5 =	vld [tilespmem:s9+$0xA0];
	(pc) =	sbr.rel @p0 .LBB2_6-.Ltmp2, $4  }
0x171: {  	[tilespmem:s9+$0x16160] =	vst v7;
	v11 =	vadd.f32 v19, v11;
	v6 =	vld [tilespmem:s9+$0xB0]  }
0x172: {  	[tilespmem:s9+$0x16170] =	vst v10;
	v13 =	vadd.f32 v8, v13;
	v7 =	vld [tilespmem:s9+$0xC0]  }
0x173: {  	[tilespmem:s9+$0x16180] =	vst v11;
	v10 =	vadd.f32 v12, v15;
	v8 =	vld [tilespmem:s9+$0xD0]  }
0x174: {  	s10 =	sshra.s32 s12, $0x2;
	s12 =	sadd.s32 $0x400, s12;
	[tilespmem:s9+$0x16190] =	vst v13;
	v11 =	vadd.f32 v9, v17;
	v9 =	vld [tilespmem:s9+$0xE0]  }
0x175: {  	v12 =	vld [tilespmem:s10+$0x9A10];
	[tilespmem:s9+$0x161A0] =	vst v10;
	v4 =	vadd.f32 v5, v4  }
0x176: {  	v10 =	vld [tilespmem:s10+$0x9920];
	[tilespmem:s9+$0x161B0] =	vst v11;
	v3 =	vadd.f32 v6, v3  }
0x177: {  	v5 =	vld [tilespmem:s10+$0xF0];
	[tilespmem:s9+$0x161C0] =	vst v4;
	v2 =	vadd.f32 v7, v2  }
0x178: {  	v4 =	vld [tilespmem:s10+$0x9930];
	[tilespmem:s9+$0x161D0] =	vst v3;
	v1 =	vadd.f32 v8, v1  }
0x179: {  	v3 =	vld [tilespmem:s10+$0x9940];
	[tilespmem:s9+$0x161E0] =	vst v2;
	v0 =	vadd.f32 v9, v0  }
0x17a: {  	v2 =	vld [tilespmem:s10+$0x9950];
	[tilespmem:s9+$0x161F0] =	vst v1  }
0x17b: {  	v6 =	vmul.f32 $8.000000000e+00, v12;
	v1 =	vld [tilespmem:s10+$0x9960];
	[tilespmem:s9+$0x16200] =	vst v0  }
0x17c: {  	v0 =	vld [tilespmem:s10+$0x9970]  }
0x17d: {  	v5 =	vadd.f32 v5, v6;
	v6 =	vld [tilespmem:s10+$0x9980]  }
0x17e: {  	v7 =	vld [tilespmem:s10+$0x9990]  }
0x17f: {  	v8 =	vld [tilespmem:s10+$0x99B0]  }
0x180: {  	v9 =	vld [tilespmem:s10+$0x99C0]  }
0x181: {  	v11 =	vld [tilespmem:s10+$0x99D0]  }
0x182: {  	v49 =	vld [tilespmem:s10+$0x99E0]  }
0x183: {  	v13 =	vld [tilespmem:s10+$0x99F0]  }
0x184: {  	v14 =	vld [tilespmem:s10+$0x9A00]  }
0x185: {  	v15 =	vld [tilespmem:s10+$0x0]  }
0x186: {  	v16 =	vld [tilespmem:s10+$0x10]  }
0x187: {  	v17 =	vld [tilespmem:s10+$0x20]  }
0x188: {  	v10 =	vmul.f32 $8.000000000e+00, v10;
	v18 =	vld [tilespmem:s10+$0x30]  }
0x189: {  	v19 =	vld [tilespmem:s10+$0x40];
	v4 =	vmul.f32 $8.000000000e+00, v4  }
0x18a: {  	v50 =	vld [tilespmem:s10+$0x50];
	v3 =	vmul.f32 $8.000000000e+00, v3;
	v10 =	vadd.f32 v15, v10  }
0x18b: {  	v20 =	vld [tilespmem:s10+$0x60];
	[tilespmem:s10+$0x16210] =	vst v5;
	v2 =	vmul.f32 $8.000000000e+00, v2;
	v4 =	vadd.f32 v16, v4  }
0x18c: {  	v5 =	vld [tilespmem:s10+$0x99A0];
	v1 =	vmul.f32 $8.000000000e+00, v1;
	v3 =	vadd.f32 v17, v3;
	[tilespmem:s10+$0x16120] =	vst v10  }
0x18d: {  	v2 =	vadd.f32 v18, v2;
	v0 =	vmul.f32 $8.000000000e+00, v0;
	v10 =	vld [tilespmem:s10+$0x70];
	[tilespmem:s10+$0x16130] =	vst v4  }
0x18e: {  	v6 =	vmul.f32 $8.000000000e+00, v6;
	v1 =	vadd.f32 v19, v1;
	v4 =	vld [tilespmem:s10+$0x80];
	[tilespmem:s10+$0x16140] =	vst v3  }
0x18f: {  	v3 =	vld [tilespmem:s10+$0x90];
	[tilespmem:s10+$0x16150] =	vst v2;
	v0 =	vadd.f32 v50, v0  }
0x190: {  	v7 =	vmul.f32 $8.000000000e+00, v7;
	v2 =	vld [tilespmem:s10+$0xA0];
	v6 =	vadd.f32 v20, v6;
	[tilespmem:s10+$0x16160] =	vst v1  }
0x191: {  	v5 =	vmul.f32 $8.000000000e+00, v5;
	v1 =	vld [tilespmem:s10+$0xB0];
	[tilespmem:s10+$0x16170] =	vst v0  }
0x192: {  	v0 =	vld [tilespmem:s10+$0xC0];
	[tilespmem:s10+$0x16180] =	vst v6;
	v6 =	vmul.f32 $8.000000000e+00, v8;
	v7 =	vadd.f32 v10, v7  }
0x193: {  	v9 =	vmul.f32 $8.000000000e+00, v9;
	v8 =	vld [tilespmem:s10+$0xD0];
	v4 =	vadd.f32 v4, v5  }
0x194: {  	v5 =	vmul.f32 $8.000000000e+00, v11;
	v3 =	vadd.f32 v3, v6;
	v6 =	vld [tilespmem:s10+$0xE0];
	[tilespmem:s10+$0x16190] =	vst v7  }
0x195: {  	v2 =	vadd.f32 v2, v9;
	v7 =	vmul.f32 $8.000000000e+00, v49;
	[tilespmem:s10+$0x161A0] =	vst v4  }
0x196: {  	v4 =	vmul.f32 $8.000000000e+00, v13;
	[tilespmem:s10+$0x161B0] =	vst v3;
	v1 =	vadd.f32 v1, v5  }
0x197: {  	v3 =	vmul.f32 $8.000000000e+00, v14;
	[tilespmem:s10+$0x161C0] =	vst v2;
	v0 =	vadd.f32 v0, v7  }
0x198: {  	[tilespmem:s10+$0x161D0] =	vst v1;
	v1 =	vadd.f32 v8, v4  }
0x199: {  	[tilespmem:s10+$0x161E0] =	vst v0;
	v0 =	vadd.f32 v6, v3  }
0x19a: {  	[tilespmem:s10+$0x161F0] =	vst v1  }
0x19b: {  	[tilespmem:s10+$0x16200] =	vst v0  }
0x19c: {  	_ =	swait.ge [sflag:s11], $0xC8  }
0x19d: {  	[sflag:s11] =	ssyncset.done $0x0  }
0x19e: {  	s16 =	simm.s32 $0x9920;
	[sflag:s11] =	ssyncadd.s32 $0xFFFFFF38  }
0x19f: {  	[tilespmem:s16], [sflag:$0x7] =	stream.indirect.gather [hbm4b:s6+s28], $0x40, s24, s28, $0xb8;
	[tilespmem:$0x1C520] =	vst v63  }
0x1a0: {  	s12 =	simm.s32 $0xB320;
	s10 =	simm.s32 $0x33F8  }
0x1a1: {  	[tilespmem:s12], [sflag:$0x7] =	stream.indirect.gather [hbm4b:s6+s30], $0x40, s10, s30, $0xb8;
	[tilespmem:$0x1C520] =	vst v63  }
0x1a2: {  	s13 =	simm.s32 $0x0;
	s14 =	rddreg [dreg:$0xd];
	s12 =	simm.s32 $0x16120  }
0x1a3: {  	[hbm4b:s14+s13] =	stream.linear.scatter [tilespmem:s12], [sflag:$0xB], $0x3200, $0x38;
	[tilespmem:$0x1C520] =	vst v63  }
0x1a4: {  	_ =	swait.ge [sflag:s21], $0x1A00  }
0x1a5: {  	[sflag:s21] =	ssyncset.done $0x0  }
0x1a6: {  	[sflag:s21] =	ssyncadd.s32 $0xFFFFE600  }
0x1a7: {  	_ =	swait.ge [sflag:s21], $0x1800  }
0x1a8: {  	[sflag:s21] =	ssyncset.done $0x0  }
0x1a9: {  	s9 =	simm.s32 $0x0;
	s16 =	rddreg [dreg:$0xe];
	[sflag:s21] =	ssyncadd.s32 $0xFFFFE800  }
0x1aa: {  	[tilespmem:s25], [sflag:$0x4] =	stream.linear.gather [hbm4b:s16+s13], $0xC8, $0x38;
	[tilespmem:$0x1C520] =	vst v63  }
0x1ab: {  	v0 =	vld [tilespmem:s9+$0xCC10]  }
0x1ac: {  	v1 =	vld [tilespmem:s9+$0xCB20]  }
0x1ad: {  	v2 =	vld [tilespmem:s9+$0xF0]  }
0x1ae: {  	v3 =	vld [tilespmem:s9+$0xCB30]  }
0x1af: {  	v4 =	vld [tilespmem:s9+$0xCB40]  }
0x1b0: {  	v5 =	vld [tilespmem:s9+$0xCB50]  }
0x1b1: {  	v6 =	vld [tilespmem:s9+$0xCB60]  }
0x1b2: {  	v7 =	vld [tilespmem:s9+$0xCB70]  }
0x1b3: {  	v8 =	vld [tilespmem:s9+$0xCB90]  }
0x1b4: {  	v9 =	vld [tilespmem:s9+$0xCBB0]  }
0x1b5: {  	v10 =	vld [tilespmem:s9+$0xCBC0]  }
0x1b6: {  	v11 =	vld [tilespmem:s9+$0xCBD0]  }
0x1b7: {  	v51 =	vld [tilespmem:s9+$0xCBE0]  }
0x1b8: {  	v52 =	vld [tilespmem:s9+$0xCBF0]  }
0x1b9: {  	v53 =	vld [tilespmem:s9+$0xCC00]  }
0x1ba: {  	v54 =	vld [tilespmem:s9+$0x0]  }
0x1bb: {  	v55 =	vld [tilespmem:s9+$0x10]  }
0x1bc: {  	v56 =	vld [tilespmem:s9+$0x20]  }
0x1bd: {  	v57 =	vld [tilespmem:s9+$0x30];
	v0 =	vmul.f32 $8.000000000e+00, v0  }
0x1be: {  	v58 =	vld [tilespmem:s9+$0x40];
	v3 =	vmul.f32 $8.000000000e+00, v3  }
0x1bf: {  	v59 =	vld [tilespmem:s9+$0x50];
	v1 =	vmul.f32 $8.000000000e+00, v1;
	v0 =	vadd.f32 v2, v0  }
0x1c0: {  	v4 =	vmul.f32 $8.000000000e+00, v4;
	v2 =	vld [tilespmem:s9+$0xCB80];
	v3 =	vadd.f32 v55, v3  }
0x1c1: {  	v60 =	vld [tilespmem:s9+$0x60];
	v5 =	vmul.f32 $8.000000000e+00, v5;
	v1 =	vadd.f32 v54, v1;
	[tilespmem:s9+$0x19410] =	vst v0  }
0x1c2: {  	v4 =	vadd.f32 v56, v4;
	v0 =	vld [tilespmem:s9+$0xCBA0];
	[tilespmem:s9+$0x19330] =	vst v3;
	v3 =	vmul.f32 $8.000000000e+00, v6  }
0x1c3: {  	v5 =	vadd.f32 v57, v5;
	[tilespmem:s9+$0x19320] =	vst v1;
	v1 =	vld [tilespmem:s9+$0x70]  }
0x1c4: {  	v61 =	vld [tilespmem:s9+$0x80];
	[tilespmem:s9+$0x19340] =	vst v4;
	v4 =	vmul.f32 $8.000000000e+00, v7;
	v3 =	vadd.f32 v58, v3  }
0x1c5: {  	v62 =	vld [tilespmem:s9+$0x90];
	[tilespmem:s9+$0x19350] =	vst v5;
	v2 =	vmul.f32 $8.000000000e+00, v2  }
0x1c6: {  	v5 =	vld [tilespmem:s9+$0xA0];
	v4 =	vadd.f32 v59, v4;
	[tilespmem:s9+$0x19360] =	vst v3;
	v3 =	vmul.f32 $8.000000000e+00, v8  }
0x1c7: {  	v6 =	vld [tilespmem:s9+$0xB0];
	v2 =	vadd.f32 v60, v2;
	v63 =	vmul.f32 $8.000000000e+00, v0  }
0x1c8: {  	v9 =	vmul.f32 $8.000000000e+00, v9;
	v7 =	vld [tilespmem:s9+$0xC0];
	[tilespmem:s9+$0x19370] =	vst v4;
	v4 =	vmul.f32 $8.000000000e+00, v10;
	v0 =	vadd.f32 v1, v3  }
0x1c9: {  	v8 =	vld [tilespmem:s9+$0xD0];
	v3 =	vmul.f32 $8.000000000e+00, v11;
	v1 =	vmul.f32 $8.000000000e+00, v52;
	[tilespmem:s9+$0x19380] =	vst v2;
	v10 =	vadd.f32 v61, v63  }
0x1ca: {  	s10 =	simm.s32 $0x100;
	s12 =	simm.s32 $0x800;
	v11 =	vadd.f32 v62, v9;
	v9 =	vld [tilespmem:s9+$0xE0];
	v2 =	vmul.f32 $8.000000000e+00, v51;
	[tilespmem:s9+$0x19390] =	vst v0;
	v0 =	vmul.f32 $8.000000000e+00, v53  }
.LBB2_8:
0x1cb: {  	p0 =	sne.s32 s12, $0xC400;
	v12 =	vld [tilespmem:s10+$0xCC10];
	[tilespmem:s9+$0x193A0] =	vst v10;
	v4 =	vadd.f32 v5, v4  }
0x1cc: {  	v5 =	vld [tilespmem:s10+$0xCB20];
	[tilespmem:s9+$0x193B0] =	vst v11;
	v3 =	vadd.f32 v6, v3  }
0x1cd: {  	v6 =	vld [tilespmem:s10+$0xF0];
	[tilespmem:s9+$0x193C0] =	vst v4;
	v2 =	vadd.f32 v7, v2  }
0x1ce: {  	v4 =	vld [tilespmem:s10+$0xCB30];
	[tilespmem:s9+$0x193D0] =	vst v3;
	v1 =	vadd.f32 v8, v1  }
0x1cf: {  	v3 =	vld [tilespmem:s10+$0xCB40];
	[tilespmem:s9+$0x193E0] =	vst v2;
	v0 =	vadd.f32 v9, v0  }
0x1d0: {  	v2 =	vld [tilespmem:s10+$0xCB50];
	v7 =	vmul.f32 $8.000000000e+00, v12;
	[tilespmem:s9+$0x193F0] =	vst v1  }
0x1d1: {  	v5 =	vmul.f32 $8.000000000e+00, v5;
	v1 =	vld [tilespmem:s10+$0xCB60];
	[tilespmem:s9+$0x19400] =	vst v0;
	s9 =	smov.u32 s10  }
0x1d2: {  	v0 =	vld [tilespmem:s9+$0xCB70];
	v6 =	vadd.f32 v6, v7  }
0x1d3: {  	v7 =	vmul.f32 $8.000000000e+00, v4;
	v4 =	vld [tilespmem:s9+$0xCB80]  }
0x1d4: {  	v8 =	vmul.f32 $8.000000000e+00, v3;
	v3 =	vld [tilespmem:s9+$0xCB90];
	[tilespmem:s9+$0x19410] =	vst v6  }
0x1d5: {  	v6 =	vmul.f32 $8.000000000e+00, v2;
	v2 =	vld [tilespmem:s9+$0xCBA0]  }
0x1d6: {  	v9 =	vmul.f32 $8.000000000e+00, v1;
	v1 =	vld [tilespmem:s9+$0xCBB0]  }
0x1d7: {  	v10 =	vmul.f32 $8.000000000e+00, v0;
	v0 =	vld [tilespmem:s9+$0xCBC0]  }
0x1d8: {  	v11 =	vmul.f32 $8.000000000e+00, v4;
	v12 =	vld [tilespmem:s9+$0xCBD0]  }
0x1d9: {  	v13 =	vmul.f32 $8.000000000e+00, v3;
	v14 =	vld [tilespmem:s9+$0xCBE0]  }
0x1da: {  	v15 =	vmul.f32 $8.000000000e+00, v2;
	v16 =	vld [tilespmem:s9+$0xCBF0]  }
0x1db: {  	v17 =	vmul.f32 $8.000000000e+00, v1;
	v18 =	vld [tilespmem:s9+$0xCC00]  }
0x1dc: {  	v19 =	vld [tilespmem:s9+$0x0];
	v4 =	vmul.f32 $8.000000000e+00, v0  }
0x1dd: {  	v20 =	vld [tilespmem:s9+$0x10];
	v3 =	vmul.f32 $8.000000000e+00, v12  }
0x1de: {  	v12 =	vld [tilespmem:s9+$0x20];
	v2 =	vmul.f32 $8.000000000e+00, v14  }
0x1df: {  	v14 =	vld [tilespmem:s9+$0x30];
	v1 =	vmul.f32 $8.000000000e+00, v16  }
0x1e0: {  	v16 =	vld [tilespmem:s9+$0x40];
	v0 =	vmul.f32 $8.000000000e+00, v18  }
0x1e1: {  	v5 =	vadd.f32 v19, v5;
	v18 =	vld [tilespmem:s9+$0x50]  }
0x1e2: {  	v7 =	vadd.f32 v20, v7;
	v19 =	vld [tilespmem:s9+$0x60]  }
0x1e3: {  	[tilespmem:s9+$0x19320] =	vst v5;
	v5 =	vadd.f32 v12, v8;
	v8 =	vld [tilespmem:s9+$0x70]  }
0x1e4: {  	[tilespmem:s9+$0x19330] =	vst v7;
	v6 =	vadd.f32 v14, v6;
	v12 =	vld [tilespmem:s9+$0x80]  }
0x1e5: {  	[tilespmem:s9+$0x19340] =	vst v5;
	v7 =	vadd.f32 v16, v9;
	v9 =	vld [tilespmem:s9+$0x90]  }
.Ltmp3:
0x1e6: {  	[tilespmem:s9+$0x19350] =	vst v6;
	v10 =	vadd.f32 v18, v10;
	v5 =	vld [tilespmem:s9+$0xA0];
	(pc) =	sbr.rel @p0 .LBB2_8-.Ltmp3, $4  }
0x1e7: {  	[tilespmem:s9+$0x19360] =	vst v7;
	v11 =	vadd.f32 v19, v11;
	v6 =	vld [tilespmem:s9+$0xB0]  }
0x1e8: {  	[tilespmem:s9+$0x19370] =	vst v10;
	v13 =	vadd.f32 v8, v13;
	v7 =	vld [tilespmem:s9+$0xC0]  }
0x1e9: {  	[tilespmem:s9+$0x19380] =	vst v11;
	v10 =	vadd.f32 v12, v15;
	v8 =	vld [tilespmem:s9+$0xD0]  }
0x1ea: {  	s10 =	sshra.s32 s12, $0x2;
	s12 =	sadd.s32 $0x400, s12;
	[tilespmem:s9+$0x19390] =	vst v13;
	v11 =	vadd.f32 v9, v17;
	v9 =	vld [tilespmem:s9+$0xE0]  }
0x1eb: {  	v12 =	vld [tilespmem:s10+$0xCC10];
	[tilespmem:s9+$0x193A0] =	vst v10;
	v4 =	vadd.f32 v5, v4  }
0x1ec: {  	v10 =	vld [tilespmem:s10+$0xCB20];
	[tilespmem:s9+$0x193B0] =	vst v11;
	v3 =	vadd.f32 v6, v3  }
0x1ed: {  	v40 =	vld [tilespmem:s10+$0xF0];
	[tilespmem:s9+$0x193C0] =	vst v4;
	v2 =	vadd.f32 v7, v2  }
0x1ee: {  	v4 =	vld [tilespmem:s10+$0xCB30];
	[tilespmem:s9+$0x193D0] =	vst v3;
	v1 =	vadd.f32 v8, v1  }
0x1ef: {  	v3 =	vld [tilespmem:s10+$0xCB40];
	[tilespmem:s9+$0x193E0] =	vst v2;
	v0 =	vadd.f32 v9, v0  }
0x1f0: {  	v2 =	vld [tilespmem:s10+$0xCB50];
	[tilespmem:s9+$0x193F0] =	vst v1  }
0x1f1: {  	v1 =	vld [tilespmem:s10+$0xCB60];
	[tilespmem:s9+$0x19400] =	vst v0  }
0x1f2: {  	v0 =	vld [tilespmem:s10+$0xCB70]  }
0x1f3: {  	v42 =	vld [tilespmem:s10+$0xCB80]  }
0x1f4: {  	v43 =	vld [tilespmem:s10+$0xCB90]  }
0x1f5: {  	v44 =	vld [tilespmem:s10+$0xCBA0]  }
0x1f6: {  	v45 =	vld [tilespmem:s10+$0xCBB0]  }
0x1f7: {  	v46 =	vld [tilespmem:s10+$0xCBC0]  }
0x1f8: {  	v11 =	vld [tilespmem:s10+$0xCBD0]  }
0x1f9: {  	v47 =	vld [tilespmem:s10+$0xCBE0]  }
0x1fa: {  	v13 =	vld [tilespmem:s10+$0xCBF0]  }
0x1fb: {  	v14 =	vld [tilespmem:s10+$0xCC00]  }
0x1fc: {  	v15 =	vld [tilespmem:s10+$0x0]  }
0x1fd: {  	v16 =	vld [tilespmem:s10+$0x10]  }
0x1fe: {  	v41 =	vmul.f32 $8.000000000e+00, v12;
	v17 =	vld [tilespmem:s10+$0x20]  }
0x1ff: {  	v10 =	vmul.f32 $8.000000000e+00, v10;
	v18 =	vld [tilespmem:s10+$0x30]  }
0x200: {  	v5 =	vadd.f32 v40, v41;
	v19 =	vld [tilespmem:s10+$0x40];
	v4 =	vmul.f32 $8.000000000e+00, v4  }
0x201: {  	v48 =	vld [tilespmem:s10+$0x50];
	v3 =	vmul.f32 $8.000000000e+00, v3;
	v10 =	vadd.f32 v15, v10  }
0x202: {  	v20 =	vld [tilespmem:s10+$0x60];
	[tilespmem:s10+$0x19410] =	vst v5;
	v2 =	vmul.f32 $8.000000000e+00, v2;
	v4 =	vadd.f32 v16, v4  }
0x203: {  	v49 =	vld [tilespmem:s10+$0x70];
	v1 =	vmul.f32 $8.000000000e+00, v1;
	v3 =	vadd.f32 v17, v3;
	[tilespmem:s10+$0x19320] =	vst v10  }
0x204: {  	v50 =	vld [tilespmem:s10+$0x80];
	v2 =	vadd.f32 v18, v2;
	v0 =	vmul.f32 $8.000000000e+00, v0;
	[tilespmem:s10+$0x19330] =	vst v4  }
0x205: {  	v51 =	vld [tilespmem:s10+$0x90];
	v6 =	vmul.f32 $8.000000000e+00, v42;
	v1 =	vadd.f32 v19, v1;
	[tilespmem:s10+$0x19340] =	vst v3  }
0x206: {  	v52 =	vld [tilespmem:s10+$0xA0];
	v7 =	vmul.f32 $8.000000000e+00, v43;
	[tilespmem:s10+$0x19350] =	vst v2;
	v0 =	vadd.f32 v48, v0  }
0x207: {  	v56 =	vld [tilespmem:s10+$0xD0];
	v5 =	vmul.f32 $8.000000000e+00, v44;
	v6 =	vadd.f32 v20, v6;
	[tilespmem:s10+$0x19360] =	vst v1  }
0x208: {  	v58 =	vld [tilespmem:s10+$0xE0];
	v55 =	vmul.f32 $8.000000000e+00, v45;
	v7 =	vadd.f32 v49, v7;
	[tilespmem:s10+$0x19370] =	vst v0  }
0x209: {  	v53 =	vld [tilespmem:s10+$0xB0];
	v9 =	vmul.f32 $8.000000000e+00, v46;
	v4 =	vadd.f32 v50, v5;
	[tilespmem:s10+$0x19380] =	vst v6  }
0x20a: {  	v54 =	vld [tilespmem:s10+$0xC0];
	v60 =	vmul.f32 $8.000000000e+00, v13;
	v3 =	vadd.f32 v51, v55;
	[tilespmem:s10+$0x19390] =	vst v7  }
0x20b: {  	v61 =	vmul.f32 $8.000000000e+00, v14;
	v2 =	vadd.f32 v52, v9;
	[tilespmem:s10+$0x193A0] =	vst v4  }
0x20c: {  	v57 =	vmul.f32 $8.000000000e+00, v11;
	v62 =	vadd.f32 v56, v60;
	[tilespmem:s10+$0x193B0] =	vst v3  }
0x20d: {  	v59 =	vmul.f32 $8.000000000e+00, v47;
	v63 =	vadd.f32 v58, v61;
	[tilespmem:s10+$0x193C0] =	vst v2  }
0x20e: {  	v1 =	vadd.f32 v53, v57;
	[tilespmem:s10+$0x193F0] =	vst v62  }
0x20f: {  	v0 =	vadd.f32 v54, v59;
	[tilespmem:s10+$0x19400] =	vst v63  }
0x210: {  	[tilespmem:s10+$0x193D0] =	vst v1  }
0x211: {  	[tilespmem:s10+$0x193E0] =	vst v0  }
0x212: {  	_ =	swait.ge [sflag:s15], $0xC8  }
0x213: {  	[sflag:s15] =	ssyncset.done $0x0  }
0x214: {  	s13 =	simm.s32 $0xCB20;
	[sflag:s15] =	ssyncadd.s32 $0xFFFFFF38  }
0x215: {  	[tilespmem:s13], [sflag:$0x8] =	stream.indirect.gather [hbm4b:s6+s28], $0x40, s25, s28, $0xb8;
	[tilespmem:$0x1C520] =	vst v63  }
0x216: {  	_ = 	snop  }
0x217: {  	[tilespmem:s18], [sflag:$0x8] =	stream.indirect.gather [hbm4b:s6+s30], $0x40, s17, s30, $0xb8;
	[tilespmem:$0x1C520] =	vst v63  }
0x218: {  	s16 =	simm.s32 $0x19320;
	s9 =	simm.s32 $0x1;
	s14 =	rddreg [dreg:$0xf]  }
0x219: {  	[hbm4b:s14+s3] =	stream.linear.scatter [tilespmem:s16], [sflag:$0xC], $0x3200, $0x38;
	[tilespmem:$0x1C520] =	vst v63  }
.LBB2_10:
0x21a: {  	s10 =	sshll.u32 s9, $0x2  }
0x21b: {  	_ =	swait.ge [sflag:s19], $0x1A00;
	s12 =	sadd.s32 $0x4, s10  }
0x21c: {  	[sflag:s19] =	ssyncset.done $0x0;
	s12 =	sand.u32 $0x7C, s12  }
0x21d: {  	[sflag:s19] =	ssyncadd.s32 $0xFFFFE600;
	s12 =	sor.u32 s4, s12  }
0x21e: {  	_ =	swait.ge [sflag:s19], $0x1800;
	s12 =	smul.u32 $0x19, s12  }
0x21f: {  	[sflag:s19] =	ssyncset.done $0x0  }
0x220: {  	s13 =	simm.s32 $0x0;
	[sflag:s19] =	ssyncadd.s32 $0xFFFFE800;
	s12 =	sadd.s32 s5, s12  }
0x221: {  	[tilespmem:s22], [sflag:$0x1] =	stream.linear.gather [hbm4b:s12+s13], $0xC8, $0x38;
	[tilespmem:$0x1C520] =	vst v63  }
0x222: {  	_ =	swait.ge [sflag:s29], $0x3200  }
0x223: {  	[sflag:s29] =	ssyncset.done $0x0  }
0x224: {  	s12 =	simm.s32 $0x0;
	[sflag:s29] =	ssyncadd.s32 $0xFFFFCE00  }
0x225: {  	v0 =	vld [tilespmem:s12+$0x3610]  }
0x226: {  	v1 =	vld [tilespmem:s12+$0x3520]  }
0x227: {  	v2 =	vld [tilespmem:s12+$0xF0]  }
0x228: {  	v3 =	vld [tilespmem:s12+$0x3530]  }
0x229: {  	v4 =	vld [tilespmem:s12+$0x3540]  }
0x22a: {  	v5 =	vld [tilespmem:s12+$0x3550]  }
0x22b: {  	v6 =	vld [tilespmem:s12+$0x3560]  }
0x22c: {  	v7 =	vld [tilespmem:s12+$0x3570]  }
0x22d: {  	v8 =	vld [tilespmem:s12+$0x3590]  }
0x22e: {  	v9 =	vld [tilespmem:s12+$0x35B0]  }
0x22f: {  	v10 =	vld [tilespmem:s12+$0x35C0]  }
0x230: {  	v11 =	vld [tilespmem:s12+$0x35D0]  }
0x231: {  	v12 =	vld [tilespmem:s12+$0x35E0]  }
0x232: {  	v13 =	vld [tilespmem:s12+$0x35F0]  }
0x233: {  	v14 =	vld [tilespmem:s12+$0x3600]  }
0x234: {  	v15 =	vld [tilespmem:s12+$0x0]  }
0x235: {  	v16 =	vld [tilespmem:s12+$0x10]  }
0x236: {  	v17 =	vld [tilespmem:s12+$0x20]  }
0x237: {  	v18 =	vld [tilespmem:s12+$0x30];
	v0 =	vmul.f32 $8.000000000e+00, v0  }
0x238: {  	v19 =	vld [tilespmem:s12+$0x40];
	v3 =	vmul.f32 $8.000000000e+00, v3  }
0x239: {  	v60 =	vld [tilespmem:s12+$0x50];
	v1 =	vmul.f32 $8.000000000e+00, v1;
	v0 =	vadd.f32 v2, v0  }
0x23a: {  	v4 =	vmul.f32 $8.000000000e+00, v4;
	v2 =	vld [tilespmem:s12+$0x3580];
	v3 =	vadd.f32 v16, v3  }
0x23b: {  	v20 =	vld [tilespmem:s12+$0x60];
	v5 =	vmul.f32 $8.000000000e+00, v5;
	v1 =	vadd.f32 v15, v1;
	[tilespmem:s12+$0xFE10] =	vst v0  }
0x23c: {  	v4 =	vadd.f32 v17, v4;
	v0 =	vld [tilespmem:s12+$0x35A0];
	[tilespmem:s12+$0xFD30] =	vst v3;
	v3 =	vmul.f32 $8.000000000e+00, v6  }
0x23d: {  	v5 =	vadd.f32 v18, v5;
	[tilespmem:s12+$0xFD20] =	vst v1;
	v1 =	vld [tilespmem:s12+$0x70]  }
0x23e: {  	v61 =	vld [tilespmem:s12+$0x80];
	[tilespmem:s12+$0xFD40] =	vst v4;
	v4 =	vmul.f32 $8.000000000e+00, v7;
	v3 =	vadd.f32 v19, v3  }
0x23f: {  	v62 =	vld [tilespmem:s12+$0x90];
	[tilespmem:s12+$0xFD50] =	vst v5;
	v2 =	vmul.f32 $8.000000000e+00, v2  }
0x240: {  	v5 =	vld [tilespmem:s12+$0xA0];
	v4 =	vadd.f32 v60, v4;
	[tilespmem:s12+$0xFD60] =	vst v3;
	v3 =	vmul.f32 $8.000000000e+00, v8  }
0x241: {  	v6 =	vld [tilespmem:s12+$0xB0];
	v2 =	vadd.f32 v20, v2;
	v63 =	vmul.f32 $8.000000000e+00, v0  }
0x242: {  	v9 =	vmul.f32 $8.000000000e+00, v9;
	v7 =	vld [tilespmem:s12+$0xC0];
	[tilespmem:s12+$0xFD70] =	vst v4;
	v4 =	vmul.f32 $8.000000000e+00, v10;
	v0 =	vadd.f32 v1, v3  }
0x243: {  	v8 =	vld [tilespmem:s12+$0xD0];
	v3 =	vmul.f32 $8.000000000e+00, v11;
	v1 =	vmul.f32 $8.000000000e+00, v13;
	[tilespmem:s12+$0xFD80] =	vst v2;
	v10 =	vadd.f32 v61, v63  }
0x244: {  	s14 =	simm.s32 $0x800;
	s13 =	simm.s32 $0x100;
	v11 =	vadd.f32 v62, v9;
	v9 =	vld [tilespmem:s12+$0xE0];
	v2 =	vmul.f32 $8.000000000e+00, v12;
	[tilespmem:s12+$0xFD90] =	vst v0;
	v0 =	vmul.f32 $8.000000000e+00, v14  }
.LBB2_11:
0x245: {  	p0 =	sne.s32 s14, $0xC400;
	v12 =	vld [tilespmem:s13+$0x3610];
	[tilespmem:s12+$0xFDA0] =	vst v10;
	v4 =	vadd.f32 v5, v4  }
0x246: {  	v5 =	vld [tilespmem:s13+$0x3520];
	[tilespmem:s12+$0xFDB0] =	vst v11;
	v3 =	vadd.f32 v6, v3  }
0x247: {  	v6 =	vld [tilespmem:s13+$0xF0];
	[tilespmem:s12+$0xFDC0] =	vst v4;
	v2 =	vadd.f32 v7, v2  }
0x248: {  	v4 =	vld [tilespmem:s13+$0x3530];
	[tilespmem:s12+$0xFDD0] =	vst v3;
	v1 =	vadd.f32 v8, v1  }
0x249: {  	v3 =	vld [tilespmem:s13+$0x3540];
	[tilespmem:s12+$0xFDE0] =	vst v2;
	v0 =	vadd.f32 v9, v0  }
0x24a: {  	v2 =	vld [tilespmem:s13+$0x3550];
	v7 =	vmul.f32 $8.000000000e+00, v12;
	[tilespmem:s12+$0xFDF0] =	vst v1  }
0x24b: {  	v5 =	vmul.f32 $8.000000000e+00, v5;
	v1 =	vld [tilespmem:s13+$0x3560];
	[tilespmem:s12+$0xFE00] =	vst v0;
	s12 =	smov.u32 s13  }
0x24c: {  	v0 =	vld [tilespmem:s12+$0x3570];
	v6 =	vadd.f32 v6, v7  }
0x24d: {  	v7 =	vmul.f32 $8.000000000e+00, v4;
	v4 =	vld [tilespmem:s12+$0x3580]  }
0x24e: {  	v8 =	vmul.f32 $8.000000000e+00, v3;
	v3 =	vld [tilespmem:s12+$0x3590];
	[tilespmem:s12+$0xFE10] =	vst v6  }
0x24f: {  	v6 =	vmul.f32 $8.000000000e+00, v2;
	v2 =	vld [tilespmem:s12+$0x35A0]  }
0x250: {  	v9 =	vmul.f32 $8.000000000e+00, v1;
	v1 =	vld [tilespmem:s12+$0x35B0]  }
0x251: {  	v10 =	vmul.f32 $8.000000000e+00, v0;
	v0 =	vld [tilespmem:s12+$0x35C0]  }
0x252: {  	v11 =	vmul.f32 $8.000000000e+00, v4;
	v12 =	vld [tilespmem:s12+$0x35D0]  }
0x253: {  	v13 =	vmul.f32 $8.000000000e+00, v3;
	v14 =	vld [tilespmem:s12+$0x35E0]  }
0x254: {  	v15 =	vmul.f32 $8.000000000e+00, v2;
	v16 =	vld [tilespmem:s12+$0x35F0]  }
0x255: {  	v17 =	vmul.f32 $8.000000000e+00, v1;
	v18 =	vld [tilespmem:s12+$0x3600]  }
0x256: {  	v19 =	vld [tilespmem:s12+$0x0];
	v4 =	vmul.f32 $8.000000000e+00, v0  }
0x257: {  	v20 =	vld [tilespmem:s12+$0x10];
	v3 =	vmul.f32 $8.000000000e+00, v12  }
0x258: {  	v12 =	vld [tilespmem:s12+$0x20];
	v2 =	vmul.f32 $8.000000000e+00, v14  }
0x259: {  	v14 =	vld [tilespmem:s12+$0x30];
	v1 =	vmul.f32 $8.000000000e+00, v16  }
0x25a: {  	v16 =	vld [tilespmem:s12+$0x40];
	v0 =	vmul.f32 $8.000000000e+00, v18  }
0x25b: {  	v5 =	vadd.f32 v19, v5;
	v18 =	vld [tilespmem:s12+$0x50]  }
0x25c: {  	v7 =	vadd.f32 v20, v7;
	v19 =	vld [tilespmem:s12+$0x60]  }
0x25d: {  	[tilespmem:s12+$0xFD20] =	vst v5;
	v5 =	vadd.f32 v12, v8;
	v8 =	vld [tilespmem:s12+$0x70]  }
0x25e: {  	[tilespmem:s12+$0xFD30] =	vst v7;
	v6 =	vadd.f32 v14, v6;
	v12 =	vld [tilespmem:s12+$0x80]  }
0x25f: {  	[tilespmem:s12+$0xFD40] =	vst v5;
	v7 =	vadd.f32 v16, v9;
	v9 =	vld [tilespmem:s12+$0x90]  }
.Ltmp4:
0x260: {  	[tilespmem:s12+$0xFD50] =	vst v6;
	v10 =	vadd.f32 v18, v10;
	v5 =	vld [tilespmem:s12+$0xA0];
	(pc) =	sbr.rel @p0 .LBB2_11-.Ltmp4, $4  }
0x261: {  	[tilespmem:s12+$0xFD60] =	vst v7;
	v11 =	vadd.f32 v19, v11;
	v6 =	vld [tilespmem:s12+$0xB0]  }
0x262: {  	[tilespmem:s12+$0xFD70] =	vst v10;
	v13 =	vadd.f32 v8, v13;
	v7 =	vld [tilespmem:s12+$0xC0]  }
0x263: {  	[tilespmem:s12+$0xFD80] =	vst v11;
	v10 =	vadd.f32 v12, v15;
	v8 =	vld [tilespmem:s12+$0xD0]  }
0x264: {  	s13 =	sshra.s32 s14, $0x2;
	s14 =	sadd.s32 $0x400, s14;
	[tilespmem:s12+$0xFD90] =	vst v13;
	v11 =	vadd.f32 v9, v17;
	v9 =	vld [tilespmem:s12+$0xE0]  }
0x265: {  	v12 =	vld [tilespmem:s13+$0x3610];
	[tilespmem:s12+$0xFDA0] =	vst v10;
	v4 =	vadd.f32 v5, v4  }
0x266: {  	v10 =	vld [tilespmem:s13+$0x3520];
	[tilespmem:s12+$0xFDB0] =	vst v11;
	v3 =	vadd.f32 v6, v3  }
0x267: {  	v5 =	vld [tilespmem:s13+$0xF0];
	[tilespmem:s12+$0xFDC0] =	vst v4;
	v2 =	vadd.f32 v7, v2  }
0x268: {  	v4 =	vld [tilespmem:s13+$0x3530];
	[tilespmem:s12+$0xFDD0] =	vst v3;
	v1 =	vadd.f32 v8, v1  }
0x269: {  	v3 =	vld [tilespmem:s13+$0x3540];
	[tilespmem:s12+$0xFDE0] =	vst v2;
	v0 =	vadd.f32 v9, v0  }
0x26a: {  	v2 =	vld [tilespmem:s13+$0x3550];
	[tilespmem:s12+$0xFDF0] =	vst v1  }
0x26b: {  	v6 =	vmul.f32 $8.000000000e+00, v12;
	v1 =	vld [tilespmem:s13+$0x3560];
	[tilespmem:s12+$0xFE00] =	vst v0  }
0x26c: {  	v0 =	vld [tilespmem:s13+$0x3570]  }
0x26d: {  	v5 =	vadd.f32 v5, v6;
	v6 =	vld [tilespmem:s13+$0x3580]  }
0x26e: {  	v7 =	vld [tilespmem:s13+$0x3590]  }
0x26f: {  	v8 =	vld [tilespmem:s13+$0x35B0]  }
0x270: {  	v9 =	vld [tilespmem:s13+$0x35C0]  }
0x271: {  	v11 =	vld [tilespmem:s13+$0x35D0]  }
0x272: {  	v49 =	vld [tilespmem:s13+$0x35E0]  }
0x273: {  	v13 =	vld [tilespmem:s13+$0x35F0]  }
0x274: {  	v14 =	vld [tilespmem:s13+$0x3600]  }
0x275: {  	v15 =	vld [tilespmem:s13+$0x0]  }
0x276: {  	v16 =	vld [tilespmem:s13+$0x10]  }
0x277: {  	v17 =	vld [tilespmem:s13+$0x20]  }
0x278: {  	v10 =	vmul.f32 $8.000000000e+00, v10;
	v18 =	vld [tilespmem:s13+$0x30]  }
0x279: {  	v19 =	vld [tilespmem:s13+$0x40];
	v4 =	vmul.f32 $8.000000000e+00, v4  }
0x27a: {  	v50 =	vld [tilespmem:s13+$0x50];
	v3 =	vmul.f32 $8.000000000e+00, v3;
	v10 =	vadd.f32 v15, v10  }
0x27b: {  	v20 =	vld [tilespmem:s13+$0x60];
	[tilespmem:s13+$0xFE10] =	vst v5;
	v2 =	vmul.f32 $8.000000000e+00, v2;
	v4 =	vadd.f32 v16, v4  }
0x27c: {  	v5 =	vld [tilespmem:s13+$0x35A0];
	v1 =	vmul.f32 $8.000000000e+00, v1;
	v3 =	vadd.f32 v17, v3;
	[tilespmem:s13+$0xFD20] =	vst v10  }
0x27d: {  	v2 =	vadd.f32 v18, v2;
	v0 =	vmul.f32 $8.000000000e+00, v0;
	v10 =	vld [tilespmem:s13+$0x70];
	[tilespmem:s13+$0xFD30] =	vst v4  }
0x27e: {  	v6 =	vmul.f32 $8.000000000e+00, v6;
	v1 =	vadd.f32 v19, v1;
	v4 =	vld [tilespmem:s13+$0x80];
	[tilespmem:s13+$0xFD40] =	vst v3  }
0x27f: {  	v3 =	vld [tilespmem:s13+$0x90];
	[tilespmem:s13+$0xFD50] =	vst v2;
	v0 =	vadd.f32 v50, v0  }
0x280: {  	v7 =	vmul.f32 $8.000000000e+00, v7;
	v2 =	vld [tilespmem:s13+$0xA0];
	v6 =	vadd.f32 v20, v6;
	[tilespmem:s13+$0xFD60] =	vst v1  }
0x281: {  	v5 =	vmul.f32 $8.000000000e+00, v5;
	v1 =	vld [tilespmem:s13+$0xB0];
	[tilespmem:s13+$0xFD70] =	vst v0  }
0x282: {  	v0 =	vld [tilespmem:s13+$0xC0];
	[tilespmem:s13+$0xFD80] =	vst v6;
	v6 =	vmul.f32 $8.000000000e+00, v8;
	v7 =	vadd.f32 v10, v7  }
0x283: {  	v9 =	vmul.f32 $8.000000000e+00, v9;
	v8 =	vld [tilespmem:s13+$0xD0];
	v4 =	vadd.f32 v4, v5  }
0x284: {  	v5 =	vmul.f32 $8.000000000e+00, v11;
	v3 =	vadd.f32 v3, v6;
	v6 =	vld [tilespmem:s13+$0xE0];
	[tilespmem:s13+$0xFD90] =	vst v7  }
0x285: {  	v2 =	vadd.f32 v2, v9;
	v7 =	vmul.f32 $8.000000000e+00, v49;
	[tilespmem:s13+$0xFDA0] =	vst v4  }
0x286: {  	v4 =	vmul.f32 $8.000000000e+00, v13;
	[tilespmem:s13+$0xFDB0] =	vst v3;
	v1 =	vadd.f32 v1, v5  }
0x287: {  	v3 =	vmul.f32 $8.000000000e+00, v14;
	[tilespmem:s13+$0xFDC0] =	vst v2;
	v0 =	vadd.f32 v0, v7  }
0x288: {  	[tilespmem:s13+$0xFDD0] =	vst v1;
	v1 =	vadd.f32 v8, v4  }
0x289: {  	[tilespmem:s13+$0xFDE0] =	vst v0;
	v0 =	vadd.f32 v6, v3  }
0x28a: {  	[tilespmem:s13+$0xFDF0] =	vst v1  }
0x28b: {  	[tilespmem:s13+$0xFE00] =	vst v0  }
0x28c: {  	_ =	swait.ge [sflag:s26], $0xC8  }
0x28d: {  	[sflag:s26] =	ssyncset.done $0x0  }
0x28e: {  	s14 =	sadd.s32 s4, s10;
	s13 =	simm.s32 $0x3520;
	[sflag:s26] =	ssyncadd.s32 $0xFFFFFF38  }
0x28f: {  	[tilespmem:s13], [sflag:$0x5] =	stream.indirect.gather [hbm4b:s6+s28], $0x40, s22, s28, $0xb8;
	[tilespmem:$0x1C520] =	vst v63  }
0x290: {  	s16 =	simm.s32 $0x3268;
	s12 =	smul.u32 $0x640, s14;
	s14 =	simm.s32 $0x4F20  }
0x291: {  	[tilespmem:s14], [sflag:$0x5] =	stream.indirect.gather [hbm4b:s6+s30], $0x40, s16, s30, $0xb8;
	[tilespmem:$0x1C520] =	vst v63  }
0x292: {  	s12 =	sadd.s32 s2, s12;
	s13 =	simm.s32 $0x0;
	s16 =	simm.s32 $0xFD20  }
0x293: {  	[hbm4b:s12+s13] =	stream.linear.scatter [tilespmem:s16], [sflag:$0x9], $0x3200, $0x38;
	[tilespmem:$0x1C520] =	vst v63  }
0x294: {  	s16 =	sadd.s32 $0x5, s10;
	_ =	swait.ge [sflag:s8], $0x1A00  }
0x295: {  	s12 =	sand.u32 $0x7D, s16;
	[sflag:s8] =	ssyncset.done $0x0  }
0x296: {  	s12 =	sor.u32 s4, s12;
	[sflag:s8] =	ssyncadd.s32 $0xFFFFE600  }
0x297: {  	s12 =	smul.u32 $0x19, s12;
	_ =	swait.ge [sflag:s8], $0x1800  }
0x298: {  	[sflag:s8] =	ssyncset.done $0x0  }
0x299: {  	s12 =	sadd.s32 s5, s12;
	[sflag:s8] =	ssyncadd.s32 $0xFFFFE800  }
0x29a: {  	[tilespmem:s23], [sflag:$0x2] =	stream.linear.gather [hbm4b:s12+s13], $0xC8, $0x38;
	[tilespmem:$0x1C520] =	vst v63  }
0x29b: {  	_ =	swait.ge [sflag:s31], $0x3200  }
0x29c: {  	[sflag:s31] =	ssyncset.done $0x0  }
0x29d: {  	s12 =	simm.s32 $0x0;
	[sflag:s31] =	ssyncadd.s32 $0xFFFFCE00  }
0x29e: {  	v0 =	vld [tilespmem:s12+$0x6810]  }
0x29f: {  	v1 =	vld [tilespmem:s12+$0x6720]  }
0x2a0: {  	v2 =	vld [tilespmem:s12+$0xF0]  }
0x2a1: {  	v3 =	vld [tilespmem:s12+$0x6730]  }
0x2a2: {  	v4 =	vld [tilespmem:s12+$0x6740]  }
0x2a3: {  	v5 =	vld [tilespmem:s12+$0x6750]  }
0x2a4: {  	v6 =	vld [tilespmem:s12+$0x6760]  }
0x2a5: {  	v7 =	vld [tilespmem:s12+$0x6770]  }
0x2a6: {  	v8 =	vld [tilespmem:s12+$0x6790]  }
0x2a7: {  	v9 =	vld [tilespmem:s12+$0x67B0]  }
0x2a8: {  	v10 =	vld [tilespmem:s12+$0x67C0]  }
0x2a9: {  	v11 =	vld [tilespmem:s12+$0x67D0]  }
0x2aa: {  	v51 =	vld [tilespmem:s12+$0x67E0]  }
0x2ab: {  	v52 =	vld [tilespmem:s12+$0x67F0]  }
0x2ac: {  	v53 =	vld [tilespmem:s12+$0x6800]  }
0x2ad: {  	v54 =	vld [tilespmem:s12+$0x0]  }
0x2ae: {  	v55 =	vld [tilespmem:s12+$0x10]  }
0x2af: {  	v56 =	vld [tilespmem:s12+$0x20]  }
0x2b0: {  	v57 =	vld [tilespmem:s12+$0x30];
	v0 =	vmul.f32 $8.000000000e+00, v0  }
0x2b1: {  	v58 =	vld [tilespmem:s12+$0x40];
	v3 =	vmul.f32 $8.000000000e+00, v3  }
0x2b2: {  	v59 =	vld [tilespmem:s12+$0x50];
	v1 =	vmul.f32 $8.000000000e+00, v1;
	v0 =	vadd.f32 v2, v0  }
0x2b3: {  	v4 =	vmul.f32 $8.000000000e+00, v4;
	v2 =	vld [tilespmem:s12+$0x6780];
	v3 =	vadd.f32 v55, v3  }
0x2b4: {  	v60 =	vld [tilespmem:s12+$0x60];
	v5 =	vmul.f32 $8.000000000e+00, v5;
	v1 =	vadd.f32 v54, v1;
	[tilespmem:s12+$0x13010] =	vst v0  }
0x2b5: {  	v4 =	vadd.f32 v56, v4;
	v0 =	vld [tilespmem:s12+$0x67A0];
	[tilespmem:s12+$0x12F30] =	vst v3;
	v3 =	vmul.f32 $8.000000000e+00, v6  }
0x2b6: {  	v5 =	vadd.f32 v57, v5;
	[tilespmem:s12+$0x12F20] =	vst v1;
	v1 =	vld [tilespmem:s12+$0x70]  }
0x2b7: {  	v61 =	vld [tilespmem:s12+$0x80];
	[tilespmem:s12+$0x12F40] =	vst v4;
	v4 =	vmul.f32 $8.000000000e+00, v7;
	v3 =	vadd.f32 v58, v3  }
0x2b8: {  	v62 =	vld [tilespmem:s12+$0x90];
	[tilespmem:s12+$0x12F50] =	vst v5;
	v2 =	vmul.f32 $8.000000000e+00, v2  }
0x2b9: {  	v5 =	vld [tilespmem:s12+$0xA0];
	v4 =	vadd.f32 v59, v4;
	[tilespmem:s12+$0x12F60] =	vst v3;
	v3 =	vmul.f32 $8.000000000e+00, v8  }
0x2ba: {  	v6 =	vld [tilespmem:s12+$0xB0];
	v2 =	vadd.f32 v60, v2;
	v63 =	vmul.f32 $8.000000000e+00, v0  }
0x2bb: {  	v9 =	vmul.f32 $8.000000000e+00, v9;
	v7 =	vld [tilespmem:s12+$0xC0];
	[tilespmem:s12+$0x12F70] =	vst v4;
	v4 =	vmul.f32 $8.000000000e+00, v10;
	v0 =	vadd.f32 v1, v3  }
0x2bc: {  	v8 =	vld [tilespmem:s12+$0xD0];
	v3 =	vmul.f32 $8.000000000e+00, v11;
	v1 =	vmul.f32 $8.000000000e+00, v52;
	[tilespmem:s12+$0x12F80] =	vst v2;
	v10 =	vadd.f32 v61, v63  }
0x2bd: {  	s14 =	simm.s32 $0x800;
	s13 =	simm.s32 $0x100;
	v11 =	vadd.f32 v62, v9;
	v9 =	vld [tilespmem:s12+$0xE0];
	v2 =	vmul.f32 $8.000000000e+00, v51;
	[tilespmem:s12+$0x12F90] =	vst v0;
	v0 =	vmul.f32 $8.000000000e+00, v53  }
.LBB2_13:
0x2be: {  	p0 =	sne.s32 s14, $0xC400;
	v12 =	vld [tilespmem:s13+$0x6810];
	[tilespmem:s12+$0x12FA0] =	vst v10;
	v4 =	vadd.f32 v5, v4  }
0x2bf: {  	v5 =	vld [tilespmem:s13+$0x6720];
	[tilespmem:s12+$0x12FB0] =	vst v11;
	v3 =	vadd.f32 v6, v3  }
0x2c0: {  	v6 =	vld [tilespmem:s13+$0xF0];
	[tilespmem:s12+$0x12FC0] =	vst v4;
	v2 =	vadd.f32 v7, v2  }
0x2c1: {  	v4 =	vld [tilespmem:s13+$0x6730];
	[tilespmem:s12+$0x12FD0] =	vst v3;
	v1 =	vadd.f32 v8, v1  }
0x2c2: {  	v3 =	vld [tilespmem:s13+$0x6740];
	[tilespmem:s12+$0x12FE0] =	vst v2;
	v0 =	vadd.f32 v9, v0  }
0x2c3: {  	v2 =	vld [tilespmem:s13+$0x6750];
	v7 =	vmul.f32 $8.000000000e+00, v12;
	[tilespmem:s12+$0x12FF0] =	vst v1  }
0x2c4: {  	v5 =	vmul.f32 $8.000000000e+00, v5;
	v1 =	vld [tilespmem:s13+$0x6760];
	[tilespmem:s12+$0x13000] =	vst v0;
	s12 =	smov.u32 s13  }
0x2c5: {  	v0 =	vld [tilespmem:s12+$0x6770];
	v6 =	vadd.f32 v6, v7  }
0x2c6: {  	v7 =	vmul.f32 $8.000000000e+00, v4;
	v4 =	vld [tilespmem:s12+$0x6780]  }
0x2c7: {  	v8 =	vmul.f32 $8.000000000e+00, v3;
	v3 =	vld [tilespmem:s12+$0x6790];
	[tilespmem:s12+$0x13010] =	vst v6  }
0x2c8: {  	v6 =	vmul.f32 $8.000000000e+00, v2;
	v2 =	vld [tilespmem:s12+$0x67A0]  }
0x2c9: {  	v9 =	vmul.f32 $8.000000000e+00, v1;
	v1 =	vld [tilespmem:s12+$0x67B0]  }
0x2ca: {  	v10 =	vmul.f32 $8.000000000e+00, v0;
	v0 =	vld [tilespmem:s12+$0x67C0]  }
0x2cb: {  	v11 =	vmul.f32 $8.000000000e+00, v4;
	v12 =	vld [tilespmem:s12+$0x67D0]  }
0x2cc: {  	v13 =	vmul.f32 $8.000000000e+00, v3;
	v14 =	vld [tilespmem:s12+$0x67E0]  }
0x2cd: {  	v15 =	vmul.f32 $8.000000000e+00, v2;
	v16 =	vld [tilespmem:s12+$0x67F0]  }
0x2ce: {  	v17 =	vmul.f32 $8.000000000e+00, v1;
	v18 =	vld [tilespmem:s12+$0x6800]  }
0x2cf: {  	v19 =	vld [tilespmem:s12+$0x0];
	v4 =	vmul.f32 $8.000000000e+00, v0  }
0x2d0: {  	v20 =	vld [tilespmem:s12+$0x10];
	v3 =	vmul.f32 $8.000000000e+00, v12  }
0x2d1: {  	v12 =	vld [tilespmem:s12+$0x20];
	v2 =	vmul.f32 $8.000000000e+00, v14  }
0x2d2: {  	v14 =	vld [tilespmem:s12+$0x30];
	v1 =	vmul.f32 $8.000000000e+00, v16  }
0x2d3: {  	v16 =	vld [tilespmem:s12+$0x40];
	v0 =	vmul.f32 $8.000000000e+00, v18  }
0x2d4: {  	v5 =	vadd.f32 v19, v5;
	v18 =	vld [tilespmem:s12+$0x50]  }
0x2d5: {  	v7 =	vadd.f32 v20, v7;
	v19 =	vld [tilespmem:s12+$0x60]  }
0x2d6: {  	[tilespmem:s12+$0x12F20] =	vst v5;
	v5 =	vadd.f32 v12, v8;
	v8 =	vld [tilespmem:s12+$0x70]  }
0x2d7: {  	[tilespmem:s12+$0x12F30] =	vst v7;
	v6 =	vadd.f32 v14, v6;
	v12 =	vld [tilespmem:s12+$0x80]  }
0x2d8: {  	[tilespmem:s12+$0x12F40] =	vst v5;
	v7 =	vadd.f32 v16, v9;
	v9 =	vld [tilespmem:s12+$0x90]  }
.Ltmp5:
0x2d9: {  	[tilespmem:s12+$0x12F50] =	vst v6;
	v10 =	vadd.f32 v18, v10;
	v5 =	vld [tilespmem:s12+$0xA0];
	(pc) =	sbr.rel @p0 .LBB2_13-.Ltmp5, $4  }
0x2da: {  	[tilespmem:s12+$0x12F60] =	vst v7;
	v11 =	vadd.f32 v19, v11;
	v6 =	vld [tilespmem:s12+$0xB0]  }
0x2db: {  	[tilespmem:s12+$0x12F70] =	vst v10;
	v13 =	vadd.f32 v8, v13;
	v7 =	vld [tilespmem:s12+$0xC0]  }
0x2dc: {  	[tilespmem:s12+$0x12F80] =	vst v11;
	v10 =	vadd.f32 v12, v15;
	v8 =	vld [tilespmem:s12+$0xD0]  }
0x2dd: {  	s13 =	sshra.s32 s14, $0x2;
	s14 =	sadd.s32 $0x400, s14;
	[tilespmem:s12+$0x12F90] =	vst v13;
	v11 =	vadd.f32 v9, v17;
	v9 =	vld [tilespmem:s12+$0xE0]  }
0x2de: {  	v12 =	vld [tilespmem:s13+$0x6810];
	[tilespmem:s12+$0x12FA0] =	vst v10;
	v4 =	vadd.f32 v5, v4  }
0x2df: {  	v10 =	vld [tilespmem:s13+$0x6720];
	[tilespmem:s12+$0x12FB0] =	vst v11;
	v3 =	vadd.f32 v6, v3  }
0x2e0: {  	v5 =	vld [tilespmem:s13+$0xF0];
	[tilespmem:s12+$0x12FC0] =	vst v4;
	v2 =	vadd.f32 v7, v2  }
0x2e1: {  	v4 =	vld [tilespmem:s13+$0x6730];
	[tilespmem:s12+$0x12FD0] =	vst v3;
	v1 =	vadd.f32 v8, v1  }
0x2e2: {  	v3 =	vld [tilespmem:s13+$0x6740];
	[tilespmem:s12+$0x12FE0] =	vst v2;
	v0 =	vadd.f32 v9, v0  }
0x2e3: {  	v2 =	vld [tilespmem:s13+$0x6750];
	[tilespmem:s12+$0x12FF0] =	vst v1  }
0x2e4: {  	v6 =	vmul.f32 $8.000000000e+00, v12;
	v1 =	vld [tilespmem:s13+$0x6760];
	[tilespmem:s12+$0x13000] =	vst v0  }
0x2e5: {  	v0 =	vld [tilespmem:s13+$0x6770]  }
0x2e6: {  	v5 =	vadd.f32 v5, v6;
	v6 =	vld [tilespmem:s13+$0x6780]  }
0x2e7: {  	v7 =	vld [tilespmem:s13+$0x6790]  }
0x2e8: {  	v8 =	vld [tilespmem:s13+$0x67B0]  }
0x2e9: {  	v9 =	vld [tilespmem:s13+$0x67C0]  }
0x2ea: {  	v11 =	vld [tilespmem:s13+$0x67D0]  }
0x2eb: {  	v49 =	vld [tilespmem:s13+$0x67E0]  }
0x2ec: {  	v13 =	vld [tilespmem:s13+$0x67F0]  }
0x2ed: {  	v14 =	vld [tilespmem:s13+$0x6800]  }
0x2ee: {  	v15 =	vld [tilespmem:s13+$0x0]  }
0x2ef: {  	v16 =	vld [tilespmem:s13+$0x10]  }
0x2f0: {  	v17 =	vld [tilespmem:s13+$0x20]  }
0x2f1: {  	v10 =	vmul.f32 $8.000000000e+00, v10;
	v18 =	vld [tilespmem:s13+$0x30]  }
0x2f2: {  	v19 =	vld [tilespmem:s13+$0x40];
	v4 =	vmul.f32 $8.000000000e+00, v4  }
0x2f3: {  	v50 =	vld [tilespmem:s13+$0x50];
	v3 =	vmul.f32 $8.000000000e+00, v3;
	v10 =	vadd.f32 v15, v10  }
0x2f4: {  	v20 =	vld [tilespmem:s13+$0x60];
	[tilespmem:s13+$0x13010] =	vst v5;
	v2 =	vmul.f32 $8.000000000e+00, v2;
	v4 =	vadd.f32 v16, v4  }
0x2f5: {  	v5 =	vld [tilespmem:s13+$0x67A0];
	v1 =	vmul.f32 $8.000000000e+00, v1;
	v3 =	vadd.f32 v17, v3;
	[tilespmem:s13+$0x12F20] =	vst v10  }
0x2f6: {  	v2 =	vadd.f32 v18, v2;
	v0 =	vmul.f32 $8.000000000e+00, v0;
	v10 =	vld [tilespmem:s13+$0x70];
	[tilespmem:s13+$0x12F30] =	vst v4  }
0x2f7: {  	v6 =	vmul.f32 $8.000000000e+00, v6;
	v1 =	vadd.f32 v19, v1;
	v4 =	vld [tilespmem:s13+$0x80];
	[tilespmem:s13+$0x12F40] =	vst v3  }
0x2f8: {  	v3 =	vld [tilespmem:s13+$0x90];
	[tilespmem:s13+$0x12F50] =	vst v2;
	v0 =	vadd.f32 v50, v0  }
0x2f9: {  	v7 =	vmul.f32 $8.000000000e+00, v7;
	v2 =	vld [tilespmem:s13+$0xA0];
	v6 =	vadd.f32 v20, v6;
	[tilespmem:s13+$0x12F60] =	vst v1  }
0x2fa: {  	v5 =	vmul.f32 $8.000000000e+00, v5;
	v1 =	vld [tilespmem:s13+$0xB0];
	[tilespmem:s13+$0x12F70] =	vst v0  }
0x2fb: {  	v0 =	vld [tilespmem:s13+$0xC0];
	[tilespmem:s13+$0x12F80] =	vst v6;
	v6 =	vmul.f32 $8.000000000e+00, v8;
	v7 =	vadd.f32 v10, v7  }
0x2fc: {  	v9 =	vmul.f32 $8.000000000e+00, v9;
	v8 =	vld [tilespmem:s13+$0xD0];
	v4 =	vadd.f32 v4, v5  }
0x2fd: {  	v5 =	vmul.f32 $8.000000000e+00, v11;
	v3 =	vadd.f32 v3, v6;
	v6 =	vld [tilespmem:s13+$0xE0];
	[tilespmem:s13+$0x12F90] =	vst v7  }
0x2fe: {  	v2 =	vadd.f32 v2, v9;
	v7 =	vmul.f32 $8.000000000e+00, v49;
	[tilespmem:s13+$0x12FA0] =	vst v4  }
0x2ff: {  	v4 =	vmul.f32 $8.000000000e+00, v13;
	[tilespmem:s13+$0x12FB0] =	vst v3;
	v1 =	vadd.f32 v1, v5  }
0x300: {  	v3 =	vmul.f32 $8.000000000e+00, v14;
	[tilespmem:s13+$0x12FC0] =	vst v2;
	v0 =	vadd.f32 v0, v7  }
0x301: {  	[tilespmem:s13+$0x12FD0] =	vst v1;
	v1 =	vadd.f32 v8, v4  }
0x302: {  	[tilespmem:s13+$0x12FE0] =	vst v0;
	v0 =	vadd.f32 v6, v3  }
0x303: {  	[tilespmem:s13+$0x12FF0] =	vst v1  }
0x304: {  	[tilespmem:s13+$0x13000] =	vst v0  }
0x305: {  	_ =	swait.ge [sflag:s1], $0xC8  }
0x306: {  	s14 =	sadd.s32 s10, s4;
	[sflag:s1] =	ssyncset.done $0x0  }
0x307: {  	s12 =	smul.u32 $0x640, s14;
	s13 =	simm.s32 $0x6720;
	[sflag:s1] =	ssyncadd.s32 $0xFFFFFF38  }
0x308: {  	[tilespmem:s13], [sflag:$0x6] =	stream.indirect.gather [hbm4b:s6+s28], $0x40, s23, s28, $0xb8;
	[tilespmem:$0x1C520] =	vst v63  }
0x309: {  	s16 =	simm.s32 $0x3330;
	s14 =	simm.s32 $0x8120;
	s12 =	sadd.s32 s2, s12  }
0x30a: {  	[tilespmem:s14], [sflag:$0x6] =	stream.indirect.gather [hbm4b:s6+s30], $0x40, s16, s30, $0xb8;
	[tilespmem:$0x1C520] =	vst v63  }
0x30b: {  	s13 =	sadd.s32 $0x640, s12;
	s14 =	simm.s32 $0x0;
	s16 =	simm.s32 $0x12F20  }
0x30c: {  	[hbm4b:s13+s14] =	stream.linear.scatter [tilespmem:s16], [sflag:$0xA], $0x3200, $0x38;
	[tilespmem:$0x1C520] =	vst v63  }
0x30d: {  	s16 =	sadd.s32 $0x6, s10;
	_ =	swait.ge [sflag:s20], $0x1A00  }
0x30e: {  	s13 =	sand.u32 $0x7E, s16;
	[sflag:s20] =	ssyncset.done $0x0  }
0x30f: {  	s13 =	sor.u32 s4, s13;
	[sflag:s20] =	ssyncadd.s32 $0xFFFFE600  }
0x310: {  	s13 =	smul.u32 $0x19, s13;
	_ =	swait.ge [sflag:s20], $0x1800  }
0x311: {  	[sflag:s20] =	ssyncset.done $0x0  }
0x312: {  	s13 =	sadd.s32 s5, s13;
	[sflag:s20] =	ssyncadd.s32 $0xFFFFE800  }
0x313: {  	[tilespmem:s24], [sflag:$0x3] =	stream.linear.gather [hbm4b:s13+s14], $0xC8, $0x38;
	[tilespmem:$0x1C520] =	vst v63  }
0x314: {  	_ =	swait.ge [sflag:s0], $0x3200  }
0x315: {  	[sflag:s0] =	ssyncset.done $0x0  }
0x316: {  	s13 =	simm.s32 $0x0;
	[sflag:s0] =	ssyncadd.s32 $0xFFFFCE00  }
0x317: {  	v0 =	vld [tilespmem:s13+$0x9A10]  }
0x318: {  	v1 =	vld [tilespmem:s13+$0x9920]  }
0x319: {  	v2 =	vld [tilespmem:s13+$0xF0]  }
0x31a: {  	v3 =	vld [tilespmem:s13+$0x9930]  }
0x31b: {  	v4 =	vld [tilespmem:s13+$0x9940]  }
0x31c: {  	v5 =	vld [tilespmem:s13+$0x9950]  }
0x31d: {  	v6 =	vld [tilespmem:s13+$0x9960]  }
0x31e: {  	v7 =	vld [tilespmem:s13+$0x9970]  }
0x31f: {  	v8 =	vld [tilespmem:s13+$0x9990]  }
0x320: {  	v9 =	vld [tilespmem:s13+$0x99B0]  }
0x321: {  	v10 =	vld [tilespmem:s13+$0x99C0]  }
0x322: {  	v11 =	vld [tilespmem:s13+$0x99D0]  }
0x323: {  	v51 =	vld [tilespmem:s13+$0x99E0]  }
0x324: {  	v52 =	vld [tilespmem:s13+$0x99F0]  }
0x325: {  	v53 =	vld [tilespmem:s13+$0x9A00]  }
0x326: {  	v54 =	vld [tilespmem:s13+$0x0]  }
0x327: {  	v55 =	vld [tilespmem:s13+$0x10]  }
0x328: {  	v56 =	vld [tilespmem:s13+$0x20]  }
0x329: {  	v57 =	vld [tilespmem:s13+$0x30];
	v0 =	vmul.f32 $8.000000000e+00, v0  }
0x32a: {  	v58 =	vld [tilespmem:s13+$0x40];
	v3 =	vmul.f32 $8.000000000e+00, v3  }
0x32b: {  	v59 =	vld [tilespmem:s13+$0x50];
	v1 =	vmul.f32 $8.000000000e+00, v1;
	v0 =	vadd.f32 v2, v0  }
0x32c: {  	v4 =	vmul.f32 $8.000000000e+00, v4;
	v2 =	vld [tilespmem:s13+$0x9980];
	v3 =	vadd.f32 v55, v3  }
0x32d: {  	v60 =	vld [tilespmem:s13+$0x60];
	v5 =	vmul.f32 $8.000000000e+00, v5;
	v1 =	vadd.f32 v54, v1;
	[tilespmem:s13+$0x16210] =	vst v0  }
0x32e: {  	v4 =	vadd.f32 v56, v4;
	v0 =	vld [tilespmem:s13+$0x99A0];
	[tilespmem:s13+$0x16130] =	vst v3;
	v3 =	vmul.f32 $8.000000000e+00, v6  }
0x32f: {  	v5 =	vadd.f32 v57, v5;
	[tilespmem:s13+$0x16120] =	vst v1;
	v1 =	vld [tilespmem:s13+$0x70]  }
0x330: {  	v61 =	vld [tilespmem:s13+$0x80];
	[tilespmem:s13+$0x16140] =	vst v4;
	v4 =	vmul.f32 $8.000000000e+00, v7;
	v3 =	vadd.f32 v58, v3  }
0x331: {  	v62 =	vld [tilespmem:s13+$0x90];
	[tilespmem:s13+$0x16150] =	vst v5;
	v2 =	vmul.f32 $8.000000000e+00, v2  }
0x332: {  	v5 =	vld [tilespmem:s13+$0xA0];
	v4 =	vadd.f32 v59, v4;
	[tilespmem:s13+$0x16160] =	vst v3;
	v3 =	vmul.f32 $8.000000000e+00, v8  }
0x333: {  	v6 =	vld [tilespmem:s13+$0xB0];
	v2 =	vadd.f32 v60, v2;
	v63 =	vmul.f32 $8.000000000e+00, v0  }
0x334: {  	v9 =	vmul.f32 $8.000000000e+00, v9;
	v7 =	vld [tilespmem:s13+$0xC0];
	[tilespmem:s13+$0x16170] =	vst v4;
	v4 =	vmul.f32 $8.000000000e+00, v10;
	v0 =	vadd.f32 v1, v3  }
0x335: {  	v8 =	vld [tilespmem:s13+$0xD0];
	v3 =	vmul.f32 $8.000000000e+00, v11;
	v1 =	vmul.f32 $8.000000000e+00, v52;
	[tilespmem:s13+$0x16180] =	vst v2;
	v10 =	vadd.f32 v61, v63  }
0x336: {  	s16 =	simm.s32 $0x800;
	s14 =	simm.s32 $0x100;
	v11 =	vadd.f32 v62, v9;
	v9 =	vld [tilespmem:s13+$0xE0];
	v2 =	vmul.f32 $8.000000000e+00, v51;
	[tilespmem:s13+$0x16190] =	vst v0;
	v0 =	vmul.f32 $8.000000000e+00, v53  }
.LBB2_15:
0x337: {  	p0 =	sne.s32 s16, $0xC400;
	v12 =	vld [tilespmem:s14+$0x9A10];
	[tilespmem:s13+$0x161A0] =	vst v10;
	v4 =	vadd.f32 v5, v4  }
0x338: {  	v5 =	vld [tilespmem:s14+$0x9920];
	[tilespmem:s13+$0x161B0] =	vst v11;
	v3 =	vadd.f32 v6, v3  }
0x339: {  	v6 =	vld [tilespmem:s14+$0xF0];
	[tilespmem:s13+$0x161C0] =	vst v4;
	v2 =	vadd.f32 v7, v2  }
0x33a: {  	v4 =	vld [tilespmem:s14+$0x9930];
	[tilespmem:s13+$0x161D0] =	vst v3;
	v1 =	vadd.f32 v8, v1  }
0x33b: {  	v3 =	vld [tilespmem:s14+$0x9940];
	[tilespmem:s13+$0x161E0] =	vst v2;
	v0 =	vadd.f32 v9, v0  }
0x33c: {  	v2 =	vld [tilespmem:s14+$0x9950];
	v7 =	vmul.f32 $8.000000000e+00, v12;
	[tilespmem:s13+$0x161F0] =	vst v1  }
0x33d: {  	v5 =	vmul.f32 $8.000000000e+00, v5;
	v1 =	vld [tilespmem:s14+$0x9960];
	[tilespmem:s13+$0x16200] =	vst v0;
	s13 =	smov.u32 s14  }
0x33e: {  	v0 =	vld [tilespmem:s13+$0x9970];
	v6 =	vadd.f32 v6, v7  }
0x33f: {  	v7 =	vmul.f32 $8.000000000e+00, v4;
	v4 =	vld [tilespmem:s13+$0x9980]  }
0x340: {  	v8 =	vmul.f32 $8.000000000e+00, v3;
	v3 =	vld [tilespmem:s13+$0x9990];
	[tilespmem:s13+$0x16210] =	vst v6  }
0x341: {  	v6 =	vmul.f32 $8.000000000e+00, v2;
	v2 =	vld [tilespmem:s13+$0x99A0]  }
0x342: {  	v9 =	vmul.f32 $8.000000000e+00, v1;
	v1 =	vld [tilespmem:s13+$0x99B0]  }
0x343: {  	v10 =	vmul.f32 $8.000000000e+00, v0;
	v0 =	vld [tilespmem:s13+$0x99C0]  }
0x344: {  	v11 =	vmul.f32 $8.000000000e+00, v4;
	v12 =	vld [tilespmem:s13+$0x99D0]  }
0x345: {  	v13 =	vmul.f32 $8.000000000e+00, v3;
	v14 =	vld [tilespmem:s13+$0x99E0]  }
0x346: {  	v15 =	vmul.f32 $8.000000000e+00, v2;
	v16 =	vld [tilespmem:s13+$0x99F0]  }
0x347: {  	v17 =	vmul.f32 $8.000000000e+00, v1;
	v18 =	vld [tilespmem:s13+$0x9A00]  }
0x348: {  	v19 =	vld [tilespmem:s13+$0x0];
	v4 =	vmul.f32 $8.000000000e+00, v0  }
0x349: {  	v20 =	vld [tilespmem:s13+$0x10];
	v3 =	vmul.f32 $8.000000000e+00, v12  }
0x34a: {  	v12 =	vld [tilespmem:s13+$0x20];
	v2 =	vmul.f32 $8.000000000e+00, v14  }
0x34b: {  	v14 =	vld [tilespmem:s13+$0x30];
	v1 =	vmul.f32 $8.000000000e+00, v16  }
0x34c: {  	v16 =	vld [tilespmem:s13+$0x40];
	v0 =	vmul.f32 $8.000000000e+00, v18  }
0x34d: {  	v5 =	vadd.f32 v19, v5;
	v18 =	vld [tilespmem:s13+$0x50]  }
0x34e: {  	v7 =	vadd.f32 v20, v7;
	v19 =	vld [tilespmem:s13+$0x60]  }
0x34f: {  	[tilespmem:s13+$0x16120] =	vst v5;
	v5 =	vadd.f32 v12, v8;
	v8 =	vld [tilespmem:s13+$0x70]  }
0x350: {  	[tilespmem:s13+$0x16130] =	vst v7;
	v6 =	vadd.f32 v14, v6;
	v12 =	vld [tilespmem:s13+$0x80]  }
0x351: {  	[tilespmem:s13+$0x16140] =	vst v5;
	v7 =	vadd.f32 v16, v9;
	v9 =	vld [tilespmem:s13+$0x90]  }
.Ltmp6:
0x352: {  	[tilespmem:s13+$0x16150] =	vst v6;
	v10 =	vadd.f32 v18, v10;
	v5 =	vld [tilespmem:s13+$0xA0];
	(pc) =	sbr.rel @p0 .LBB2_15-.Ltmp6, $4  }
0x353: {  	[tilespmem:s13+$0x16160] =	vst v7;
	v11 =	vadd.f32 v19, v11;
	v6 =	vld [tilespmem:s13+$0xB0]  }
0x354: {  	[tilespmem:s13+$0x16170] =	vst v10;
	v13 =	vadd.f32 v8, v13;
	v7 =	vld [tilespmem:s13+$0xC0]  }
0x355: {  	[tilespmem:s13+$0x16180] =	vst v11;
	v10 =	vadd.f32 v12, v15;
	v8 =	vld [tilespmem:s13+$0xD0]  }
0x356: {  	s14 =	sshra.s32 s16, $0x2;
	s16 =	sadd.s32 $0x400, s16;
	[tilespmem:s13+$0x16190] =	vst v13;
	v11 =	vadd.f32 v9, v17;
	v9 =	vld [tilespmem:s13+$0xE0]  }
0x357: {  	v12 =	vld [tilespmem:s14+$0x9A10];
	[tilespmem:s13+$0x161A0] =	vst v10;
	v4 =	vadd.f32 v5, v4  }
0x358: {  	v10 =	vld [tilespmem:s14+$0x9920];
	[tilespmem:s13+$0x161B0] =	vst v11;
	v3 =	vadd.f32 v6, v3  }
0x359: {  	v5 =	vld [tilespmem:s14+$0xF0];
	[tilespmem:s13+$0x161C0] =	vst v4;
	v2 =	vadd.f32 v7, v2  }
0x35a: {  	v4 =	vld [tilespmem:s14+$0x9930];
	[tilespmem:s13+$0x161D0] =	vst v3;
	v1 =	vadd.f32 v8, v1  }
0x35b: {  	v3 =	vld [tilespmem:s14+$0x9940];
	[tilespmem:s13+$0x161E0] =	vst v2;
	v0 =	vadd.f32 v9, v0  }
0x35c: {  	v2 =	vld [tilespmem:s14+$0x9950];
	[tilespmem:s13+$0x161F0] =	vst v1  }
0x35d: {  	v6 =	vmul.f32 $8.000000000e+00, v12;
	v1 =	vld [tilespmem:s14+$0x9960];
	[tilespmem:s13+$0x16200] =	vst v0  }
0x35e: {  	v0 =	vld [tilespmem:s14+$0x9970]  }
0x35f: {  	v5 =	vadd.f32 v5, v6;
	v6 =	vld [tilespmem:s14+$0x9980]  }
0x360: {  	v7 =	vld [tilespmem:s14+$0x9990]  }
0x361: {  	v8 =	vld [tilespmem:s14+$0x99B0]  }
0x362: {  	v9 =	vld [tilespmem:s14+$0x99C0]  }
0x363: {  	v11 =	vld [tilespmem:s14+$0x99D0]  }
0x364: {  	v49 =	vld [tilespmem:s14+$0x99E0]  }
0x365: {  	v13 =	vld [tilespmem:s14+$0x99F0]  }
0x366: {  	v14 =	vld [tilespmem:s14+$0x9A00]  }
0x367: {  	v15 =	vld [tilespmem:s14+$0x0]  }
0x368: {  	v16 =	vld [tilespmem:s14+$0x10]  }
0x369: {  	v17 =	vld [tilespmem:s14+$0x20]  }
0x36a: {  	v10 =	vmul.f32 $8.000000000e+00, v10;
	v18 =	vld [tilespmem:s14+$0x30]  }
0x36b: {  	v19 =	vld [tilespmem:s14+$0x40];
	v4 =	vmul.f32 $8.000000000e+00, v4  }
0x36c: {  	v50 =	vld [tilespmem:s14+$0x50];
	v3 =	vmul.f32 $8.000000000e+00, v3;
	v10 =	vadd.f32 v15, v10  }
0x36d: {  	v20 =	vld [tilespmem:s14+$0x60];
	[tilespmem:s14+$0x16210] =	vst v5;
	v2 =	vmul.f32 $8.000000000e+00, v2;
	v4 =	vadd.f32 v16, v4  }
0x36e: {  	v5 =	vld [tilespmem:s14+$0x99A0];
	v1 =	vmul.f32 $8.000000000e+00, v1;
	v3 =	vadd.f32 v17, v3;
	[tilespmem:s14+$0x16120] =	vst v10  }
0x36f: {  	v2 =	vadd.f32 v18, v2;
	v0 =	vmul.f32 $8.000000000e+00, v0;
	v10 =	vld [tilespmem:s14+$0x70];
	[tilespmem:s14+$0x16130] =	vst v4  }
0x370: {  	v6 =	vmul.f32 $8.000000000e+00, v6;
	v1 =	vadd.f32 v19, v1;
	v4 =	vld [tilespmem:s14+$0x80];
	[tilespmem:s14+$0x16140] =	vst v3  }
0x371: {  	v3 =	vld [tilespmem:s14+$0x90];
	[tilespmem:s14+$0x16150] =	vst v2;
	v0 =	vadd.f32 v50, v0  }
0x372: {  	v7 =	vmul.f32 $8.000000000e+00, v7;
	v2 =	vld [tilespmem:s14+$0xA0];
	v6 =	vadd.f32 v20, v6;
	[tilespmem:s14+$0x16160] =	vst v1  }
0x373: {  	v5 =	vmul.f32 $8.000000000e+00, v5;
	v1 =	vld [tilespmem:s14+$0xB0];
	[tilespmem:s14+$0x16170] =	vst v0  }
0x374: {  	v0 =	vld [tilespmem:s14+$0xC0];
	[tilespmem:s14+$0x16180] =	vst v6;
	v6 =	vmul.f32 $8.000000000e+00, v8;
	v7 =	vadd.f32 v10, v7  }
0x375: {  	v9 =	vmul.f32 $8.000000000e+00, v9;
	v8 =	vld [tilespmem:s14+$0xD0];
	v4 =	vadd.f32 v4, v5  }
0x376: {  	v5 =	vmul.f32 $8.000000000e+00, v11;
	v3 =	vadd.f32 v3, v6;
	v6 =	vld [tilespmem:s14+$0xE0];
	[tilespmem:s14+$0x16190] =	vst v7  }
0x377: {  	v2 =	vadd.f32 v2, v9;
	v7 =	vmul.f32 $8.000000000e+00, v49;
	[tilespmem:s14+$0x161A0] =	vst v4  }
0x378: {  	v4 =	vmul.f32 $8.000000000e+00, v13;
	[tilespmem:s14+$0x161B0] =	vst v3;
	v1 =	vadd.f32 v1, v5  }
0x379: {  	v3 =	vmul.f32 $8.000000000e+00, v14;
	[tilespmem:s14+$0x161C0] =	vst v2;
	v0 =	vadd.f32 v0, v7  }
0x37a: {  	[tilespmem:s14+$0x161D0] =	vst v1;
	v1 =	vadd.f32 v8, v4  }
0x37b: {  	[tilespmem:s14+$0x161E0] =	vst v0;
	v0 =	vadd.f32 v6, v3  }
0x37c: {  	[tilespmem:s14+$0x161F0] =	vst v1  }
0x37d: {  	[tilespmem:s14+$0x16200] =	vst v0  }
0x37e: {  	_ =	swait.ge [sflag:s11], $0xC8  }
0x37f: {  	[sflag:s11] =	ssyncset.done $0x0  }
0x380: {  	s16 =	simm.s32 $0x9920;
	[sflag:s11] =	ssyncadd.s32 $0xFFFFFF38  }
0x381: {  	[tilespmem:s16], [sflag:$0x7] =	stream.indirect.gather [hbm4b:s6+s28], $0x40, s24, s28, $0xb8;
	[tilespmem:$0x1C520] =	vst v63  }
0x382: {  	s14 =	simm.s32 $0x33F8;
	s16 =	simm.s32 $0xB320  }
0x383: {  	[tilespmem:s16], [sflag:$0x7] =	stream.indirect.gather [hbm4b:s6+s30], $0x40, s14, s30, $0xb8;
	[tilespmem:$0x1C520] =	vst v63  }
0x384: {  	s13 =	sadd.s32 $0xC80, s12;
	s14 =	simm.s32 $0x0;
	s16 =	simm.s32 $0x16120  }
0x385: {  	[hbm4b:s13+s14] =	stream.linear.scatter [tilespmem:s16], [sflag:$0xB], $0x3200, $0x38;
	[tilespmem:$0x1C520] =	vst v63  }
0x386: {  	s10 =	sadd.s32 $0x7, s10;
	_ =	swait.ge [sflag:s21], $0x1A00  }
0x387: {  	s10 =	sand.u32 $0x7F, s10;
	[sflag:s21] =	ssyncset.done $0x0  }
0x388: {  	s10 =	sor.u32 s4, s10;
	[sflag:s21] =	ssyncadd.s32 $0xFFFFE600  }
0x389: {  	s10 =	smul.u32 $0x19, s10;
	_ =	swait.ge [sflag:s21], $0x1800  }
0x38a: {  	[sflag:s21] =	ssyncset.done $0x0  }
0x38b: {  	s10 =	sadd.s32 s5, s10;
	[sflag:s21] =	ssyncadd.s32 $0xFFFFE800  }
0x38c: {  	[tilespmem:s25], [sflag:$0x4] =	stream.linear.gather [hbm4b:s10+s14], $0xC8, $0x38;
	[tilespmem:$0x1C520] =	vst v63  }
0x38d: {  	_ =	swait.ge [sflag:s7], $0x3200  }
0x38e: {  	[sflag:s7] =	ssyncset.done $0x0  }
0x38f: {  	s10 =	simm.s32 $0x0;
	[sflag:s7] =	ssyncadd.s32 $0xFFFFCE00  }
0x390: {  	v0 =	vld [tilespmem:s10+$0xCC10]  }
0x391: {  	v1 =	vld [tilespmem:s10+$0xCB20]  }
0x392: {  	v2 =	vld [tilespmem:s10+$0xF0]  }
0x393: {  	v3 =	vld [tilespmem:s10+$0xCB30]  }
0x394: {  	v4 =	vld [tilespmem:s10+$0xCB40]  }
0x395: {  	v5 =	vld [tilespmem:s10+$0xCB50]  }
0x396: {  	v6 =	vld [tilespmem:s10+$0xCB60]  }
0x397: {  	v7 =	vld [tilespmem:s10+$0xCB70]  }
0x398: {  	v8 =	vld [tilespmem:s10+$0xCB90]  }
0x399: {  	v9 =	vld [tilespmem:s10+$0xCBB0]  }
0x39a: {  	v10 =	vld [tilespmem:s10+$0xCBC0]  }
0x39b: {  	v11 =	vld [tilespmem:s10+$0xCBD0]  }
0x39c: {  	v51 =	vld [tilespmem:s10+$0xCBE0]  }
0x39d: {  	v52 =	vld [tilespmem:s10+$0xCBF0]  }
0x39e: {  	v53 =	vld [tilespmem:s10+$0xCC00]  }
0x39f: {  	v54 =	vld [tilespmem:s10+$0x0]  }
0x3a0: {  	v55 =	vld [tilespmem:s10+$0x10]  }
0x3a1: {  	v56 =	vld [tilespmem:s10+$0x20]  }
0x3a2: {  	v57 =	vld [tilespmem:s10+$0x30];
	v0 =	vmul.f32 $8.000000000e+00, v0  }
0x3a3: {  	v58 =	vld [tilespmem:s10+$0x40];
	v3 =	vmul.f32 $8.000000000e+00, v3  }
0x3a4: {  	v59 =	vld [tilespmem:s10+$0x50];
	v1 =	vmul.f32 $8.000000000e+00, v1;
	v0 =	vadd.f32 v2, v0  }
0x3a5: {  	v4 =	vmul.f32 $8.000000000e+00, v4;
	v2 =	vld [tilespmem:s10+$0xCB80];
	v3 =	vadd.f32 v55, v3  }
0x3a6: {  	v60 =	vld [tilespmem:s10+$0x60];
	v5 =	vmul.f32 $8.000000000e+00, v5;
	v1 =	vadd.f32 v54, v1;
	[tilespmem:s10+$0x19410] =	vst v0  }
0x3a7: {  	v4 =	vadd.f32 v56, v4;
	v0 =	vld [tilespmem:s10+$0xCBA0];
	[tilespmem:s10+$0x19330] =	vst v3;
	v3 =	vmul.f32 $8.000000000e+00, v6  }
0x3a8: {  	v5 =	vadd.f32 v57, v5;
	[tilespmem:s10+$0x19320] =	vst v1;
	v1 =	vld [tilespmem:s10+$0x70]  }
0x3a9: {  	v61 =	vld [tilespmem:s10+$0x80];
	[tilespmem:s10+$0x19340] =	vst v4;
	v4 =	vmul.f32 $8.000000000e+00, v7;
	v3 =	vadd.f32 v58, v3  }
0x3aa: {  	v62 =	vld [tilespmem:s10+$0x90];
	[tilespmem:s10+$0x19350] =	vst v5;
	v2 =	vmul.f32 $8.000000000e+00, v2  }
0x3ab: {  	v5 =	vld [tilespmem:s10+$0xA0];
	v4 =	vadd.f32 v59, v4;
	[tilespmem:s10+$0x19360] =	vst v3;
	v3 =	vmul.f32 $8.000000000e+00, v8  }
0x3ac: {  	v6 =	vld [tilespmem:s10+$0xB0];
	v2 =	vadd.f32 v60, v2;
	v63 =	vmul.f32 $8.000000000e+00, v0  }
0x3ad: {  	v9 =	vmul.f32 $8.000000000e+00, v9;
	v7 =	vld [tilespmem:s10+$0xC0];
	[tilespmem:s10+$0x19370] =	vst v4;
	v4 =	vmul.f32 $8.000000000e+00, v10;
	v0 =	vadd.f32 v1, v3  }
0x3ae: {  	v8 =	vld [tilespmem:s10+$0xD0];
	v3 =	vmul.f32 $8.000000000e+00, v11;
	v1 =	vmul.f32 $8.000000000e+00, v52;
	[tilespmem:s10+$0x19380] =	vst v2;
	v10 =	vadd.f32 v61, v63  }
0x3af: {  	s13 =	simm.s32 $0x100;
	s14 =	simm.s32 $0x800;
	v11 =	vadd.f32 v62, v9;
	v9 =	vld [tilespmem:s10+$0xE0];
	v2 =	vmul.f32 $8.000000000e+00, v51;
	[tilespmem:s10+$0x19390] =	vst v0;
	v0 =	vmul.f32 $8.000000000e+00, v53  }
.LBB2_17:
0x3b0: {  	p0 =	sne.s32 s14, $0xC400;
	v12 =	vld [tilespmem:s13+$0xCC10];
	[tilespmem:s10+$0x193A0] =	vst v10;
	v4 =	vadd.f32 v5, v4  }
0x3b1: {  	v5 =	vld [tilespmem:s13+$0xCB20];
	[tilespmem:s10+$0x193B0] =	vst v11;
	v3 =	vadd.f32 v6, v3  }
0x3b2: {  	v6 =	vld [tilespmem:s13+$0xF0];
	[tilespmem:s10+$0x193C0] =	vst v4;
	v2 =	vadd.f32 v7, v2  }
0x3b3: {  	v4 =	vld [tilespmem:s13+$0xCB30];
	[tilespmem:s10+$0x193D0] =	vst v3;
	v1 =	vadd.f32 v8, v1  }
0x3b4: {  	v3 =	vld [tilespmem:s13+$0xCB40];
	[tilespmem:s10+$0x193E0] =	vst v2;
	v0 =	vadd.f32 v9, v0  }
0x3b5: {  	v2 =	vld [tilespmem:s13+$0xCB50];
	v7 =	vmul.f32 $8.000000000e+00, v12;
	[tilespmem:s10+$0x193F0] =	vst v1  }
0x3b6: {  	v5 =	vmul.f32 $8.000000000e+00, v5;
	v1 =	vld [tilespmem:s13+$0xCB60];
	[tilespmem:s10+$0x19400] =	vst v0;
	s10 =	smov.u32 s13  }
0x3b7: {  	v0 =	vld [tilespmem:s10+$0xCB70];
	v6 =	vadd.f32 v6, v7  }
0x3b8: {  	v7 =	vmul.f32 $8.000000000e+00, v4;
	v4 =	vld [tilespmem:s10+$0xCB80]  }
0x3b9: {  	v8 =	vmul.f32 $8.000000000e+00, v3;
	v3 =	vld [tilespmem:s10+$0xCB90];
	[tilespmem:s10+$0x19410] =	vst v6  }
0x3ba: {  	v6 =	vmul.f32 $8.000000000e+00, v2;
	v2 =	vld [tilespmem:s10+$0xCBA0]  }
0x3bb: {  	v9 =	vmul.f32 $8.000000000e+00, v1;
	v1 =	vld [tilespmem:s10+$0xCBB0]  }
0x3bc: {  	v10 =	vmul.f32 $8.000000000e+00, v0;
	v0 =	vld [tilespmem:s10+$0xCBC0]  }
0x3bd: {  	v11 =	vmul.f32 $8.000000000e+00, v4;
	v12 =	vld [tilespmem:s10+$0xCBD0]  }
0x3be: {  	v13 =	vmul.f32 $8.000000000e+00, v3;
	v14 =	vld [tilespmem:s10+$0xCBE0]  }
0x3bf: {  	v15 =	vmul.f32 $8.000000000e+00, v2;
	v16 =	vld [tilespmem:s10+$0xCBF0]  }
0x3c0: {  	v17 =	vmul.f32 $8.000000000e+00, v1;
	v18 =	vld [tilespmem:s10+$0xCC00]  }
0x3c1: {  	v19 =	vld [tilespmem:s10+$0x0];
	v4 =	vmul.f32 $8.000000000e+00, v0  }
0x3c2: {  	v20 =	vld [tilespmem:s10+$0x10];
	v3 =	vmul.f32 $8.000000000e+00, v12  }
0x3c3: {  	v12 =	vld [tilespmem:s10+$0x20];
	v2 =	vmul.f32 $8.000000000e+00, v14  }
0x3c4: {  	v14 =	vld [tilespmem:s10+$0x30];
	v1 =	vmul.f32 $8.000000000e+00, v16  }
0x3c5: {  	v16 =	vld [tilespmem:s10+$0x40];
	v0 =	vmul.f32 $8.000000000e+00, v18  }
0x3c6: {  	v5 =	vadd.f32 v19, v5;
	v18 =	vld [tilespmem:s10+$0x50]  }
0x3c7: {  	v7 =	vadd.f32 v20, v7;
	v19 =	vld [tilespmem:s10+$0x60]  }
0x3c8: {  	[tilespmem:s10+$0x19320] =	vst v5;
	v5 =	vadd.f32 v12, v8;
	v8 =	vld [tilespmem:s10+$0x70]  }
0x3c9: {  	[tilespmem:s10+$0x19330] =	vst v7;
	v6 =	vadd.f32 v14, v6;
	v12 =	vld [tilespmem:s10+$0x80]  }
0x3ca: {  	[tilespmem:s10+$0x19340] =	vst v5;
	v7 =	vadd.f32 v16, v9;
	v9 =	vld [tilespmem:s10+$0x90]  }
.Ltmp7:
0x3cb: {  	[tilespmem:s10+$0x19350] =	vst v6;
	v10 =	vadd.f32 v18, v10;
	v5 =	vld [tilespmem:s10+$0xA0];
	(pc) =	sbr.rel @p0 .LBB2_17-.Ltmp7, $4  }
0x3cc: {  	[tilespmem:s10+$0x19360] =	vst v7;
	v11 =	vadd.f32 v19, v11;
	v6 =	vld [tilespmem:s10+$0xB0]  }
0x3cd: {  	[tilespmem:s10+$0x19370] =	vst v10;
	v13 =	vadd.f32 v8, v13;
	v7 =	vld [tilespmem:s10+$0xC0]  }
0x3ce: {  	[tilespmem:s10+$0x19380] =	vst v11;
	v10 =	vadd.f32 v12, v15;
	v8 =	vld [tilespmem:s10+$0xD0]  }
0x3cf: {  	s13 =	sshra.s32 s14, $0x2;
	s14 =	sadd.s32 $0x400, s14;
	[tilespmem:s10+$0x19390] =	vst v13;
	v11 =	vadd.f32 v9, v17;
	v9 =	vld [tilespmem:s10+$0xE0]  }
0x3d0: {  	v12 =	vld [tilespmem:s13+$0xCC10];
	[tilespmem:s10+$0x193A0] =	vst v10;
	v4 =	vadd.f32 v5, v4  }
0x3d1: {  	v10 =	vld [tilespmem:s13+$0xCB20];
	[tilespmem:s10+$0x193B0] =	vst v11;
	v3 =	vadd.f32 v6, v3  }
0x3d2: {  	v40 =	vld [tilespmem:s13+$0xF0];
	[tilespmem:s10+$0x193C0] =	vst v4;
	v2 =	vadd.f32 v7, v2  }
0x3d3: {  	v4 =	vld [tilespmem:s13+$0xCB30];
	[tilespmem:s10+$0x193D0] =	vst v3;
	v1 =	vadd.f32 v8, v1  }
0x3d4: {  	v3 =	vld [tilespmem:s13+$0xCB40];
	[tilespmem:s10+$0x193E0] =	vst v2;
	v0 =	vadd.f32 v9, v0  }
0x3d5: {  	v2 =	vld [tilespmem:s13+$0xCB50];
	[tilespmem:s10+$0x193F0] =	vst v1  }
0x3d6: {  	v1 =	vld [tilespmem:s13+$0xCB60];
	[tilespmem:s10+$0x19400] =	vst v0  }
0x3d7: {  	v0 =	vld [tilespmem:s13+$0xCB70]  }
0x3d8: {  	v42 =	vld [tilespmem:s13+$0xCB80]  }
0x3d9: {  	v43 =	vld [tilespmem:s13+$0xCB90]  }
0x3da: {  	v44 =	vld [tilespmem:s13+$0xCBA0]  }
0x3db: {  	v45 =	vld [tilespmem:s13+$0xCBB0]  }
0x3dc: {  	v46 =	vld [tilespmem:s13+$0xCBC0]  }
0x3dd: {  	v11 =	vld [tilespmem:s13+$0xCBD0]  }
0x3de: {  	v47 =	vld [tilespmem:s13+$0xCBE0]  }
0x3df: {  	v13 =	vld [tilespmem:s13+$0xCBF0]  }
0x3e0: {  	v14 =	vld [tilespmem:s13+$0xCC00]  }
0x3e1: {  	v15 =	vld [tilespmem:s13+$0x0]  }
0x3e2: {  	v16 =	vld [tilespmem:s13+$0x10]  }
0x3e3: {  	v41 =	vmul.f32 $8.000000000e+00, v12;
	v17 =	vld [tilespmem:s13+$0x20]  }
0x3e4: {  	v10 =	vmul.f32 $8.000000000e+00, v10;
	v18 =	vld [tilespmem:s13+$0x30]  }
0x3e5: {  	v5 =	vadd.f32 v40, v41;
	v19 =	vld [tilespmem:s13+$0x40];
	v4 =	vmul.f32 $8.000000000e+00, v4  }
0x3e6: {  	v48 =	vld [tilespmem:s13+$0x50];
	v3 =	vmul.f32 $8.000000000e+00, v3;
	v10 =	vadd.f32 v15, v10  }
0x3e7: {  	v20 =	vld [tilespmem:s13+$0x60];
	[tilespmem:s13+$0x19410] =	vst v5;
	v2 =	vmul.f32 $8.000000000e+00, v2;
	v4 =	vadd.f32 v16, v4  }
0x3e8: {  	v49 =	vld [tilespmem:s13+$0x70];
	v1 =	vmul.f32 $8.000000000e+00, v1;
	v3 =	vadd.f32 v17, v3;
	[tilespmem:s13+$0x19320] =	vst v10  }
0x3e9: {  	v50 =	vld [tilespmem:s13+$0x80];
	v2 =	vadd.f32 v18, v2;
	v0 =	vmul.f32 $8.000000000e+00, v0;
	[tilespmem:s13+$0x19330] =	vst v4  }
0x3ea: {  	v51 =	vld [tilespmem:s13+$0x90];
	v6 =	vmul.f32 $8.000000000e+00, v42;
	v1 =	vadd.f32 v19, v1;
	[tilespmem:s13+$0x19340] =	vst v3  }
0x3eb: {  	v52 =	vld [tilespmem:s13+$0xA0];
	v7 =	vmul.f32 $8.000000000e+00, v43;
	[tilespmem:s13+$0x19350] =	vst v2;
	v0 =	vadd.f32 v48, v0  }
0x3ec: {  	v56 =	vld [tilespmem:s13+$0xD0];
	v5 =	vmul.f32 $8.000000000e+00, v44;
	v6 =	vadd.f32 v20, v6;
	[tilespmem:s13+$0x19360] =	vst v1  }
0x3ed: {  	v58 =	vld [tilespmem:s13+$0xE0];
	v55 =	vmul.f32 $8.000000000e+00, v45;
	v7 =	vadd.f32 v49, v7;
	[tilespmem:s13+$0x19370] =	vst v0  }
0x3ee: {  	v53 =	vld [tilespmem:s13+$0xB0];
	v9 =	vmul.f32 $8.000000000e+00, v46;
	v4 =	vadd.f32 v50, v5;
	[tilespmem:s13+$0x19380] =	vst v6  }
0x3ef: {  	v54 =	vld [tilespmem:s13+$0xC0];
	v60 =	vmul.f32 $8.000000000e+00, v13;
	v3 =	vadd.f32 v51, v55;
	[tilespmem:s13+$0x19390] =	vst v7  }
0x3f0: {  	v61 =	vmul.f32 $8.000000000e+00, v14;
	v2 =	vadd.f32 v52, v9;
	[tilespmem:s13+$0x193A0] =	vst v4  }
0x3f1: {  	v57 =	vmul.f32 $8.000000000e+00, v11;
	v62 =	vadd.f32 v56, v60;
	[tilespmem:s13+$0x193B0] =	vst v3  }
0x3f2: {  	v59 =	vmul.f32 $8.000000000e+00, v47;
	v63 =	vadd.f32 v58, v61;
	[tilespmem:s13+$0x193C0] =	vst v2  }
0x3f3: {  	v1 =	vadd.f32 v53, v57;
	[tilespmem:s13+$0x193F0] =	vst v62  }
0x3f4: {  	v0 =	vadd.f32 v54, v59;
	[tilespmem:s13+$0x19400] =	vst v63  }
0x3f5: {  	[tilespmem:s13+$0x193D0] =	vst v1  }
0x3f6: {  	[tilespmem:s13+$0x193E0] =	vst v0  }
0x3f7: {  	_ =	swait.ge [sflag:s15], $0xC8  }
0x3f8: {  	s9 =	sadd.s32 $0x1, s9;
	[sflag:s15] =	ssyncset.done $0x0  }
0x3f9: {  	p0 =	sne.s32 s9, $0x20;
	s13 =	simm.s32 $0xCB20;
	[sflag:s15] =	ssyncadd.s32 $0xFFFFFF38  }
0x3fa: {  	[tilespmem:s13], [sflag:$0x8] =	stream.indirect.gather [hbm4b:s6+s28], $0x40, s25, s28, $0xb8;
	[tilespmem:$0x1C520] =	vst v63  }
.Ltmp8:
0x3fb: {  	_ = 	snop;
	(pc) =	sbr.rel @p0 .LBB2_10-.Ltmp8, $4  }
0x3fc: {  	_ = 	snop  }
0x3fd: {  	[tilespmem:s18], [sflag:$0x8] =	stream.indirect.gather [hbm4b:s6+s30], $0x40, s17, s30, $0xb8;
	[tilespmem:$0x1C520] =	vst v63  }
0x3fe: {  	s14 =	sadd.s32 $0x12C0, s12;
	s16 =	simm.s32 $0x19320  }
0x3ff: {  	[hbm4b:s14+s3] =	stream.linear.scatter [tilespmem:s16], [sflag:$0xC], $0x3200, $0x38;
	[tilespmem:$0x1C520] =	vst v63  }
0x400: {  	_ =	swait.ge [sflag:s19], $0x1A00  }
0x401: {  	[sflag:s19] =	ssyncset.done $0x0  }
0x402: {  	[sflag:s19] =	ssyncadd.s32 $0xFFFFE600  }
0x403: {  	_ =	swait.ge [sflag:s19], $0x1800  }
0x404: {  	[sflag:s19] =	ssyncset.done $0x0  }
0x405: {  	[sflag:s19] =	ssyncadd.s32 $0xFFFFE800  }
0x406: {  	_ =	swait.ge [sflag:s8], $0x1A00  }
0x407: {  	[sflag:s8] =	ssyncset.done $0x0  }
0x408: {  	[sflag:s8] =	ssyncadd.s32 $0xFFFFE600  }
0x409: {  	_ =	swait.ge [sflag:s8], $0x1800  }
0x40a: {  	[sflag:s8] =	ssyncset.done $0x0  }
0x40b: {  	[sflag:s8] =	ssyncadd.s32 $0xFFFFE800  }
0x40c: {  	_ =	swait.ge [sflag:s20], $0x1A00  }
0x40d: {  	[sflag:s20] =	ssyncset.done $0x0  }
0x40e: {  	[sflag:s20] =	ssyncadd.s32 $0xFFFFE600  }
0x40f: {  	_ =	swait.ge [sflag:s20], $0x1800  }
0x410: {  	[sflag:s20] =	ssyncset.done $0x0  }
0x411: {  	[sflag:s20] =	ssyncadd.s32 $0xFFFFE800  }
0x412: {  	_ =	swait.ge [sflag:s21], $0x1A00  }
0x413: {  	[sflag:s21] =	ssyncset.done $0x0  }
0x414: {  	[sflag:s21] =	ssyncadd.s32 $0xFFFFE600  }
0x415: {  	_ =	swait.ge [sflag:s21], $0x1800  }
0x416: {  	[sflag:s21] =	ssyncset.done $0x0  }
0x417: {  	[sflag:s21] =	ssyncadd.s32 $0xFFFFE800  }
0x418: {  	_ =	swait.ge [sflag:s29], $0x3200  }
0x419: {  	[sflag:s29] =	ssyncset.done $0x0  }
0x41a: {  	[sflag:s29] =	ssyncadd.s32 $0xFFFFCE00  }
0x41b: {  	_ =	swait.ge [sflag:s31], $0x3200  }
0x41c: {  	[sflag:s31] =	ssyncset.done $0x0  }
0x41d: {  	[sflag:s31] =	ssyncadd.s32 $0xFFFFCE00  }
0x41e: {  	_ =	swait.ge [sflag:s0], $0x3200  }
0x41f: {  	[sflag:s0] =	ssyncset.done $0x0  }
0x420: {  	[sflag:s0] =	ssyncadd.s32 $0xFFFFCE00  }
0x421: {  	_ =	swait.ge [sflag:s7], $0x3200  }
0x422: {  	s10 =	rddreg [dreg:$0x11]  }
0x423: {  	s9 =	rddreg [dreg:$0x10];
	s10 =	sadd.s32 $0x1, s10  }
0x424: {  	p0 =	sne.s32 s10, s9  }
.Ltmp9:
0x425: {  	_ = 	snop;
	(pc) =	sbr.rel @p0 .LBB2_1-.Ltmp9, $3  }
0x426: {  	_ =	sdelay $0x1  }
0x427: {  	[sflag:s7] =	ssyncset.done $0x0  }
0x428: {  	[sflag:s7] =	ssyncadd.s32 $0xFFFFCE00  }
0x429: {  	_ =	sfence.sel $0x180000  }
0x42a: {  	[bflag:$0x0] =	sbarrier.arrive $0xFFFF  }
0x42b: {  	_ =	strace $0x90000047  }
0x42c: {  	s0 =	stileid.u32;
	[bflag:$0x2] =	sbarrier.arrive $0xFFFF  }
0x42d: {  	p0 =	sne.s32 s0, $0x0;
	s0 =	rddreg [dreg:$0x2]  }
0x42e: {  	s0 =	sadd.s32 @!p0 $0x100000, s0  }
0x42f: {  	[sflag:s0] =	ssyncadd.tile.s32 @!p0 $0x1;
	_ =	shalt  }
.Lfunc_end2:
_tile_overlayer_lowered:
.L_overlay_start_2:
0x430: {  	(tag) =	ssettag $0x2  }
0x431: {  	s0 =	rddreg [dreg:$0x0];
	s2 =	stileid.u32  }
0x432: {  	s1 =	rddreg [dreg:$0x1];
	p0 =	sne.s32 s2, $0x0  }
0x433: {  	s3 =	rddreg [dreg:$0x2];
	[bflag:$0x3] =	sbarrier.arrive $0xFFFF;
	s2 =	simm.s32 @!p0 $0x1C0D  }
0x434: {  	[timem:s3], [sflag:s2] =	dma.local @!p0 [hbm:s0], s1  }
0x435: {  	s0 =	simm.s32 @!p0 $0xD  }
0x436: {  	_ =	swait.ge @!p0 [sflag:s0], s1  }
0x437: {  	s1 =	ssub.s32 @!p0 $0x0, s1;
	[sflag:s0] =	ssyncset.done @!p0 $0x0  }
0x438: {  	[sflag:s0] =	ssyncadd.s32 @!p0 s1  }
0x439: {  	[bflag:$0x3] =	sbarrier.arrive $0xFFFF  }
0x43a: {  	_ =	shalt  }

// kernel: sparse-core-data-format-call.cloned.1.call-start
scs
called_computation_lowered:
.L_overlay_start_0:
0x0: {  	s2 =	sld [smem:$0x3FD9]  }
0x1: {  	s3 =	sld [smem:$0x3FFE];
	_ =	sdelay $0x1  }
0x2: {  	s1 =	srdreg.scid  }
0x3: {  	s0 =	sand.u32 $0x1, s1  }
0x4: {  	s18 =	sshll.u32 s0, $0xA;
	s2 =	sadd.s32 s3, s2  }
0x5: {  	s2 =	sadd.s32 s2, s18  }
0x6: {  	[smem:$0x3FC6] =	sst s2  }
0x7: {  	_ = 	snop  }
0x8: {  	s2 =	sld [smem:$0x3FD0];
	(tm) =	ssettm $0x1  }
0x9: {  	s19 =	sld [smem:$0x3FFB];
	_ =	sdelay $0x3  }
0xa: {  	_ =	strace s19  }
0xb: {  	s3 =	sld [smem:$0x3FFC];
	_ =	sdelay $0x3  }
0xc: {  	_ =	strace s3  }
0xd: {  	s3 =	sld [smem:$0x3FFD];
	_ =	sdelay $0x3  }
0xe: {  	_ =	strace s3  }
0xf: {  	_ =	strace $0x8FFFFFFF  }
0x10: {  	s20 =	sld [smem:$0x3FDB];
	_ =	sdelay $0x1  }
0x11: {  	s4 =	simm.s32 $_scs_section_size  }
0x12: {  	s5 =	simm.s32 $_size__tile_overlayer_lowered;
	s6 =	simm.s32 $_tile_overlayer_lowered  }
0x13: {  	s23 =	simm.s32 $0x1BFF;
	s22 =	sshll.u32 s6, $0x1;
	s3 =	sadd.s32 s4, s20  }
0x14: {  	s7 =	simm.s32 $0x0;
	s21 =	sshll.u32 s5, $0x1;
	s5 =	sadd.s32 s22, s3  }
0x15: {  	[timem:s7], [sflag:s23] =	dma.local [hbm:s5], s21  }
0x16: {  	_ =	swait.ge [sflag:s23], s21  }
0x17: {  	s4 =	ssub.s32 $0x0, s21;
	[sflag:s23] =	ssyncset.done $0x0  }
0x18: {  	[sflag:s23] =	ssyncadd.s32 s4;
	_ =	sdelay $0x1  }
0x19: {  	s24 =	simm.s32 $0x1B8B  }
0x1a: {  	_ =	swait.ge [sflag:s24], $0x1  }
0x1b: {  	[sflag:s24] =	ssyncset.done $0x0  }
0x1c: {  	s26 =	simm.s32 $0x1B8E;
	s25 =	sld [smem:$0x3FFE];
	[sflag:s24] =	ssyncadd.s32 $0xFFFFFFFF  }
0x1d: {  	s27 =	simm.s32 $execute0_lowered;
	[smem:$0x3FD2] =	sst s26  }
0x1e: {  	s5 =	sshll.u32 s27, $0x1;
	_ =	strace $0x80000049;
	[dreg:$0x1] =	wrdreg $0xFFFFFFFF  }
0x1f: {  	s28 =	simm.s32 $_size_execute0_lowered;
	s3 =	sadd.s32 s3, s5;
	[dreg:$0x0] =	wrdreg $0x0  }
0x20: {  	s5 =	sshll.u32 s28, $0x1;
	[dreg:$0x2] =	wrdreg s3  }
0x21: {  	[dreg:$0x3] =	wrdreg s5  }
0x22: {  	[dreg:$0x4] =	wrdreg $0xC0  }
0x23: {  	_ =	task [dreg:s7], $0x5FFFF  }
0x24: {  	[dreg:$0x1] =	wrdreg $0xFFFFFFFF  }
0x25: {  	[dreg:$0x0] =	wrdreg $0x60  }
0x26: {  	[dreg:$0x2] =	wrdreg s25  }
0x27: {  	[dreg:$0x3] =	wrdreg s2  }
0x28: {  	[dreg:$0x4] =	wrdreg $0x9  }
0x29: {  	_ =	task.clear_ibuf [dreg:s7], $0x5FFFF;
	_ =	strace $0x90000049  }
0x2a: {  	s29 =	simm.s32 $0x9;
	_ =	strace $0x8000004B  }
0x2b: {  	_ =	swait.ge [sflag:s29], $0x1  }
0x2c: {  	[sflag:s29] =	ssyncadd.s32 $0xFFFFFFFF  }
0x2d: {  	_ =	strace $0x9000004B  }
0x2e: {  	_ =	sfence  }
0x2f: {  	s30 =	sld [smem:$0x0];
	_ =	sdelay $0x2  }
0x30: {  	s31 =	sshll.u32 s1, $0xD;
	s1 =	sshrl.u32 s1, $0x2  }
0x31: {  	s3 =	sand.u32 $0x4000, s31;
	s1 =	sadd.s32 s1, s30  }
0x32: {  	s0 =	sor.u32 s3, s0;
	s1 =	sshll.u32 s1, $0x11  }
0x33: {  	s0 =	sor.u32 s1, s0  }
0x34: {  	s0 =	sadd.s32 $0x8F2B, s0  }
0x35: {  	[sflag:s0] =	ssyncadd.remote.s32 $0x1  }
0x36: {  	_ =	sfence.sel $0xFFFF  }
0x37: {  	[dreg:$0x0] =	wrdreg $0xFFFFFFFF;
	(pc) =	sbr.abs _section_cstart, $3  }
0x38: {  	[dreg:$0x1] =	wrdreg $0xFFFFFFFF  }
0x39: {  	_ =	task.clear_ibuf [dreg:s7], $0x2FFFF;
	_ =	strace $0x9FFFFFFF  }
0x3a: {  	(tm) =	ssettm $0x7FFFFFFF  }
0x3b: {  	_ =	shalt  }
tec
execute0_lowered:
.L_overlay_start_1:
0x0: {  	(tag) =	ssettag $0x1  }
0x1: {  	s0 =	srdreg.scid  }
0x2: {  	s1 =	sshll.u32 s0, $0x4  }
0x3: {  	s0 =	stileid.u32;
	s1 =	sand.u32 $0x10, s1  }
0x4: {  	s1 =	sor.u32 s0, s1  }
0x5: {  	s6 =	rddreg [dreg:$0x0];
	s4 =	simm.s32 $0x1;
	s2 =	sshll.u32 s1, $0x7  }
0x6: {  	s7 =	simm.s32 $0x2;
	s12 =	simm.s32 $0x0;
	s1 =	ssub.s32 $0x1000, s2  }
0x7: {  	s8 =	simm.s32 $0x8000;
	s13 =	simm.s32 $0x0;
	s3 =	sand.u32 $0xF80, s1  }
0x8: {  	s9 =	simm.s32 $0x0;
	s5 =	sshrl.u32 s1, $0xC;
	p0 =	sne.s32 s3, $0x0  }
.Ltmp0:
0x9: {  	s1 =	rddreg [dreg:$0x2];
	s4 =	simm.s32 @!p0 $0x0;
	(pc) =	sbr.rel .LBB1_1-.Ltmp0, $4  }
0xa: {  	s11 =	simm.s32 $0x0;
	s3 =	rddreg [dreg:$0x1];
	s5 =	sadd.s32 s4, s5  }
0xb: {  	_ =	strace $0x8000004A;
	s4 =	simm.s32 $0x1;
	s5 =	smul.u32 $0xC8, s5  }
0xc: {  	s6 =	sadd.s32 $0xA00, s6;
	s10 =	smov.u32 s2;
	[sflag:s4] =	ssyncpa.u1 $0x0  }
0xd: {  	p0 =	por $0x0, $0x0;
	[sflag:s7] =	ssyncpa.u1 $0x0;
	s7 =	sor.u32 $0x1, s5  }
.LBB1_4:
0xe: {  	s16 =	sshll.u32 s13, $0x3;
	s17 =	sand.u32 $0x78, s13  }
0xf: {  	s30 =	sand.u32 $0x7E00, s13;
	s12 =	sshll.u32 s12, $0xF;
	s16 =	sand.u32 $0xC00, s16  }
0x10: {  	[tilespmem:s15+$0x810 ss:$0x81] =	vst.msk $0xffff, v2;
	s31 =	sand.u32 $0x7, s13;
	s16 =	sor.u32 s17, s16;
	s17 =	sadd.s32 s3, s30  }
0x11: {  	[tilespmem:s15+$0x1020 ss:$0x81] =	vst.msk $0xffff, v0;
	s13 =	sshll.u32 s31, $0x12;
	s12 =	sadd.s32 s12, s17;
	s16 =	sshrl.u32 s16, $0x3  }
0x12: {  	[tilespmem:s15+$0x0 ss:$0x81] =	vst.msk $0xffff, v1;
	s13 =	sor.u32 $0x400, s13;
	s12 =	sadd.s32 s16, s12  }
0x13: {  	[hbm4b:s12+s13] =	stream.strided.scatter [tilespmem:s14], [sflag:$0x2], $0x2000, s8, s13, $0x20;
	[tilespmem:$0x8080] =	vst v63  }
.LBB1_5:
0x14: {  	s14 =	sadd.s32 $0x1, s9  }
0x15: {  	s12 =	sadd.s32 $0x1000, s10;
	s16 =	smov.u32 s10;
	p2 =	sgt.s32 s14, $0xC7  }
0x16: {  	s16 =	smov.u32 @p2 s12  }
0x17: {  	s14 =	simm.s32 @p2 $0x0;
	p2 =	sgt.s32 s16, $0xFFF  }
0x18: {  	s16 =	smov.u32 @p2 s2;
	p2 =	sne.s32 s11, s7  }
.Ltmp1:
0x19: {  	p1 =	slt.u32 s11, $0x2;
	(pc) =	sbr.rel @!p2 .LBB1_6-.Ltmp1, $4  }
0x1a: {  	s15 =	simm.s32 @!p1 $0x2  }
0x1b: {  	s13 =	smov.u32 s10;
	p0 =	por !p0, !p0;
	_ =	swait.ge @!p1 [sflag:s15], $0x2000  }
0x1c: {  	s12 =	smov.u32 s9;
	[sflag:s15] =	ssyncset.done @!p1 $0x0;
	s9 =	smov.u32 s14  }
0x1d: {  	s11 =	sadd.s32 $0x1, s11;
	[sflag:s15] =	ssyncadd.s32 @!p1 $0xFFFFE000;
	s10 =	smov.u32 s16  }
.LBB1_1:
0x1e: {  	p1 =	sge.u32 s11, s5  }
0x1f: {  	s14 =	sand.u32 @!p1 $0x1FFFFFF, s9  }
0x20: {  	s15 =	smulhi.u32 @!p1 $0x147AE15, s14;
	_ =	sdelay $0x1  }
0x21: {  	s15 =	smul.u32 @!p1 $0xC8, s15  }
0x22: {  	s16 =	sxor.u32 @!p1 $0xFFFFFFFF, s11;
	s17 =	smul.u32 @!p1 $0xC80, s10  }
0x23: {  	s31 =	sadd.s32 $0xFFFFFFFF, s11;
	s16 =	sshll.u32 @!p1 s16, $0xD;
	s14 =	ssub.s32 @!p1 s14, s15  }
0x24: {  	s15 =	sand.u32 @!p1 $0x2000, s16;
	s16 =	sadd.s32 @!p1 s6, s17;
	s14 =	sshll.u32 @!p1 s14, $0x4  }
0x25: {  	s17 =	simm.s32 @!p1 $0x6400;
	s14 =	sadd.s32 @!p1 s14, s16;
	s16 =	simm.s32 @!p1 $0x40  }
0x26: {  	[tilespmem:s15], [sflag:$0x1] =	stream.strided.gather @!p1 [hbm4b:s14+s16], $0x2000, s17, s16, $0x38;
	[tilespmem:$0x8080] =	vst v63  }
0x27: {  	p1 =	sge.u32 s31, s5  }
.Ltmp2:
0x28: {  	_ = 	snop;
	(pc) =	sbr.rel @p1 .LBB1_5-.Ltmp2, $1  }
0x29: {  	_ =	sdelay $0x3  }
0x2a: {  	s14 =	simm.s32 $0x1  }
0x2b: {  	_ =	swait.ge [sflag:s4], $0x2000;
	s14 =	simm.s32 @!p0 $0x0  }
0x2c: {  	[sflag:s4] =	ssyncset.done $0x0;
	s15 =	sshll.u32 s14, $0xD  }
0x2d: {  	[sflag:s4] =	ssyncadd.s32 $0xFFFFE000;
	s18 =	sor.u32 $0x20, s15  }
0x2e: {  	s14 =	smul.u32 $0x8100, s14;
	v3 =	vld [tilespmem:s18+$0x10]  }
0x2f: {  	s30 =	sand.u32 $0x1, s11;
	v2 =	vld [tilespmem:s18+$0xFFFFFFF0]  }
0x30: {  	s15 =	smul.u32 $0x8100, s30;
	s14 =	sshrl.u32 s14, $0x2;
	v0 =	vld [tilespmem:s18+$0x0]  }
0x31: {  	v1 =	vld [tilespmem:s18+$0xFFFFFFE0];
	s16 =	sor.u32 $0x4000, s14  }
0x32: {  	s31 =	sshrl.u32 s15, $0x2;
	s15 =	sadd.s32 $0x0, s16  }
0x33: {  	s17 =	simm.s32 $0x4;
	s18 =	sadd.s32 $0x40, s18;
	s14 =	sor.u32 $0x4000, s31;
	[tilespmem:s15+$0x1830 ss:$0x81] =	vst.msk $0xffff, v3  }
.LBB1_3:
0x34: {  	v3 =	vld [tilespmem:s18+$0x10];
	p1 =	sne.s32 s17, $0x1FC;
	[tilespmem:s15+$0x810 ss:$0x81] =	vst.msk $0xffff, v2;
	s19 =	smov.u32 s17;
	s17 =	sadd.s32 $0x4, s17  }
.Ltmp3:
0x35: {  	v2 =	vld [tilespmem:s18+$0xFFFFFFF0];
	[tilespmem:s15+$0x1020 ss:$0x81] =	vst.msk $0xffff, v0;
	(pc) =	sbr.rel @p1 .LBB1_3-.Ltmp3, $4  }
0x36: {  	v0 =	vld [tilespmem:s18+$0x0];
	[tilespmem:s15+$0x0 ss:$0x81] =	vst.msk $0xffff, v1  }
0x37: {  	s15 =	sshra.s32 s19, $0x2;
	v1 =	vld [tilespmem:s18+$0xFFFFFFE0]  }
0x38: {  	s15 =	sadd.s32 s15, s16  }
0x39: {  	s18 =	sadd.s32 $0x40, s18;
	[tilespmem:s15+$0x1830 ss:$0x81] =	vst.msk $0xffff, v3  }
.Ltmp4:
0x3a: {  	_ = 	snop;
	(pc) =	sbr.rel .LBB1_4-.Ltmp4, $1  }
0x3b: {  	_ =	sdelay $0x3  }
.LBB1_6:
0x3c: {  	_ =	sfence.sel $0x180000  }
0x3d: {  	s2 =	simm.s32 $0x1;
	[bflag:$0x0] =	sbarrier.arrive $0xFFFF  }
0x3e: {  	s31 =	simm.s32 $0x2;
	[sflag:s2] =	ssyncpa.u1 $0x1  }
0x3f: {  	[sflag:s31] =	ssyncpa.u1 $0x1  }
0x40: {  	p0 =	sne.s32 s0, $0x0;
	_ =	strace $0x9000004A  }
0x41: {  	s0 =	sadd.s32 @!p0 $0x100000, s1;
	[bflag:$0x2] =	sbarrier.arrive $0xFFFF  }
0x42: {  	[sflag:s0] =	ssyncadd.tile.s32 @!p0 $0x1;
	_ =	shalt  }
.Lfunc_end1:
_tile_overlayer_lowered:
.L_overlay_start_2:
0x43: {  	(tag) =	ssettag $0x2  }
0x44: {  	s0 =	rddreg [dreg:$0x0];
	s2 =	stileid.u32  }
0x45: {  	s1 =	rddreg [dreg:$0x1];
	p0 =	sne.s32 s2, $0x0  }
0x46: {  	s3 =	rddreg [dreg:$0x2];
	[bflag:$0x3] =	sbarrier.arrive $0xFFFF;
	s2 =	simm.s32 @!p0 $0x1C01  }
0x47: {  	[timem:s3], [sflag:s2] =	dma.local @!p0 [hbm:s0], s1  }
0x48: {  	s0 =	simm.s32 @!p0 $0x1  }
0x49: {  	_ =	swait.ge @!p0 [sflag:s0], s1  }
0x4a: {  	s1 =	ssub.s32 @!p0 $0x0, s1;
	[sflag:s0] =	ssyncset.done @!p0 $0x0  }
0x4b: {  	[sflag:s0] =	ssyncadd.s32 @!p0 s1  }
0x4c: {  	[bflag:$0x3] =	sbarrier.arrive $0xFFFF  }
0x4d: {  	_ =	shalt  }

</sc_bundles>
